<compile_context>
chip_gen: v7x
topology: tpu7x:2x2x1
jax: 0.10.2.dev20260603
libtpu: 0.0.44.dev20260713+nightly
codegen_flags: <defaults>
</compile_context>

<pallas_src>
import functools

import jax
import jax.numpy as jnp
from jax import lax
from jax.experimental import pallas as pl
from jax.experimental.pallas import tpu as pltpu
from jax.experimental.pallas import tpu_sc as plsc

N = 10000
E = 320000
D = 128
NC = 2
NS = 16
L = 16

N_PAD = 10240
RPW = N_PAD // NS
CH = 128
NCHUNK = E // CH
P1_BASE = NCHUNK // NS
P1_XTRA = NCHUNK - P1_BASE * NS
SB1 = 12
NSB1 = P1_BASE // SB1
P2_CORE = NCHUNK // NC
P2_BASE = P2_CORE // NS
P2_XTRA = P2_CORE - P2_BASE * NS
SB2 = 13
NSB2 = P2_BASE // SB2

BN_ROWS = 1000


def _prep_body(feat_ref, ntf_ref, Wsh_ref, bsh_ref, W2_ref, scale_ref,
               shift_ref, Whet_ref, Wss_ref, bss_ref, Wself_ref,
               q0_ref, q1_ref, hself_ref):
    f = feat_ref[...]
    t = jnp.dot(f, Wsh_ref[...], preferred_element_type=jnp.float32) + bsh_ref[...]
    h2 = jnp.dot(t, W2_ref[...], preferred_element_type=jnp.float32)
    h = jnp.maximum(h2 * scale_ref[...] + shift_ref[...], 0.0)
    m0 = ntf_ref[...] == 0.0
    p0 = jnp.dot(h, Whet_ref[0], preferred_element_type=jnp.float32)
    p1 = jnp.dot(h, Whet_ref[1], preferred_element_type=jnp.float32)
    p2 = jnp.dot(h, Whet_ref[2], preferred_element_type=jnp.float32)
    p3 = jnp.dot(h, Whet_ref[3], preferred_element_type=jnp.float32)
    q0_ref[...] = jnp.where(m0, p0, p2)
    q1_ref[...] = jnp.where(m0, p1, p3)
    hs = jnp.dot(f, Wss_ref[...], preferred_element_type=jnp.float32) + bss_ref[...]
    s0 = jnp.dot(hs, Wself_ref[0], preferred_element_type=jnp.float32)
    s1 = jnp.dot(hs, Wself_ref[1], preferred_element_type=jnp.float32)
    hself_ref[...] = jnp.where(m0, s0, s1)


def _prep(feat, ntf, W_shared, b_shared, W2, scale, shift, W_het,
          W_self_shared, b_self_shared, W_self):
    nblk = N // BN_ROWS
    full2 = pl.BlockSpec((128, 128), lambda i: (0, 0))
    row1 = pl.BlockSpec((1, 128), lambda i: (0, 0))
    return pl.pallas_call(
        _prep_body,
        grid=(nblk,),
        in_specs=[
            pl.BlockSpec((BN_ROWS, 128), lambda i: (i, 0)),
            pl.BlockSpec((BN_ROWS, 1), lambda i: (i, 0)),
            full2, row1, full2, row1, row1,
            pl.BlockSpec((4, 128, 128), lambda i: (0, 0, 0)),
            full2, row1,
            pl.BlockSpec((2, 128, 128), lambda i: (0, 0, 0)),
        ],
        out_specs=[
            pl.BlockSpec((BN_ROWS, 128), lambda i: (i, 0)),
            pl.BlockSpec((BN_ROWS, 128), lambda i: (i, 0)),
            pl.BlockSpec((BN_ROWS, 128), lambda i: (i, 0)),
        ],
        out_shape=[
            jax.ShapeDtypeStruct((N, 128), jnp.float32),
            jax.ShapeDtypeStruct((N, 128), jnp.float32),
            jax.ShapeDtypeStruct((N, 128), jnp.float32),
        ],
    )(feat, ntf, W_shared, b_shared, W2, scale, shift, W_het,
      W_self_shared, b_self_shared, W_self)


def _sc_agg(src, dst, q0, q1, zA, ones_rows):
    mesh = plsc.VectorSubcoreMesh(core_axis_name="c", subcore_axis_name="s")

    @functools.partial(
        pl.kernel,
        mesh=mesh,
        out_type=[
            jax.ShapeDtypeStruct((NC, N_PAD, D), jnp.float32),
            jax.ShapeDtypeStruct((NC, N_PAD, D), jnp.float32),
        ],
        scratch_types=[
            pltpu.VMEM((SB2 * CH,), jnp.int32),
            pltpu.VMEM((SB2 * CH,), jnp.int32),
            pltpu.VMEM((CH,), jnp.int32),
            pltpu.VMEM((CH,), jnp.int32),
            pltpu.VMEM((CH,), jnp.int32),
            pltpu.VMEM((CH,), jnp.int32),
            pltpu.VMEM((CH,), jnp.int32),
            pltpu.VMEM((CH, D), jnp.float32),
            pltpu.VMEM((CH, D), jnp.float32),
            pltpu.VMEM_SHARED((N_PAD, D), jnp.float32),
            pltpu.SemaphoreType.DMA,
            pltpu.SemaphoreType.DMA,
            pltpu.SemaphoreType.DMA,
            pltpu.SemaphoreType.DMA,
        ],
    )
    def agg(src_hbm, dst_hbm, q0_hbm, q1_hbm, zA_hbm, ones_hbm,
            outA_hbm, outD_hbm,
            srcb_v, dstb_v, dstc_v, srcc_v, dstr1_v, dstr2_v, dstr3_v,
            rows_a, rows_b, A_sp, sem_a, sem_b, sem_c, sem_d):
        cid = lax.axis_index("c")
        sid = lax.axis_index("s")
        rbase = sid * RPW

        def zero_acc():
            for b in range(RPW // CH):
                rb = rbase + b * CH
                pltpu.sync_copy(zA_hbm.at[pl.ds(rb, CH)], rows_a)
                pltpu.sync_copy(rows_a, A_sp.at[pl.ds(rb, CH)])

        def export(dst_out):
            for b in range(RPW // CH):
                rb = rbase + b * CH
                pltpu.sync_copy(A_sp.at[pl.ds(rb, CH)], rows_a)
                pltpu.sync_copy(rows_a, dst_out.at[cid, pl.ds(rb, CH)])

        def load_dstc(j, dst_ref=None):
            tgt = dstc_v if dst_ref is None else dst_ref
            for k in range(CH // L):
                tgt[pl.ds(k * L, L)] = dstb_v[pl.ds(j * CH + k * L, L)]

        zero_acc()
        plsc.subcore_barrier()

        cb1 = P1_BASE * sid + jnp.minimum(sid, P1_XTRA)

        def sweep(q_hbm):
            def sblock(sb, c):
                crow = cb1 + sb * SB1
                eb = crow * CH
                pltpu.sync_copy(src_hbm.at[pl.ds(eb, SB1 * CH)],
                                srcb_v.at[pl.ds(0, SB1 * CH)])
                pltpu.sync_copy(dst_hbm.at[pl.ds(eb, SB1 * CH)],
                                dstb_v.at[pl.ds(0, SB1 * CH)])
                cp = pltpu.async_copy(
                    q_hbm.at[srcb_v.at[pl.ds(0, CH)]], rows_a, sem_a)
                for j in range(SB1):
                    cur = rows_a if j % 2 == 0 else rows_b
                    nxt = rows_b if j % 2 == 0 else rows_a
                    nsem = sem_b if j % 2 == 0 else sem_a
                    load_dstc(j)
                    prev = cp
                    if j + 1 < SB1:
                        cp = pltpu.async_copy(
                            q_hbm.at[srcb_v.at[pl.ds((j + 1) * CH, CH)]],
                            nxt, nsem)
                    prev.wait()
                    pltpu.sync_copy(cur, A_sp.at[dstc_v], add=True)
                return c
            lax.fori_loop(0, NSB1, sblock, 0)

            @pl.when(sid < P1_XTRA)
            def _():
                eb = (cb1 + P1_BASE) * CH
                pltpu.sync_copy(src_hbm.at[pl.ds(eb, CH)], srcc_v)
                pltpu.sync_copy(dst_hbm.at[pl.ds(eb, CH)], dstc_v)
                pltpu.async_copy(q_hbm.at[srcc_v], rows_a, sem_a).wait()
                pltpu.sync_copy(rows_a, A_sp.at[dstc_v], add=True)

        @pl.when(cid == 0)
        def _():
            sweep(q0_hbm)

        @pl.when(cid == 1)
        def _():
            sweep(q1_hbm)

        plsc.subcore_barrier()
        export(outA_hbm)
        plsc.subcore_barrier()

        zero_acc()
        pltpu.sync_copy(ones_hbm, rows_b)
        plsc.subcore_barrier()

        cb2 = P2_CORE * cid + P2_BASE * sid + jnp.minimum(sid, P2_XTRA)

        ring_idx = [dstc_v, dstr1_v, dstr2_v, dstr3_v]
        ring_sem = [sem_a, sem_b, sem_c, sem_d]

        def sblock2(sb, c):
            eb = (cb2 + sb * SB2) * CH
            pltpu.sync_copy(dst_hbm.at[pl.ds(eb, SB2 * CH)], dstb_v)
            pending = [None] * 4
            for j in range(SB2):
                r = j % 4
                if pending[r] is not None:
                    pending[r].wait()
                load_dstc(j, ring_idx[r])
                pending[r] = pltpu.async_copy(
                    rows_b, A_sp.at[ring_idx[r]], ring_sem[r], add=True)
            for r in range(4):
                if pending[r] is not None:
                    pending[r].wait()
            return c
        lax.fori_loop(0, NSB2, sblock2, 0)

        @pl.when(sid < P2_XTRA)
        def _():
            eb = (cb2 + P2_BASE) * CH
            pltpu.sync_copy(dst_hbm.at[pl.ds(eb, CH)], dstc_v)
            pltpu.sync_copy(rows_b, A_sp.at[dstc_v], add=True)

        plsc.subcore_barrier()
        export(outD_hbm)

    return agg(src, dst, q0, q1, zA, ones_rows)


def _combine_body(A_ref, deg_ref, hself_ref, ntf_ref, bias_ref, out_ref):
    a = jnp.where(ntf_ref[...] == 0.0, A_ref[0], A_ref[1])
    d = deg_ref[0, :, 0:1] + deg_ref[1, :, 0:1]
    out_ref[...] = hself_ref[...] + a / jnp.maximum(d, 1.0) + bias_ref[...]


def _combine(A_part, deg_part, h_self, ntf, bias_row):
    nblk = N // BN_ROWS
    return pl.pallas_call(
        _combine_body,
        grid=(nblk,),
        in_specs=[
            pl.BlockSpec((2, BN_ROWS, 128), lambda i: (0, i, 0)),
            pl.BlockSpec((2, BN_ROWS, 128), lambda i: (0, i, 0)),
            pl.BlockSpec((BN_ROWS, 128), lambda i: (i, 0)),
            pl.BlockSpec((BN_ROWS, 1), lambda i: (i, 0)),
            pl.BlockSpec((1, 128), lambda i: (0, 0)),
        ],
        out_specs=pl.BlockSpec((BN_ROWS, 128), lambda i: (i, 0)),
        out_shape=jax.ShapeDtypeStruct((N, 128), jnp.float32),
    )(A_part, deg_part, h_self, ntf, bias_row)


def kernel(feat, edge_index, node_types, W_shared, b_shared, W2, bn_gamma,
           bn_beta, bn_mean, bn_var, W_het, W_self_shared, b_self_shared,
           W_self, bias_out):
    scale = (bn_gamma / jnp.sqrt(bn_var + 1e-5)).reshape(1, D)
    shift = (bn_beta - bn_mean * (bn_gamma / jnp.sqrt(bn_var + 1e-5))).reshape(1, D)
    ntf = node_types.astype(jnp.float32).reshape(N, 1)

    q0, q1, h_self = _prep(feat, ntf, W_shared, b_shared.reshape(1, D), W2,
                           scale, shift, W_het, W_self_shared,
                           b_self_shared.reshape(1, D), W_self)

    src = edge_index[0]
    dst = edge_index[1]
    zA = jnp.zeros((N_PAD, D), jnp.float32)
    ones_rows = jnp.ones((CH, D), jnp.float32)
    A_part, deg_part = _sc_agg(src, dst, q0, q1, zA, ones_rows)

    return _combine(A_part, deg_part, h_self, ntf, bias_out.reshape(1, D))

# --- scband reference (transcript-rebuilt; emitter-appended) ---
"""Pipeline reference for scband-pathomic-graph-net-hetero-33457795236063 (READ-ONLY COPY).

The authoritative reference and input builder live on the scoring server;
editing this copy changes nothing except your own understanding.
"""

import jax, jax.numpy as jnp
import numpy as np

N = 10000      # nodes
E = 320000     # edges (avg_degree 32)
D_IN = 128
D_OUT = 128
T = 2          # node types
ET = T * T     # edge types


def setup_inputs(seed: int = 0) -> dict:
    key = jax.random.key(seed)
    ks = [jax.random.fold_in(key, i) for i in range(16)]
    s = 1.0 / np.sqrt(D_IN)
    feat = jax.random.normal(ks[0], (N, D_IN), dtype=jnp.float32)
    edge_index = jax.random.randint(ks[1], (2, E), 0, N, dtype=jnp.int32)
    node_types = jax.random.randint(ks[2], (N,), 0, T, dtype=jnp.int32)
    # fc_neigh = Sequential(neigh_shared_weight, Linear(no bias), BatchNorm1d(eval), ReLU)
    W_shared = jax.random.normal(ks[3], (D_IN, D_IN), dtype=jnp.float32) * s
    b_shared = jnp.zeros((D_IN,), dtype=jnp.float32)
    W2 = jax.random.normal(ks[4], (D_IN, D_IN), dtype=jnp.float32) * s
    bn_gamma = jnp.ones((D_IN,), dtype=jnp.float32)
    bn_beta = jnp.zeros((D_IN,), dtype=jnp.float32)
    bn_mean = jnp.zeros((D_IN,), dtype=jnp.float32)
    bn_var = jnp.ones((D_IN,), dtype=jnp.float32)
    # hetero_fc: TypedLinear over edge types
    W_het = jax.random.normal(ks[5], (ET, D_IN, D_OUT), dtype=jnp.float32) * s
    # self path: self_shared_weight Linear then TypedLinear over node types
    W_self_shared = jax.random.normal(ks[6], (D_IN, D_IN), dtype=jnp.float32) * s
    b_self_shared = jnp.zeros((D_IN,), dtype=jnp.float32)
    W_self = jax.random.normal(ks[7], (T, D_IN, D_OUT), dtype=jnp.float32) * s
    bias_out = jnp.zeros((D_OUT,), dtype=jnp.float32)
    return {
        'feat': feat, 'edge_index': edge_index, 'node_types': node_types,
        'W_shared': W_shared, 'b_shared': b_shared, 'W2': W2,
        'bn_gamma': bn_gamma, 'bn_beta': bn_beta, 'bn_mean': bn_mean, 'bn_var': bn_var,
        'W_het': W_het, 'W_self_shared': W_self_shared, 'b_self_shared': b_self_shared,
        'W_self': W_self, 'bias_out': bias_out,
    }


def reference(feat, edge_index, node_types, W_shared, b_shared, W2,
              bn_gamma, bn_beta, bn_mean, bn_var, W_het,
              W_self_shared, b_self_shared, W_self, bias_out):
    src = edge_index[0]
    dst = edge_index[1]
    # fc_neigh (lin_before_mp): shared linear -> linear -> BN(eval) -> ReLU
    h = feat @ W_shared + b_shared
    h = h @ W2
    h = (h - bn_mean) / jnp.sqrt(bn_var + 1e-5) * bn_gamma + bn_beta
    h = jax.nn.relu(h)
    # typed message: msg_e = h[src_e] @ W_het[etype_e]; compute per-type then gather
    etype = node_types[src] * T + node_types[dst]
    all_t = jnp.einsum('nd,tdo->tno', h, W_het)        # [ET, N, D_OUT]
    msg = all_t[etype, src]                             # gather [E, D_OUT]
    # mean aggregation to dst nodes
    deg = jax.ops.segment_sum(jnp.ones((E,), jnp.float32), dst, num_segments=N)
    neigh = jax.ops.segment_sum(msg, dst, num_segments=N) / jnp.clip(deg, 1.0)[:, None]
    # self path: shared linear then node-typed linear
    hs = feat @ W_self_shared + b_self_shared
    all_self = jnp.einsum('nd,tdo->tno', hs, W_self)    # [T, N, D_OUT]
    h_self = all_self[node_types, jnp.arange(N)]
    return h_self + neigh + bias_out

if __name__ == "__main__":
    import jax
    _d = setup_inputs()
    print(jax.jit(kernel)(*tuple(_d.values())))

</pallas_src>

<mosaic_0001>
#map = affine_map<(d0, d1) -> (0)>
#map1 = affine_map<(d0, d1) -> (0, 0)>
#map2 = affine_map<(d0, d1) -> (0, 0, 0)>
module attributes {stable_mosaic.version = 14 : i64} {
  func.func @agg(%arg0: i32, %arg1: i32, %arg2: memref<320000xi32, #tpu.memory_space<hbm>>, %arg3: memref<320000xi32, #tpu.memory_space<hbm>>, %arg4: memref<10000x128xf32, #tpu.memory_space<hbm>>, %arg5: memref<10000x128xf32, #tpu.memory_space<hbm>>, %arg6: memref<10240x128xf32, #tpu.memory_space<hbm>>, %arg7: memref<128x128xf32, #tpu.memory_space<hbm>>, %arg8: memref<2x10240x128xf32, #tpu.memory_space<hbm>>, %arg9: memref<2x10240x128xf32, #tpu.memory_space<hbm>>, %arg10: memref<1664xi32, #tpu.memory_space<vmem>>, %arg11: memref<1664xi32, #tpu.memory_space<vmem>>, %arg12: memref<128xi32, #tpu.memory_space<vmem>>, %arg13: memref<128xi32, #tpu.memory_space<vmem>>, %arg14: memref<128xi32, #tpu.memory_space<vmem>>, %arg15: memref<128xi32, #tpu.memory_space<vmem>>, %arg16: memref<128xi32, #tpu.memory_space<vmem>>, %arg17: memref<128x128xf32, #tpu.memory_space<vmem>>, %arg18: memref<128x128xf32, #tpu.memory_space<vmem>>, %arg19: memref<10240x128xf32, #tpu.memory_space<vmem_shared>>, %arg20: memref<!tpu.dma_semaphore, #tpu.memory_space<semaphore_mem>>, %arg21: memref<!tpu.dma_semaphore, #tpu.memory_space<semaphore_mem>>, %arg22: memref<!tpu.dma_semaphore, #tpu.memory_space<semaphore_mem>>, %arg23: memref<!tpu.dma_semaphore, #tpu.memory_space<semaphore_mem>>) attributes {dimension_semantics = [#tpu.dimension_semantics<core_parallel>, #tpu.dimension_semantics<subcore_parallel>], iteration_bounds = array<i64: 2, 16>, scalar_prefetch = 0 : i64, scratch_operands = 14 : i64, tpu.core_type = #tpu.core_type<sc_vector_subcore>, window_params = [{transform_indices = #map}, {transform_indices = #map}, {transform_indices = #map1}, {transform_indices = #map1}, {transform_indices = #map1}, {transform_indices = #map1}, {transform_indices = #map2}, {transform_indices = #map2}]} {
    %mul3A = arith.constant 640 : i32
    %mul3A_0 = arith.muli %arg1, %mul3A : i32
    %add3A = arith.constant 0 : i32
    %add3A_1 = arith.addi %mul3A_0, %add3A : i32
    "tpu.region"() ({
      %run_scoped3A = tpu.sem_alloc : memref<!tpu.dma_semaphore, #tpu.memory_space<semaphore_mem>>
      %dma_start3A = arith.constant 0 : i32
      %dma_start3A_72 = tpu.memref_slice %arg6[%add3A_1, %dma_start3A] : memref<10240x128xf32, #tpu.memory_space<hbm>> -> memref<128x128xf32, #tpu.memory_space<hbm>>
      %dma_start3A_73 = arith.constant 0 : i32
      %dma_start3A_74 = tpu.memref_slice %arg6[%add3A_1, %dma_start3A_73] : memref<10240x128xf32, #tpu.memory_space<hbm>> -> memref<128x128xf32, #tpu.memory_space<hbm>>
      tpu.enqueue_dma source(%dma_start3A_74 : memref<128x128xf32, #tpu.memory_space<hbm>>) target(%arg17 : memref<128x128xf32, #tpu.memory_space<vmem>>) target_semaphore(%run_scoped3A : memref<!tpu.dma_semaphore, #tpu.memory_space<semaphore_mem>>)
      %dma_wait3A = arith.constant 0 : i32
      %dma_wait3A_75 = tpu.memref_slice %arg6[%add3A_1, %dma_wait3A] : memref<10240x128xf32, #tpu.memory_space<hbm>> -> memref<128x128xf32, #tpu.memory_space<hbm>>
      %dma_wait3A_76 = arith.constant 0 : i32
      %dma_wait3A_77 = tpu.memref_slice %arg6[%add3A_1, %dma_wait3A_76] : memref<10240x128xf32, #tpu.memory_space<hbm>> -> memref<128x128xf32, #tpu.memory_space<hbm>>
      tpu.wait_dma2 semaphore(%run_scoped3A : memref<!tpu.dma_semaphore, #tpu.memory_space<semaphore_mem>>) src(%dma_wait3A_77 : memref<128x128xf32, #tpu.memory_space<hbm>>) dst(%arg17 : memref<128x128xf32, #tpu.memory_space<vmem>>)
      tpu.yield
    }) : () -> ()
    "tpu.region"() ({
      %run_scoped3A = tpu.sem_alloc : memref<!tpu.dma_semaphore, #tpu.memory_space<semaphore_mem>>
      %dma_start3A = arith.constant 0 : i32
      %dma_start3A_72 = tpu.memref_slice %arg19[%add3A_1, %dma_start3A] : memref<10240x128xf32, #tpu.memory_space<vmem_shared>> -> memref<128x128xf32, #tpu.memory_space<vmem_shared>>
      %dma_start3A_73 = arith.constant 0 : i32
      %dma_start3A_74 = tpu.memref_slice %arg19[%add3A_1, %dma_start3A_73] : memref<10240x128xf32, #tpu.memory_space<vmem_shared>> -> memref<128x128xf32, #tpu.memory_space<vmem_shared>>
      tpu.enqueue_dma source(%arg17 : memref<128x128xf32, #tpu.memory_space<vmem>>) target(%dma_start3A_74 : memref<128x128xf32, #tpu.memory_space<vmem_shared>>) target_semaphore(%run_scoped3A : memref<!tpu.dma_semaphore, #tpu.memory_space<semaphore_mem>>)
      %dma_wait3A = arith.constant 0 : i32
      %dma_wait3A_75 = tpu.memref_slice %arg19[%add3A_1, %dma_wait3A] : memref<10240x128xf32, #tpu.memory_space<vmem_shared>> -> memref<128x128xf32, #tpu.memory_space<vmem_shared>>
      %dma_wait3A_76 = arith.constant 0 : i32
      %dma_wait3A_77 = tpu.memref_slice %arg19[%add3A_1, %dma_wait3A_76] : memref<10240x128xf32, #tpu.memory_space<vmem_shared>> -> memref<128x128xf32, #tpu.memory_space<vmem_shared>>
      tpu.wait_dma2 semaphore(%run_scoped3A : memref<!tpu.dma_semaphore, #tpu.memory_space<semaphore_mem>>) src(%arg17 : memref<128x128xf32, #tpu.memory_space<vmem>>) dst(%dma_wait3A_77 : memref<128x128xf32, #tpu.memory_space<vmem_shared>>)
      tpu.yield
    }) : () -> ()
    %add3A_2 = arith.constant 128 : i32
    %add3A_3 = arith.addi %mul3A_0, %add3A_2 : i32
    "tpu.region"() ({
      %run_scoped3A = tpu.sem_alloc : memref<!tpu.dma_semaphore, #tpu.memory_space<semaphore_mem>>
      %dma_start3A = arith.constant 0 : i32
      %dma_start3A_72 = tpu.memref_slice %arg6[%add3A_3, %dma_start3A] : memref<10240x128xf32, #tpu.memory_space<hbm>> -> memref<128x128xf32, #tpu.memory_space<hbm>>
      %dma_start3A_73 = arith.constant 0 : i32
      %dma_start3A_74 = tpu.memref_slice %arg6[%add3A_3, %dma_start3A_73] : memref<10240x128xf32, #tpu.memory_space<hbm>> -> memref<128x128xf32, #tpu.memory_space<hbm>>
      tpu.enqueue_dma source(%dma_start3A_74 : memref<128x128xf32, #tpu.memory_space<hbm>>) target(%arg17 : memref<128x128xf32, #tpu.memory_space<vmem>>) target_semaphore(%run_scoped3A : memref<!tpu.dma_semaphore, #tpu.memory_space<semaphore_mem>>)
      %dma_wait3A = arith.constant 0 : i32
      %dma_wait3A_75 = tpu.memref_slice %arg6[%add3A_3, %dma_wait3A] : memref<10240x128xf32, #tpu.memory_space<hbm>> -> memref<128x128xf32, #tpu.memory_space<hbm>>
      %dma_wait3A_76 = arith.constant 0 : i32
      %dma_wait3A_77 = tpu.memref_slice %arg6[%add3A_3, %dma_wait3A_76] : memref<10240x128xf32, #tpu.memory_space<hbm>> -> memref<128x128xf32, #tpu.memory_space<hbm>>
      tpu.wait_dma2 semaphore(%run_scoped3A : memref<!tpu.dma_semaphore, #tpu.memory_space<semaphore_mem>>) src(%dma_wait3A_77 : memref<128x128xf32, #tpu.memory_space<hbm>>) dst(%arg17 : memref<128x128xf32, #tpu.memory_space<vmem>>)
      tpu.yield
    }) : () -> ()
    "tpu.region"() ({
      %run_scoped3A = tpu.sem_alloc : memref<!tpu.dma_semaphore, #tpu.memory_space<semaphore_mem>>
      %dma_start3A = arith.constant 0 : i32
      %dma_start3A_72 = tpu.memref_slice %arg19[%add3A_3, %dma_start3A] : memref<10240x128xf32, #tpu.memory_space<vmem_shared>> -> memref<128x128xf32, #tpu.memory_space<vmem_shared>>
      %dma_start3A_73 = arith.constant 0 : i32
      %dma_start3A_74 = tpu.memref_slice %arg19[%add3A_3, %dma_start3A_73] : memref<10240x128xf32, #tpu.memory_space<vmem_shared>> -> memref<128x128xf32, #tpu.memory_space<vmem_shared>>
      tpu.enqueue_dma source(%arg17 : memref<128x128xf32, #tpu.memory_space<vmem>>) target(%dma_start3A_74 : memref<128x128xf32, #tpu.memory_space<vmem_shared>>) target_semaphore(%run_scoped3A : memref<!tpu.dma_semaphore, #tpu.memory_space<semaphore_mem>>)
      %dma_wait3A = arith.constant 0 : i32
      %dma_wait3A_75 = tpu.memref_slice %arg19[%add3A_3, %dma_wait3A] : memref<10240x128xf32, #tpu.memory_space<vmem_shared>> -> memref<128x128xf32, #tpu.memory_space<vmem_shared>>
      %dma_wait3A_76 = arith.constant 0 : i32
      %dma_wait3A_77 = tpu.memref_slice %arg19[%add3A_3, %dma_wait3A_76] : memref<10240x128xf32, #tpu.memory_space<vmem_shared>> -> memref<128x128xf32, #tpu.memory_space<vmem_shared>>
      tpu.wait_dma2 semaphore(%run_scoped3A : memref<!tpu.dma_semaphore, #tpu.memory_space<semaphore_mem>>) src(%arg17 : memref<128x128xf32, #tpu.memory_space<vmem>>) dst(%dma_wait3A_77 : memref<128x128xf32, #tpu.memory_space<vmem_shared>>)
      tpu.yield
    }) : () -> ()
    %add3A_4 = arith.constant 256 : i32
    %add3A_5 = arith.addi %mul3A_0, %add3A_4 : i32
    "tpu.region"() ({
      %run_scoped3A = tpu.sem_alloc : memref<!tpu.dma_semaphore, #tpu.memory_space<semaphore_mem>>
      %dma_start3A = arith.constant 0 : i32
      %dma_start3A_72 = tpu.memref_slice %arg6[%add3A_5, %dma_start3A] : memref<10240x128xf32, #tpu.memory_space<hbm>> -> memref<128x128xf32, #tpu.memory_space<hbm>>
      %dma_start3A_73 = arith.constant 0 : i32
      %dma_start3A_74 = tpu.memref_slice %arg6[%add3A_5, %dma_start3A_73] : memref<10240x128xf32, #tpu.memory_space<hbm>> -> memref<128x128xf32, #tpu.memory_space<hbm>>
      tpu.enqueue_dma source(%dma_start3A_74 : memref<128x128xf32, #tpu.memory_space<hbm>>) target(%arg17 : memref<128x128xf32, #tpu.memory_space<vmem>>) target_semaphore(%run_scoped3A : memref<!tpu.dma_semaphore, #tpu.memory_space<semaphore_mem>>)
      %dma_wait3A = arith.constant 0 : i32
      %dma_wait3A_75 = tpu.memref_slice %arg6[%add3A_5, %dma_wait3A] : memref<10240x128xf32, #tpu.memory_space<hbm>> -> memref<128x128xf32, #tpu.memory_space<hbm>>
      %dma_wait3A_76 = arith.constant 0 : i32
      %dma_wait3A_77 = tpu.memref_slice %arg6[%add3A_5, %dma_wait3A_76] : memref<10240x128xf32, #tpu.memory_space<hbm>> -> memref<128x128xf32, #tpu.memory_space<hbm>>
      tpu.wait_dma2 semaphore(%run_scoped3A : memref<!tpu.dma_semaphore, #tpu.memory_space<semaphore_mem>>) src(%dma_wait3A_77 : memref<128x128xf32, #tpu.memory_space<hbm>>) dst(%arg17 : memref<128x128xf32, #tpu.memory_space<vmem>>)
      tpu.yield
    }) : () -> ()
    "tpu.region"() ({
      %run_scoped3A = tpu.sem_alloc : memref<!tpu.dma_semaphore, #tpu.memory_space<semaphore_mem>>
      %dma_start3A = arith.constant 0 : i32
      %dma_start3A_72 = tpu.memref_slice %arg19[%add3A_5, %dma_start3A] : memref<10240x128xf32, #tpu.memory_space<vmem_shared>> -> memref<128x128xf32, #tpu.memory_space<vmem_shared>>
      %dma_start3A_73 = arith.constant 0 : i32
      %dma_start3A_74 = tpu.memref_slice %arg19[%add3A_5, %dma_start3A_73] : memref<10240x128xf32, #tpu.memory_space<vmem_shared>> -> memref<128x128xf32, #tpu.memory_space<vmem_shared>>
      tpu.enqueue_dma source(%arg17 : memref<128x128xf32, #tpu.memory_space<vmem>>) target(%dma_start3A_74 : memref<128x128xf32, #tpu.memory_space<vmem_shared>>) target_semaphore(%run_scoped3A : memref<!tpu.dma_semaphore, #tpu.memory_space<semaphore_mem>>)
      %dma_wait3A = arith.constant 0 : i32
      %dma_wait3A_75 = tpu.memref_slice %arg19[%add3A_5, %dma_wait3A] : memref<10240x128xf32, #tpu.memory_space<vmem_shared>> -> memref<128x128xf32, #tpu.memory_space<vmem_shared>>
      %dma_wait3A_76 = arith.constant 0 : i32
      %dma_wait3A_77 = tpu.memref_slice %arg19[%add3A_5, %dma_wait3A_76] : memref<10240x128xf32, #tpu.memory_space<vmem_shared>> -> memref<128x128xf32, #tpu.memory_space<vmem_shared>>
      tpu.wait_dma2 semaphore(%run_scoped3A : memref<!tpu.dma_semaphore, #tpu.memory_space<semaphore_mem>>) src(%arg17 : memref<128x128xf32, #tpu.memory_space<vmem>>) dst(%dma_wait3A_77 : memref<128x128xf32, #tpu.memory_space<vmem_shared>>)
      tpu.yield
    }) : () -> ()
    %add3A_6 = arith.constant 384 : i32
    %add3A_7 = arith.addi %mul3A_0, %add3A_6 : i32
    "tpu.region"() ({
      %run_scoped3A = tpu.sem_alloc : memref<!tpu.dma_semaphore, #tpu.memory_space<semaphore_mem>>
      %dma_start3A = arith.constant 0 : i32
      %dma_start3A_72 = tpu.memref_slice %arg6[%add3A_7, %dma_start3A] : memref<10240x128xf32, #tpu.memory_space<hbm>> -> memref<128x128xf32, #tpu.memory_space<hbm>>
      %dma_start3A_73 = arith.constant 0 : i32
      %dma_start3A_74 = tpu.memref_slice %arg6[%add3A_7, %dma_start3A_73] : memref<10240x128xf32, #tpu.memory_space<hbm>> -> memref<128x128xf32, #tpu.memory_space<hbm>>
      tpu.enqueue_dma source(%dma_start3A_74 : memref<128x128xf32, #tpu.memory_space<hbm>>) target(%arg17 : memref<128x128xf32, #tpu.memory_space<vmem>>) target_semaphore(%run_scoped3A : memref<!tpu.dma_semaphore, #tpu.memory_space<semaphore_mem>>)
      %dma_wait3A = arith.constant 0 : i32
      %dma_wait3A_75 = tpu.memref_slice %arg6[%add3A_7, %dma_wait3A] : memref<10240x128xf32, #tpu.memory_space<hbm>> -> memref<128x128xf32, #tpu.memory_space<hbm>>
      %dma_wait3A_76 = arith.constant 0 : i32
      %dma_wait3A_77 = tpu.memref_slice %arg6[%add3A_7, %dma_wait3A_76] : memref<10240x128xf32, #tpu.memory_space<hbm>> -> memref<128x128xf32, #tpu.memory_space<hbm>>
      tpu.wait_dma2 semaphore(%run_scoped3A : memref<!tpu.dma_semaphore, #tpu.memory_space<semaphore_mem>>) src(%dma_wait3A_77 : memref<128x128xf32, #tpu.memory_space<hbm>>) dst(%arg17 : memref<128x128xf32, #tpu.memory_space<vmem>>)
      tpu.yield
    }) : () -> ()
    "tpu.region"() ({
      %run_scoped3A = tpu.sem_alloc : memref<!tpu.dma_semaphore, #tpu.memory_space<semaphore_mem>>
      %dma_start3A = arith.constant 0 : i32
      %dma_start3A_72 = tpu.memref_slice %arg19[%add3A_7, %dma_start3A] : memref<10240x128xf32, #tpu.memory_space<vmem_shared>> -> memref<128x128xf32, #tpu.memory_space<vmem_shared>>
      %dma_start3A_73 = arith.constant 0 : i32
      %dma_start3A_74 = tpu.memref_slice %arg19[%add3A_7, %dma_start3A_73] : memref<10240x128xf32, #tpu.memory_space<vmem_shared>> -> memref<128x128xf32, #tpu.memory_space<vmem_shared>>
      tpu.enqueue_dma source(%arg17 : memref<128x128xf32, #tpu.memory_space<vmem>>) target(%dma_start3A_74 : memref<128x128xf32, #tpu.memory_space<vmem_shared>>) target_semaphore(%run_scoped3A : memref<!tpu.dma_semaphore, #tpu.memory_space<semaphore_mem>>)
      %dma_wait3A = arith.constant 0 : i32
      %dma_wait3A_75 = tpu.memref_slice %arg19[%add3A_7, %dma_wait3A] : memref<10240x128xf32, #tpu.memory_space<vmem_shared>> -> memref<128x128xf32, #tpu.memory_space<vmem_shared>>
      %dma_wait3A_76 = arith.constant 0 : i32
      %dma_wait3A_77 = tpu.memref_slice %arg19[%add3A_7, %dma_wait3A_76] : memref<10240x128xf32, #tpu.memory_space<vmem_shared>> -> memref<128x128xf32, #tpu.memory_space<vmem_shared>>
      tpu.wait_dma2 semaphore(%run_scoped3A : memref<!tpu.dma_semaphore, #tpu.memory_space<semaphore_mem>>) src(%arg17 : memref<128x128xf32, #tpu.memory_space<vmem>>) dst(%dma_wait3A_77 : memref<128x128xf32, #tpu.memory_space<vmem_shared>>)
      tpu.yield
    }) : () -> ()
    %add3A_8 = arith.constant 512 : i32
    %add3A_9 = arith.addi %mul3A_0, %add3A_8 : i32
    "tpu.region"() ({
      %run_scoped3A = tpu.sem_alloc : memref<!tpu.dma_semaphore, #tpu.memory_space<semaphore_mem>>
      %dma_start3A = arith.constant 0 : i32
      %dma_start3A_72 = tpu.memref_slice %arg6[%add3A_9, %dma_start3A] : memref<10240x128xf32, #tpu.memory_space<hbm>> -> memref<128x128xf32, #tpu.memory_space<hbm>>
      %dma_start3A_73 = arith.constant 0 : i32
      %dma_start3A_74 = tpu.memref_slice %arg6[%add3A_9, %dma_start3A_73] : memref<10240x128xf32, #tpu.memory_space<hbm>> -> memref<128x128xf32, #tpu.memory_space<hbm>>
      tpu.enqueue_dma source(%dma_start3A_74 : memref<128x128xf32, #tpu.memory_space<hbm>>) target(%arg17 : memref<128x128xf32, #tpu.memory_space<vmem>>) target_semaphore(%run_scoped3A : memref<!tpu.dma_semaphore, #tpu.memory_space<semaphore_mem>>)
      %dma_wait3A = arith.constant 0 : i32
      %dma_wait3A_75 = tpu.memref_slice %arg6[%add3A_9, %dma_wait3A] : memref<10240x128xf32, #tpu.memory_space<hbm>> -> memref<128x128xf32, #tpu.memory_space<hbm>>
      %dma_wait3A_76 = arith.constant 0 : i32
      %dma_wait3A_77 = tpu.memref_slice %arg6[%add3A_9, %dma_wait3A_76] : memref<10240x128xf32, #tpu.memory_space<hbm>> -> memref<128x128xf32, #tpu.memory_space<hbm>>
      tpu.wait_dma2 semaphore(%run_scoped3A : memref<!tpu.dma_semaphore, #tpu.memory_space<semaphore_mem>>) src(%dma_wait3A_77 : memref<128x128xf32, #tpu.memory_space<hbm>>) dst(%arg17 : memref<128x128xf32, #tpu.memory_space<vmem>>)
      tpu.yield
    }) : () -> ()
    "tpu.region"() ({
      %run_scoped3A = tpu.sem_alloc : memref<!tpu.dma_semaphore, #tpu.memory_space<semaphore_mem>>
      %dma_start3A = arith.constant 0 : i32
      %dma_start3A_72 = tpu.memref_slice %arg19[%add3A_9, %dma_start3A] : memref<10240x128xf32, #tpu.memory_space<vmem_shared>> -> memref<128x128xf32, #tpu.memory_space<vmem_shared>>
      %dma_start3A_73 = arith.constant 0 : i32
      %dma_start3A_74 = tpu.memref_slice %arg19[%add3A_9, %dma_start3A_73] : memref<10240x128xf32, #tpu.memory_space<vmem_shared>> -> memref<128x128xf32, #tpu.memory_space<vmem_shared>>
      tpu.enqueue_dma source(%arg17 : memref<128x128xf32, #tpu.memory_space<vmem>>) target(%dma_start3A_74 : memref<128x128xf32, #tpu.memory_space<vmem_shared>>) target_semaphore(%run_scoped3A : memref<!tpu.dma_semaphore, #tpu.memory_space<semaphore_mem>>)
      %dma_wait3A = arith.constant 0 : i32
      %dma_wait3A_75 = tpu.memref_slice %arg19[%add3A_9, %dma_wait3A] : memref<10240x128xf32, #tpu.memory_space<vmem_shared>> -> memref<128x128xf32, #tpu.memory_space<vmem_shared>>
      %dma_wait3A_76 = arith.constant 0 : i32
      %dma_wait3A_77 = tpu.memref_slice %arg19[%add3A_9, %dma_wait3A_76] : memref<10240x128xf32, #tpu.memory_space<vmem_shared>> -> memref<128x128xf32, #tpu.memory_space<vmem_shared>>
      tpu.wait_dma2 semaphore(%run_scoped3A : memref<!tpu.dma_semaphore, #tpu.memory_space<semaphore_mem>>) src(%arg17 : memref<128x128xf32, #tpu.memory_space<vmem>>) dst(%dma_wait3A_77 : memref<128x128xf32, #tpu.memory_space<vmem_shared>>)
      tpu.yield
    }) : () -> ()
    %barrier3A = arith.constant 0 : index
    tpu.barrier barrier_id(%barrier3A)
    %mul3A_10 = arith.constant 156 : i32
    %mul3A_11 = arith.muli %mul3A_10, %arg1 : i32
    %min3A = arith.constant 4 : i32
    %min3A_12 = arith.minsi %arg1, %min3A : i32
    %add3A_13 = arith.addi %mul3A_11, %min3A_12 : i32
    %eq3A = arith.constant 0 : i32
    %eq3A_14 = arith.cmpi eq, %arg0, %eq3A : i32
    %convert_element_type3A = arith.extui %eq3A_14 : i1 to i32
    %cond3A = arith.constant 0 : i32
    %cond3A_15 = arith.cmpi ne, %convert_element_type3A, %cond3A : i32
    scf.if %cond3A_15 {
      %scan3A_72 = arith.constant 0 : i32
      %scan3A_73 = arith.constant 0 : i32
      %scan3A_74 = arith.constant 13 : i32
      %scan3A_75 = arith.addi %scan3A_73, %scan3A_74 : i32
      %scan3A_76 = arith.constant 1 : i32
      scf.for %scan3A_83 = %scan3A_73 to %scan3A_75 step %scan3A_76  : i32 {
        %mul3A_84 = arith.constant 12 : i32
        %mul3A_85 = arith.muli %scan3A_83, %mul3A_84 : i32
        %add3A_86 = arith.addi %add3A_13, %mul3A_85 : i32
        %mul3A_87 = arith.constant 128 : i32
        %mul3A_88 = arith.muli %add3A_86, %mul3A_87 : i32
        "tpu.region"() ({
          %run_scoped3A = tpu.sem_alloc : memref<!tpu.dma_semaphore, #tpu.memory_space<semaphore_mem>>
          %dma_start3A_877 = arith.constant 0 : i32
          %dma_start3A_878 = tpu.memref_slice %arg10[%dma_start3A_877] : memref<1664xi32, #tpu.memory_space<vmem>> -> memref<1536xi32, #tpu.memory_space<vmem>>
          %dma_start3A_879 = tpu.memref_slice %arg2[%mul3A_88] : memref<320000xi32, #tpu.memory_space<hbm>> -> memref<1536xi32, #tpu.memory_space<hbm>>
          %dma_start3A_880 = arith.constant 0 : i32
          %dma_start3A_881 = tpu.memref_slice %arg10[%dma_start3A_880] : memref<1664xi32, #tpu.memory_space<vmem>> -> memref<1536xi32, #tpu.memory_space<vmem>>
          %dma_start3A_882 = tpu.memref_slice %arg2[%mul3A_88] : memref<320000xi32, #tpu.memory_space<hbm>> -> memref<1536xi32, #tpu.memory_space<hbm>>
          tpu.enqueue_dma source(%dma_start3A_882 : memref<1536xi32, #tpu.memory_space<hbm>>) target(%dma_start3A_881 : memref<1536xi32, #tpu.memory_space<vmem>>) target_semaphore(%run_scoped3A : memref<!tpu.dma_semaphore, #tpu.memory_space<semaphore_mem>>)
          %dma_wait3A_883 = arith.constant 0 : i32
          %dma_wait3A_884 = tpu.memref_slice %arg10[%dma_wait3A_883] : memref<1664xi32, #tpu.memory_space<vmem>> -> memref<1536xi32, #tpu.memory_space<vmem>>
          %dma_wait3A_885 = tpu.memref_slice %arg2[%mul3A_88] : memref<320000xi32, #tpu.memory_space<hbm>> -> memref<1536xi32, #tpu.memory_space<hbm>>
          %dma_wait3A_886 = arith.constant 0 : i32
          %dma_wait3A_887 = tpu.memref_slice %arg10[%dma_wait3A_886] : memref<1664xi32, #tpu.memory_space<vmem>> -> memref<1536xi32, #tpu.memory_space<vmem>>
          %dma_wait3A_888 = tpu.memref_slice %arg2[%mul3A_88] : memref<320000xi32, #tpu.memory_space<hbm>> -> memref<1536xi32, #tpu.memory_space<hbm>>
          tpu.wait_dma2 semaphore(%run_scoped3A : memref<!tpu.dma_semaphore, #tpu.memory_space<semaphore_mem>>) src(%dma_wait3A_888 : memref<1536xi32, #tpu.memory_space<hbm>>) dst(%dma_wait3A_887 : memref<1536xi32, #tpu.memory_space<vmem>>)
          tpu.yield
        }) : () -> ()
        "tpu.region"() ({
          %run_scoped3A = tpu.sem_alloc : memref<!tpu.dma_semaphore, #tpu.memory_space<semaphore_mem>>
          %dma_start3A_877 = arith.constant 0 : i32
          %dma_start3A_878 = tpu.memref_slice %arg11[%dma_start3A_877] : memref<1664xi32, #tpu.memory_space<vmem>> -> memref<1536xi32, #tpu.memory_space<vmem>>
          %dma_start3A_879 = tpu.memref_slice %arg3[%mul3A_88] : memref<320000xi32, #tpu.memory_space<hbm>> -> memref<1536xi32, #tpu.memory_space<hbm>>
          %dma_start3A_880 = arith.constant 0 : i32
          %dma_start3A_881 = tpu.memref_slice %arg11[%dma_start3A_880] : memref<1664xi32, #tpu.memory_space<vmem>> -> memref<1536xi32, #tpu.memory_space<vmem>>
          %dma_start3A_882 = tpu.memref_slice %arg3[%mul3A_88] : memref<320000xi32, #tpu.memory_space<hbm>> -> memref<1536xi32, #tpu.memory_space<hbm>>
          tpu.enqueue_dma source(%dma_start3A_882 : memref<1536xi32, #tpu.memory_space<hbm>>) target(%dma_start3A_881 : memref<1536xi32, #tpu.memory_space<vmem>>) target_semaphore(%run_scoped3A : memref<!tpu.dma_semaphore, #tpu.memory_space<semaphore_mem>>)
          %dma_wait3A_883 = arith.constant 0 : i32
          %dma_wait3A_884 = tpu.memref_slice %arg11[%dma_wait3A_883] : memref<1664xi32, #tpu.memory_space<vmem>> -> memref<1536xi32, #tpu.memory_space<vmem>>
          %dma_wait3A_885 = tpu.memref_slice %arg3[%mul3A_88] : memref<320000xi32, #tpu.memory_space<hbm>> -> memref<1536xi32, #tpu.memory_space<hbm>>
          %dma_wait3A_886 = arith.constant 0 : i32
          %dma_wait3A_887 = tpu.memref_slice %arg11[%dma_wait3A_886] : memref<1664xi32, #tpu.memory_space<vmem>> -> memref<1536xi32, #tpu.memory_space<vmem>>
          %dma_wait3A_888 = tpu.memref_slice %arg3[%mul3A_88] : memref<320000xi32, #tpu.memory_space<hbm>> -> memref<1536xi32, #tpu.memory_space<hbm>>
          tpu.wait_dma2 semaphore(%run_scoped3A : memref<!tpu.dma_semaphore, #tpu.memory_space<semaphore_mem>>) src(%dma_wait3A_888 : memref<1536xi32, #tpu.memory_space<hbm>>) dst(%dma_wait3A_887 : memref<1536xi32, #tpu.memory_space<vmem>>)
          tpu.yield
        }) : () -> ()
        %dma_start3A = arith.constant 0 : i32
        %dma_start3A_89 = tpu.memref_slice %arg10[%dma_start3A] : memref<1664xi32, #tpu.memory_space<vmem>> -> memref<128xi32, #tpu.memory_space<vmem>>
        %dma_start3A_90 = arith.constant 0 : i32
        %dma_start3A_91 = arith.constant 0 : i32
        %dma_start3A_92 = tpu.memref_slice %arg4[%dma_start3A_90, %dma_start3A_91] : memref<10000x128xf32, #tpu.memory_space<hbm>> -> memref<10000x128xf32, #tpu.memory_space<hbm>>
        tpu.enqueue_indirect_dma source(%dma_start3A_92 : memref<10000x128xf32, #tpu.memory_space<hbm>>) target(%arg17 : memref<128x128xf32, #tpu.memory_space<vmem>>) offsets(%dma_start3A_89 : memref<128xi32, #tpu.memory_space<vmem>>) semaphore(%arg20 : memref<!tpu.dma_semaphore, #tpu.memory_space<semaphore_mem>>)
        %get3A = arith.constant 0 : index
        %get3A_93 = tpu.vector_load %arg11[%get3A] {strides = array<i32>} : memref<1664xi32, #tpu.memory_space<vmem>>, vector<16xi32>,
        %get3A_94 = vector.shape_cast %get3A_93 : vector<16xi32> to vector<16xi32>
        %swap3A = arith.constant 0 : index
        %swap3A_95 = tpu.vector_load %arg12[%swap3A] {strides = array<i32>} : memref<128xi32, #tpu.memory_space<vmem>>, vector<16xi32>,
        %swap3A_96 = vector.shape_cast %swap3A_95 : vector<16xi32> to vector<16xi32>
        %swap3A_97 = vector.shape_cast %get3A_94 : vector<16xi32> to vector<16xi32>
        tpu.vector_store %arg12[%swap3A], %swap3A_97 {strides = array<i32>} : memref<128xi32, #tpu.memory_space<vmem>>, vector<16xi32>,
        %get3A_98 = arith.constant 16 : index
        %get3A_99 = tpu.vector_load %arg11[%get3A_98] {strides = array<i32>} : memref<1664xi32, #tpu.memory_space<vmem>>, vector<16xi32>,
        %get3A_100 = vector.shape_cast %get3A_99 : vector<16xi32> to vector<16xi32>
        %swap3A_101 = arith.constant 16 : index
        %swap3A_102 = tpu.vector_load %arg12[%swap3A_101] {strides = array<i32>} : memref<128xi32, #tpu.memory_space<vmem>>, vector<16xi32>,
        %swap3A_103 = vector.shape_cast %swap3A_102 : vector<16xi32> to vector<16xi32>
        %swap3A_104 = vector.shape_cast %get3A_100 : vector<16xi32> to vector<16xi32>
        tpu.vector_store %arg12[%swap3A_101], %swap3A_104 {strides = array<i32>} : memref<128xi32, #tpu.memory_space<vmem>>, vector<16xi32>,
        %get3A_105 = arith.constant 32 : index
        %get3A_106 = tpu.vector_load %arg11[%get3A_105] {strides = array<i32>} : memref<1664xi32, #tpu.memory_space<vmem>>, vector<16xi32>,
        %get3A_107 = vector.shape_cast %get3A_106 : vector<16xi32> to vector<16xi32>
        %swap3A_108 = arith.constant 32 : index
        %swap3A_109 = tpu.vector_load %arg12[%swap3A_108] {strides = array<i32>} : memref<128xi32, #tpu.memory_space<vmem>>, vector<16xi32>,
        %swap3A_110 = vector.shape_cast %swap3A_109 : vector<16xi32> to vector<16xi32>
        %swap3A_111 = vector.shape_cast %get3A_107 : vector<16xi32> to vector<16xi32>
        tpu.vector_store %arg12[%swap3A_108], %swap3A_111 {strides = array<i32>} : memref<128xi32, #tpu.memory_space<vmem>>, vector<16xi32>,
        %get3A_112 = arith.constant 48 : index
        %get3A_113 = tpu.vector_load %arg11[%get3A_112] {strides = array<i32>} : memref<1664xi32, #tpu.memory_space<vmem>>, vector<16xi32>,
        %get3A_114 = vector.shape_cast %get3A_113 : vector<16xi32> to vector<16xi32>
        %swap3A_115 = arith.constant 48 : index
        %swap3A_116 = tpu.vector_load %arg12[%swap3A_115] {strides = array<i32>} : memref<128xi32, #tpu.memory_space<vmem>>, vector<16xi32>,
        %swap3A_117 = vector.shape_cast %swap3A_116 : vector<16xi32> to vector<16xi32>
        %swap3A_118 = vector.shape_cast %get3A_114 : vector<16xi32> to vector<16xi32>
        tpu.vector_store %arg12[%swap3A_115], %swap3A_118 {strides = array<i32>} : memref<128xi32, #tpu.memory_space<vmem>>, vector<16xi32>,
        %get3A_119 = arith.constant 64 : index
        %get3A_120 = tpu.vector_load %arg11[%get3A_119] {strides = array<i32>} : memref<1664xi32, #tpu.memory_space<vmem>>, vector<16xi32>,
        %get3A_121 = vector.shape_cast %get3A_120 : vector<16xi32> to vector<16xi32>
        %swap3A_122 = arith.constant 64 : index
        %swap3A_123 = tpu.vector_load %arg12[%swap3A_122] {strides = array<i32>} : memref<128xi32, #tpu.memory_space<vmem>>, vector<16xi32>,
        %swap3A_124 = vector.shape_cast %swap3A_123 : vector<16xi32> to vector<16xi32>
        %swap3A_125 = vector.shape_cast %get3A_121 : vector<16xi32> to vector<16xi32>
        tpu.vector_store %arg12[%swap3A_122], %swap3A_125 {strides = array<i32>} : memref<128xi32, #tpu.memory_space<vmem>>, vector<16xi32>,
        %get3A_126 = arith.constant 80 : index
        %get3A_127 = tpu.vector_load %arg11[%get3A_126] {strides = array<i32>} : memref<1664xi32, #tpu.memory_space<vmem>>, vector<16xi32>,
        %get3A_128 = vector.shape_cast %get3A_127 : vector<16xi32> to vector<16xi32>
        %swap3A_129 = arith.constant 80 : index
        %swap3A_130 = tpu.vector_load %arg12[%swap3A_129] {strides = array<i32>} : memref<128xi32, #tpu.memory_space<vmem>>, vector<16xi32>,
        %swap3A_131 = vector.shape_cast %swap3A_130 : vector<16xi32> to vector<16xi32>
        %swap3A_132 = vector.shape_cast %get3A_128 : vector<16xi32> to vector<16xi32>
        tpu.vector_store %arg12[%swap3A_129], %swap3A_132 {strides = array<i32>} : memref<128xi32, #tpu.memory_space<vmem>>, vector<16xi32>,
        %get3A_133 = arith.constant 96 : index
        %get3A_134 = tpu.vector_load %arg11[%get3A_133] {strides = array<i32>} : memref<1664xi32, #tpu.memory_space<vmem>>, vector<16xi32>,
        %get3A_135 = vector.shape_cast %get3A_134 : vector<16xi32> to vector<16xi32>
        %swap3A_136 = arith.constant 96 : index
        %swap3A_137 = tpu.vector_load %arg12[%swap3A_136] {strides = array<i32>} : memref<128xi32, #tpu.memory_space<vmem>>, vector<16xi32>,
        %swap3A_138 = vector.shape_cast %swap3A_137 : vector<16xi32> to vector<16xi32>
        %swap3A_139 = vector.shape_cast %get3A_135 : vector<16xi32> to vector<16xi32>
        tpu.vector_store %arg12[%swap3A_136], %swap3A_139 {strides = array<i32>} : memref<128xi32, #tpu.memory_space<vmem>>, vector<16xi32>,
        %get3A_140 = arith.constant 112 : index
        %get3A_141 = tpu.vector_load %arg11[%get3A_140] {strides = array<i32>} : memref<1664xi32, #tpu.memory_space<vmem>>, vector<16xi32>,
        %get3A_142 = vector.shape_cast %get3A_141 : vector<16xi32> to vector<16xi32>
        %swap3A_143 = arith.constant 112 : index
        %swap3A_144 = tpu.vector_load %arg12[%swap3A_143] {strides = array<i32>} : memref<128xi32, #tpu.memory_space<vmem>>, vector<16xi32>,
        %swap3A_145 = vector.shape_cast %swap3A_144 : vector<16xi32> to vector<16xi32>
        %swap3A_146 = vector.shape_cast %get3A_142 : vector<16xi32> to vector<16xi32>
        tpu.vector_store %arg12[%swap3A_143], %swap3A_146 {strides = array<i32>} : memref<128xi32, #tpu.memory_space<vmem>>, vector<16xi32>,
        %dma_start3A_147 = arith.constant 128 : i32
        %dma_start3A_148 = tpu.memref_slice %arg10[%dma_start3A_147] : memref<1664xi32, #tpu.memory_space<vmem>> -> memref<128xi32, #tpu.memory_space<vmem>>
        %dma_start3A_149 = arith.constant 0 : i32
        %dma_start3A_150 = arith.constant 0 : i32
        %dma_start3A_151 = tpu.memref_slice %arg4[%dma_start3A_149, %dma_start3A_150] : memref<10000x128xf32, #tpu.memory_space<hbm>> -> memref<10000x128xf32, #tpu.memory_space<hbm>>
        tpu.enqueue_indirect_dma source(%dma_start3A_151 : memref<10000x128xf32, #tpu.memory_space<hbm>>) target(%arg18 : memref<128x128xf32, #tpu.memory_space<vmem>>) offsets(%dma_start3A_148 : memref<128xi32, #tpu.memory_space<vmem>>) semaphore(%arg21 : memref<!tpu.dma_semaphore, #tpu.memory_space<semaphore_mem>>)
        %dma_wait3A = arith.constant 0 : i32
        %dma_wait3A_152 = tpu.memref_slice %arg10[%dma_wait3A] : memref<1664xi32, #tpu.memory_space<vmem>> -> memref<128xi32, #tpu.memory_space<vmem>>
        %dma_wait3A_153 = arith.constant 0 : i32
        %dma_wait3A_154 = arith.constant 0 : i32
        %dma_wait3A_155 = tpu.memref_slice %arg4[%dma_wait3A_153, %dma_wait3A_154] : memref<10000x128xf32, #tpu.memory_space<hbm>> -> memref<10000x128xf32, #tpu.memory_space<hbm>>
        tpu.wait_indirect_dma semaphore(%arg20 : memref<!tpu.dma_semaphore, #tpu.memory_space<semaphore_mem>>) src(%dma_wait3A_155 : memref<10000x128xf32, #tpu.memory_space<hbm>>) dst(%arg17 : memref<128x128xf32, #tpu.memory_space<vmem>>)
        "tpu.region"() ({
          %run_scoped3A = tpu.sem_alloc : memref<!tpu.dma_semaphore, #tpu.memory_space<semaphore_mem>>
          %dma_start3A_877 = arith.constant 0 : i32
          %dma_start3A_878 = arith.constant 0 : i32
          %dma_start3A_879 = tpu.memref_slice %arg19[%dma_start3A_877, %dma_start3A_878] : memref<10240x128xf32, #tpu.memory_space<vmem_shared>> -> memref<10240x128xf32, #tpu.memory_space<vmem_shared>>
          tpu.enqueue_indirect_dma source(%arg17 : memref<128x128xf32, #tpu.memory_space<vmem>>) target(%dma_start3A_879 : memref<10240x128xf32, #tpu.memory_space<vmem_shared>>) offsets(%arg12 : memref<128xi32, #tpu.memory_space<vmem>>) semaphore(%run_scoped3A : memref<!tpu.dma_semaphore, #tpu.memory_space<semaphore_mem>>) {add = true}
          %dma_wait3A_880 = arith.constant 0 : i32
          %dma_wait3A_881 = arith.constant 0 : i32
          %dma_wait3A_882 = tpu.memref_slice %arg19[%dma_wait3A_880, %dma_wait3A_881] : memref<10240x128xf32, #tpu.memory_space<vmem_shared>> -> memref<10240x128xf32, #tpu.memory_space<vmem_shared>>
          tpu.wait_indirect_dma semaphore(%run_scoped3A : memref<!tpu.dma_semaphore, #tpu.memory_space<semaphore_mem>>) src(%arg17 : memref<128x128xf32, #tpu.memory_space<vmem>>) dst(%dma_wait3A_882 : memref<10240x128xf32, #tpu.memory_space<vmem_shared>>)
          tpu.yield
        }) : () -> ()
        %get3A_156 = arith.constant 128 : index
        %get3A_157 = tpu.vector_load %arg11[%get3A_156] {strides = array<i32>} : memref<1664xi32, #tpu.memory_space<vmem>>, vector<16xi32>,
        %get3A_158 = vector.shape_cast %get3A_157 : vector<16xi32> to vector<16xi32>
        %swap3A_159 = arith.constant 0 : index
        %swap3A_160 = tpu.vector_load %arg12[%swap3A_159] {strides = array<i32>} : memref<128xi32, #tpu.memory_space<vmem>>, vector<16xi32>,
        %swap3A_161 = vector.shape_cast %swap3A_160 : vector<16xi32> to vector<16xi32>
        %swap3A_162 = vector.shape_cast %get3A_158 : vector<16xi32> to vector<16xi32>
        tpu.vector_store %arg12[%swap3A_159], %swap3A_162 {strides = array<i32>} : memref<128xi32, #tpu.memory_space<vmem>>, vector<16xi32>,
        %get3A_163 = arith.constant 144 : index
        %get3A_164 = tpu.vector_load %arg11[%get3A_163] {strides = array<i32>} : memref<1664xi32, #tpu.memory_space<vmem>>, vector<16xi32>,
        %get3A_165 = vector.shape_cast %get3A_164 : vector<16xi32> to vector<16xi32>
        %swap3A_166 = arith.constant 16 : index
        %swap3A_167 = tpu.vector_load %arg12[%swap3A_166] {strides = array<i32>} : memref<128xi32, #tpu.memory_space<vmem>>, vector<16xi32>,
        %swap3A_168 = vector.shape_cast %swap3A_167 : vector<16xi32> to vector<16xi32>
        %swap3A_169 = vector.shape_cast %get3A_165 : vector<16xi32> to vector<16xi32>
        tpu.vector_store %arg12[%swap3A_166], %swap3A_169 {strides = array<i32>} : memref<128xi32, #tpu.memory_space<vmem>>, vector<16xi32>,
        %get3A_170 = arith.constant 160 : index
        %get3A_171 = tpu.vector_load %arg11[%get3A_170] {strides = array<i32>} : memref<1664xi32, #tpu.memory_space<vmem>>, vector<16xi32>,
        %get3A_172 = vector.shape_cast %get3A_171 : vector<16xi32> to vector<16xi32>
        %swap3A_173 = arith.constant 32 : index
        %swap3A_174 = tpu.vector_load %arg12[%swap3A_173] {strides = array<i32>} : memref<128xi32, #tpu.memory_space<vmem>>, vector<16xi32>,
        %swap3A_175 = vector.shape_cast %swap3A_174 : vector<16xi32> to vector<16xi32>
        %swap3A_176 = vector.shape_cast %get3A_172 : vector<16xi32> to vector<16xi32>
        tpu.vector_store %arg12[%swap3A_173], %swap3A_176 {strides = array<i32>} : memref<128xi32, #tpu.memory_space<vmem>>, vector<16xi32>,
        %get3A_177 = arith.constant 176 : index
        %get3A_178 = tpu.vector_load %arg11[%get3A_177] {strides = array<i32>} : memref<1664xi32, #tpu.memory_space<vmem>>, vector<16xi32>,
        %get3A_179 = vector.shape_cast %get3A_178 : vector<16xi32> to vector<16xi32>
        %swap3A_180 = arith.constant 48 : index
        %swap3A_181 = tpu.vector_load %arg12[%swap3A_180] {strides = array<i32>} : memref<128xi32, #tpu.memory_space<vmem>>, vector<16xi32>,
        %swap3A_182 = vector.shape_cast %swap3A_181 : vector<16xi32> to vector<16xi32>
        %swap3A_183 = vector.shape_cast %get3A_179 : vector<16xi32> to vector<16xi32>
        tpu.vector_store %arg12[%swap3A_180], %swap3A_183 {strides = array<i32>} : memref<128xi32, #tpu.memory_space<vmem>>, vector<16xi32>,
        %get3A_184 = arith.constant 192 : index
        %get3A_185 = tpu.vector_load %arg11[%get3A_184] {strides = array<i32>} : memref<1664xi32, #tpu.memory_space<vmem>>, vector<16xi32>,
        %get3A_186 = vector.shape_cast %get3A_185 : vector<16xi32> to vector<16xi32>
        %swap3A_187 = arith.constant 64 : index
        %swap3A_188 = tpu.vector_load %arg12[%swap3A_187] {strides = array<i32>} : memref<128xi32, #tpu.memory_space<vmem>>, vector<16xi32>,
        %swap3A_189 = vector.shape_cast %swap3A_188 : vector<16xi32> to vector<16xi32>
        %swap3A_190 = vector.shape_cast %get3A_186 : vector<16xi32> to vector<16xi32>
        tpu.vector_store %arg12[%swap3A_187], %swap3A_190 {strides = array<i32>} : memref<128xi32, #tpu.memory_space<vmem>>, vector<16xi32>,
        %get3A_191 = arith.constant 208 : index
        %get3A_192 = tpu.vector_load %arg11[%get3A_191] {strides = array<i32>} : memref<1664xi32, #tpu.memory_space<vmem>>, vector<16xi32>,
        %get3A_193 = vector.shape_cast %get3A_192 : vector<16xi32> to vector<16xi32>
        %swap3A_194 = arith.constant 80 : index
        %swap3A_195 = tpu.vector_load %arg12[%swap3A_194] {strides = array<i32>} : memref<128xi32, #tpu.memory_space<vmem>>, vector<16xi32>,
        %swap3A_196 = vector.shape_cast %swap3A_195 : vector<16xi32> to vector<16xi32>
        %swap3A_197 = vector.shape_cast %get3A_193 : vector<16xi32> to vector<16xi32>
        tpu.vector_store %arg12[%swap3A_194], %swap3A_197 {strides = array<i32>} : memref<128xi32, #tpu.memory_space<vmem>>, vector<16xi32>,
        %get3A_198 = arith.constant 224 : index
        %get3A_199 = tpu.vector_load %arg11[%get3A_198] {strides = array<i32>} : memref<1664xi32, #tpu.memory_space<vmem>>, vector<16xi32>,
        %get3A_200 = vector.shape_cast %get3A_199 : vector<16xi32> to vector<16xi32>
        %swap3A_201 = arith.constant 96 : index
        %swap3A_202 = tpu.vector_load %arg12[%swap3A_201] {strides = array<i32>} : memref<128xi32, #tpu.memory_space<vmem>>, vector<16xi32>,
        %swap3A_203 = vector.shape_cast %swap3A_202 : vector<16xi32> to vector<16xi32>
        %swap3A_204 = vector.shape_cast %get3A_200 : vector<16xi32> to vector<16xi32>
        tpu.vector_store %arg12[%swap3A_201], %swap3A_204 {strides = array<i32>} : memref<128xi32, #tpu.memory_space<vmem>>, vector<16xi32>,
        %get3A_205 = arith.constant 240 : index
        %get3A_206 = tpu.vector_load %arg11[%get3A_205] {strides = array<i32>} : memref<1664xi32, #tpu.memory_space<vmem>>, vector<16xi32>,
        %get3A_207 = vector.shape_cast %get3A_206 : vector<16xi32> to vector<16xi32>
        %swap3A_208 = arith.constant 112 : index
        %swap3A_209 = tpu.vector_load %arg12[%swap3A_208] {strides = array<i32>} : memref<128xi32, #tpu.memory_space<vmem>>, vector<16xi32>,
        %swap3A_210 = vector.shape_cast %swap3A_209 : vector<16xi32> to vector<16xi32>
        %swap3A_211 = vector.shape_cast %get3A_207 : vector<16xi32> to vector<16xi32>
        tpu.vector_store %arg12[%swap3A_208], %swap3A_211 {strides = array<i32>} : memref<128xi32, #tpu.memory_space<vmem>>, vector<16xi32>,
        %dma_start3A_212 = arith.constant 256 : i32
        %dma_start3A_213 = tpu.memref_slice %arg10[%dma_start3A_212] : memref<1664xi32, #tpu.memory_space<vmem>> -> memref<128xi32, #tpu.memory_space<vmem>>
        %dma_start3A_214 = arith.constant 0 : i32
        %dma_start3A_215 = arith.constant 0 : i32
        %dma_start3A_216 = tpu.memref_slice %arg4[%dma_start3A_214, %dma_start3A_215] : memref<10000x128xf32, #tpu.memory_space<hbm>> -> memref<10000x128xf32, #tpu.memory_space<hbm>>
        tpu.enqueue_indirect_dma source(%dma_start3A_216 : memref<10000x128xf32, #tpu.memory_space<hbm>>) target(%arg17 : memref<128x128xf32, #tpu.memory_space<vmem>>) offsets(%dma_start3A_213 : memref<128xi32, #tpu.memory_space<vmem>>) semaphore(%arg20 : memref<!tpu.dma_semaphore, #tpu.memory_space<semaphore_mem>>)
        %dma_wait3A_217 = arith.constant 128 : i32
        %dma_wait3A_218 = tpu.memref_slice %arg10[%dma_wait3A_217] : memref<1664xi32, #tpu.memory_space<vmem>> -> memref<128xi32, #tpu.memory_space<vmem>>
        %dma_wait3A_219 = arith.constant 0 : i32
        %dma_wait3A_220 = arith.constant 0 : i32
        %dma_wait3A_221 = tpu.memref_slice %arg4[%dma_wait3A_219, %dma_wait3A_220] : memref<10000x128xf32, #tpu.memory_space<hbm>> -> memref<10000x128xf32, #tpu.memory_space<hbm>>
        tpu.wait_indirect_dma semaphore(%arg21 : memref<!tpu.dma_semaphore, #tpu.memory_space<semaphore_mem>>) src(%dma_wait3A_221 : memref<10000x128xf32, #tpu.memory_space<hbm>>) dst(%arg18 : memref<128x128xf32, #tpu.memory_space<vmem>>)
        "tpu.region"() ({
          %run_scoped3A = tpu.sem_alloc : memref<!tpu.dma_semaphore, #tpu.memory_space<semaphore_mem>>
          %dma_start3A_877 = arith.constant 0 : i32
          %dma_start3A_878 = arith.constant 0 : i32
          %dma_start3A_879 = tpu.memref_slice %arg19[%dma_start3A_877, %dma_start3A_878] : memref<10240x128xf32, #tpu.memory_space<vmem_shared>> -> memref<10240x128xf32, #tpu.memory_space<vmem_shared>>
          tpu.enqueue_indirect_dma source(%arg18 : memref<128x128xf32, #tpu.memory_space<vmem>>) target(%dma_start3A_879 : memref<10240x128xf32, #tpu.memory_space<vmem_shared>>) offsets(%arg12 : memref<128xi32, #tpu.memory_space<vmem>>) semaphore(%run_scoped3A : memref<!tpu.dma_semaphore, #tpu.memory_space<semaphore_mem>>) {add = true}
          %dma_wait3A_880 = arith.constant 0 : i32
          %dma_wait3A_881 = arith.constant 0 : i32
          %dma_wait3A_882 = tpu.memref_slice %arg19[%dma_wait3A_880, %dma_wait3A_881] : memref<10240x128xf32, #tpu.memory_space<vmem_shared>> -> memref<10240x128xf32, #tpu.memory_space<vmem_shared>>
          tpu.wait_indirect_dma semaphore(%run_scoped3A : memref<!tpu.dma_semaphore, #tpu.memory_space<semaphore_mem>>) src(%arg18 : memref<128x128xf32, #tpu.memory_space<vmem>>) dst(%dma_wait3A_882 : memref<10240x128xf32, #tpu.memory_space<vmem_shared>>)
          tpu.yield
        }) : () -> ()
        %get3A_222 = arith.constant 256 : index
        %get3A_223 = tpu.vector_load %arg11[%get3A_222] {strides = array<i32>} : memref<1664xi32, #tpu.memory_space<vmem>>, vector<16xi32>,
        %get3A_224 = vector.shape_cast %get3A_223 : vector<16xi32> to vector<16xi32>
        %swap3A_225 = arith.constant 0 : index
        %swap3A_226 = tpu.vector_load %arg12[%swap3A_225] {strides = array<i32>} : memref<128xi32, #tpu.memory_space<vmem>>, vector<16xi32>,
        %swap3A_227 = vector.shape_cast %swap3A_226 : vector<16xi32> to vector<16xi32>
        %swap3A_228 = vector.shape_cast %get3A_224 : vector<16xi32> to vector<16xi32>
        tpu.vector_store %arg12[%swap3A_225], %swap3A_228 {strides = array<i32>} : memref<128xi32, #tpu.memory_space<vmem>>, vector<16xi32>,
        %get3A_229 = arith.constant 272 : index
        %get3A_230 = tpu.vector_load %arg11[%get3A_229] {strides = array<i32>} : memref<1664xi32, #tpu.memory_space<vmem>>, vector<16xi32>,
        %get3A_231 = vector.shape_cast %get3A_230 : vector<16xi32> to vector<16xi32>
        %swap3A_232 = arith.constant 16 : index
        %swap3A_233 = tpu.vector_load %arg12[%swap3A_232] {strides = array<i32>} : memref<128xi32, #tpu.memory_space<vmem>>, vector<16xi32>,
        %swap3A_234 = vector.shape_cast %swap3A_233 : vector<16xi32> to vector<16xi32>
        %swap3A_235 = vector.shape_cast %get3A_231 : vector<16xi32> to vector<16xi32>
        tpu.vector_store %arg12[%swap3A_232], %swap3A_235 {strides = array<i32>} : memref<128xi32, #tpu.memory_space<vmem>>, vector<16xi32>,
        %get3A_236 = arith.constant 288 : index
        %get3A_237 = tpu.vector_load %arg11[%get3A_236] {strides = array<i32>} : memref<1664xi32, #tpu.memory_space<vmem>>, vector<16xi32>,
        %get3A_238 = vector.shape_cast %get3A_237 : vector<16xi32> to vector<16xi32>
        %swap3A_239 = arith.constant 32 : index
        %swap3A_240 = tpu.vector_load %arg12[%swap3A_239] {strides = array<i32>} : memref<128xi32, #tpu.memory_space<vmem>>, vector<16xi32>,
        %swap3A_241 = vector.shape_cast %swap3A_240 : vector<16xi32> to vector<16xi32>
        %swap3A_242 = vector.shape_cast %get3A_238 : vector<16xi32> to vector<16xi32>
        tpu.vector_store %arg12[%swap3A_239], %swap3A_242 {strides = array<i32>} : memref<128xi32, #tpu.memory_space<vmem>>, vector<16xi32>,
        %get3A_243 = arith.constant 304 : index
        %get3A_244 = tpu.vector_load %arg11[%get3A_243] {strides = array<i32>} : memref<1664xi32, #tpu.memory_space<vmem>>, vector<16xi32>,
        %get3A_245 = vector.shape_cast %get3A_244 : vector<16xi32> to vector<16xi32>
        %swap3A_246 = arith.constant 48 : index
        %swap3A_247 = tpu.vector_load %arg12[%swap3A_246] {strides = array<i32>} : memref<128xi32, #tpu.memory_space<vmem>>, vector<16xi32>,
        %swap3A_248 = vector.shape_cast %swap3A_247 : vector<16xi32> to vector<16xi32>
        %swap3A_249 = vector.shape_cast %get3A_245 : vector<16xi32> to vector<16xi32>
        tpu.vector_store %arg12[%swap3A_246], %swap3A_249 {strides = array<i32>} : memref<128xi32, #tpu.memory_space<vmem>>, vector<16xi32>,
        %get3A_250 = arith.constant 320 : index
        %get3A_251 = tpu.vector_load %arg11[%get3A_250] {strides = array<i32>} : memref<1664xi32, #tpu.memory_space<vmem>>, vector<16xi32>,
        %get3A_252 = vector.shape_cast %get3A_251 : vector<16xi32> to vector<16xi32>
        %swap3A_253 = arith.constant 64 : index
        %swap3A_254 = tpu.vector_load %arg12[%swap3A_253] {strides = array<i32>} : memref<128xi32, #tpu.memory_space<vmem>>, vector<16xi32>,
        %swap3A_255 = vector.shape_cast %swap3A_254 : vector<16xi32> to vector<16xi32>
        %swap3A_256 = vector.shape_cast %get3A_252 : vector<16xi32> to vector<16xi32>
        tpu.vector_store %arg12[%swap3A_253], %swap3A_256 {strides = array<i32>} : memref<128xi32, #tpu.memory_space<vmem>>, vector<16xi32>,
        %get3A_257 = arith.constant 336 : index
        %get3A_258 = tpu.vector_load %arg11[%get3A_257] {strides = array<i32>} : memref<1664xi32, #tpu.memory_space<vmem>>, vector<16xi32>,
        %get3A_259 = vector.shape_cast %get3A_258 : vector<16xi32> to vector<16xi32>
        %swap3A_260 = arith.constant 80 : index
        %swap3A_261 = tpu.vector_load %arg12[%swap3A_260] {strides = array<i32>} : memref<128xi32, #tpu.memory_space<vmem>>, vector<16xi32>,
        %swap3A_262 = vector.shape_cast %swap3A_261 : vector<16xi32> to vector<16xi32>
        %swap3A_263 = vector.shape_cast %get3A_259 : vector<16xi32> to vector<16xi32>
        tpu.vector_store %arg12[%swap3A_260], %swap3A_263 {strides = array<i32>} : memref<128xi32, #tpu.memory_space<vmem>>, vector<16xi32>,
        %get3A_264 = arith.constant 352 : index
        %get3A_265 = tpu.vector_load %arg11[%get3A_264] {strides = array<i32>} : memref<1664xi32, #tpu.memory_space<vmem>>, vector<16xi32>,
        %get3A_266 = vector.shape_cast %get3A_265 : vector<16xi32> to vector<16xi32>
        %swap3A_267 = arith.constant 96 : index
        %swap3A_268 = tpu.vector_load %arg12[%swap3A_267] {strides = array<i32>} : memref<128xi32, #tpu.memory_space<vmem>>, vector<16xi32>,
        %swap3A_269 = vector.shape_cast %swap3A_268 : vector<16xi32> to vector<16xi32>
        %swap3A_270 = vector.shape_cast %get3A_266 : vector<16xi32> to vector<16xi32>
        tpu.vector_store %arg12[%swap3A_267], %swap3A_270 {strides = array<i32>} : memref<128xi32, #tpu.memory_space<vmem>>, vector<16xi32>,
        %get3A_271 = arith.constant 368 : index
        %get3A_272 = tpu.vector_load %arg11[%get3A_271] {strides = array<i32>} : memref<1664xi32, #tpu.memory_space<vmem>>, vector<16xi32>,
        %get3A_273 = vector.shape_cast %get3A_272 : vector<16xi32> to vector<16xi32>
        %swap3A_274 = arith.constant 112 : index
        %swap3A_275 = tpu.vector_load %arg12[%swap3A_274] {strides = array<i32>} : memref<128xi32, #tpu.memory_space<vmem>>, vector<16xi32>,
        %swap3A_276 = vector.shape_cast %swap3A_275 : vector<16xi32> to vector<16xi32>
        %swap3A_277 = vector.shape_cast %get3A_273 : vector<16xi32> to vector<16xi32>
        tpu.vector_store %arg12[%swap3A_274], %swap3A_277 {strides = array<i32>} : memref<128xi32, #tpu.memory_space<vmem>>, vector<16xi32>,
        %dma_start3A_278 = arith.constant 384 : i32
        %dma_start3A_279 = tpu.memref_slice %arg10[%dma_start3A_278] : memref<1664xi32, #tpu.memory_space<vmem>> -> memref<128xi32, #tpu.memory_space<vmem>>
        %dma_start3A_280 = arith.constant 0 : i32
        %dma_start3A_281 = arith.constant 0 : i32
        %dma_start3A_282 = tpu.memref_slice %arg4[%dma_start3A_280, %dma_start3A_281] : memref<10000x128xf32, #tpu.memory_space<hbm>> -> memref<10000x128xf32, #tpu.memory_space<hbm>>
        tpu.enqueue_indirect_dma source(%dma_start3A_282 : memref<10000x128xf32, #tpu.memory_space<hbm>>) target(%arg18 : memref<128x128xf32, #tpu.memory_space<vmem>>) offsets(%dma_start3A_279 : memref<128xi32, #tpu.memory_space<vmem>>) semaphore(%arg21 : memref<!tpu.dma_semaphore, #tpu.memory_space<semaphore_mem>>)
        %dma_wait3A_283 = arith.constant 256 : i32
        %dma_wait3A_284 = tpu.memref_slice %arg10[%dma_wait3A_283] : memref<1664xi32, #tpu.memory_space<vmem>> -> memref<128xi32, #tpu.memory_space<vmem>>
        %dma_wait3A_285 = arith.constant 0 : i32
        %dma_wait3A_286 = arith.constant 0 : i32
        %dma_wait3A_287 = tpu.memref_slice %arg4[%dma_wait3A_285, %dma_wait3A_286] : memref<10000x128xf32, #tpu.memory_space<hbm>> -> memref<10000x128xf32, #tpu.memory_space<hbm>>
        tpu.wait_indirect_dma semaphore(%arg20 : memref<!tpu.dma_semaphore, #tpu.memory_space<semaphore_mem>>) src(%dma_wait3A_287 : memref<10000x128xf32, #tpu.memory_space<hbm>>) dst(%arg17 : memref<128x128xf32, #tpu.memory_space<vmem>>)
        "tpu.region"() ({
          %run_scoped3A = tpu.sem_alloc : memref<!tpu.dma_semaphore, #tpu.memory_space<semaphore_mem>>
          %dma_start3A_877 = arith.constant 0 : i32
          %dma_start3A_878 = arith.constant 0 : i32
          %dma_start3A_879 = tpu.memref_slice %arg19[%dma_start3A_877, %dma_start3A_878] : memref<10240x128xf32, #tpu.memory_space<vmem_shared>> -> memref<10240x128xf32, #tpu.memory_space<vmem_shared>>
          tpu.enqueue_indirect_dma source(%arg17 : memref<128x128xf32, #tpu.memory_space<vmem>>) target(%dma_start3A_879 : memref<10240x128xf32, #tpu.memory_space<vmem_shared>>) offsets(%arg12 : memref<128xi32, #tpu.memory_space<vmem>>) semaphore(%run_scoped3A : memref<!tpu.dma_semaphore, #tpu.memory_space<semaphore_mem>>) {add = true}
          %dma_wait3A_880 = arith.constant 0 : i32
          %dma_wait3A_881 = arith.constant 0 : i32
          %dma_wait3A_882 = tpu.memref_slice %arg19[%dma_wait3A_880, %dma_wait3A_881] : memref<10240x128xf32, #tpu.memory_space<vmem_shared>> -> memref<10240x128xf32, #tpu.memory_space<vmem_shared>>
          tpu.wait_indirect_dma semaphore(%run_scoped3A : memref<!tpu.dma_semaphore, #tpu.memory_space<semaphore_mem>>) src(%arg17 : memref<128x128xf32, #tpu.memory_space<vmem>>) dst(%dma_wait3A_882 : memref<10240x128xf32, #tpu.memory_space<vmem_shared>>)
          tpu.yield
        }) : () -> ()
        %get3A_288 = arith.constant 384 : index
        %get3A_289 = tpu.vector_load %arg11[%get3A_288] {strides = array<i32>} : memref<1664xi32, #tpu.memory_space<vmem>>, vector<16xi32>,
        %get3A_290 = vector.shape_cast %get3A_289 : vector<16xi32> to vector<16xi32>
        %swap3A_291 = arith.constant 0 : index
        %swap3A_292 = tpu.vector_load %arg12[%swap3A_291] {strides = array<i32>} : memref<128xi32, #tpu.memory_space<vmem>>, vector<16xi32>,
        %swap3A_293 = vector.shape_cast %swap3A_292 : vector<16xi32> to vector<16xi32>
        %swap3A_294 = vector.shape_cast %get3A_290 : vector<16xi32> to vector<16xi32>
        tpu.vector_store %arg12[%swap3A_291], %swap3A_294 {strides = array<i32>} : memref<128xi32, #tpu.memory_space<vmem>>, vector<16xi32>,
        %get3A_295 = arith.constant 400 : index
        %get3A_296 = tpu.vector_load %arg11[%get3A_295] {strides = array<i32>} : memref<1664xi32, #tpu.memory_space<vmem>>, vector<16xi32>,
        %get3A_297 = vector.shape_cast %get3A_296 : vector<16xi32> to vector<16xi32>
        %swap3A_298 = arith.constant 16 : index
        %swap3A_299 = tpu.vector_load %arg12[%swap3A_298] {strides = array<i32>} : memref<128xi32, #tpu.memory_space<vmem>>, vector<16xi32>,
        %swap3A_300 = vector.shape_cast %swap3A_299 : vector<16xi32> to vector<16xi32>
        %swap3A_301 = vector.shape_cast %get3A_297 : vector<16xi32> to vector<16xi32>
        tpu.vector_store %arg12[%swap3A_298], %swap3A_301 {strides = array<i32>} : memref<128xi32, #tpu.memory_space<vmem>>, vector<16xi32>,
        %get3A_302 = arith.constant 416 : index
        %get3A_303 = tpu.vector_load %arg11[%get3A_302] {strides = array<i32>} : memref<1664xi32, #tpu.memory_space<vmem>>, vector<16xi32>,
        %get3A_304 = vector.shape_cast %get3A_303 : vector<16xi32> to vector<16xi32>
        %swap3A_305 = arith.constant 32 : index
        %swap3A_306 = tpu.vector_load %arg12[%swap3A_305] {strides = array<i32>} : memref<128xi32, #tpu.memory_space<vmem>>, vector<16xi32>,
        %swap3A_307 = vector.shape_cast %swap3A_306 : vector<16xi32> to vector<16xi32>
        %swap3A_308 = vector.shape_cast %get3A_304 : vector<16xi32> to vector<16xi32>
        tpu.vector_store %arg12[%swap3A_305], %swap3A_308 {strides = array<i32>} : memref<128xi32, #tpu.memory_space<vmem>>, vector<16xi32>,
        %get3A_309 = arith.constant 432 : index
        %get3A_310 = tpu.vector_load %arg11[%get3A_309] {strides = array<i32>} : memref<1664xi32, #tpu.memory_space<vmem>>, vector<16xi32>,
        %get3A_311 = vector.shape_cast %get3A_310 : vector<16xi32> to vector<16xi32>
        %swap3A_312 = arith.constant 48 : index
        %swap3A_313 = tpu.vector_load %arg12[%swap3A_312] {strides = array<i32>} : memref<128xi32, #tpu.memory_space<vmem>>, vector<16xi32>,
        %swap3A_314 = vector.shape_cast %swap3A_313 : vector<16xi32> to vector<16xi32>
        %swap3A_315 = vector.shape_cast %get3A_311 : vector<16xi32> to vector<16xi32>
        tpu.vector_store %arg12[%swap3A_312], %swap3A_315 {strides = array<i32>} : memref<128xi32, #tpu.memory_space<vmem>>, vector<16xi32>,
        %get3A_316 = arith.constant 448 : index
        %get3A_317 = tpu.vector_load %arg11[%get3A_316] {strides = array<i32>} : memref<1664xi32, #tpu.memory_space<vmem>>, vector<16xi32>,
        %get3A_318 = vector.shape_cast %get3A_317 : vector<16xi32> to vector<16xi32>
        %swap3A_319 = arith.constant 64 : index
        %swap3A_320 = tpu.vector_load %arg12[%swap3A_319] {strides = array<i32>} : memref<128xi32, #tpu.memory_space<vmem>>, vector<16xi32>,
        %swap3A_321 = vector.shape_cast %swap3A_320 : vector<16xi32> to vector<16xi32>
        %swap3A_322 = vector.shape_cast %get3A_318 : vector<16xi32> to vector<16xi32>
        tpu.vector_store %arg12[%swap3A_319], %swap3A_322 {strides = array<i32>} : memref<128xi32, #tpu.memory_space<vmem>>, vector<16xi32>,
        %get3A_323 = arith.constant 464 : index
        %get3A_324 = tpu.vector_load %arg11[%get3A_323] {strides = array<i32>} : memref<1664xi32, #tpu.memory_space<vmem>>, vector<16xi32>,
        %get3A_325 = vector.shape_cast %get3A_324 : vector<16xi32> to vector<16xi32>
        %swap3A_326 = arith.constant 80 : index
        %swap3A_327 = tpu.vector_load %arg12[%swap3A_326] {strides = array<i32>} : memref<128xi32, #tpu.memory_space<vmem>>, vector<16xi32>,
        %swap3A_328 = vector.shape_cast %swap3A_327 : vector<16xi32> to vector<16xi32>
        %swap3A_329 = vector.shape_cast %get3A_325 : vector<16xi32> to vector<16xi32>
        tpu.vector_store %arg12[%swap3A_326], %swap3A_329 {strides = array<i32>} : memref<128xi32, #tpu.memory_space<vmem>>, vector<16xi32>,
        %get3A_330 = arith.constant 480 : index
        %get3A_331 = tpu.vector_load %arg11[%get3A_330] {strides = array<i32>} : memref<1664xi32, #tpu.memory_space<vmem>>, vector<16xi32>,
        %get3A_332 = vector.shape_cast %get3A_331 : vector<16xi32> to vector<16xi32>
        %swap3A_333 = arith.constant 96 : index
        %swap3A_334 = tpu.vector_load %arg12[%swap3A_333] {strides = array<i32>} : memref<128xi32, #tpu.memory_space<vmem>>, vector<16xi32>,
        %swap3A_335 = vector.shape_cast %swap3A_334 : vector<16xi32> to vector<16xi32>
        %swap3A_336 = vector.shape_cast %get3A_332 : vector<16xi32> to vector<16xi32>
        tpu.vector_store %arg12[%swap3A_333], %swap3A_336 {strides = array<i32>} : memref<128xi32, #tpu.memory_space<vmem>>, vector<16xi32>,
        %get3A_337 = arith.constant 496 : index
        %get3A_338 = tpu.vector_load %arg11[%get3A_337] {strides = array<i32>} : memref<1664xi32, #tpu.memory_space<vmem>>, vector<16xi32>,
        %get3A_339 = vector.shape_cast %get3A_338 : vector<16xi32> to vector<16xi32>
        %swap3A_340 = arith.constant 112 : index
        %swap3A_341 = tpu.vector_load %arg12[%swap3A_340] {strides = array<i32>} : memref<128xi32, #tpu.memory_space<vmem>>, vector<16xi32>,
        %swap3A_342 = vector.shape_cast %swap3A_341 : vector<16xi32> to vector<16xi32>
        %swap3A_343 = vector.shape_cast %get3A_339 : vector<16xi32> to vector<16xi32>
        tpu.vector_store %arg12[%swap3A_340], %swap3A_343 {strides = array<i32>} : memref<128xi32, #tpu.memory_space<vmem>>, vector<16xi32>,
        %dma_start3A_344 = arith.constant 512 : i32
        %dma_start3A_345 = tpu.memref_slice %arg10[%dma_start3A_344] : memref<1664xi32, #tpu.memory_space<vmem>> -> memref<128xi32, #tpu.memory_space<vmem>>
        %dma_start3A_346 = arith.constant 0 : i32
        %dma_start3A_347 = arith.constant 0 : i32
        %dma_start3A_348 = tpu.memref_slice %arg4[%dma_start3A_346, %dma_start3A_347] : memref<10000x128xf32, #tpu.memory_space<hbm>> -> memref<10000x128xf32, #tpu.memory_space<hbm>>
        tpu.enqueue_indirect_dma source(%dma_start3A_348 : memref<10000x128xf32, #tpu.memory_space<hbm>>) target(%arg17 : memref<128x128xf32, #tpu.memory_space<vmem>>) offsets(%dma_start3A_345 : memref<128xi32, #tpu.memory_space<vmem>>) semaphore(%arg20 : memref<!tpu.dma_semaphore, #tpu.memory_space<semaphore_mem>>)
        %dma_wait3A_349 = arith.constant 384 : i32
        %dma_wait3A_350 = tpu.memref_slice %arg10[%dma_wait3A_349] : memref<1664xi32, #tpu.memory_space<vmem>> -> memref<128xi32, #tpu.memory_space<vmem>>
        %dma_wait3A_351 = arith.constant 0 : i32
        %dma_wait3A_352 = arith.constant 0 : i32
        %dma_wait3A_353 = tpu.memref_slice %arg4[%dma_wait3A_351, %dma_wait3A_352] : memref<10000x128xf32, #tpu.memory_space<hbm>> -> memref<10000x128xf32, #tpu.memory_space<hbm>>
        tpu.wait_indirect_dma semaphore(%arg21 : memref<!tpu.dma_semaphore, #tpu.memory_space<semaphore_mem>>) src(%dma_wait3A_353 : memref<10000x128xf32, #tpu.memory_space<hbm>>) dst(%arg18 : memref<128x128xf32, #tpu.memory_space<vmem>>)
        "tpu.region"() ({
          %run_scoped3A = tpu.sem_alloc : memref<!tpu.dma_semaphore, #tpu.memory_space<semaphore_mem>>
          %dma_start3A_877 = arith.constant 0 : i32
          %dma_start3A_878 = arith.constant 0 : i32
          %dma_start3A_879 = tpu.memref_slice %arg19[%dma_start3A_877, %dma_start3A_878] : memref<10240x128xf32, #tpu.memory_space<vmem_shared>> -> memref<10240x128xf32, #tpu.memory_space<vmem_shared>>
          tpu.enqueue_indirect_dma source(%arg18 : memref<128x128xf32, #tpu.memory_space<vmem>>) target(%dma_start3A_879 : memref<10240x128xf32, #tpu.memory_space<vmem_shared>>) offsets(%arg12 : memref<128xi32, #tpu.memory_space<vmem>>) semaphore(%run_scoped3A : memref<!tpu.dma_semaphore, #tpu.memory_space<semaphore_mem>>) {add = true}
          %dma_wait3A_880 = arith.constant 0 : i32
          %dma_wait3A_881 = arith.constant 0 : i32
          %dma_wait3A_882 = tpu.memref_slice %arg19[%dma_wait3A_880, %dma_wait3A_881] : memref<10240x128xf32, #tpu.memory_space<vmem_shared>> -> memref<10240x128xf32, #tpu.memory_space<vmem_shared>>
          tpu.wait_indirect_dma semaphore(%run_scoped3A : memref<!tpu.dma_semaphore, #tpu.memory_space<semaphore_mem>>) src(%arg18 : memref<128x128xf32, #tpu.memory_space<vmem>>) dst(%dma_wait3A_882 : memref<10240x128xf32, #tpu.memory_space<vmem_shared>>)
          tpu.yield
        }) : () -> ()
        %get3A_354 = arith.constant 512 : index
        %get3A_355 = tpu.vector_load %arg11[%get3A_354] {strides = array<i32>} : memref<1664xi32, #tpu.memory_space<vmem>>, vector<16xi32>,
        %get3A_356 = vector.shape_cast %get3A_355 : vector<16xi32> to vector<16xi32>
        %swap3A_357 = arith.constant 0 : index
        %swap3A_358 = tpu.vector_load %arg12[%swap3A_357] {strides = array<i32>} : memref<128xi32, #tpu.memory_space<vmem>>, vector<16xi32>,
        %swap3A_359 = vector.shape_cast %swap3A_358 : vector<16xi32> to vector<16xi32>
        %swap3A_360 = vector.shape_cast %get3A_356 : vector<16xi32> to vector<16xi32>
        tpu.vector_store %arg12[%swap3A_357], %swap3A_360 {strides = array<i32>} : memref<128xi32, #tpu.memory_space<vmem>>, vector<16xi32>,
        %get3A_361 = arith.constant 528 : index
        %get3A_362 = tpu.vector_load %arg11[%get3A_361] {strides = array<i32>} : memref<1664xi32, #tpu.memory_space<vmem>>, vector<16xi32>,
        %get3A_363 = vector.shape_cast %get3A_362 : vector<16xi32> to vector<16xi32>
        %swap3A_364 = arith.constant 16 : index
        %swap3A_365 = tpu.vector_load %arg12[%swap3A_364] {strides = array<i32>} : memref<128xi32, #tpu.memory_space<vmem>>, vector<16xi32>,
        %swap3A_366 = vector.shape_cast %swap3A_365 : vector<16xi32> to vector<16xi32>
        %swap3A_367 = vector.shape_cast %get3A_363 : vector<16xi32> to vector<16xi32>
        tpu.vector_store %arg12[%swap3A_364], %swap3A_367 {strides = array<i32>} : memref<128xi32, #tpu.memory_space<vmem>>, vector<16xi32>,
        %get3A_368 = arith.constant 544 : index
        %get3A_369 = tpu.vector_load %arg11[%get3A_368] {strides = array<i32>} : memref<1664xi32, #tpu.memory_space<vmem>>, vector<16xi32>,
        %get3A_370 = vector.shape_cast %get3A_369 : vector<16xi32> to vector<16xi32>
        %swap3A_371 = arith.constant 32 : index
        %swap3A_372 = tpu.vector_load %arg12[%swap3A_371] {strides = array<i32>} : memref<128xi32, #tpu.memory_space<vmem>>, vector<16xi32>,
        %swap3A_373 = vector.shape_cast %swap3A_372 : vector<16xi32> to vector<16xi32>
        %swap3A_374 = vector.shape_cast %get3A_370 : vector<16xi32> to vector<16xi32>
        tpu.vector_store %arg12[%swap3A_371], %swap3A_374 {strides = array<i32>} : memref<128xi32, #tpu.memory_space<vmem>>, vector<16xi32>,
        %get3A_375 = arith.constant 560 : index
        %get3A_376 = tpu.vector_load %arg11[%get3A_375] {strides = array<i32>} : memref<1664xi32, #tpu.memory_space<vmem>>, vector<16xi32>,
        %get3A_377 = vector.shape_cast %get3A_376 : vector<16xi32> to vector<16xi32>
        %swap3A_378 = arith.constant 48 : index
        %swap3A_379 = tpu.vector_load %arg12[%swap3A_378] {strides = array<i32>} : memref<128xi32, #tpu.memory_space<vmem>>, vector<16xi32>,
        %swap3A_380 = vector.shape_cast %swap3A_379 : vector<16xi32> to vector<16xi32>
        %swap3A_381 = vector.shape_cast %get3A_377 : vector<16xi32> to vector<16xi32>
        tpu.vector_store %arg12[%swap3A_378], %swap3A_381 {strides = array<i32>} : memref<128xi32, #tpu.memory_space<vmem>>, vector<16xi32>,
        %get3A_382 = arith.constant 576 : index
        %get3A_383 = tpu.vector_load %arg11[%get3A_382] {strides = array<i32>} : memref<1664xi32, #tpu.memory_space<vmem>>, vector<16xi32>,
        %get3A_384 = vector.shape_cast %get3A_383 : vector<16xi32> to vector<16xi32>
        %swap3A_385 = arith.constant 64 : index
        %swap3A_386 = tpu.vector_load %arg12[%swap3A_385] {strides = array<i32>} : memref<128xi32, #tpu.memory_space<vmem>>, vector<16xi32>,
        %swap3A_387 = vector.shape_cast %swap3A_386 : vector<16xi32> to vector<16xi32>
        %swap3A_388 = vector.shape_cast %get3A_384 : vector<16xi32> to vector<16xi32>
        tpu.vector_store %arg12[%swap3A_385], %swap3A_388 {strides = array<i32>} : memref<128xi32, #tpu.memory_space<vmem>>, vector<16xi32>,
        %get3A_389 = arith.constant 592 : index
        %get3A_390 = tpu.vector_load %arg11[%get3A_389] {strides = array<i32>} : memref<1664xi32, #tpu.memory_space<vmem>>, vector<16xi32>,
        %get3A_391 = vector.shape_cast %get3A_390 : vector<16xi32> to vector<16xi32>
        %swap3A_392 = arith.constant 80 : index
        %swap3A_393 = tpu.vector_load %arg12[%swap3A_392] {strides = array<i32>} : memref<128xi32, #tpu.memory_space<vmem>>, vector<16xi32>,
        %swap3A_394 = vector.shape_cast %swap3A_393 : vector<16xi32> to vector<16xi32>
        %swap3A_395 = vector.shape_cast %get3A_391 : vector<16xi32> to vector<16xi32>
        tpu.vector_store %arg12[%swap3A_392], %swap3A_395 {strides = array<i32>} : memref<128xi32, #tpu.memory_space<vmem>>, vector<16xi32>,
        %get3A_396 = arith.constant 608 : index
        %get3A_397 = tpu.vector_load %arg11[%get3A_396] {strides = array<i32>} : memref<1664xi32, #tpu.memory_space<vmem>>, vector<16xi32>,
        %get3A_398 = vector.shape_cast %get3A_397 : vector<16xi32> to vector<16xi32>
        %swap3A_399 = arith.constant 96 : index
        %swap3A_400 = tpu.vector_load %arg12[%swap3A_399] {strides = array<i32>} : memref<128xi32, #tpu.memory_space<vmem>>, vector<16xi32>,
        %swap3A_401 = vector.shape_cast %swap3A_400 : vector<16xi32> to vector<16xi32>
        %swap3A_402 = vector.shape_cast %get3A_398 : vector<16xi32> to vector<16xi32>
        tpu.vector_store %arg12[%swap3A_399], %swap3A_402 {strides = array<i32>} : memref<128xi32, #tpu.memory_space<vmem>>, vector<16xi32>,
        %get3A_403 = arith.constant 624 : index
        %get3A_404 = tpu.vector_load %arg11[%get3A_403] {strides = array<i32>} : memref<1664xi32, #tpu.memory_space<vmem>>, vector<16xi32>,
        %get3A_405 = vector.shape_cast %get3A_404 : vector<16xi32> to vector<16xi32>
        %swap3A_406 = arith.constant 112 : index
        %swap3A_407 = tpu.vector_load %arg12[%swap3A_406] {strides = array<i32>} : memref<128xi32, #tpu.memory_space<vmem>>, vector<16xi32>,
        %swap3A_408 = vector.shape_cast %swap3A_407 : vector<16xi32> to vector<16xi32>
        %swap3A_409 = vector.shape_cast %get3A_405 : vector<16xi32> to vector<16xi32>
        tpu.vector_store %arg12[%swap3A_406], %swap3A_409 {strides = array<i32>} : memref<128xi32, #tpu.memory_space<vmem>>, vector<16xi32>,
        %dma_start3A_410 = arith.constant 640 : i32
        %dma_start3A_411 = tpu.memref_slice %arg10[%dma_start3A_410] : memref<1664xi32, #tpu.memory_space<vmem>> -> memref<128xi32, #tpu.memory_space<vmem>>
        %dma_start3A_412 = arith.constant 0 : i32
        %dma_start3A_413 = arith.constant 0 : i32
        %dma_start3A_414 = tpu.memref_slice %arg4[%dma_start3A_412, %dma_start3A_413] : memref<10000x128xf32, #tpu.memory_space<hbm>> -> memref<10000x128xf32, #tpu.memory_space<hbm>>
        tpu.enqueue_indirect_dma source(%dma_start3A_414 : memref<10000x128xf32, #tpu.memory_space<hbm>>) target(%arg18 : memref<128x128xf32, #tpu.memory_space<vmem>>) offsets(%dma_start3A_411 : memref<128xi32, #tpu.memory_space<vmem>>) semaphore(%arg21 : memref<!tpu.dma_semaphore, #tpu.memory_space<semaphore_mem>>)
        %dma_wait3A_415 = arith.constant 512 : i32
        %dma_wait3A_416 = tpu.memref_slice %arg10[%dma_wait3A_415] : memref<1664xi32, #tpu.memory_space<vmem>> -> memref<128xi32, #tpu.memory_space<vmem>>
        %dma_wait3A_417 = arith.constant 0 : i32
        %dma_wait3A_418 = arith.constant 0 : i32
        %dma_wait3A_419 = tpu.memref_slice %arg4[%dma_wait3A_417, %dma_wait3A_418] : memref<10000x128xf32, #tpu.memory_space<hbm>> -> memref<10000x128xf32, #tpu.memory_space<hbm>>
        tpu.wait_indirect_dma semaphore(%arg20 : memref<!tpu.dma_semaphore, #tpu.memory_space<semaphore_mem>>) src(%dma_wait3A_419 : memref<10000x128xf32, #tpu.memory_space<hbm>>) dst(%arg17 : memref<128x128xf32, #tpu.memory_space<vmem>>)
        "tpu.region"() ({
          %run_scoped3A = tpu.sem_alloc : memref<!tpu.dma_semaphore, #tpu.memory_space<semaphore_mem>>
          %dma_start3A_877 = arith.constant 0 : i32
          %dma_start3A_878 = arith.constant 0 : i32
          %dma_start3A_879 = tpu.memref_slice %arg19[%dma_start3A_877, %dma_start3A_878] : memref<10240x128xf32, #tpu.memory_space<vmem_shared>> -> memref<10240x128xf32, #tpu.memory_space<vmem_shared>>
          tpu.enqueue_indirect_dma source(%arg17 : memref<128x128xf32, #tpu.memory_space<vmem>>) target(%dma_start3A_879 : memref<10240x128xf32, #tpu.memory_space<vmem_shared>>) offsets(%arg12 : memref<128xi32, #tpu.memory_space<vmem>>) semaphore(%run_scoped3A : memref<!tpu.dma_semaphore, #tpu.memory_space<semaphore_mem>>) {add = true}
          %dma_wait3A_880 = arith.constant 0 : i32
          %dma_wait3A_881 = arith.constant 0 : i32
          %dma_wait3A_882 = tpu.memref_slice %arg19[%dma_wait3A_880, %dma_wait3A_881] : memref<10240x128xf32, #tpu.memory_space<vmem_shared>> -> memref<10240x128xf32, #tpu.memory_space<vmem_shared>>
          tpu.wait_indirect_dma semaphore(%run_scoped3A : memref<!tpu.dma_semaphore, #tpu.memory_space<semaphore_mem>>) src(%arg17 : memref<128x128xf32, #tpu.memory_space<vmem>>) dst(%dma_wait3A_882 : memref<10240x128xf32, #tpu.memory_space<vmem_shared>>)
          tpu.yield
        }) : () -> ()
        %get3A_420 = arith.constant 640 : index
        %get3A_421 = tpu.vector_load %arg11[%get3A_420] {strides = array<i32>} : memref<1664xi32, #tpu.memory_space<vmem>>, vector<16xi32>,
        %get3A_422 = vector.shape_cast %get3A_421 : vector<16xi32> to vector<16xi32>
        %swap3A_423 = arith.constant 0 : index
        %swap3A_424 = tpu.vector_load %arg12[%swap3A_423] {strides = array<i32>} : memref<128xi32, #tpu.memory_space<vmem>>, vector<16xi32>,
        %swap3A_425 = vector.shape_cast %swap3A_424 : vector<16xi32> to vector<16xi32>
        %swap3A_426 = vector.shape_cast %get3A_422 : vector<16xi32> to vector<16xi32>
        tpu.vector_store %arg12[%swap3A_423], %swap3A_426 {strides = array<i32>} : memref<128xi32, #tpu.memory_space<vmem>>, vector<16xi32>,
        %get3A_427 = arith.constant 656 : index
        %get3A_428 = tpu.vector_load %arg11[%get3A_427] {strides = array<i32>} : memref<1664xi32, #tpu.memory_space<vmem>>, vector<16xi32>,
        %get3A_429 = vector.shape_cast %get3A_428 : vector<16xi32> to vector<16xi32>
        %swap3A_430 = arith.constant 16 : index
        %swap3A_431 = tpu.vector_load %arg12[%swap3A_430] {strides = array<i32>} : memref<128xi32, #tpu.memory_space<vmem>>, vector<16xi32>,
        %swap3A_432 = vector.shape_cast %swap3A_431 : vector<16xi32> to vector<16xi32>
        %swap3A_433 = vector.shape_cast %get3A_429 : vector<16xi32> to vector<16xi32>
        tpu.vector_store %arg12[%swap3A_430], %swap3A_433 {strides = array<i32>} : memref<128xi32, #tpu.memory_space<vmem>>, vector<16xi32>,
        %get3A_434 = arith.constant 672 : index
        %get3A_435 = tpu.vector_load %arg11[%get3A_434] {strides = array<i32>} : memref<1664xi32, #tpu.memory_space<vmem>>, vector<16xi32>,
        %get3A_436 = vector.shape_cast %get3A_435 : vector<16xi32> to vector<16xi32>
        %swap3A_437 = arith.constant 32 : index
        %swap3A_438 = tpu.vector_load %arg12[%swap3A_437] {strides = array<i32>} : memref<128xi32, #tpu.memory_space<vmem>>, vector<16xi32>,
        %swap3A_439 = vector.shape_cast %swap3A_438 : vector<16xi32> to vector<16xi32>
        %swap3A_440 = vector.shape_cast %get3A_436 : vector<16xi32> to vector<16xi32>
        tpu.vector_store %arg12[%swap3A_437], %swap3A_440 {strides = array<i32>} : memref<128xi32, #tpu.memory_space<vmem>>, vector<16xi32>,
        %get3A_441 = arith.constant 688 : index
        %get3A_442 = tpu.vector_load %arg11[%get3A_441] {strides = array<i32>} : memref<1664xi32, #tpu.memory_space<vmem>>, vector<16xi32>,
        %get3A_443 = vector.shape_cast %get3A_442 : vector<16xi32> to vector<16xi32>
        %swap3A_444 = arith.constant 48 : index
        %swap3A_445 = tpu.vector_load %arg12[%swap3A_444] {strides = array<i32>} : memref<128xi32, #tpu.memory_space<vmem>>, vector<16xi32>,
        %swap3A_446 = vector.shape_cast %swap3A_445 : vector<16xi32> to vector<16xi32>
        %swap3A_447 = vector.shape_cast %get3A_443 : vector<16xi32> to vector<16xi32>
        tpu.vector_store %arg12[%swap3A_444], %swap3A_447 {strides = array<i32>} : memref<128xi32, #tpu.memory_space<vmem>>, vector<16xi32>,
        %get3A_448 = arith.constant 704 : index
        %get3A_449 = tpu.vector_load %arg11[%get3A_448] {strides = array<i32>} : memref<1664xi32, #tpu.memory_space<vmem>>, vector<16xi32>,
        %get3A_450 = vector.shape_cast %get3A_449 : vector<16xi32> to vector<16xi32>
        %swap3A_451 = arith.constant 64 : index
        %swap3A_452 = tpu.vector_load %arg12[%swap3A_451] {strides = array<i32>} : memref<128xi32, #tpu.memory_space<vmem>>, vector<16xi32>,
        %swap3A_453 = vector.shape_cast %swap3A_452 : vector<16xi32> to vector<16xi32>
        %swap3A_454 = vector.shape_cast %get3A_450 : vector<16xi32> to vector<16xi32>
        tpu.vector_store %arg12[%swap3A_451], %swap3A_454 {strides = array<i32>} : memref<128xi32, #tpu.memory_space<vmem>>, vector<16xi32>,
        %get3A_455 = arith.constant 720 : index
        %get3A_456 = tpu.vector_load %arg11[%get3A_455] {strides = array<i32>} : memref<1664xi32, #tpu.memory_space<vmem>>, vector<16xi32>,
        %get3A_457 = vector.shape_cast %get3A_456 : vector<16xi32> to vector<16xi32>
        %swap3A_458 = arith.constant 80 : index
        %swap3A_459 = tpu.vector_load %arg12[%swap3A_458] {strides = array<i32>} : memref<128xi32, #tpu.memory_space<vmem>>, vector<16xi32>,
        %swap3A_460 = vector.shape_cast %swap3A_459 : vector<16xi32> to vector<16xi32>
        %swap3A_461 = vector.shape_cast %get3A_457 : vector<16xi32> to vector<16xi32>
        tpu.vector_store %arg12[%swap3A_458], %swap3A_461 {strides = array<i32>} : memref<128xi32, #tpu.memory_space<vmem>>, vector<16xi32>,
        %get3A_462 = arith.constant 736 : index
        %get3A_463 = tpu.vector_load %arg11[%get3A_462] {strides = array<i32>} : memref<1664xi32, #tpu.memory_space<vmem>>, vector<16xi32>,
        %get3A_464 = vector.shape_cast %get3A_463 : vector<16xi32> to vector<16xi32>
        %swap3A_465 = arith.constant 96 : index
        %swap3A_466 = tpu.vector_load %arg12[%swap3A_465] {strides = array<i32>} : memref<128xi32, #tpu.memory_space<vmem>>, vector<16xi32>,
        %swap3A_467 = vector.shape_cast %swap3A_466 : vector<16xi32> to vector<16xi32>
        %swap3A_468 = vector.shape_cast %get3A_464 : vector<16xi32> to vector<16xi32>
        tpu.vector_store %arg12[%swap3A_465], %swap3A_468 {strides = array<i32>} : memref<128xi32, #tpu.memory_space<vmem>>, vector<16xi32>,
        %get3A_469 = arith.constant 752 : index
        %get3A_470 = tpu.vector_load %arg11[%get3A_469] {strides = array<i32>} : memref<1664xi32, #tpu.memory_space<vmem>>, vector<16xi32>,
        %get3A_471 = vector.shape_cast %get3A_470 : vector<16xi32> to vector<16xi32>
        %swap3A_472 = arith.constant 112 : index
        %swap3A_473 = tpu.vector_load %arg12[%swap3A_472] {strides = array<i32>} : memref<128xi32, #tpu.memory_space<vmem>>, vector<16xi32>,
        %swap3A_474 = vector.shape_cast %swap3A_473 : vector<16xi32> to vector<16xi32>
        %swap3A_475 = vector.shape_cast %get3A_471 : vector<16xi32> to vector<16xi32>
        tpu.vector_store %arg12[%swap3A_472], %swap3A_475 {strides = array<i32>} : memref<128xi32, #tpu.memory_space<vmem>>, vector<16xi32>,
        %dma_start3A_476 = arith.constant 768 : i32
        %dma_start3A_477 = tpu.memref_slice %arg10[%dma_start3A_476] : memref<1664xi32, #tpu.memory_space<vmem>> -> memref<128xi32, #tpu.memory_space<vmem>>
        %dma_start3A_478 = arith.constant 0 : i32
        %dma_start3A_479 = arith.constant 0 : i32
        %dma_start3A_480 = tpu.memref_slice %arg4[%dma_start3A_478, %dma_start3A_479] : memref<10000x128xf32, #tpu.memory_space<hbm>> -> memref<10000x128xf32, #tpu.memory_space<hbm>>
        tpu.enqueue_indirect_dma source(%dma_start3A_480 : memref<10000x128xf32, #tpu.memory_space<hbm>>) target(%arg17 : memref<128x128xf32, #tpu.memory_space<vmem>>) offsets(%dma_start3A_477 : memref<128xi32, #tpu.memory_space<vmem>>) semaphore(%arg20 : memref<!tpu.dma_semaphore, #tpu.memory_space<semaphore_mem>>)
        %dma_wait3A_481 = arith.constant 640 : i32
        %dma_wait3A_482 = tpu.memref_slice %arg10[%dma_wait3A_481] : memref<1664xi32, #tpu.memory_space<vmem>> -> memref<128xi32, #tpu.memory_space<vmem>>
        %dma_wait3A_483 = arith.constant 0 : i32
        %dma_wait3A_484 = arith.constant 0 : i32
        %dma_wait3A_485 = tpu.memref_slice %arg4[%dma_wait3A_483, %dma_wait3A_484] : memref<10000x128xf32, #tpu.memory_space<hbm>> -> memref<10000x128xf32, #tpu.memory_space<hbm>>
        tpu.wait_indirect_dma semaphore(%arg21 : memref<!tpu.dma_semaphore, #tpu.memory_space<semaphore_mem>>) src(%dma_wait3A_485 : memref<10000x128xf32, #tpu.memory_space<hbm>>) dst(%arg18 : memref<128x128xf32, #tpu.memory_space<vmem>>)
        "tpu.region"() ({
          %run_scoped3A = tpu.sem_alloc : memref<!tpu.dma_semaphore, #tpu.memory_space<semaphore_mem>>
          %dma_start3A_877 = arith.constant 0 : i32
          %dma_start3A_878 = arith.constant 0 : i32
          %dma_start3A_879 = tpu.memref_slice %arg19[%dma_start3A_877, %dma_start3A_878] : memref<10240x128xf32, #tpu.memory_space<vmem_shared>> -> memref<10240x128xf32, #tpu.memory_space<vmem_shared>>
          tpu.enqueue_indirect_dma source(%arg18 : memref<128x128xf32, #tpu.memory_space<vmem>>) target(%dma_start3A_879 : memref<10240x128xf32, #tpu.memory_space<vmem_shared>>) offsets(%arg12 : memref<128xi32, #tpu.memory_space<vmem>>) semaphore(%run_scoped3A : memref<!tpu.dma_semaphore, #tpu.memory_space<semaphore_mem>>) {add = true}
          %dma_wait3A_880 = arith.constant 0 : i32
          %dma_wait3A_881 = arith.constant 0 : i32
          %dma_wait3A_882 = tpu.memref_slice %arg19[%dma_wait3A_880, %dma_wait3A_881] : memref<10240x128xf32, #tpu.memory_space<vmem_shared>> -> memref<10240x128xf32, #tpu.memory_space<vmem_shared>>
          tpu.wait_indirect_dma semaphore(%run_scoped3A : memref<!tpu.dma_semaphore, #tpu.memory_space<semaphore_mem>>) src(%arg18 : memref<128x128xf32, #tpu.memory_space<vmem>>) dst(%dma_wait3A_882 : memref<10240x128xf32, #tpu.memory_space<vmem_shared>>)
          tpu.yield
        }) : () -> ()
        %get3A_486 = arith.constant 768 : index
        %get3A_487 = tpu.vector_load %arg11[%get3A_486] {strides = array<i32>} : memref<1664xi32, #tpu.memory_space<vmem>>, vector<16xi32>,
        %get3A_488 = vector.shape_cast %get3A_487 : vector<16xi32> to vector<16xi32>
        %swap3A_489 = arith.constant 0 : index
        %swap3A_490 = tpu.vector_load %arg12[%swap3A_489] {strides = array<i32>} : memref<128xi32, #tpu.memory_space<vmem>>, vector<16xi32>,
        %swap3A_491 = vector.shape_cast %swap3A_490 : vector<16xi32> to vector<16xi32>
        %swap3A_492 = vector.shape_cast %get3A_488 : vector<16xi32> to vector<16xi32>
        tpu.vector_store %arg12[%swap3A_489], %swap3A_492 {strides = array<i32>} : memref<128xi32, #tpu.memory_space<vmem>>, vector<16xi32>,
        %get3A_493 = arith.constant 784 : index
        %get3A_494 = tpu.vector_load %arg11[%get3A_493] {strides = array<i32>} : memref<1664xi32, #tpu.memory_space<vmem>>, vector<16xi32>,
        %get3A_495 = vector.shape_cast %get3A_494 : vector<16xi32> to vector<16xi32>
        %swap3A_496 = arith.constant 16 : index
        %swap3A_497 = tpu.vector_load %arg12[%swap3A_496] {strides = array<i32>} : memref<128xi32, #tpu.memory_space<vmem>>, vector<16xi32>,
        %swap3A_498 = vector.shape_cast %swap3A_497 : vector<16xi32> to vector<16xi32>
        %swap3A_499 = vector.shape_cast %get3A_495 : vector<16xi32> to vector<16xi32>
        tpu.vector_store %arg12[%swap3A_496], %swap3A_499 {strides = array<i32>} : memref<128xi32, #tpu.memory_space<vmem>>, vector<16xi32>,
        %get3A_500 = arith.constant 800 : index
        %get3A_501 = tpu.vector_load %arg11[%get3A_500] {strides = array<i32>} : memref<1664xi32, #tpu.memory_space<vmem>>, vector<16xi32>,
        %get3A_502 = vector.shape_cast %get3A_501 : vector<16xi32> to vector<16xi32>
        %swap3A_503 = arith.constant 32 : index
        %swap3A_504 = tpu.vector_load %arg12[%swap3A_503] {strides = array<i32>} : memref<128xi32, #tpu.memory_space<vmem>>, vector<16xi32>,
        %swap3A_505 = vector.shape_cast %swap3A_504 : vector<16xi32> to vector<16xi32>
        %swap3A_506 = vector.shape_cast %get3A_502 : vector<16xi32> to vector<16xi32>
        tpu.vector_store %arg12[%swap3A_503], %swap3A_506 {strides = array<i32>} : memref<128xi32, #tpu.memory_space<vmem>>, vector<16xi32>,
        %get3A_507 = arith.constant 816 : index
        %get3A_508 = tpu.vector_load %arg11[%get3A_507] {strides = array<i32>} : memref<1664xi32, #tpu.memory_space<vmem>>, vector<16xi32>,
        %get3A_509 = vector.shape_cast %get3A_508 : vector<16xi32> to vector<16xi32>
        %swap3A_510 = arith.constant 48 : index
        %swap3A_511 = tpu.vector_load %arg12[%swap3A_510] {strides = array<i32>} : memref<128xi32, #tpu.memory_space<vmem>>, vector<16xi32>,
        %swap3A_512 = vector.shape_cast %swap3A_511 : vector<16xi32> to vector<16xi32>
        %swap3A_513 = vector.shape_cast %get3A_509 : vector<16xi32> to vector<16xi32>
        tpu.vector_store %arg12[%swap3A_510], %swap3A_513 {strides = array<i32>} : memref<128xi32, #tpu.memory_space<vmem>>, vector<16xi32>,
        %get3A_514 = arith.constant 832 : index
        %get3A_515 = tpu.vector_load %arg11[%get3A_514] {strides = array<i32>} : memref<1664xi32, #tpu.memory_space<vmem>>, vector<16xi32>,
        %get3A_516 = vector.shape_cast %get3A_515 : vector<16xi32> to vector<16xi32>
        %swap3A_517 = arith.constant 64 : index
        %swap3A_518 = tpu.vector_load %arg12[%swap3A_517] {strides = array<i32>} : memref<128xi32, #tpu.memory_space<vmem>>, vector<16xi32>,
        %swap3A_519 = vector.shape_cast %swap3A_518 : vector<16xi32> to vector<16xi32>
        %swap3A_520 = vector.shape_cast %get3A_516 : vector<16xi32> to vector<16xi32>
        tpu.vector_store %arg12[%swap3A_517], %swap3A_520 {strides = array<i32>} : memref<128xi32, #tpu.memory_space<vmem>>, vector<16xi32>,
        %get3A_521 = arith.constant 848 : index
        %get3A_522 = tpu.vector_load %arg11[%get3A_521] {strides = array<i32>} : memref<1664xi32, #tpu.memory_space<vmem>>, vector<16xi32>,
        %get3A_523 = vector.shape_cast %get3A_522 : vector<16xi32> to vector<16xi32>
        %swap3A_524 = arith.constant 80 : index
        %swap3A_525 = tpu.vector_load %arg12[%swap3A_524] {strides = array<i32>} : memref<128xi32, #tpu.memory_space<vmem>>, vector<16xi32>,
        %swap3A_526 = vector.shape_cast %swap3A_525 : vector<16xi32> to vector<16xi32>
        %swap3A_527 = vector.shape_cast %get3A_523 : vector<16xi32> to vector<16xi32>
        tpu.vector_store %arg12[%swap3A_524], %swap3A_527 {strides = array<i32>} : memref<128xi32, #tpu.memory_space<vmem>>, vector<16xi32>,
        %get3A_528 = arith.constant 864 : index
        %get3A_529 = tpu.vector_load %arg11[%get3A_528] {strides = array<i32>} : memref<1664xi32, #tpu.memory_space<vmem>>, vector<16xi32>,
        %get3A_530 = vector.shape_cast %get3A_529 : vector<16xi32> to vector<16xi32>
        %swap3A_531 = arith.constant 96 : index
        %swap3A_532 = tpu.vector_load %arg12[%swap3A_531] {strides = array<i32>} : memref<128xi32, #tpu.memory_space<vmem>>, vector<16xi32>,
        %swap3A_533 = vector.shape_cast %swap3A_532 : vector<16xi32> to vector<16xi32>
        %swap3A_534 = vector.shape_cast %get3A_530 : vector<16xi32> to vector<16xi32>
        tpu.vector_store %arg12[%swap3A_531], %swap3A_534 {strides = array<i32>} : memref<128xi32, #tpu.memory_space<vmem>>, vector<16xi32>,
        %get3A_535 = arith.constant 880 : index
        %get3A_536 = tpu.vector_load %arg11[%get3A_535] {strides = array<i32>} : memref<1664xi32, #tpu.memory_space<vmem>>, vector<16xi32>,
        %get3A_537 = vector.shape_cast %get3A_536 : vector<16xi32> to vector<16xi32>
        %swap3A_538 = arith.constant 112 : index
        %swap3A_539 = tpu.vector_load %arg12[%swap3A_538] {strides = array<i32>} : memref<128xi32, #tpu.memory_space<vmem>>, vector<16xi32>,
        %swap3A_540 = vector.shape_cast %swap3A_539 : vector<16xi32> to vector<16xi32>
        %swap3A_541 = vector.shape_cast %get3A_537 : vector<16xi32> to vector<16xi32>
        tpu.vector_store %arg12[%swap3A_538], %swap3A_541 {strides = array<i32>} : memref<128xi32, #tpu.memory_space<vmem>>, vector<16xi32>,
        %dma_start3A_542 = arith.constant 896 : i32
        %dma_start3A_543 = tpu.memref_slice %arg10[%dma_start3A_542] : memref<1664xi32, #tpu.memory_space<vmem>> -> memref<128xi32, #tpu.memory_space<vmem>>
        %dma_start3A_544 = arith.constant 0 : i32
        %dma_start3A_545 = arith.constant 0 : i32
        %dma_start3A_546 = tpu.memref_slice %arg4[%dma_start3A_544, %dma_start3A_545] : memref<10000x128xf32, #tpu.memory_space<hbm>> -> memref<10000x128xf32, #tpu.memory_space<hbm>>
        tpu.enqueue_indirect_dma source(%dma_start3A_546 : memref<10000x128xf32, #tpu.memory_space<hbm>>) target(%arg18 : memref<128x128xf32, #tpu.memory_space<vmem>>) offsets(%dma_start3A_543 : memref<128xi32, #tpu.memory_space<vmem>>) semaphore(%arg21 : memref<!tpu.dma_semaphore, #tpu.memory_space<semaphore_mem>>)
        %dma_wait3A_547 = arith.constant 768 : i32
        %dma_wait3A_548 = tpu.memref_slice %arg10[%dma_wait3A_547] : memref<1664xi32, #tpu.memory_space<vmem>> -> memref<128xi32, #tpu.memory_space<vmem>>
        %dma_wait3A_549 = arith.constant 0 : i32
        %dma_wait3A_550 = arith.constant 0 : i32
        %dma_wait3A_551 = tpu.memref_slice %arg4[%dma_wait3A_549, %dma_wait3A_550] : memref<10000x128xf32, #tpu.memory_space<hbm>> -> memref<10000x128xf32, #tpu.memory_space<hbm>>
        tpu.wait_indirect_dma semaphore(%arg20 : memref<!tpu.dma_semaphore, #tpu.memory_space<semaphore_mem>>) src(%dma_wait3A_551 : memref<10000x128xf32, #tpu.memory_space<hbm>>) dst(%arg17 : memref<128x128xf32, #tpu.memory_space<vmem>>)
        "tpu.region"() ({
          %run_scoped3A = tpu.sem_alloc : memref<!tpu.dma_semaphore, #tpu.memory_space<semaphore_mem>>
          %dma_start3A_877 = arith.constant 0 : i32
          %dma_start3A_878 = arith.constant 0 : i32
          %dma_start3A_879 = tpu.memref_slice %arg19[%dma_start3A_877, %dma_start3A_878] : memref<10240x128xf32, #tpu.memory_space<vmem_shared>> -> memref<10240x128xf32, #tpu.memory_space<vmem_shared>>
          tpu.enqueue_indirect_dma source(%arg17 : memref<128x128xf32, #tpu.memory_space<vmem>>) target(%dma_start3A_879 : memref<10240x128xf32, #tpu.memory_space<vmem_shared>>) offsets(%arg12 : memref<128xi32, #tpu.memory_space<vmem>>) semaphore(%run_scoped3A : memref<!tpu.dma_semaphore, #tpu.memory_space<semaphore_mem>>) {add = true}
          %dma_wait3A_880 = arith.constant 0 : i32
          %dma_wait3A_881 = arith.constant 0 : i32
          %dma_wait3A_882 = tpu.memref_slice %arg19[%dma_wait3A_880, %dma_wait3A_881] : memref<10240x128xf32, #tpu.memory_space<vmem_shared>> -> memref<10240x128xf32, #tpu.memory_space<vmem_shared>>
          tpu.wait_indirect_dma semaphore(%run_scoped3A : memref<!tpu.dma_semaphore, #tpu.memory_space<semaphore_mem>>) src(%arg17 : memref<128x128xf32, #tpu.memory_space<vmem>>) dst(%dma_wait3A_882 : memref<10240x128xf32, #tpu.memory_space<vmem_shared>>)
          tpu.yield
        }) : () -> ()
        %get3A_552 = arith.constant 896 : index
        %get3A_553 = tpu.vector_load %arg11[%get3A_552] {strides = array<i32>} : memref<1664xi32, #tpu.memory_space<vmem>>, vector<16xi32>,
        %get3A_554 = vector.shape_cast %get3A_553 : vector<16xi32> to vector<16xi32>
        %swap3A_555 = arith.constant 0 : index
        %swap3A_556 = tpu.vector_load %arg12[%swap3A_555] {strides = array<i32>} : memref<128xi32, #tpu.memory_space<vmem>>, vector<16xi32>,
        %swap3A_557 = vector.shape_cast %swap3A_556 : vector<16xi32> to vector<16xi32>
        %swap3A_558 = vector.shape_cast %get3A_554 : vector<16xi32> to vector<16xi32>
        tpu.vector_store %arg12[%swap3A_555], %swap3A_558 {strides = array<i32>} : memref<128xi32, #tpu.memory_space<vmem>>, vector<16xi32>,
        %get3A_559 = arith.constant 912 : index
        %get3A_560 = tpu.vector_load %arg11[%get3A_559] {strides = array<i32>} : memref<1664xi32, #tpu.memory_space<vmem>>, vector<16xi32>,
        %get3A_561 = vector.shape_cast %get3A_560 : vector<16xi32> to vector<16xi32>
        %swap3A_562 = arith.constant 16 : index
        %swap3A_563 = tpu.vector_load %arg12[%swap3A_562] {strides = array<i32>} : memref<128xi32, #tpu.memory_space<vmem>>, vector<16xi32>,
        %swap3A_564 = vector.shape_cast %swap3A_563 : vector<16xi32> to vector<16xi32>
        %swap3A_565 = vector.shape_cast %get3A_561 : vector<16xi32> to vector<16xi32>
        tpu.vector_store %arg12[%swap3A_562], %swap3A_565 {strides = array<i32>} : memref<128xi32, #tpu.memory_space<vmem>>, vector<16xi32>,
        %get3A_566 = arith.constant 928 : index
        %get3A_567 = tpu.vector_load %arg11[%get3A_566] {strides = array<i32>} : memref<1664xi32, #tpu.memory_space<vmem>>, vector<16xi32>,
        %get3A_568 = vector.shape_cast %get3A_567 : vector<16xi32> to vector<16xi32>
        %swap3A_569 = arith.constant 32 : index
        %swap3A_570 = tpu.vector_load %arg12[%swap3A_569] {strides = array<i32>} : memref<128xi32, #tpu.memory_space<vmem>>, vector<16xi32>,
        %swap3A_571 = vector.shape_cast %swap3A_570 : vector<16xi32> to vector<16xi32>
        %swap3A_572 = vector.shape_cast %get3A_568 : vector<16xi32> to vector<16xi32>
        tpu.vector_store %arg12[%swap3A_569], %swap3A_572 {strides = array<i32>} : memref<128xi32, #tpu.memory_space<vmem>>, vector<16xi32>,
        %get3A_573 = arith.constant 944 : index
        %get3A_574 = tpu.vector_load %arg11[%get3A_573] {strides = array<i32>} : memref<1664xi32, #tpu.memory_space<vmem>>, vector<16xi32>,
        %get3A_575 = vector.shape_cast %get3A_574 : vector<16xi32> to vector<16xi32>
        %swap3A_576 = arith.constant 48 : index
        %swap3A_577 = tpu.vector_load %arg12[%swap3A_576] {strides = array<i32>} : memref<128xi32, #tpu.memory_space<vmem>>, vector<16xi32>,
        %swap3A_578 = vector.shape_cast %swap3A_577 : vector<16xi32> to vector<16xi32>
        %swap3A_579 = vector.shape_cast %get3A_575 : vector<16xi32> to vector<16xi32>
        tpu.vector_store %arg12[%swap3A_576], %swap3A_579 {strides = array<i32>} : memref<128xi32, #tpu.memory_space<vmem>>, vector<16xi32>,
        %get3A_580 = arith.constant 960 : index
        %get3A_581 = tpu.vector_load %arg11[%get3A_580] {strides = array<i32>} : memref<1664xi32, #tpu.memory_space<vmem>>, vector<16xi32>,
        %get3A_582 = vector.shape_cast %get3A_581 : vector<16xi32> to vector<16xi32>
        %swap3A_583 = arith.constant 64 : index
        %swap3A_584 = tpu.vector_load %arg12[%swap3A_583] {strides = array<i32>} : memref<128xi32, #tpu.memory_space<vmem>>, vector<16xi32>,
        %swap3A_585 = vector.shape_cast %swap3A_584 : vector<16xi32> to vector<16xi32>
        %swap3A_586 = vector.shape_cast %get3A_582 : vector<16xi32> to vector<16xi32>
        tpu.vector_store %arg12[%swap3A_583], %swap3A_586 {strides = array<i32>} : memref<128xi32, #tpu.memory_space<vmem>>, vector<16xi32>,
        %get3A_587 = arith.constant 976 : index
        %get3A_588 = tpu.vector_load %arg11[%get3A_587] {strides = array<i32>} : memref<1664xi32, #tpu.memory_space<vmem>>, vector<16xi32>,
        %get3A_589 = vector.shape_cast %get3A_588 : vector<16xi32> to vector<16xi32>
        %swap3A_590 = arith.constant 80 : index
        %swap3A_591 = tpu.vector_load %arg12[%swap3A_590] {strides = array<i32>} : memref<128xi32, #tpu.memory_space<vmem>>, vector<16xi32>,
        %swap3A_592 = vector.shape_cast %swap3A_591 : vector<16xi32> to vector<16xi32>
        %swap3A_593 = vector.shape_cast %get3A_589 : vector<16xi32> to vector<16xi32>
        tpu.vector_store %arg12[%swap3A_590], %swap3A_593 {strides = array<i32>} : memref<128xi32, #tpu.memory_space<vmem>>, vector<16xi32>,
        %get3A_594 = arith.constant 992 : index
        %get3A_595 = tpu.vector_load %arg11[%get3A_594] {strides = array<i32>} : memref<1664xi32, #tpu.memory_space<vmem>>, vector<16xi32>,
        %get3A_596 = vector.shape_cast %get3A_595 : vector<16xi32> to vector<16xi32>
        %swap3A_597 = arith.constant 96 : index
        %swap3A_598 = tpu.vector_load %arg12[%swap3A_597] {strides = array<i32>} : memref<128xi32, #tpu.memory_space<vmem>>, vector<16xi32>,
        %swap3A_599 = vector.shape_cast %swap3A_598 : vector<16xi32> to vector<16xi32>
        %swap3A_600 = vector.shape_cast %get3A_596 : vector<16xi32> to vector<16xi32>
        tpu.vector_store %arg12[%swap3A_597], %swap3A_600 {strides = array<i32>} : memref<128xi32, #tpu.memory_space<vmem>>, vector<16xi32>,
        %get3A_601 = arith.constant 1008 : index
        %get3A_602 = tpu.vector_load %arg11[%get3A_601] {strides = array<i32>} : memref<1664xi32, #tpu.memory_space<vmem>>, vector<16xi32>,
        %get3A_603 = vector.shape_cast %get3A_602 : vector<16xi32> to vector<16xi32>
        %swap3A_604 = arith.constant 112 : index
        %swap3A_605 = tpu.vector_load %arg12[%swap3A_604] {strides = array<i32>} : memref<128xi32, #tpu.memory_space<vmem>>, vector<16xi32>,
        %swap3A_606 = vector.shape_cast %swap3A_605 : vector<16xi32> to vector<16xi32>
        %swap3A_607 = vector.shape_cast %get3A_603 : vector<16xi32> to vector<16xi32>
        tpu.vector_store %arg12[%swap3A_604], %swap3A_607 {strides = array<i32>} : memref<128xi32, #tpu.memory_space<vmem>>, vector<16xi32>,
        %dma_start3A_608 = arith.constant 1024 : i32
        %dma_start3A_609 = tpu.memref_slice %arg10[%dma_start3A_608] : memref<1664xi32, #tpu.memory_space<vmem>> -> memref<128xi32, #tpu.memory_space<vmem>>
        %dma_start3A_610 = arith.constant 0 : i32
        %dma_start3A_611 = arith.constant 0 : i32
        %dma_start3A_612 = tpu.memref_slice %arg4[%dma_start3A_610, %dma_start3A_611] : memref<10000x128xf32, #tpu.memory_space<hbm>> -> memref<10000x128xf32, #tpu.memory_space<hbm>>
        tpu.enqueue_indirect_dma source(%dma_start3A_612 : memref<10000x128xf32, #tpu.memory_space<hbm>>) target(%arg17 : memref<128x128xf32, #tpu.memory_space<vmem>>) offsets(%dma_start3A_609 : memref<128xi32, #tpu.memory_space<vmem>>) semaphore(%arg20 : memref<!tpu.dma_semaphore, #tpu.memory_space<semaphore_mem>>)
        %dma_wait3A_613 = arith.constant 896 : i32
        %dma_wait3A_614 = tpu.memref_slice %arg10[%dma_wait3A_613] : memref<1664xi32, #tpu.memory_space<vmem>> -> memref<128xi32, #tpu.memory_space<vmem>>
        %dma_wait3A_615 = arith.constant 0 : i32
        %dma_wait3A_616 = arith.constant 0 : i32
        %dma_wait3A_617 = tpu.memref_slice %arg4[%dma_wait3A_615, %dma_wait3A_616] : memref<10000x128xf32, #tpu.memory_space<hbm>> -> memref<10000x128xf32, #tpu.memory_space<hbm>>
        tpu.wait_indirect_dma semaphore(%arg21 : memref<!tpu.dma_semaphore, #tpu.memory_space<semaphore_mem>>) src(%dma_wait3A_617 : memref<10000x128xf32, #tpu.memory_space<hbm>>) dst(%arg18 : memref<128x128xf32, #tpu.memory_space<vmem>>)
        "tpu.region"() ({
          %run_scoped3A = tpu.sem_alloc : memref<!tpu.dma_semaphore, #tpu.memory_space<semaphore_mem>>
          %dma_start3A_877 = arith.constant 0 : i32
          %dma_start3A_878 = arith.constant 0 : i32
          %dma_start3A_879 = tpu.memref_slice %arg19[%dma_start3A_877, %dma_start3A_878] : memref<10240x128xf32, #tpu.memory_space<vmem_shared>> -> memref<10240x128xf32, #tpu.memory_space<vmem_shared>>
          tpu.enqueue_indirect_dma source(%arg18 : memref<128x128xf32, #tpu.memory_space<vmem>>) target(%dma_start3A_879 : memref<10240x128xf32, #tpu.memory_space<vmem_shared>>) offsets(%arg12 : memref<128xi32, #tpu.memory_space<vmem>>) semaphore(%run_scoped3A : memref<!tpu.dma_semaphore, #tpu.memory_space<semaphore_mem>>) {add = true}
          %dma_wait3A_880 = arith.constant 0 : i32
          %dma_wait3A_881 = arith.constant 0 : i32
          %dma_wait3A_882 = tpu.memref_slice %arg19[%dma_wait3A_880, %dma_wait3A_881] : memref<10240x128xf32, #tpu.memory_space<vmem_shared>> -> memref<10240x128xf32, #tpu.memory_space<vmem_shared>>
          tpu.wait_indirect_dma semaphore(%run_scoped3A : memref<!tpu.dma_semaphore, #tpu.memory_space<semaphore_mem>>) src(%arg18 : memref<128x128xf32, #tpu.memory_space<vmem>>) dst(%dma_wait3A_882 : memref<10240x128xf32, #tpu.memory_space<vmem_shared>>)
          tpu.yield
        }) : () -> ()
        %get3A_618 = arith.constant 1024 : index
        %get3A_619 = tpu.vector_load %arg11[%get3A_618] {strides = array<i32>} : memref<1664xi32, #tpu.memory_space<vmem>>, vector<16xi32>,
        %get3A_620 = vector.shape_cast %get3A_619 : vector<16xi32> to vector<16xi32>
        %swap3A_621 = arith.constant 0 : index
        %swap3A_622 = tpu.vector_load %arg12[%swap3A_621] {strides = array<i32>} : memref<128xi32, #tpu.memory_space<vmem>>, vector<16xi32>,
        %swap3A_623 = vector.shape_cast %swap3A_622 : vector<16xi32> to vector<16xi32>
        %swap3A_624 = vector.shape_cast %get3A_620 : vector<16xi32> to vector<16xi32>
        tpu.vector_store %arg12[%swap3A_621], %swap3A_624 {strides = array<i32>} : memref<128xi32, #tpu.memory_space<vmem>>, vector<16xi32>,
        %get3A_625 = arith.constant 1040 : index
        %get3A_626 = tpu.vector_load %arg11[%get3A_625] {strides = array<i32>} : memref<1664xi32, #tpu.memory_space<vmem>>, vector<16xi32>,
        %get3A_627 = vector.shape_cast %get3A_626 : vector<16xi32> to vector<16xi32>
        %swap3A_628 = arith.constant 16 : index
        %swap3A_629 = tpu.vector_load %arg12[%swap3A_628] {strides = array<i32>} : memref<128xi32, #tpu.memory_space<vmem>>, vector<16xi32>,
        %swap3A_630 = vector.shape_cast %swap3A_629 : vector<16xi32> to vector<16xi32>
        %swap3A_631 = vector.shape_cast %get3A_627 : vector<16xi32> to vector<16xi32>
        tpu.vector_store %arg12[%swap3A_628], %swap3A_631 {strides = array<i32>} : memref<128xi32, #tpu.memory_space<vmem>>, vector<16xi32>,
        %get3A_632 = arith.constant 1056 : index
        %get3A_633 = tpu.vector_load %arg11[%get3A_632] {strides = array<i32>} : memref<1664xi32, #tpu.memory_space<vmem>>, vector<16xi32>,
        %get3A_634 = vector.shape_cast %get3A_633 : vector<16xi32> to vector<16xi32>
        %swap3A_635 = arith.constant 32 : index
        %swap3A_636 = tpu.vector_load %arg12[%swap3A_635] {strides = array<i32>} : memref<128xi32, #tpu.memory_space<vmem>>, vector<16xi32>,
        %swap3A_637 = vector.shape_cast %swap3A_636 : vector<16xi32> to vector<16xi32>
        %swap3A_638 = vector.shape_cast %get3A_634 : vector<16xi32> to vector<16xi32>
        tpu.vector_store %arg12[%swap3A_635], %swap3A_638 {strides = array<i32>} : memref<128xi32, #tpu.memory_space<vmem>>, vector<16xi32>,
        %get3A_639 = arith.constant 1072 : index
        %get3A_640 = tpu.vector_load %arg11[%get3A_639] {strides = array<i32>} : memref<1664xi32, #tpu.memory_space<vmem>>, vector<16xi32>,
        %get3A_641 = vector.shape_cast %get3A_640 : vector<16xi32> to vector<16xi32>
        %swap3A_642 = arith.constant 48 : index
        %swap3A_643 = tpu.vector_load %arg12[%swap3A_642] {strides = array<i32>} : memref<128xi32, #tpu.memory_space<vmem>>, vector<16xi32>,
        %swap3A_644 = vector.shape_cast %swap3A_643 : vector<16xi32> to vector<16xi32>
        %swap3A_645 = vector.shape_cast %get3A_641 : vector<16xi32> to vector<16xi32>
        tpu.vector_store %arg12[%swap3A_642], %swap3A_645 {strides = array<i32>} : memref<128xi32, #tpu.memory_space<vmem>>, vector<16xi32>,
        %get3A_646 = arith.constant 1088 : index
        %get3A_647 = tpu.vector_load %arg11[%get3A_646] {strides = array<i32>} : memref<1664xi32, #tpu.memory_space<vmem>>, vector<16xi32>,
        %get3A_648 = vector.shape_cast %get3A_647 : vector<16xi32> to vector<16xi32>
        %swap3A_649 = arith.constant 64 : index
        %swap3A_650 = tpu.vector_load %arg12[%swap3A_649] {strides = array<i32>} : memref<128xi32, #tpu.memory_space<vmem>>, vector<16xi32>,
        %swap3A_651 = vector.shape_cast %swap3A_650 : vector<16xi32> to vector<16xi32>
        %swap3A_652 = vector.shape_cast %get3A_648 : vector<16xi32> to vector<16xi32>
        tpu.vector_store %arg12[%swap3A_649], %swap3A_652 {strides = array<i32>} : memref<128xi32, #tpu.memory_space<vmem>>, vector<16xi32>,
        %get3A_653 = arith.constant 1104 : index
        %get3A_654 = tpu.vector_load %arg11[%get3A_653] {strides = array<i32>} : memref<1664xi32, #tpu.memory_space<vmem>>, vector<16xi32>,
        %get3A_655 = vector.shape_cast %get3A_654 : vector<16xi32> to vector<16xi32>
        %swap3A_656 = arith.constant 80 : index
        %swap3A_657 = tpu.vector_load %arg12[%swap3A_656] {strides = array<i32>} : memref<128xi32, #tpu.memory_space<vmem>>, vector<16xi32>,
        %swap3A_658 = vector.shape_cast %swap3A_657 : vector<16xi32> to vector<16xi32>
        %swap3A_659 = vector.shape_cast %get3A_655 : vector<16xi32> to vector<16xi32>
        tpu.vector_store %arg12[%swap3A_656], %swap3A_659 {strides = array<i32>} : memref<128xi32, #tpu.memory_space<vmem>>, vector<16xi32>,
        %get3A_660 = arith.constant 1120 : index
        %get3A_661 = tpu.vector_load %arg11[%get3A_660] {strides = array<i32>} : memref<1664xi32, #tpu.memory_space<vmem>>, vector<16xi32>,
        %get3A_662 = vector.shape_cast %get3A_661 : vector<16xi32> to vector<16xi32>
        %swap3A_663 = arith.constant 96 : index
        %swap3A_664 = tpu.vector_load %arg12[%swap3A_663] {strides = array<i32>} : memref<128xi32, #tpu.memory_space<vmem>>, vector<16xi32>,
        %swap3A_665 = vector.shape_cast %swap3A_664 : vector<16xi32> to vector<16xi32>
        %swap3A_666 = vector.shape_cast %get3A_662 : vector<16xi32> to vector<16xi32>
        tpu.vector_store %arg12[%swap3A_663], %swap3A_666 {strides = array<i32>} : memref<128xi32, #tpu.memory_space<vmem>>, vector<16xi32>,
        %get3A_667 = arith.constant 1136 : index
        %get3A_668 = tpu.vector_load %arg11[%get3A_667] {strides = array<i32>} : memref<1664xi32, #tpu.memory_space<vmem>>, vector<16xi32>,
        %get3A_669 = vector.shape_cast %get3A_668 : vector<16xi32> to vector<16xi32>
        %swap3A_670 = arith.constant 112 : index
        %swap3A_671 = tpu.vector_load %arg12[%swap3A_670] {strides = array<i32>} : memref<128xi32, #tpu.memory_space<vmem>>, vector<16xi32>,
        %swap3A_672 = vector.shape_cast %swap3A_671 : vector<16xi32> to vector<16xi32>
        %swap3A_673 = vector.shape_cast %get3A_669 : vector<16xi32> to vector<16xi32>
        tpu.vector_store %arg12[%swap3A_670], %swap3A_673 {strides = array<i32>} : memref<128xi32, #tpu.memory_space<vmem>>, vector<16xi32>,
        %dma_start3A_674 = arith.constant 1152 : i32
        %dma_start3A_675 = tpu.memref_slice %arg10[%dma_start3A_674] : memref<1664xi32, #tpu.memory_space<vmem>> -> memref<128xi32, #tpu.memory_space<vmem>>
        %dma_start3A_676 = arith.constant 0 : i32
        %dma_start3A_677 = arith.constant 0 : i32
        %dma_start3A_678 = tpu.memref_slice %arg4[%dma_start3A_676, %dma_start3A_677] : memref<10000x128xf32, #tpu.memory_space<hbm>> -> memref<10000x128xf32, #tpu.memory_space<hbm>>
        tpu.enqueue_indirect_dma source(%dma_start3A_678 : memref<10000x128xf32, #tpu.memory_space<hbm>>) target(%arg18 : memref<128x128xf32, #tpu.memory_space<vmem>>) offsets(%dma_start3A_675 : memref<128xi32, #tpu.memory_space<vmem>>) semaphore(%arg21 : memref<!tpu.dma_semaphore, #tpu.memory_space<semaphore_mem>>)
        %dma_wait3A_679 = arith.constant 1024 : i32
        %dma_wait3A_680 = tpu.memref_slice %arg10[%dma_wait3A_679] : memref<1664xi32, #tpu.memory_space<vmem>> -> memref<128xi32, #tpu.memory_space<vmem>>
        %dma_wait3A_681 = arith.constant 0 : i32
        %dma_wait3A_682 = arith.constant 0 : i32
        %dma_wait3A_683 = tpu.memref_slice %arg4[%dma_wait3A_681, %dma_wait3A_682] : memref<10000x128xf32, #tpu.memory_space<hbm>> -> memref<10000x128xf32, #tpu.memory_space<hbm>>
        tpu.wait_indirect_dma semaphore(%arg20 : memref<!tpu.dma_semaphore, #tpu.memory_space<semaphore_mem>>) src(%dma_wait3A_683 : memref<10000x128xf32, #tpu.memory_space<hbm>>) dst(%arg17 : memref<128x128xf32, #tpu.memory_space<vmem>>)
        "tpu.region"() ({
          %run_scoped3A = tpu.sem_alloc : memref<!tpu.dma_semaphore, #tpu.memory_space<semaphore_mem>>
          %dma_start3A_877 = arith.constant 0 : i32
          %dma_start3A_878 = arith.constant 0 : i32
          %dma_start3A_879 = tpu.memref_slice %arg19[%dma_start3A_877, %dma_start3A_878] : memref<10240x128xf32, #tpu.memory_space<vmem_shared>> -> memref<10240x128xf32, #tpu.memory_space<vmem_shared>>
          tpu.enqueue_indirect_dma source(%arg17 : memref<128x128xf32, #tpu.memory_space<vmem>>) target(%dma_start3A_879 : memref<10240x128xf32, #tpu.memory_space<vmem_shared>>) offsets(%arg12 : memref<128xi32, #tpu.memory_space<vmem>>) semaphore(%run_scoped3A : memref<!tpu.dma_semaphore, #tpu.memory_space<semaphore_mem>>) {add = true}
          %dma_wait3A_880 = arith.constant 0 : i32
          %dma_wait3A_881 = arith.constant 0 : i32
          %dma_wait3A_882 = tpu.memref_slice %arg19[%dma_wait3A_880, %dma_wait3A_881] : memref<10240x128xf32, #tpu.memory_space<vmem_shared>> -> memref<10240x128xf32, #tpu.memory_space<vmem_shared>>
          tpu.wait_indirect_dma semaphore(%run_scoped3A : memref<!tpu.dma_semaphore, #tpu.memory_space<semaphore_mem>>) src(%arg17 : memref<128x128xf32, #tpu.memory_space<vmem>>) dst(%dma_wait3A_882 : memref<10240x128xf32, #tpu.memory_space<vmem_shared>>)
          tpu.yield
        }) : () -> ()
        %get3A_684 = arith.constant 1152 : index
        %get3A_685 = tpu.vector_load %arg11[%get3A_684] {strides = array<i32>} : memref<1664xi32, #tpu.memory_space<vmem>>, vector<16xi32>,
        %get3A_686 = vector.shape_cast %get3A_685 : vector<16xi32> to vector<16xi32>
        %swap3A_687 = arith.constant 0 : index
        %swap3A_688 = tpu.vector_load %arg12[%swap3A_687] {strides = array<i32>} : memref<128xi32, #tpu.memory_space<vmem>>, vector<16xi32>,
        %swap3A_689 = vector.shape_cast %swap3A_688 : vector<16xi32> to vector<16xi32>
        %swap3A_690 = vector.shape_cast %get3A_686 : vector<16xi32> to vector<16xi32>
        tpu.vector_store %arg12[%swap3A_687], %swap3A_690 {strides = array<i32>} : memref<128xi32, #tpu.memory_space<vmem>>, vector<16xi32>,
        %get3A_691 = arith.constant 1168 : index
        %get3A_692 = tpu.vector_load %arg11[%get3A_691] {strides = array<i32>} : memref<1664xi32, #tpu.memory_space<vmem>>, vector<16xi32>,
        %get3A_693 = vector.shape_cast %get3A_692 : vector<16xi32> to vector<16xi32>
        %swap3A_694 = arith.constant 16 : index
        %swap3A_695 = tpu.vector_load %arg12[%swap3A_694] {strides = array<i32>} : memref<128xi32, #tpu.memory_space<vmem>>, vector<16xi32>,
        %swap3A_696 = vector.shape_cast %swap3A_695 : vector<16xi32> to vector<16xi32>
        %swap3A_697 = vector.shape_cast %get3A_693 : vector<16xi32> to vector<16xi32>
        tpu.vector_store %arg12[%swap3A_694], %swap3A_697 {strides = array<i32>} : memref<128xi32, #tpu.memory_space<vmem>>, vector<16xi32>,
        %get3A_698 = arith.constant 1184 : index
        %get3A_699 = tpu.vector_load %arg11[%get3A_698] {strides = array<i32>} : memref<1664xi32, #tpu.memory_space<vmem>>, vector<16xi32>,
        %get3A_700 = vector.shape_cast %get3A_699 : vector<16xi32> to vector<16xi32>
        %swap3A_701 = arith.constant 32 : index
        %swap3A_702 = tpu.vector_load %arg12[%swap3A_701] {strides = array<i32>} : memref<128xi32, #tpu.memory_space<vmem>>, vector<16xi32>,
        %swap3A_703 = vector.shape_cast %swap3A_702 : vector<16xi32> to vector<16xi32>
        %swap3A_704 = vector.shape_cast %get3A_700 : vector<16xi32> to vector<16xi32>
        tpu.vector_store %arg12[%swap3A_701], %swap3A_704 {strides = array<i32>} : memref<128xi32, #tpu.memory_space<vmem>>, vector<16xi32>,
        %get3A_705 = arith.constant 1200 : index
        %get3A_706 = tpu.vector_load %arg11[%get3A_705] {strides = array<i32>} : memref<1664xi32, #tpu.memory_space<vmem>>, vector<16xi32>,
        %get3A_707 = vector.shape_cast %get3A_706 : vector<16xi32> to vector<16xi32>
        %swap3A_708 = arith.constant 48 : index
        %swap3A_709 = tpu.vector_load %arg12[%swap3A_708] {strides = array<i32>} : memref<128xi32, #tpu.memory_space<vmem>>, vector<16xi32>,
        %swap3A_710 = vector.shape_cast %swap3A_709 : vector<16xi32> to vector<16xi32>
        %swap3A_711 = vector.shape_cast %get3A_707 : vector<16xi32> to vector<16xi32>
        tpu.vector_store %arg12[%swap3A_708], %swap3A_711 {strides = array<i32>} : memref<128xi32, #tpu.memory_space<vmem>>, vector<16xi32>,
        %get3A_712 = arith.constant 1216 : index
        %get3A_713 = tpu.vector_load %arg11[%get3A_712] {strides = array<i32>} : memref<1664xi32, #tpu.memory_space<vmem>>, vector<16xi32>,
        %get3A_714 = vector.shape_cast %get3A_713 : vector<16xi32> to vector<16xi32>
        %swap3A_715 = arith.constant 64 : index
        %swap3A_716 = tpu.vector_load %arg12[%swap3A_715] {strides = array<i32>} : memref<128xi32, #tpu.memory_space<vmem>>, vector<16xi32>,
        %swap3A_717 = vector.shape_cast %swap3A_716 : vector<16xi32> to vector<16xi32>
        %swap3A_718 = vector.shape_cast %get3A_714 : vector<16xi32> to vector<16xi32>
        tpu.vector_store %arg12[%swap3A_715], %swap3A_718 {strides = array<i32>} : memref<128xi32, #tpu.memory_space<vmem>>, vector<16xi32>,
        %get3A_719 = arith.constant 1232 : index
        %get3A_720 = tpu.vector_load %arg11[%get3A_719] {strides = array<i32>} : memref<1664xi32, #tpu.memory_space<vmem>>, vector<16xi32>,
        %get3A_721 = vector.shape_cast %get3A_720 : vector<16xi32> to vector<16xi32>
        %swap3A_722 = arith.constant 80 : index
        %swap3A_723 = tpu.vector_load %arg12[%swap3A_722] {strides = array<i32>} : memref<128xi32, #tpu.memory_space<vmem>>, vector<16xi32>,
        %swap3A_724 = vector.shape_cast %swap3A_723 : vector<16xi32> to vector<16xi32>
        %swap3A_725 = vector.shape_cast %get3A_721 : vector<16xi32> to vector<16xi32>
        tpu.vector_store %arg12[%swap3A_722], %swap3A_725 {strides = array<i32>} : memref<128xi32, #tpu.memory_space<vmem>>, vector<16xi32>,
        %get3A_726 = arith.constant 1248 : index
        %get3A_727 = tpu.vector_load %arg11[%get3A_726] {strides = array<i32>} : memref<1664xi32, #tpu.memory_space<vmem>>, vector<16xi32>,
        %get3A_728 = vector.shape_cast %get3A_727 : vector<16xi32> to vector<16xi32>
        %swap3A_729 = arith.constant 96 : index
        %swap3A_730 = tpu.vector_load %arg12[%swap3A_729] {strides = array<i32>} : memref<128xi32, #tpu.memory_space<vmem>>, vector<16xi32>,
        %swap3A_731 = vector.shape_cast %swap3A_730 : vector<16xi32> to vector<16xi32>
        %swap3A_732 = vector.shape_cast %get3A_728 : vector<16xi32> to vector<16xi32>
        tpu.vector_store %arg12[%swap3A_729], %swap3A_732 {strides = array<i32>} : memref<128xi32, #tpu.memory_space<vmem>>, vector<16xi32>,
        %get3A_733 = arith.constant 1264 : index
        %get3A_734 = tpu.vector_load %arg11[%get3A_733] {strides = array<i32>} : memref<1664xi32, #tpu.memory_space<vmem>>, vector<16xi32>,
        %get3A_735 = vector.shape_cast %get3A_734 : vector<16xi32> to vector<16xi32>
        %swap3A_736 = arith.constant 112 : index
        %swap3A_737 = tpu.vector_load %arg12[%swap3A_736] {strides = array<i32>} : memref<128xi32, #tpu.memory_space<vmem>>, vector<16xi32>,
        %swap3A_738 = vector.shape_cast %swap3A_737 : vector<16xi32> to vector<16xi32>
        %swap3A_739 = vector.shape_cast %get3A_735 : vector<16xi32> to vector<16xi32>
        tpu.vector_store %arg12[%swap3A_736], %swap3A_739 {strides = array<i32>} : memref<128xi32, #tpu.memory_space<vmem>>, vector<16xi32>,
        %dma_start3A_740 = arith.constant 1280 : i32
        %dma_start3A_741 = tpu.memref_slice %arg10[%dma_start3A_740] : memref<1664xi32, #tpu.memory_space<vmem>> -> memref<128xi32, #tpu.memory_space<vmem>>
        %dma_start3A_742 = arith.constant 0 : i32
        %dma_start3A_743 = arith.constant 0 : i32
        %dma_start3A_744 = tpu.memref_slice %arg4[%dma_start3A_742, %dma_start3A_743] : memref<10000x128xf32, #tpu.memory_space<hbm>> -> memref<10000x128xf32, #tpu.memory_space<hbm>>
        tpu.enqueue_indirect_dma source(%dma_start3A_744 : memref<10000x128xf32, #tpu.memory_space<hbm>>) target(%arg17 : memref<128x128xf32, #tpu.memory_space<vmem>>) offsets(%dma_start3A_741 : memref<128xi32, #tpu.memory_space<vmem>>) semaphore(%arg20 : memref<!tpu.dma_semaphore, #tpu.memory_space<semaphore_mem>>)
        %dma_wait3A_745 = arith.constant 1152 : i32
        %dma_wait3A_746 = tpu.memref_slice %arg10[%dma_wait3A_745] : memref<1664xi32, #tpu.memory_space<vmem>> -> memref<128xi32, #tpu.memory_space<vmem>>
        %dma_wait3A_747 = arith.constant 0 : i32
        %dma_wait3A_748 = arith.constant 0 : i32
        %dma_wait3A_749 = tpu.memref_slice %arg4[%dma_wait3A_747, %dma_wait3A_748] : memref<10000x128xf32, #tpu.memory_space<hbm>> -> memref<10000x128xf32, #tpu.memory_space<hbm>>
        tpu.wait_indirect_dma semaphore(%arg21 : memref<!tpu.dma_semaphore, #tpu.memory_space<semaphore_mem>>) src(%dma_wait3A_749 : memref<10000x128xf32, #tpu.memory_space<hbm>>) dst(%arg18 : memref<128x128xf32, #tpu.memory_space<vmem>>)
        "tpu.region"() ({
          %run_scoped3A = tpu.sem_alloc : memref<!tpu.dma_semaphore, #tpu.memory_space<semaphore_mem>>
          %dma_start3A_877 = arith.constant 0 : i32
          %dma_start3A_878 = arith.constant 0 : i32
          %dma_start3A_879 = tpu.memref_slice %arg19[%dma_start3A_877, %dma_start3A_878] : memref<10240x128xf32, #tpu.memory_space<vmem_shared>> -> memref<10240x128xf32, #tpu.memory_space<vmem_shared>>
          tpu.enqueue_indirect_dma source(%arg18 : memref<128x128xf32, #tpu.memory_space<vmem>>) target(%dma_start3A_879 : memref<10240x128xf32, #tpu.memory_space<vmem_shared>>) offsets(%arg12 : memref<128xi32, #tpu.memory_space<vmem>>) semaphore(%run_scoped3A : memref<!tpu.dma_semaphore, #tpu.memory_space<semaphore_mem>>) {add = true}
          %dma_wait3A_880 = arith.constant 0 : i32
          %dma_wait3A_881 = arith.constant 0 : i32
          %dma_wait3A_882 = tpu.memref_slice %arg19[%dma_wait3A_880, %dma_wait3A_881] : memref<10240x128xf32, #tpu.memory_space<vmem_shared>> -> memref<10240x128xf32, #tpu.memory_space<vmem_shared>>
          tpu.wait_indirect_dma semaphore(%run_scoped3A : memref<!tpu.dma_semaphore, #tpu.memory_space<semaphore_mem>>) src(%arg18 : memref<128x128xf32, #tpu.memory_space<vmem>>) dst(%dma_wait3A_882 : memref<10240x128xf32, #tpu.memory_space<vmem_shared>>)
          tpu.yield
        }) : () -> ()
        %get3A_750 = arith.constant 1280 : index
        %get3A_751 = tpu.vector_load %arg11[%get3A_750] {strides = array<i32>} : memref<1664xi32, #tpu.memory_space<vmem>>, vector<16xi32>,
        %get3A_752 = vector.shape_cast %get3A_751 : vector<16xi32> to vector<16xi32>
        %swap3A_753 = arith.constant 0 : index
        %swap3A_754 = tpu.vector_load %arg12[%swap3A_753] {strides = array<i32>} : memref<128xi32, #tpu.memory_space<vmem>>, vector<16xi32>,
        %swap3A_755 = vector.shape_cast %swap3A_754 : vector<16xi32> to vector<16xi32>
        %swap3A_756 = vector.shape_cast %get3A_752 : vector<16xi32> to vector<16xi32>
        tpu.vector_store %arg12[%swap3A_753], %swap3A_756 {strides = array<i32>} : memref<128xi32, #tpu.memory_space<vmem>>, vector<16xi32>,
        %get3A_757 = arith.constant 1296 : index
        %get3A_758 = tpu.vector_load %arg11[%get3A_757] {strides = array<i32>} : memref<1664xi32, #tpu.memory_space<vmem>>, vector<16xi32>,
        %get3A_759 = vector.shape_cast %get3A_758 : vector<16xi32> to vector<16xi32>
        %swap3A_760 = arith.constant 16 : index
        %swap3A_761 = tpu.vector_load %arg12[%swap3A_760] {strides = array<i32>} : memref<128xi32, #tpu.memory_space<vmem>>, vector<16xi32>,
        %swap3A_762 = vector.shape_cast %swap3A_761 : vector<16xi32> to vector<16xi32>
        %swap3A_763 = vector.shape_cast %get3A_759 : vector<16xi32> to vector<16xi32>
        tpu.vector_store %arg12[%swap3A_760], %swap3A_763 {strides = array<i32>} : memref<128xi32, #tpu.memory_space<vmem>>, vector<16xi32>,
        %get3A_764 = arith.constant 1312 : index
        %get3A_765 = tpu.vector_load %arg11[%get3A_764] {strides = array<i32>} : memref<1664xi32, #tpu.memory_space<vmem>>, vector<16xi32>,
        %get3A_766 = vector.shape_cast %get3A_765 : vector<16xi32> to vector<16xi32>
        %swap3A_767 = arith.constant 32 : index
        %swap3A_768 = tpu.vector_load %arg12[%swap3A_767] {strides = array<i32>} : memref<128xi32, #tpu.memory_space<vmem>>, vector<16xi32>,
        %swap3A_769 = vector.shape_cast %swap3A_768 : vector<16xi32> to vector<16xi32>
        %swap3A_770 = vector.shape_cast %get3A_766 : vector<16xi32> to vector<16xi32>
        tpu.vector_store %arg12[%swap3A_767], %swap3A_770 {strides = array<i32>} : memref<128xi32, #tpu.memory_space<vmem>>, vector<16xi32>,
        %get3A_771 = arith.constant 1328 : index
        %get3A_772 = tpu.vector_load %arg11[%get3A_771] {strides = array<i32>} : memref<1664xi32, #tpu.memory_space<vmem>>, vector<16xi32>,
        %get3A_773 = vector.shape_cast %get3A_772 : vector<16xi32> to vector<16xi32>
        %swap3A_774 = arith.constant 48 : index
        %swap3A_775 = tpu.vector_load %arg12[%swap3A_774] {strides = array<i32>} : memref<128xi32, #tpu.memory_space<vmem>>, vector<16xi32>,
        %swap3A_776 = vector.shape_cast %swap3A_775 : vector<16xi32> to vector<16xi32>
        %swap3A_777 = vector.shape_cast %get3A_773 : vector<16xi32> to vector<16xi32>
        tpu.vector_store %arg12[%swap3A_774], %swap3A_777 {strides = array<i32>} : memref<128xi32, #tpu.memory_space<vmem>>, vector<16xi32>,
        %get3A_778 = arith.constant 1344 : index
        %get3A_779 = tpu.vector_load %arg11[%get3A_778] {strides = array<i32>} : memref<1664xi32, #tpu.memory_space<vmem>>, vector<16xi32>,
        %get3A_780 = vector.shape_cast %get3A_779 : vector<16xi32> to vector<16xi32>
        %swap3A_781 = arith.constant 64 : index
        %swap3A_782 = tpu.vector_load %arg12[%swap3A_781] {strides = array<i32>} : memref<128xi32, #tpu.memory_space<vmem>>, vector<16xi32>,
        %swap3A_783 = vector.shape_cast %swap3A_782 : vector<16xi32> to vector<16xi32>
        %swap3A_784 = vector.shape_cast %get3A_780 : vector<16xi32> to vector<16xi32>
        tpu.vector_store %arg12[%swap3A_781], %swap3A_784 {strides = array<i32>} : memref<128xi32, #tpu.memory_space<vmem>>, vector<16xi32>,
        %get3A_785 = arith.constant 1360 : index
        %get3A_786 = tpu.vector_load %arg11[%get3A_785] {strides = array<i32>} : memref<1664xi32, #tpu.memory_space<vmem>>, vector<16xi32>,
        %get3A_787 = vector.shape_cast %get3A_786 : vector<16xi32> to vector<16xi32>
        %swap3A_788 = arith.constant 80 : index
        %swap3A_789 = tpu.vector_load %arg12[%swap3A_788] {strides = array<i32>} : memref<128xi32, #tpu.memory_space<vmem>>, vector<16xi32>,
        %swap3A_790 = vector.shape_cast %swap3A_789 : vector<16xi32> to vector<16xi32>
        %swap3A_791 = vector.shape_cast %get3A_787 : vector<16xi32> to vector<16xi32>
        tpu.vector_store %arg12[%swap3A_788], %swap3A_791 {strides = array<i32>} : memref<128xi32, #tpu.memory_space<vmem>>, vector<16xi32>,
        %get3A_792 = arith.constant 1376 : index
        %get3A_793 = tpu.vector_load %arg11[%get3A_792] {strides = array<i32>} : memref<1664xi32, #tpu.memory_space<vmem>>, vector<16xi32>,
        %get3A_794 = vector.shape_cast %get3A_793 : vector<16xi32> to vector<16xi32>
        %swap3A_795 = arith.constant 96 : index
        %swap3A_796 = tpu.vector_load %arg12[%swap3A_795] {strides = array<i32>} : memref<128xi32, #tpu.memory_space<vmem>>, vector<16xi32>,
        %swap3A_797 = vector.shape_cast %swap3A_796 : vector<16xi32> to vector<16xi32>
        %swap3A_798 = vector.shape_cast %get3A_794 : vector<16xi32> to vector<16xi32>
        tpu.vector_store %arg12[%swap3A_795], %swap3A_798 {strides = array<i32>} : memref<128xi32, #tpu.memory_space<vmem>>, vector<16xi32>,
        %get3A_799 = arith.constant 1392 : index
        %get3A_800 = tpu.vector_load %arg11[%get3A_799] {strides = array<i32>} : memref<1664xi32, #tpu.memory_space<vmem>>, vector<16xi32>,
        %get3A_801 = vector.shape_cast %get3A_800 : vector<16xi32> to vector<16xi32>
        %swap3A_802 = arith.constant 112 : index
        %swap3A_803 = tpu.vector_load %arg12[%swap3A_802] {strides = array<i32>} : memref<128xi32, #tpu.memory_space<vmem>>, vector<16xi32>,
        %swap3A_804 = vector.shape_cast %swap3A_803 : vector<16xi32> to vector<16xi32>
        %swap3A_805 = vector.shape_cast %get3A_801 : vector<16xi32> to vector<16xi32>
        tpu.vector_store %arg12[%swap3A_802], %swap3A_805 {strides = array<i32>} : memref<128xi32, #tpu.memory_space<vmem>>, vector<16xi32>,
        %dma_start3A_806 = arith.constant 1408 : i32
        %dma_start3A_807 = tpu.memref_slice %arg10[%dma_start3A_806] : memref<1664xi32, #tpu.memory_space<vmem>> -> memref<128xi32, #tpu.memory_space<vmem>>
        %dma_start3A_808 = arith.constant 0 : i32
        %dma_start3A_809 = arith.constant 0 : i32
        %dma_start3A_810 = tpu.memref_slice %arg4[%dma_start3A_808, %dma_start3A_809] : memref<10000x128xf32, #tpu.memory_space<hbm>> -> memref<10000x128xf32, #tpu.memory_space<hbm>>
        tpu.enqueue_indirect_dma source(%dma_start3A_810 : memref<10000x128xf32, #tpu.memory_space<hbm>>) target(%arg18 : memref<128x128xf32, #tpu.memory_space<vmem>>) offsets(%dma_start3A_807 : memref<128xi32, #tpu.memory_space<vmem>>) semaphore(%arg21 : memref<!tpu.dma_semaphore, #tpu.memory_space<semaphore_mem>>)
        %dma_wait3A_811 = arith.constant 1280 : i32
        %dma_wait3A_812 = tpu.memref_slice %arg10[%dma_wait3A_811] : memref<1664xi32, #tpu.memory_space<vmem>> -> memref<128xi32, #tpu.memory_space<vmem>>
        %dma_wait3A_813 = arith.constant 0 : i32
        %dma_wait3A_814 = arith.constant 0 : i32
        %dma_wait3A_815 = tpu.memref_slice %arg4[%dma_wait3A_813, %dma_wait3A_814] : memref<10000x128xf32, #tpu.memory_space<hbm>> -> memref<10000x128xf32, #tpu.memory_space<hbm>>
        tpu.wait_indirect_dma semaphore(%arg20 : memref<!tpu.dma_semaphore, #tpu.memory_space<semaphore_mem>>) src(%dma_wait3A_815 : memref<10000x128xf32, #tpu.memory_space<hbm>>) dst(%arg17 : memref<128x128xf32, #tpu.memory_space<vmem>>)
        "tpu.region"() ({
          %run_scoped3A = tpu.sem_alloc : memref<!tpu.dma_semaphore, #tpu.memory_space<semaphore_mem>>
          %dma_start3A_877 = arith.constant 0 : i32
          %dma_start3A_878 = arith.constant 0 : i32
          %dma_start3A_879 = tpu.memref_slice %arg19[%dma_start3A_877, %dma_start3A_878] : memref<10240x128xf32, #tpu.memory_space<vmem_shared>> -> memref<10240x128xf32, #tpu.memory_space<vmem_shared>>
          tpu.enqueue_indirect_dma source(%arg17 : memref<128x128xf32, #tpu.memory_space<vmem>>) target(%dma_start3A_879 : memref<10240x128xf32, #tpu.memory_space<vmem_shared>>) offsets(%arg12 : memref<128xi32, #tpu.memory_space<vmem>>) semaphore(%run_scoped3A : memref<!tpu.dma_semaphore, #tpu.memory_space<semaphore_mem>>) {add = true}
          %dma_wait3A_880 = arith.constant 0 : i32
          %dma_wait3A_881 = arith.constant 0 : i32
          %dma_wait3A_882 = tpu.memref_slice %arg19[%dma_wait3A_880, %dma_wait3A_881] : memref<10240x128xf32, #tpu.memory_space<vmem_shared>> -> memref<10240x128xf32, #tpu.memory_space<vmem_shared>>
          tpu.wait_indirect_dma semaphore(%run_scoped3A : memref<!tpu.dma_semaphore, #tpu.memory_space<semaphore_mem>>) src(%arg17 : memref<128x128xf32, #tpu.memory_space<vmem>>) dst(%dma_wait3A_882 : memref<10240x128xf32, #tpu.memory_space<vmem_shared>>)
          tpu.yield
        }) : () -> ()
        %get3A_816 = arith.constant 1408 : index
        %get3A_817 = tpu.vector_load %arg11[%get3A_816] {strides = array<i32>} : memref<1664xi32, #tpu.memory_space<vmem>>, vector<16xi32>,
        %get3A_818 = vector.shape_cast %get3A_817 : vector<16xi32> to vector<16xi32>
        %swap3A_819 = arith.constant 0 : index
        %swap3A_820 = tpu.vector_load %arg12[%swap3A_819] {strides = array<i32>} : memref<128xi32, #tpu.memory_space<vmem>>, vector<16xi32>,
        %swap3A_821 = vector.shape_cast %swap3A_820 : vector<16xi32> to vector<16xi32>
        %swap3A_822 = vector.shape_cast %get3A_818 : vector<16xi32> to vector<16xi32>
        tpu.vector_store %arg12[%swap3A_819], %swap3A_822 {strides = array<i32>} : memref<128xi32, #tpu.memory_space<vmem>>, vector<16xi32>,
        %get3A_823 = arith.constant 1424 : index
        %get3A_824 = tpu.vector_load %arg11[%get3A_823] {strides = array<i32>} : memref<1664xi32, #tpu.memory_space<vmem>>, vector<16xi32>,
        %get3A_825 = vector.shape_cast %get3A_824 : vector<16xi32> to vector<16xi32>
        %swap3A_826 = arith.constant 16 : index
        %swap3A_827 = tpu.vector_load %arg12[%swap3A_826] {strides = array<i32>} : memref<128xi32, #tpu.memory_space<vmem>>, vector<16xi32>,
        %swap3A_828 = vector.shape_cast %swap3A_827 : vector<16xi32> to vector<16xi32>
        %swap3A_829 = vector.shape_cast %get3A_825 : vector<16xi32> to vector<16xi32>
        tpu.vector_store %arg12[%swap3A_826], %swap3A_829 {strides = array<i32>} : memref<128xi32, #tpu.memory_space<vmem>>, vector<16xi32>,
        %get3A_830 = arith.constant 1440 : index
        %get3A_831 = tpu.vector_load %arg11[%get3A_830] {strides = array<i32>} : memref<1664xi32, #tpu.memory_space<vmem>>, vector<16xi32>,
        %get3A_832 = vector.shape_cast %get3A_831 : vector<16xi32> to vector<16xi32>
        %swap3A_833 = arith.constant 32 : index
        %swap3A_834 = tpu.vector_load %arg12[%swap3A_833] {strides = array<i32>} : memref<128xi32, #tpu.memory_space<vmem>>, vector<16xi32>,
        %swap3A_835 = vector.shape_cast %swap3A_834 : vector<16xi32> to vector<16xi32>
        %swap3A_836 = vector.shape_cast %get3A_832 : vector<16xi32> to vector<16xi32>
        tpu.vector_store %arg12[%swap3A_833], %swap3A_836 {strides = array<i32>} : memref<128xi32, #tpu.memory_space<vmem>>, vector<16xi32>,
        %get3A_837 = arith.constant 1456 : index
        %get3A_838 = tpu.vector_load %arg11[%get3A_837] {strides = array<i32>} : memref<1664xi32, #tpu.memory_space<vmem>>, vector<16xi32>,
        %get3A_839 = vector.shape_cast %get3A_838 : vector<16xi32> to vector<16xi32>
        %swap3A_840 = arith.constant 48 : index
        %swap3A_841 = tpu.vector_load %arg12[%swap3A_840] {strides = array<i32>} : memref<128xi32, #tpu.memory_space<vmem>>, vector<16xi32>,
        %swap3A_842 = vector.shape_cast %swap3A_841 : vector<16xi32> to vector<16xi32>
        %swap3A_843 = vector.shape_cast %get3A_839 : vector<16xi32> to vector<16xi32>
        tpu.vector_store %arg12[%swap3A_840], %swap3A_843 {strides = array<i32>} : memref<128xi32, #tpu.memory_space<vmem>>, vector<16xi32>,
        %get3A_844 = arith.constant 1472 : index
        %get3A_845 = tpu.vector_load %arg11[%get3A_844] {strides = array<i32>} : memref<1664xi32, #tpu.memory_space<vmem>>, vector<16xi32>,
        %get3A_846 = vector.shape_cast %get3A_845 : vector<16xi32> to vector<16xi32>
        %swap3A_847 = arith.constant 64 : index
        %swap3A_848 = tpu.vector_load %arg12[%swap3A_847] {strides = array<i32>} : memref<128xi32, #tpu.memory_space<vmem>>, vector<16xi32>,
        %swap3A_849 = vector.shape_cast %swap3A_848 : vector<16xi32> to vector<16xi32>
        %swap3A_850 = vector.shape_cast %get3A_846 : vector<16xi32> to vector<16xi32>
        tpu.vector_store %arg12[%swap3A_847], %swap3A_850 {strides = array<i32>} : memref<128xi32, #tpu.memory_space<vmem>>, vector<16xi32>,
        %get3A_851 = arith.constant 1488 : index
        %get3A_852 = tpu.vector_load %arg11[%get3A_851] {strides = array<i32>} : memref<1664xi32, #tpu.memory_space<vmem>>, vector<16xi32>,
        %get3A_853 = vector.shape_cast %get3A_852 : vector<16xi32> to vector<16xi32>
        %swap3A_854 = arith.constant 80 : index
        %swap3A_855 = tpu.vector_load %arg12[%swap3A_854] {strides = array<i32>} : memref<128xi32, #tpu.memory_space<vmem>>, vector<16xi32>,
        %swap3A_856 = vector.shape_cast %swap3A_855 : vector<16xi32> to vector<16xi32>
        %swap3A_857 = vector.shape_cast %get3A_853 : vector<16xi32> to vector<16xi32>
        tpu.vector_store %arg12[%swap3A_854], %swap3A_857 {strides = array<i32>} : memref<128xi32, #tpu.memory_space<vmem>>, vector<16xi32>,
        %get3A_858 = arith.constant 1504 : index
        %get3A_859 = tpu.vector_load %arg11[%get3A_858] {strides = array<i32>} : memref<1664xi32, #tpu.memory_space<vmem>>, vector<16xi32>,
        %get3A_860 = vector.shape_cast %get3A_859 : vector<16xi32> to vector<16xi32>
        %swap3A_861 = arith.constant 96 : index
        %swap3A_862 = tpu.vector_load %arg12[%swap3A_861] {strides = array<i32>} : memref<128xi32, #tpu.memory_space<vmem>>, vector<16xi32>,
        %swap3A_863 = vector.shape_cast %swap3A_862 : vector<16xi32> to vector<16xi32>
        %swap3A_864 = vector.shape_cast %get3A_860 : vector<16xi32> to vector<16xi32>
        tpu.vector_store %arg12[%swap3A_861], %swap3A_864 {strides = array<i32>} : memref<128xi32, #tpu.memory_space<vmem>>, vector<16xi32>,
        %get3A_865 = arith.constant 1520 : index
        %get3A_866 = tpu.vector_load %arg11[%get3A_865] {strides = array<i32>} : memref<1664xi32, #tpu.memory_space<vmem>>, vector<16xi32>,
        %get3A_867 = vector.shape_cast %get3A_866 : vector<16xi32> to vector<16xi32>
        %swap3A_868 = arith.constant 112 : index
        %swap3A_869 = tpu.vector_load %arg12[%swap3A_868] {strides = array<i32>} : memref<128xi32, #tpu.memory_space<vmem>>, vector<16xi32>,
        %swap3A_870 = vector.shape_cast %swap3A_869 : vector<16xi32> to vector<16xi32>
        %swap3A_871 = vector.shape_cast %get3A_867 : vector<16xi32> to vector<16xi32>
        tpu.vector_store %arg12[%swap3A_868], %swap3A_871 {strides = array<i32>} : memref<128xi32, #tpu.memory_space<vmem>>, vector<16xi32>,
        %dma_wait3A_872 = arith.constant 1408 : i32
        %dma_wait3A_873 = tpu.memref_slice %arg10[%dma_wait3A_872] : memref<1664xi32, #tpu.memory_space<vmem>> -> memref<128xi32, #tpu.memory_space<vmem>>
        %dma_wait3A_874 = arith.constant 0 : i32
        %dma_wait3A_875 = arith.constant 0 : i32
        %dma_wait3A_876 = tpu.memref_slice %arg4[%dma_wait3A_874, %dma_wait3A_875] : memref<10000x128xf32, #tpu.memory_space<hbm>> -> memref<10000x128xf32, #tpu.memory_space<hbm>>
        tpu.wait_indirect_dma semaphore(%arg21 : memref<!tpu.dma_semaphore, #tpu.memory_space<semaphore_mem>>) src(%dma_wait3A_876 : memref<10000x128xf32, #tpu.memory_space<hbm>>) dst(%arg18 : memref<128x128xf32, #tpu.memory_space<vmem>>)
        "tpu.region"() ({
          %run_scoped3A = tpu.sem_alloc : memref<!tpu.dma_semaphore, #tpu.memory_space<semaphore_mem>>
          %dma_start3A_877 = arith.constant 0 : i32
          %dma_start3A_878 = arith.constant 0 : i32
          %dma_start3A_879 = tpu.memref_slice %arg19[%dma_start3A_877, %dma_start3A_878] : memref<10240x128xf32, #tpu.memory_space<vmem_shared>> -> memref<10240x128xf32, #tpu.memory_space<vmem_shared>>
          tpu.enqueue_indirect_dma source(%arg18 : memref<128x128xf32, #tpu.memory_space<vmem>>) target(%dma_start3A_879 : memref<10240x128xf32, #tpu.memory_space<vmem_shared>>) offsets(%arg12 : memref<128xi32, #tpu.memory_space<vmem>>) semaphore(%run_scoped3A : memref<!tpu.dma_semaphore, #tpu.memory_space<semaphore_mem>>) {add = true}
          %dma_wait3A_880 = arith.constant 0 : i32
          %dma_wait3A_881 = arith.constant 0 : i32
          %dma_wait3A_882 = tpu.memref_slice %arg19[%dma_wait3A_880, %dma_wait3A_881] : memref<10240x128xf32, #tpu.memory_space<vmem_shared>> -> memref<10240x128xf32, #tpu.memory_space<vmem_shared>>
          tpu.wait_indirect_dma semaphore(%run_scoped3A : memref<!tpu.dma_semaphore, #tpu.memory_space<semaphore_mem>>) src(%arg18 : memref<128x128xf32, #tpu.memory_space<vmem>>) dst(%dma_wait3A_882 : memref<10240x128xf32, #tpu.memory_space<vmem_shared>>)
          tpu.yield
        }) : () -> ()
      }
      %scan3A_77 = arith.constant 13 : i32
      %lt3A_78 = arith.constant 4 : i32
      %lt3A_79 = arith.cmpi slt, %arg1, %lt3A_78 : i32
      %convert_element_type3A_80 = arith.extui %lt3A_79 : i1 to i32
      %cond3A_81 = arith.constant 0 : i32
      %cond3A_82 = arith.cmpi ne, %convert_element_type3A_80, %cond3A_81 : i32
      scf.if %cond3A_82 {
        %add3A_83 = arith.constant 156 : i32
        %add3A_84 = arith.addi %add3A_13, %add3A_83 : i32
        %mul3A_85 = arith.constant 128 : i32
        %mul3A_86 = arith.muli %add3A_84, %mul3A_85 : i32
        "tpu.region"() ({
          %run_scoped3A = tpu.sem_alloc : memref<!tpu.dma_semaphore, #tpu.memory_space<semaphore_mem>>
          %dma_start3A_91 = tpu.memref_slice %arg2[%mul3A_86] : memref<320000xi32, #tpu.memory_space<hbm>> -> memref<128xi32, #tpu.memory_space<hbm>>
          %dma_start3A_92 = tpu.memref_slice %arg2[%mul3A_86] : memref<320000xi32, #tpu.memory_space<hbm>> -> memref<128xi32, #tpu.memory_space<hbm>>
          tpu.enqueue_dma source(%dma_start3A_92 : memref<128xi32, #tpu.memory_space<hbm>>) target(%arg13 : memref<128xi32, #tpu.memory_space<vmem>>) target_semaphore(%run_scoped3A : memref<!tpu.dma_semaphore, #tpu.memory_space<semaphore_mem>>)
          %dma_wait3A_93 = tpu.memref_slice %arg2[%mul3A_86] : memref<320000xi32, #tpu.memory_space<hbm>> -> memref<128xi32, #tpu.memory_space<hbm>>
          %dma_wait3A_94 = tpu.memref_slice %arg2[%mul3A_86] : memref<320000xi32, #tpu.memory_space<hbm>> -> memref<128xi32, #tpu.memory_space<hbm>>
          tpu.wait_dma2 semaphore(%run_scoped3A : memref<!tpu.dma_semaphore, #tpu.memory_space<semaphore_mem>>) src(%dma_wait3A_94 : memref<128xi32, #tpu.memory_space<hbm>>) dst(%arg13 : memref<128xi32, #tpu.memory_space<vmem>>)
          tpu.yield
        }) : () -> ()
        "tpu.region"() ({
          %run_scoped3A = tpu.sem_alloc : memref<!tpu.dma_semaphore, #tpu.memory_space<semaphore_mem>>
          %dma_start3A_91 = tpu.memref_slice %arg3[%mul3A_86] : memref<320000xi32, #tpu.memory_space<hbm>> -> memref<128xi32, #tpu.memory_space<hbm>>
          %dma_start3A_92 = tpu.memref_slice %arg3[%mul3A_86] : memref<320000xi32, #tpu.memory_space<hbm>> -> memref<128xi32, #tpu.memory_space<hbm>>
          tpu.enqueue_dma source(%dma_start3A_92 : memref<128xi32, #tpu.memory_space<hbm>>) target(%arg12 : memref<128xi32, #tpu.memory_space<vmem>>) target_semaphore(%run_scoped3A : memref<!tpu.dma_semaphore, #tpu.memory_space<semaphore_mem>>)
          %dma_wait3A_93 = tpu.memref_slice %arg3[%mul3A_86] : memref<320000xi32, #tpu.memory_space<hbm>> -> memref<128xi32, #tpu.memory_space<hbm>>
          %dma_wait3A_94 = tpu.memref_slice %arg3[%mul3A_86] : memref<320000xi32, #tpu.memory_space<hbm>> -> memref<128xi32, #tpu.memory_space<hbm>>
          tpu.wait_dma2 semaphore(%run_scoped3A : memref<!tpu.dma_semaphore, #tpu.memory_space<semaphore_mem>>) src(%dma_wait3A_94 : memref<128xi32, #tpu.memory_space<hbm>>) dst(%arg12 : memref<128xi32, #tpu.memory_space<vmem>>)
          tpu.yield
        }) : () -> ()
        %dma_start3A = arith.constant 0 : i32
        %dma_start3A_87 = arith.constant 0 : i32
        %dma_start3A_88 = tpu.memref_slice %arg4[%dma_start3A, %dma_start3A_87] : memref<10000x128xf32, #tpu.memory_space<hbm>> -> memref<10000x128xf32, #tpu.memory_space<hbm>>
        tpu.enqueue_indirect_dma source(%dma_start3A_88 : memref<10000x128xf32, #tpu.memory_space<hbm>>) target(%arg17 : memref<128x128xf32, #tpu.memory_space<vmem>>) offsets(%arg13 : memref<128xi32, #tpu.memory_space<vmem>>) semaphore(%arg20 : memref<!tpu.dma_semaphore, #tpu.memory_space<semaphore_mem>>)
        %dma_wait3A = arith.constant 0 : i32
        %dma_wait3A_89 = arith.constant 0 : i32
        %dma_wait3A_90 = tpu.memref_slice %arg4[%dma_wait3A, %dma_wait3A_89] : memref<10000x128xf32, #tpu.memory_space<hbm>> -> memref<10000x128xf32, #tpu.memory_space<hbm>>
        tpu.wait_indirect_dma semaphore(%arg20 : memref<!tpu.dma_semaphore, #tpu.memory_space<semaphore_mem>>) src(%dma_wait3A_90 : memref<10000x128xf32, #tpu.memory_space<hbm>>) dst(%arg17 : memref<128x128xf32, #tpu.memory_space<vmem>>)
        "tpu.region"() ({
          %run_scoped3A = tpu.sem_alloc : memref<!tpu.dma_semaphore, #tpu.memory_space<semaphore_mem>>
          %dma_start3A_91 = arith.constant 0 : i32
          %dma_start3A_92 = arith.constant 0 : i32
          %dma_start3A_93 = tpu.memref_slice %arg19[%dma_start3A_91, %dma_start3A_92] : memref<10240x128xf32, #tpu.memory_space<vmem_shared>> -> memref<10240x128xf32, #tpu.memory_space<vmem_shared>>
          tpu.enqueue_indirect_dma source(%arg17 : memref<128x128xf32, #tpu.memory_space<vmem>>) target(%dma_start3A_93 : memref<10240x128xf32, #tpu.memory_space<vmem_shared>>) offsets(%arg12 : memref<128xi32, #tpu.memory_space<vmem>>) semaphore(%run_scoped3A : memref<!tpu.dma_semaphore, #tpu.memory_space<semaphore_mem>>) {add = true}
          %dma_wait3A_94 = arith.constant 0 : i32
          %dma_wait3A_95 = arith.constant 0 : i32
          %dma_wait3A_96 = tpu.memref_slice %arg19[%dma_wait3A_94, %dma_wait3A_95] : memref<10240x128xf32, #tpu.memory_space<vmem_shared>> -> memref<10240x128xf32, #tpu.memory_space<vmem_shared>>
          tpu.wait_indirect_dma semaphore(%run_scoped3A : memref<!tpu.dma_semaphore, #tpu.memory_space<semaphore_mem>>) src(%arg17 : memref<128x128xf32, #tpu.memory_space<vmem>>) dst(%dma_wait3A_96 : memref<10240x128xf32, #tpu.memory_space<vmem_shared>>)
          tpu.yield
        }) : () -> ()
      } else {
      }
    } else {
    }
    %eq3A_16 = arith.constant 1 : i32
    %eq3A_17 = arith.cmpi eq, %arg0, %eq3A_16 : i32
    %convert_element_type3A_18 = arith.extui %eq3A_17 : i1 to i32
    %cond3A_19 = arith.constant 0 : i32
    %cond3A_20 = arith.cmpi ne, %convert_element_type3A_18, %cond3A_19 : i32
    scf.if %cond3A_20 {
      %scan3A_72 = arith.constant 0 : i32
      %scan3A_73 = arith.constant 0 : i32
      %scan3A_74 = arith.constant 13 : i32
      %scan3A_75 = arith.addi %scan3A_73, %scan3A_74 : i32
      %scan3A_76 = arith.constant 1 : i32
      scf.for %scan3A_83 = %scan3A_73 to %scan3A_75 step %scan3A_76  : i32 {
        %mul3A_84 = arith.constant 12 : i32
        %mul3A_85 = arith.muli %scan3A_83, %mul3A_84 : i32
        %add3A_86 = arith.addi %add3A_13, %mul3A_85 : i32
        %mul3A_87 = arith.constant 128 : i32
        %mul3A_88 = arith.muli %add3A_86, %mul3A_87 : i32
        "tpu.region"() ({
          %run_scoped3A = tpu.sem_alloc : memref<!tpu.dma_semaphore, #tpu.memory_space<semaphore_mem>>
          %dma_start3A_877 = arith.constant 0 : i32
          %dma_start3A_878 = tpu.memref_slice %arg10[%dma_start3A_877] : memref<1664xi32, #tpu.memory_space<vmem>> -> memref<1536xi32, #tpu.memory_space<vmem>>
          %dma_start3A_879 = tpu.memref_slice %arg2[%mul3A_88] : memref<320000xi32, #tpu.memory_space<hbm>> -> memref<1536xi32, #tpu.memory_space<hbm>>
          %dma_start3A_880 = arith.constant 0 : i32
          %dma_start3A_881 = tpu.memref_slice %arg10[%dma_start3A_880] : memref<1664xi32, #tpu.memory_space<vmem>> -> memref<1536xi32, #tpu.memory_space<vmem>>
          %dma_start3A_882 = tpu.memref_slice %arg2[%mul3A_88] : memref<320000xi32, #tpu.memory_space<hbm>> -> memref<1536xi32, #tpu.memory_space<hbm>>
          tpu.enqueue_dma source(%dma_start3A_882 : memref<1536xi32, #tpu.memory_space<hbm>>) target(%dma_start3A_881 : memref<1536xi32, #tpu.memory_space<vmem>>) target_semaphore(%run_scoped3A : memref<!tpu.dma_semaphore, #tpu.memory_space<semaphore_mem>>)
          %dma_wait3A_883 = arith.constant 0 : i32
          %dma_wait3A_884 = tpu.memref_slice %arg10[%dma_wait3A_883] : memref<1664xi32, #tpu.memory_space<vmem>> -> memref<1536xi32, #tpu.memory_space<vmem>>
          %dma_wait3A_885 = tpu.memref_slice %arg2[%mul3A_88] : memref<320000xi32, #tpu.memory_space<hbm>> -> memref<1536xi32, #tpu.memory_space<hbm>>
          %dma_wait3A_886 = arith.constant 0 : i32
          %dma_wait3A_887 = tpu.memref_slice %arg10[%dma_wait3A_886] : memref<1664xi32, #tpu.memory_space<vmem>> -> memref<1536xi32, #tpu.memory_space<vmem>>
          %dma_wait3A_888 = tpu.memref_slice %arg2[%mul3A_88] : memref<320000xi32, #tpu.memory_space<hbm>> -> memref<1536xi32, #tpu.memory_space<hbm>>
          tpu.wait_dma2 semaphore(%run_scoped3A : memref<!tpu.dma_semaphore, #tpu.memory_space<semaphore_mem>>) src(%dma_wait3A_888 : memref<1536xi32, #tpu.memory_space<hbm>>) dst(%dma_wait3A_887 : memref<1536xi32, #tpu.memory_space<vmem>>)
          tpu.yield
        }) : () -> ()
        "tpu.region"() ({
          %run_scoped3A = tpu.sem_alloc : memref<!tpu.dma_semaphore, #tpu.memory_space<semaphore_mem>>
          %dma_start3A_877 = arith.constant 0 : i32
          %dma_start3A_878 = tpu.memref_slice %arg11[%dma_start3A_877] : memref<1664xi32, #tpu.memory_space<vmem>> -> memref<1536xi32, #tpu.memory_space<vmem>>
          %dma_start3A_879 = tpu.memref_slice %arg3[%mul3A_88] : memref<320000xi32, #tpu.memory_space<hbm>> -> memref<1536xi32, #tpu.memory_space<hbm>>
          %dma_start3A_880 = arith.constant 0 : i32
          %dma_start3A_881 = tpu.memref_slice %arg11[%dma_start3A_880] : memref<1664xi32, #tpu.memory_space<vmem>> -> memref<1536xi32, #tpu.memory_space<vmem>>
          %dma_start3A_882 = tpu.memref_slice %arg3[%mul3A_88] : memref<320000xi32, #tpu.memory_space<hbm>> -> memref<1536xi32, #tpu.memory_space<hbm>>
          tpu.enqueue_dma source(%dma_start3A_882 : memref<1536xi32, #tpu.memory_space<hbm>>) target(%dma_start3A_881 : memref<1536xi32, #tpu.memory_space<vmem>>) target_semaphore(%run_scoped3A : memref<!tpu.dma_semaphore, #tpu.memory_space<semaphore_mem>>)
          %dma_wait3A_883 = arith.constant 0 : i32
          %dma_wait3A_884 = tpu.memref_slice %arg11[%dma_wait3A_883] : memref<1664xi32, #tpu.memory_space<vmem>> -> memref<1536xi32, #tpu.memory_space<vmem>>
          %dma_wait3A_885 = tpu.memref_slice %arg3[%mul3A_88] : memref<320000xi32, #tpu.memory_space<hbm>> -> memref<1536xi32, #tpu.memory_space<hbm>>
          %dma_wait3A_886 = arith.constant 0 : i32
          %dma_wait3A_887 = tpu.memref_slice %arg11[%dma_wait3A_886] : memref<1664xi32, #tpu.memory_space<vmem>> -> memref<1536xi32, #tpu.memory_space<vmem>>
          %dma_wait3A_888 = tpu.memref_slice %arg3[%mul3A_88] : memref<320000xi32, #tpu.memory_space<hbm>> -> memref<1536xi32, #tpu.memory_space<hbm>>
          tpu.wait_dma2 semaphore(%run_scoped3A : memref<!tpu.dma_semaphore, #tpu.memory_space<semaphore_mem>>) src(%dma_wait3A_888 : memref<1536xi32, #tpu.memory_space<hbm>>) dst(%dma_wait3A_887 : memref<1536xi32, #tpu.memory_space<vmem>>)
          tpu.yield
        }) : () -> ()
        %dma_start3A = arith.constant 0 : i32
        %dma_start3A_89 = tpu.memref_slice %arg10[%dma_start3A] : memref<1664xi32, #tpu.memory_space<vmem>> -> memref<128xi32, #tpu.memory_space<vmem>>
        %dma_start3A_90 = arith.constant 0 : i32
        %dma_start3A_91 = arith.constant 0 : i32
        %dma_start3A_92 = tpu.memref_slice %arg5[%dma_start3A_90, %dma_start3A_91] : memref<10000x128xf32, #tpu.memory_space<hbm>> -> memref<10000x128xf32, #tpu.memory_space<hbm>>
        tpu.enqueue_indirect_dma source(%dma_start3A_92 : memref<10000x128xf32, #tpu.memory_space<hbm>>) target(%arg17 : memref<128x128xf32, #tpu.memory_space<vmem>>) offsets(%dma_start3A_89 : memref<128xi32, #tpu.memory_space<vmem>>) semaphore(%arg20 : memref<!tpu.dma_semaphore, #tpu.memory_space<semaphore_mem>>)
        %get3A = arith.constant 0 : index
        %get3A_93 = tpu.vector_load %arg11[%get3A] {strides = array<i32>} : memref<1664xi32, #tpu.memory_space<vmem>>, vector<16xi32>,
        %get3A_94 = vector.shape_cast %get3A_93 : vector<16xi32> to vector<16xi32>
        %swap3A = arith.constant 0 : index
        %swap3A_95 = tpu.vector_load %arg12[%swap3A] {strides = array<i32>} : memref<128xi32, #tpu.memory_space<vmem>>, vector<16xi32>,
        %swap3A_96 = vector.shape_cast %swap3A_95 : vector<16xi32> to vector<16xi32>
        %swap3A_97 = vector.shape_cast %get3A_94 : vector<16xi32> to vector<16xi32>
        tpu.vector_store %arg12[%swap3A], %swap3A_97 {strides = array<i32>} : memref<128xi32, #tpu.memory_space<vmem>>, vector<16xi32>,
        %get3A_98 = arith.constant 16 : index
        %get3A_99 = tpu.vector_load %arg11[%get3A_98] {strides = array<i32>} : memref<1664xi32, #tpu.memory_space<vmem>>, vector<16xi32>,
        %get3A_100 = vector.shape_cast %get3A_99 : vector<16xi32> to vector<16xi32>
        %swap3A_101 = arith.constant 16 : index
        %swap3A_102 = tpu.vector_load %arg12[%swap3A_101] {strides = array<i32>} : memref<128xi32, #tpu.memory_space<vmem>>, vector<16xi32>,
        %swap3A_103 = vector.shape_cast %swap3A_102 : vector<16xi32> to vector<16xi32>
        %swap3A_104 = vector.shape_cast %get3A_100 : vector<16xi32> to vector<16xi32>
        tpu.vector_store %arg12[%swap3A_101], %swap3A_104 {strides = array<i32>} : memref<128xi32, #tpu.memory_space<vmem>>, vector<16xi32>,
        %get3A_105 = arith.constant 32 : index
        %get3A_106 = tpu.vector_load %arg11[%get3A_105] {strides = array<i32>} : memref<1664xi32, #tpu.memory_space<vmem>>, vector<16xi32>,
        %get3A_107 = vector.shape_cast %get3A_106 : vector<16xi32> to vector<16xi32>
        %swap3A_108 = arith.constant 32 : index
        %swap3A_109 = tpu.vector_load %arg12[%swap3A_108] {strides = array<i32>} : memref<128xi32, #tpu.memory_space<vmem>>, vector<16xi32>,
        %swap3A_110 = vector.shape_cast %swap3A_109 : vector<16xi32> to vector<16xi32>
        %swap3A_111 = vector.shape_cast %get3A_107 : vector<16xi32> to vector<16xi32>
        tpu.vector_store %arg12[%swap3A_108], %swap3A_111 {strides = array<i32>} : memref<128xi32, #tpu.memory_space<vmem>>, vector<16xi32>,
        %get3A_112 = arith.constant 48 : index
        %get3A_113 = tpu.vector_load %arg11[%get3A_112] {strides = array<i32>} : memref<1664xi32, #tpu.memory_space<vmem>>, vector<16xi32>,
        %get3A_114 = vector.shape_cast %get3A_113 : vector<16xi32> to vector<16xi32>
        %swap3A_115 = arith.constant 48 : index
        %swap3A_116 = tpu.vector_load %arg12[%swap3A_115] {strides = array<i32>} : memref<128xi32, #tpu.memory_space<vmem>>, vector<16xi32>,
        %swap3A_117 = vector.shape_cast %swap3A_116 : vector<16xi32> to vector<16xi32>
        %swap3A_118 = vector.shape_cast %get3A_114 : vector<16xi32> to vector<16xi32>
        tpu.vector_store %arg12[%swap3A_115], %swap3A_118 {strides = array<i32>} : memref<128xi32, #tpu.memory_space<vmem>>, vector<16xi32>,
        %get3A_119 = arith.constant 64 : index
        %get3A_120 = tpu.vector_load %arg11[%get3A_119] {strides = array<i32>} : memref<1664xi32, #tpu.memory_space<vmem>>, vector<16xi32>,
        %get3A_121 = vector.shape_cast %get3A_120 : vector<16xi32> to vector<16xi32>
        %swap3A_122 = arith.constant 64 : index
        %swap3A_123 = tpu.vector_load %arg12[%swap3A_122] {strides = array<i32>} : memref<128xi32, #tpu.memory_space<vmem>>, vector<16xi32>,
        %swap3A_124 = vector.shape_cast %swap3A_123 : vector<16xi32> to vector<16xi32>
        %swap3A_125 = vector.shape_cast %get3A_121 : vector<16xi32> to vector<16xi32>
        tpu.vector_store %arg12[%swap3A_122], %swap3A_125 {strides = array<i32>} : memref<128xi32, #tpu.memory_space<vmem>>, vector<16xi32>,
        %get3A_126 = arith.constant 80 : index
        %get3A_127 = tpu.vector_load %arg11[%get3A_126] {strides = array<i32>} : memref<1664xi32, #tpu.memory_space<vmem>>, vector<16xi32>,
        %get3A_128 = vector.shape_cast %get3A_127 : vector<16xi32> to vector<16xi32>
        %swap3A_129 = arith.constant 80 : index
        %swap3A_130 = tpu.vector_load %arg12[%swap3A_129] {strides = array<i32>} : memref<128xi32, #tpu.memory_space<vmem>>, vector<16xi32>,
        %swap3A_131 = vector.shape_cast %swap3A_130 : vector<16xi32> to vector<16xi32>
        %swap3A_132 = vector.shape_cast %get3A_128 : vector<16xi32> to vector<16xi32>
        tpu.vector_store %arg12[%swap3A_129], %swap3A_132 {strides = array<i32>} : memref<128xi32, #tpu.memory_space<vmem>>, vector<16xi32>,
        %get3A_133 = arith.constant 96 : index
        %get3A_134 = tpu.vector_load %arg11[%get3A_133] {strides = array<i32>} : memref<1664xi32, #tpu.memory_space<vmem>>, vector<16xi32>,
        %get3A_135 = vector.shape_cast %get3A_134 : vector<16xi32> to vector<16xi32>
        %swap3A_136 = arith.constant 96 : index
        %swap3A_137 = tpu.vector_load %arg12[%swap3A_136] {strides = array<i32>} : memref<128xi32, #tpu.memory_space<vmem>>, vector<16xi32>,
        %swap3A_138 = vector.shape_cast %swap3A_137 : vector<16xi32> to vector<16xi32>
        %swap3A_139 = vector.shape_cast %get3A_135 : vector<16xi32> to vector<16xi32>
        tpu.vector_store %arg12[%swap3A_136], %swap3A_139 {strides = array<i32>} : memref<128xi32, #tpu.memory_space<vmem>>, vector<16xi32>,
        %get3A_140 = arith.constant 112 : index
        %get3A_141 = tpu.vector_load %arg11[%get3A_140] {strides = array<i32>} : memref<1664xi32, #tpu.memory_space<vmem>>, vector<16xi32>,
        %get3A_142 = vector.shape_cast %get3A_141 : vector<16xi32> to vector<16xi32>
        %swap3A_143 = arith.constant 112 : index
        %swap3A_144 = tpu.vector_load %arg12[%swap3A_143] {strides = array<i32>} : memref<128xi32, #tpu.memory_space<vmem>>, vector<16xi32>,
        %swap3A_145 = vector.shape_cast %swap3A_144 : vector<16xi32> to vector<16xi32>
        %swap3A_146 = vector.shape_cast %get3A_142 : vector<16xi32> to vector<16xi32>
        tpu.vector_store %arg12[%swap3A_143], %swap3A_146 {strides = array<i32>} : memref<128xi32, #tpu.memory_space<vmem>>, vector<16xi32>,
        %dma_start3A_147 = arith.constant 128 : i32
        %dma_start3A_148 = tpu.memref_slice %arg10[%dma_start3A_147] : memref<1664xi32, #tpu.memory_space<vmem>> -> memref<128xi32, #tpu.memory_space<vmem>>
        %dma_start3A_149 = arith.constant 0 : i32
        %dma_start3A_150 = arith.constant 0 : i32
        %dma_start3A_151 = tpu.memref_slice %arg5[%dma_start3A_149, %dma_start3A_150] : memref<10000x128xf32, #tpu.memory_space<hbm>> -> memref<10000x128xf32, #tpu.memory_space<hbm>>
        tpu.enqueue_indirect_dma source(%dma_start3A_151 : memref<10000x128xf32, #tpu.memory_space<hbm>>) target(%arg18 : memref<128x128xf32, #tpu.memory_space<vmem>>) offsets(%dma_start3A_148 : memref<128xi32, #tpu.memory_space<vmem>>) semaphore(%arg21 : memref<!tpu.dma_semaphore, #tpu.memory_space<semaphore_mem>>)
        %dma_wait3A = arith.constant 0 : i32
        %dma_wait3A_152 = tpu.memref_slice %arg10[%dma_wait3A] : memref<1664xi32, #tpu.memory_space<vmem>> -> memref<128xi32, #tpu.memory_space<vmem>>
        %dma_wait3A_153 = arith.constant 0 : i32
        %dma_wait3A_154 = arith.constant 0 : i32
        %dma_wait3A_155 = tpu.memref_slice %arg5[%dma_wait3A_153, %dma_wait3A_154] : memref<10000x128xf32, #tpu.memory_space<hbm>> -> memref<10000x128xf32, #tpu.memory_space<hbm>>
        tpu.wait_indirect_dma semaphore(%arg20 : memref<!tpu.dma_semaphore, #tpu.memory_space<semaphore_mem>>) src(%dma_wait3A_155 : memref<10000x128xf32, #tpu.memory_space<hbm>>) dst(%arg17 : memref<128x128xf32, #tpu.memory_space<vmem>>)
        "tpu.region"() ({
          %run_scoped3A = tpu.sem_alloc : memref<!tpu.dma_semaphore, #tpu.memory_space<semaphore_mem>>
          %dma_start3A_877 = arith.constant 0 : i32
          %dma_start3A_878 = arith.constant 0 : i32
          %dma_start3A_879 = tpu.memref_slice %arg19[%dma_start3A_877, %dma_start3A_878] : memref<10240x128xf32, #tpu.memory_space<vmem_shared>> -> memref<10240x128xf32, #tpu.memory_space<vmem_shared>>
          tpu.enqueue_indirect_dma source(%arg17 : memref<128x128xf32, #tpu.memory_space<vmem>>) target(%dma_start3A_879 : memref<10240x128xf32, #tpu.memory_space<vmem_shared>>) offsets(%arg12 : memref<128xi32, #tpu.memory_space<vmem>>) semaphore(%run_scoped3A : memref<!tpu.dma_semaphore, #tpu.memory_space<semaphore_mem>>) {add = true}
          %dma_wait3A_880 = arith.constant 0 : i32
          %dma_wait3A_881 = arith.constant 0 : i32
          %dma_wait3A_882 = tpu.memref_slice %arg19[%dma_wait3A_880, %dma_wait3A_881] : memref<10240x128xf32, #tpu.memory_space<vmem_shared>> -> memref<10240x128xf32, #tpu.memory_space<vmem_shared>>
          tpu.wait_indirect_dma semaphore(%run_scoped3A : memref<!tpu.dma_semaphore, #tpu.memory_space<semaphore_mem>>) src(%arg17 : memref<128x128xf32, #tpu.memory_space<vmem>>) dst(%dma_wait3A_882 : memref<10240x128xf32, #tpu.memory_space<vmem_shared>>)
          tpu.yield
        }) : () -> ()
        %get3A_156 = arith.constant 128 : index
        %get3A_157 = tpu.vector_load %arg11[%get3A_156] {strides = array<i32>} : memref<1664xi32, #tpu.memory_space<vmem>>, vector<16xi32>,
        %get3A_158 = vector.shape_cast %get3A_157 : vector<16xi32> to vector<16xi32>
        %swap3A_159 = arith.constant 0 : index
        %swap3A_160 = tpu.vector_load %arg12[%swap3A_159] {strides = array<i32>} : memref<128xi32, #tpu.memory_space<vmem>>, vector<16xi32>,
        %swap3A_161 = vector.shape_cast %swap3A_160 : vector<16xi32> to vector<16xi32>
        %swap3A_162 = vector.shape_cast %get3A_158 : vector<16xi32> to vector<16xi32>
        tpu.vector_store %arg12[%swap3A_159], %swap3A_162 {strides = array<i32>} : memref<128xi32, #tpu.memory_space<vmem>>, vector<16xi32>,
        %get3A_163 = arith.constant 144 : index
        %get3A_164 = tpu.vector_load %arg11[%get3A_163] {strides = array<i32>} : memref<1664xi32, #tpu.memory_space<vmem>>, vector<16xi32>,
        %get3A_165 = vector.shape_cast %get3A_164 : vector<16xi32> to vector<16xi32>
        %swap3A_166 = arith.constant 16 : index
        %swap3A_167 = tpu.vector_load %arg12[%swap3A_166] {strides = array<i32>} : memref<128xi32, #tpu.memory_space<vmem>>, vector<16xi32>,
        %swap3A_168 = vector.shape_cast %swap3A_167 : vector<16xi32> to vector<16xi32>
        %swap3A_169 = vector.shape_cast %get3A_165 : vector<16xi32> to vector<16xi32>
        tpu.vector_store %arg12[%swap3A_166], %swap3A_169 {strides = array<i32>} : memref<128xi32, #tpu.memory_space<vmem>>, vector<16xi32>,
        %get3A_170 = arith.constant 160 : index
        %get3A_171 = tpu.vector_load %arg11[%get3A_170] {strides = array<i32>} : memref<1664xi32, #tpu.memory_space<vmem>>, vector<16xi32>,
        %get3A_172 = vector.shape_cast %get3A_171 : vector<16xi32> to vector<16xi32>
        %swap3A_173 = arith.constant 32 : index
        %swap3A_174 = tpu.vector_load %arg12[%swap3A_173] {strides = array<i32>} : memref<128xi32, #tpu.memory_space<vmem>>, vector<16xi32>,
        %swap3A_175 = vector.shape_cast %swap3A_174 : vector<16xi32> to vector<16xi32>
        %swap3A_176 = vector.shape_cast %get3A_172 : vector<16xi32> to vector<16xi32>
        tpu.vector_store %arg12[%swap3A_173], %swap3A_176 {strides = array<i32>} : memref<128xi32, #tpu.memory_space<vmem>>, vector<16xi32>,
        %get3A_177 = arith.constant 176 : index
        %get3A_178 = tpu.vector_load %arg11[%get3A_177] {strides = array<i32>} : memref<1664xi32, #tpu.memory_space<vmem>>, vector<16xi32>,
        %get3A_179 = vector.shape_cast %get3A_178 : vector<16xi32> to vector<16xi32>
        %swap3A_180 = arith.constant 48 : index
        %swap3A_181 = tpu.vector_load %arg12[%swap3A_180] {strides = array<i32>} : memref<128xi32, #tpu.memory_space<vmem>>, vector<16xi32>,
        %swap3A_182 = vector.shape_cast %swap3A_181 : vector<16xi32> to vector<16xi32>
        %swap3A_183 = vector.shape_cast %get3A_179 : vector<16xi32> to vector<16xi32>
        tpu.vector_store %arg12[%swap3A_180], %swap3A_183 {strides = array<i32>} : memref<128xi32, #tpu.memory_space<vmem>>, vector<16xi32>,
        %get3A_184 = arith.constant 192 : index
        %get3A_185 = tpu.vector_load %arg11[%get3A_184] {strides = array<i32>} : memref<1664xi32, #tpu.memory_space<vmem>>, vector<16xi32>,
        %get3A_186 = vector.shape_cast %get3A_185 : vector<16xi32> to vector<16xi32>
        %swap3A_187 = arith.constant 64 : index
        %swap3A_188 = tpu.vector_load %arg12[%swap3A_187] {strides = array<i32>} : memref<128xi32, #tpu.memory_space<vmem>>, vector<16xi32>,
        %swap3A_189 = vector.shape_cast %swap3A_188 : vector<16xi32> to vector<16xi32>
        %swap3A_190 = vector.shape_cast %get3A_186 : vector<16xi32> to vector<16xi32>
        tpu.vector_store %arg12[%swap3A_187], %swap3A_190 {strides = array<i32>} : memref<128xi32, #tpu.memory_space<vmem>>, vector<16xi32>,
        %get3A_191 = arith.constant 208 : index
        %get3A_192 = tpu.vector_load %arg11[%get3A_191] {strides = array<i32>} : memref<1664xi32, #tpu.memory_space<vmem>>, vector<16xi32>,
        %get3A_193 = vector.shape_cast %get3A_192 : vector<16xi32> to vector<16xi32>
        %swap3A_194 = arith.constant 80 : index
        %swap3A_195 = tpu.vector_load %arg12[%swap3A_194] {strides = array<i32>} : memref<128xi32, #tpu.memory_space<vmem>>, vector<16xi32>,
        %swap3A_196 = vector.shape_cast %swap3A_195 : vector<16xi32> to vector<16xi32>
        %swap3A_197 = vector.shape_cast %get3A_193 : vector<16xi32> to vector<16xi32>
        tpu.vector_store %arg12[%swap3A_194], %swap3A_197 {strides = array<i32>} : memref<128xi32, #tpu.memory_space<vmem>>, vector<16xi32>,
        %get3A_198 = arith.constant 224 : index
        %get3A_199 = tpu.vector_load %arg11[%get3A_198] {strides = array<i32>} : memref<1664xi32, #tpu.memory_space<vmem>>, vector<16xi32>,
        %get3A_200 = vector.shape_cast %get3A_199 : vector<16xi32> to vector<16xi32>
        %swap3A_201 = arith.constant 96 : index
        %swap3A_202 = tpu.vector_load %arg12[%swap3A_201] {strides = array<i32>} : memref<128xi32, #tpu.memory_space<vmem>>, vector<16xi32>,
        %swap3A_203 = vector.shape_cast %swap3A_202 : vector<16xi32> to vector<16xi32>
        %swap3A_204 = vector.shape_cast %get3A_200 : vector<16xi32> to vector<16xi32>
        tpu.vector_store %arg12[%swap3A_201], %swap3A_204 {strides = array<i32>} : memref<128xi32, #tpu.memory_space<vmem>>, vector<16xi32>,
        %get3A_205 = arith.constant 240 : index
        %get3A_206 = tpu.vector_load %arg11[%get3A_205] {strides = array<i32>} : memref<1664xi32, #tpu.memory_space<vmem>>, vector<16xi32>,
        %get3A_207 = vector.shape_cast %get3A_206 : vector<16xi32> to vector<16xi32>
        %swap3A_208 = arith.constant 112 : index
        %swap3A_209 = tpu.vector_load %arg12[%swap3A_208] {strides = array<i32>} : memref<128xi32, #tpu.memory_space<vmem>>, vector<16xi32>,
        %swap3A_210 = vector.shape_cast %swap3A_209 : vector<16xi32> to vector<16xi32>
        %swap3A_211 = vector.shape_cast %get3A_207 : vector<16xi32> to vector<16xi32>
        tpu.vector_store %arg12[%swap3A_208], %swap3A_211 {strides = array<i32>} : memref<128xi32, #tpu.memory_space<vmem>>, vector<16xi32>,
        %dma_start3A_212 = arith.constant 256 : i32
        %dma_start3A_213 = tpu.memref_slice %arg10[%dma_start3A_212] : memref<1664xi32, #tpu.memory_space<vmem>> -> memref<128xi32, #tpu.memory_space<vmem>>
        %dma_start3A_214 = arith.constant 0 : i32
        %dma_start3A_215 = arith.constant 0 : i32
        %dma_start3A_216 = tpu.memref_slice %arg5[%dma_start3A_214, %dma_start3A_215] : memref<10000x128xf32, #tpu.memory_space<hbm>> -> memref<10000x128xf32, #tpu.memory_space<hbm>>
        tpu.enqueue_indirect_dma source(%dma_start3A_216 : memref<10000x128xf32, #tpu.memory_space<hbm>>) target(%arg17 : memref<128x128xf32, #tpu.memory_space<vmem>>) offsets(%dma_start3A_213 : memref<128xi32, #tpu.memory_space<vmem>>) semaphore(%arg20 : memref<!tpu.dma_semaphore, #tpu.memory_space<semaphore_mem>>)
        %dma_wait3A_217 = arith.constant 128 : i32
        %dma_wait3A_218 = tpu.memref_slice %arg10[%dma_wait3A_217] : memref<1664xi32, #tpu.memory_space<vmem>> -> memref<128xi32, #tpu.memory_space<vmem>>
        %dma_wait3A_219 = arith.constant 0 : i32
        %dma_wait3A_220 = arith.constant 0 : i32
        %dma_wait3A_221 = tpu.memref_slice %arg5[%dma_wait3A_219, %dma_wait3A_220] : memref<10000x128xf32, #tpu.memory_space<hbm>> -> memref<10000x128xf32, #tpu.memory_space<hbm>>
        tpu.wait_indirect_dma semaphore(%arg21 : memref<!tpu.dma_semaphore, #tpu.memory_space<semaphore_mem>>) src(%dma_wait3A_221 : memref<10000x128xf32, #tpu.memory_space<hbm>>) dst(%arg18 : memref<128x128xf32, #tpu.memory_space<vmem>>)
        "tpu.region"() ({
          %run_scoped3A = tpu.sem_alloc : memref<!tpu.dma_semaphore, #tpu.memory_space<semaphore_mem>>
          %dma_start3A_877 = arith.constant 0 : i32
          %dma_start3A_878 = arith.constant 0 : i32
          %dma_start3A_879 = tpu.memref_slice %arg19[%dma_start3A_877, %dma_start3A_878] : memref<10240x128xf32, #tpu.memory_space<vmem_shared>> -> memref<10240x128xf32, #tpu.memory_space<vmem_shared>>
          tpu.enqueue_indirect_dma source(%arg18 : memref<128x128xf32, #tpu.memory_space<vmem>>) target(%dma_start3A_879 : memref<10240x128xf32, #tpu.memory_space<vmem_shared>>) offsets(%arg12 : memref<128xi32, #tpu.memory_space<vmem>>) semaphore(%run_scoped3A : memref<!tpu.dma_semaphore, #tpu.memory_space<semaphore_mem>>) {add = true}
          %dma_wait3A_880 = arith.constant 0 : i32
          %dma_wait3A_881 = arith.constant 0 : i32
          %dma_wait3A_882 = tpu.memref_slice %arg19[%dma_wait3A_880, %dma_wait3A_881] : memref<10240x128xf32, #tpu.memory_space<vmem_shared>> -> memref<10240x128xf32, #tpu.memory_space<vmem_shared>>
          tpu.wait_indirect_dma semaphore(%run_scoped3A : memref<!tpu.dma_semaphore, #tpu.memory_space<semaphore_mem>>) src(%arg18 : memref<128x128xf32, #tpu.memory_space<vmem>>) dst(%dma_wait3A_882 : memref<10240x128xf32, #tpu.memory_space<vmem_shared>>)
          tpu.yield
        }) : () -> ()
        %get3A_222 = arith.constant 256 : index
        %get3A_223 = tpu.vector_load %arg11[%get3A_222] {strides = array<i32>} : memref<1664xi32, #tpu.memory_space<vmem>>, vector<16xi32>,
        %get3A_224 = vector.shape_cast %get3A_223 : vector<16xi32> to vector<16xi32>
        %swap3A_225 = arith.constant 0 : index
        %swap3A_226 = tpu.vector_load %arg12[%swap3A_225] {strides = array<i32>} : memref<128xi32, #tpu.memory_space<vmem>>, vector<16xi32>,
        %swap3A_227 = vector.shape_cast %swap3A_226 : vector<16xi32> to vector<16xi32>
        %swap3A_228 = vector.shape_cast %get3A_224 : vector<16xi32> to vector<16xi32>
        tpu.vector_store %arg12[%swap3A_225], %swap3A_228 {strides = array<i32>} : memref<128xi32, #tpu.memory_space<vmem>>, vector<16xi32>,
        %get3A_229 = arith.constant 272 : index
        %get3A_230 = tpu.vector_load %arg11[%get3A_229] {strides = array<i32>} : memref<1664xi32, #tpu.memory_space<vmem>>, vector<16xi32>,
        %get3A_231 = vector.shape_cast %get3A_230 : vector<16xi32> to vector<16xi32>
        %swap3A_232 = arith.constant 16 : index
        %swap3A_233 = tpu.vector_load %arg12[%swap3A_232] {strides = array<i32>} : memref<128xi32, #tpu.memory_space<vmem>>, vector<16xi32>,
        %swap3A_234 = vector.shape_cast %swap3A_233 : vector<16xi32> to vector<16xi32>
        %swap3A_235 = vector.shape_cast %get3A_231 : vector<16xi32> to vector<16xi32>
        tpu.vector_store %arg12[%swap3A_232], %swap3A_235 {strides = array<i32>} : memref<128xi32, #tpu.memory_space<vmem>>, vector<16xi32>,
        %get3A_236 = arith.constant 288 : index
        %get3A_237 = tpu.vector_load %arg11[%get3A_236] {strides = array<i32>} : memref<1664xi32, #tpu.memory_space<vmem>>, vector<16xi32>,
        %get3A_238 = vector.shape_cast %get3A_237 : vector<16xi32> to vector<16xi32>
        %swap3A_239 = arith.constant 32 : index
        %swap3A_240 = tpu.vector_load %arg12[%swap3A_239] {strides = array<i32>} : memref<128xi32, #tpu.memory_space<vmem>>, vector<16xi32>,
        %swap3A_241 = vector.shape_cast %swap3A_240 : vector<16xi32> to vector<16xi32>
        %swap3A_242 = vector.shape_cast %get3A_238 : vector<16xi32> to vector<16xi32>
        tpu.vector_store %arg12[%swap3A_239], %swap3A_242 {strides = array<i32>} : memref<128xi32, #tpu.memory_space<vmem>>, vector<16xi32>,
        %get3A_243 = arith.constant 304 : index
        %get3A_244 = tpu.vector_load %arg11[%get3A_243] {strides = array<i32>} : memref<1664xi32, #tpu.memory_space<vmem>>, vector<16xi32>,
        %get3A_245 = vector.shape_cast %get3A_244 : vector<16xi32> to vector<16xi32>
        %swap3A_246 = arith.constant 48 : index
        %swap3A_247 = tpu.vector_load %arg12[%swap3A_246] {strides = array<i32>} : memref<128xi32, #tpu.memory_space<vmem>>, vector<16xi32>,
        %swap3A_248 = vector.shape_cast %swap3A_247 : vector<16xi32> to vector<16xi32>
        %swap3A_249 = vector.shape_cast %get3A_245 : vector<16xi32> to vector<16xi32>
        tpu.vector_store %arg12[%swap3A_246], %swap3A_249 {strides = array<i32>} : memref<128xi32, #tpu.memory_space<vmem>>, vector<16xi32>,
        %get3A_250 = arith.constant 320 : index
        %get3A_251 = tpu.vector_load %arg11[%get3A_250] {strides = array<i32>} : memref<1664xi32, #tpu.memory_space<vmem>>, vector<16xi32>,
        %get3A_252 = vector.shape_cast %get3A_251 : vector<16xi32> to vector<16xi32>
        %swap3A_253 = arith.constant 64 : index
        %swap3A_254 = tpu.vector_load %arg12[%swap3A_253] {strides = array<i32>} : memref<128xi32, #tpu.memory_space<vmem>>, vector<16xi32>,
        %swap3A_255 = vector.shape_cast %swap3A_254 : vector<16xi32> to vector<16xi32>
        %swap3A_256 = vector.shape_cast %get3A_252 : vector<16xi32> to vector<16xi32>
        tpu.vector_store %arg12[%swap3A_253], %swap3A_256 {strides = array<i32>} : memref<128xi32, #tpu.memory_space<vmem>>, vector<16xi32>,
        %get3A_257 = arith.constant 336 : index
        %get3A_258 = tpu.vector_load %arg11[%get3A_257] {strides = array<i32>} : memref<1664xi32, #tpu.memory_space<vmem>>, vector<16xi32>,
        %get3A_259 = vector.shape_cast %get3A_258 : vector<16xi32> to vector<16xi32>
        %swap3A_260 = arith.constant 80 : index
        %swap3A_261 = tpu.vector_load %arg12[%swap3A_260] {strides = array<i32>} : memref<128xi32, #tpu.memory_space<vmem>>, vector<16xi32>,
        %swap3A_262 = vector.shape_cast %swap3A_261 : vector<16xi32> to vector<16xi32>
        %swap3A_263 = vector.shape_cast %get3A_259 : vector<16xi32> to vector<16xi32>
        tpu.vector_store %arg12[%swap3A_260], %swap3A_263 {strides = array<i32>} : memref<128xi32, #tpu.memory_space<vmem>>, vector<16xi32>,
        %get3A_264 = arith.constant 352 : index
        %get3A_265 = tpu.vector_load %arg11[%get3A_264] {strides = array<i32>} : memref<1664xi32, #tpu.memory_space<vmem>>, vector<16xi32>,
        %get3A_266 = vector.shape_cast %get3A_265 : vector<16xi32> to vector<16xi32>
        %swap3A_267 = arith.constant 96 : index
        %swap3A_268 = tpu.vector_load %arg12[%swap3A_267] {strides = array<i32>} : memref<128xi32, #tpu.memory_space<vmem>>, vector<16xi32>,
        %swap3A_269 = vector.shape_cast %swap3A_268 : vector<16xi32> to vector<16xi32>
        %swap3A_270 = vector.shape_cast %get3A_266 : vector<16xi32> to vector<16xi32>
        tpu.vector_store %arg12[%swap3A_267], %swap3A_270 {strides = array<i32>} : memref<128xi32, #tpu.memory_space<vmem>>, vector<16xi32>,
        %get3A_271 = arith.constant 368 : index
        %get3A_272 = tpu.vector_load %arg11[%get3A_271] {strides = array<i32>} : memref<1664xi32, #tpu.memory_space<vmem>>, vector<16xi32>,
        %get3A_273 = vector.shape_cast %get3A_272 : vector<16xi32> to vector<16xi32>
        %swap3A_274 = arith.constant 112 : index
        %swap3A_275 = tpu.vector_load %arg12[%swap3A_274] {strides = array<i32>} : memref<128xi32, #tpu.memory_space<vmem>>, vector<16xi32>,
        %swap3A_276 = vector.shape_cast %swap3A_275 : vector<16xi32> to vector<16xi32>
        %swap3A_277 = vector.shape_cast %get3A_273 : vector<16xi32> to vector<16xi32>
        tpu.vector_store %arg12[%swap3A_274], %swap3A_277 {strides = array<i32>} : memref<128xi32, #tpu.memory_space<vmem>>, vector<16xi32>,
        %dma_start3A_278 = arith.constant 384 : i32
        %dma_start3A_279 = tpu.memref_slice %arg10[%dma_start3A_278] : memref<1664xi32, #tpu.memory_space<vmem>> -> memref<128xi32, #tpu.memory_space<vmem>>
        %dma_start3A_280 = arith.constant 0 : i32
        %dma_start3A_281 = arith.constant 0 : i32
        %dma_start3A_282 = tpu.memref_slice %arg5[%dma_start3A_280, %dma_start3A_281] : memref<10000x128xf32, #tpu.memory_space<hbm>> -> memref<10000x128xf32, #tpu.memory_space<hbm>>
        tpu.enqueue_indirect_dma source(%dma_start3A_282 : memref<10000x128xf32, #tpu.memory_space<hbm>>) target(%arg18 : memref<128x128xf32, #tpu.memory_space<vmem>>) offsets(%dma_start3A_279 : memref<128xi32, #tpu.memory_space<vmem>>) semaphore(%arg21 : memref<!tpu.dma_semaphore, #tpu.memory_space<semaphore_mem>>)
        %dma_wait3A_283 = arith.constant 256 : i32
        %dma_wait3A_284 = tpu.memref_slice %arg10[%dma_wait3A_283] : memref<1664xi32, #tpu.memory_space<vmem>> -> memref<128xi32, #tpu.memory_space<vmem>>
        %dma_wait3A_285 = arith.constant 0 : i32
        %dma_wait3A_286 = arith.constant 0 : i32
        %dma_wait3A_287 = tpu.memref_slice %arg5[%dma_wait3A_285, %dma_wait3A_286] : memref<10000x128xf32, #tpu.memory_space<hbm>> -> memref<10000x128xf32, #tpu.memory_space<hbm>>
        tpu.wait_indirect_dma semaphore(%arg20 : memref<!tpu.dma_semaphore, #tpu.memory_space<semaphore_mem>>) src(%dma_wait3A_287 : memref<10000x128xf32, #tpu.memory_space<hbm>>) dst(%arg17 : memref<128x128xf32, #tpu.memory_space<vmem>>)
        "tpu.region"() ({
          %run_scoped3A = tpu.sem_alloc : memref<!tpu.dma_semaphore, #tpu.memory_space<semaphore_mem>>
          %dma_start3A_877 = arith.constant 0 : i32
          %dma_start3A_878 = arith.constant 0 : i32
          %dma_start3A_879 = tpu.memref_slice %arg19[%dma_start3A_877, %dma_start3A_878] : memref<10240x128xf32, #tpu.memory_space<vmem_shared>> -> memref<10240x128xf32, #tpu.memory_space<vmem_shared>>
          tpu.enqueue_indirect_dma source(%arg17 : memref<128x128xf32, #tpu.memory_space<vmem>>) target(%dma_start3A_879 : memref<10240x128xf32, #tpu.memory_space<vmem_shared>>) offsets(%arg12 : memref<128xi32, #tpu.memory_space<vmem>>) semaphore(%run_scoped3A : memref<!tpu.dma_semaphore, #tpu.memory_space<semaphore_mem>>) {add = true}
          %dma_wait3A_880 = arith.constant 0 : i32
          %dma_wait3A_881 = arith.constant 0 : i32
          %dma_wait3A_882 = tpu.memref_slice %arg19[%dma_wait3A_880, %dma_wait3A_881] : memref<10240x128xf32, #tpu.memory_space<vmem_shared>> -> memref<10240x128xf32, #tpu.memory_space<vmem_shared>>
          tpu.wait_indirect_dma semaphore(%run_scoped3A : memref<!tpu.dma_semaphore, #tpu.memory_space<semaphore_mem>>) src(%arg17 : memref<128x128xf32, #tpu.memory_space<vmem>>) dst(%dma_wait3A_882 : memref<10240x128xf32, #tpu.memory_space<vmem_shared>>)
          tpu.yield
        }) : () -> ()
        %get3A_288 = arith.constant 384 : index
        %get3A_289 = tpu.vector_load %arg11[%get3A_288] {strides = array<i32>} : memref<1664xi32, #tpu.memory_space<vmem>>, vector<16xi32>,
        %get3A_290 = vector.shape_cast %get3A_289 : vector<16xi32> to vector<16xi32>
        %swap3A_291 = arith.constant 0 : index
        %swap3A_292 = tpu.vector_load %arg12[%swap3A_291] {strides = array<i32>} : memref<128xi32, #tpu.memory_space<vmem>>, vector<16xi32>,
        %swap3A_293 = vector.shape_cast %swap3A_292 : vector<16xi32> to vector<16xi32>
        %swap3A_294 = vector.shape_cast %get3A_290 : vector<16xi32> to vector<16xi32>
        tpu.vector_store %arg12[%swap3A_291], %swap3A_294 {strides = array<i32>} : memref<128xi32, #tpu.memory_space<vmem>>, vector<16xi32>,
        %get3A_295 = arith.constant 400 : index
        %get3A_296 = tpu.vector_load %arg11[%get3A_295] {strides = array<i32>} : memref<1664xi32, #tpu.memory_space<vmem>>, vector<16xi32>,
        %get3A_297 = vector.shape_cast %get3A_296 : vector<16xi32> to vector<16xi32>
        %swap3A_298 = arith.constant 16 : index
        %swap3A_299 = tpu.vector_load %arg12[%swap3A_298] {strides = array<i32>} : memref<128xi32, #tpu.memory_space<vmem>>, vector<16xi32>,
        %swap3A_300 = vector.shape_cast %swap3A_299 : vector<16xi32> to vector<16xi32>
        %swap3A_301 = vector.shape_cast %get3A_297 : vector<16xi32> to vector<16xi32>
        tpu.vector_store %arg12[%swap3A_298], %swap3A_301 {strides = array<i32>} : memref<128xi32, #tpu.memory_space<vmem>>, vector<16xi32>,
        %get3A_302 = arith.constant 416 : index
        %get3A_303 = tpu.vector_load %arg11[%get3A_302] {strides = array<i32>} : memref<1664xi32, #tpu.memory_space<vmem>>, vector<16xi32>,
        %get3A_304 = vector.shape_cast %get3A_303 : vector<16xi32> to vector<16xi32>
        %swap3A_305 = arith.constant 32 : index
        %swap3A_306 = tpu.vector_load %arg12[%swap3A_305] {strides = array<i32>} : memref<128xi32, #tpu.memory_space<vmem>>, vector<16xi32>,
        %swap3A_307 = vector.shape_cast %swap3A_306 : vector<16xi32> to vector<16xi32>
        %swap3A_308 = vector.shape_cast %get3A_304 : vector<16xi32> to vector<16xi32>
        tpu.vector_store %arg12[%swap3A_305], %swap3A_308 {strides = array<i32>} : memref<128xi32, #tpu.memory_space<vmem>>, vector<16xi32>,
        %get3A_309 = arith.constant 432 : index
        %get3A_310 = tpu.vector_load %arg11[%get3A_309] {strides = array<i32>} : memref<1664xi32, #tpu.memory_space<vmem>>, vector<16xi32>,
        %get3A_311 = vector.shape_cast %get3A_310 : vector<16xi32> to vector<16xi32>
        %swap3A_312 = arith.constant 48 : index
        %swap3A_313 = tpu.vector_load %arg12[%swap3A_312] {strides = array<i32>} : memref<128xi32, #tpu.memory_space<vmem>>, vector<16xi32>,
        %swap3A_314 = vector.shape_cast %swap3A_313 : vector<16xi32> to vector<16xi32>
        %swap3A_315 = vector.shape_cast %get3A_311 : vector<16xi32> to vector<16xi32>
        tpu.vector_store %arg12[%swap3A_312], %swap3A_315 {strides = array<i32>} : memref<128xi32, #tpu.memory_space<vmem>>, vector<16xi32>,
        %get3A_316 = arith.constant 448 : index
        %get3A_317 = tpu.vector_load %arg11[%get3A_316] {strides = array<i32>} : memref<1664xi32, #tpu.memory_space<vmem>>, vector<16xi32>,
        %get3A_318 = vector.shape_cast %get3A_317 : vector<16xi32> to vector<16xi32>
        %swap3A_319 = arith.constant 64 : index
        %swap3A_320 = tpu.vector_load %arg12[%swap3A_319] {strides = array<i32>} : memref<128xi32, #tpu.memory_space<vmem>>, vector<16xi32>,
        %swap3A_321 = vector.shape_cast %swap3A_320 : vector<16xi32> to vector<16xi32>
        %swap3A_322 = vector.shape_cast %get3A_318 : vector<16xi32> to vector<16xi32>
        tpu.vector_store %arg12[%swap3A_319], %swap3A_322 {strides = array<i32>} : memref<128xi32, #tpu.memory_space<vmem>>, vector<16xi32>,
        %get3A_323 = arith.constant 464 : index
        %get3A_324 = tpu.vector_load %arg11[%get3A_323] {strides = array<i32>} : memref<1664xi32, #tpu.memory_space<vmem>>, vector<16xi32>,
        %get3A_325 = vector.shape_cast %get3A_324 : vector<16xi32> to vector<16xi32>
        %swap3A_326 = arith.constant 80 : index
        %swap3A_327 = tpu.vector_load %arg12[%swap3A_326] {strides = array<i32>} : memref<128xi32, #tpu.memory_space<vmem>>, vector<16xi32>,
        %swap3A_328 = vector.shape_cast %swap3A_327 : vector<16xi32> to vector<16xi32>
        %swap3A_329 = vector.shape_cast %get3A_325 : vector<16xi32> to vector<16xi32>
        tpu.vector_store %arg12[%swap3A_326], %swap3A_329 {strides = array<i32>} : memref<128xi32, #tpu.memory_space<vmem>>, vector<16xi32>,
        %get3A_330 = arith.constant 480 : index
        %get3A_331 = tpu.vector_load %arg11[%get3A_330] {strides = array<i32>} : memref<1664xi32, #tpu.memory_space<vmem>>, vector<16xi32>,
        %get3A_332 = vector.shape_cast %get3A_331 : vector<16xi32> to vector<16xi32>
        %swap3A_333 = arith.constant 96 : index
        %swap3A_334 = tpu.vector_load %arg12[%swap3A_333] {strides = array<i32>} : memref<128xi32, #tpu.memory_space<vmem>>, vector<16xi32>,
        %swap3A_335 = vector.shape_cast %swap3A_334 : vector<16xi32> to vector<16xi32>
        %swap3A_336 = vector.shape_cast %get3A_332 : vector<16xi32> to vector<16xi32>
        tpu.vector_store %arg12[%swap3A_333], %swap3A_336 {strides = array<i32>} : memref<128xi32, #tpu.memory_space<vmem>>, vector<16xi32>,
        %get3A_337 = arith.constant 496 : index
        %get3A_338 = tpu.vector_load %arg11[%get3A_337] {strides = array<i32>} : memref<1664xi32, #tpu.memory_space<vmem>>, vector<16xi32>,
        %get3A_339 = vector.shape_cast %get3A_338 : vector<16xi32> to vector<16xi32>
        %swap3A_340 = arith.constant 112 : index
        %swap3A_341 = tpu.vector_load %arg12[%swap3A_340] {strides = array<i32>} : memref<128xi32, #tpu.memory_space<vmem>>, vector<16xi32>,
        %swap3A_342 = vector.shape_cast %swap3A_341 : vector<16xi32> to vector<16xi32>
        %swap3A_343 = vector.shape_cast %get3A_339 : vector<16xi32> to vector<16xi32>
        tpu.vector_store %arg12[%swap3A_340], %swap3A_343 {strides = array<i32>} : memref<128xi32, #tpu.memory_space<vmem>>, vector<16xi32>,
        %dma_start3A_344 = arith.constant 512 : i32
        %dma_start3A_345 = tpu.memref_slice %arg10[%dma_start3A_344] : memref<1664xi32, #tpu.memory_space<vmem>> -> memref<128xi32, #tpu.memory_space<vmem>>
        %dma_start3A_346 = arith.constant 0 : i32
        %dma_start3A_347 = arith.constant 0 : i32
        %dma_start3A_348 = tpu.memref_slice %arg5[%dma_start3A_346, %dma_start3A_347] : memref<10000x128xf32, #tpu.memory_space<hbm>> -> memref<10000x128xf32, #tpu.memory_space<hbm>>
        tpu.enqueue_indirect_dma source(%dma_start3A_348 : memref<10000x128xf32, #tpu.memory_space<hbm>>) target(%arg17 : memref<128x128xf32, #tpu.memory_space<vmem>>) offsets(%dma_start3A_345 : memref<128xi32, #tpu.memory_space<vmem>>) semaphore(%arg20 : memref<!tpu.dma_semaphore, #tpu.memory_space<semaphore_mem>>)
        %dma_wait3A_349 = arith.constant 384 : i32
        %dma_wait3A_350 = tpu.memref_slice %arg10[%dma_wait3A_349] : memref<1664xi32, #tpu.memory_space<vmem>> -> memref<128xi32, #tpu.memory_space<vmem>>
        %dma_wait3A_351 = arith.constant 0 : i32
        %dma_wait3A_352 = arith.constant 0 : i32
        %dma_wait3A_353 = tpu.memref_slice %arg5[%dma_wait3A_351, %dma_wait3A_352] : memref<10000x128xf32, #tpu.memory_space<hbm>> -> memref<10000x128xf32, #tpu.memory_space<hbm>>
        tpu.wait_indirect_dma semaphore(%arg21 : memref<!tpu.dma_semaphore, #tpu.memory_space<semaphore_mem>>) src(%dma_wait3A_353 : memref<10000x128xf32, #tpu.memory_space<hbm>>) dst(%arg18 : memref<128x128xf32, #tpu.memory_space<vmem>>)
        "tpu.region"() ({
          %run_scoped3A = tpu.sem_alloc : memref<!tpu.dma_semaphore, #tpu.memory_space<semaphore_mem>>
          %dma_start3A_877 = arith.constant 0 : i32
          %dma_start3A_878 = arith.constant 0 : i32
          %dma_start3A_879 = tpu.memref_slice %arg19[%dma_start3A_877, %dma_start3A_878] : memref<10240x128xf32, #tpu.memory_space<vmem_shared>> -> memref<10240x128xf32, #tpu.memory_space<vmem_shared>>
          tpu.enqueue_indirect_dma source(%arg18 : memref<128x128xf32, #tpu.memory_space<vmem>>) target(%dma_start3A_879 : memref<10240x128xf32, #tpu.memory_space<vmem_shared>>) offsets(%arg12 : memref<128xi32, #tpu.memory_space<vmem>>) semaphore(%run_scoped3A : memref<!tpu.dma_semaphore, #tpu.memory_space<semaphore_mem>>) {add = true}
          %dma_wait3A_880 = arith.constant 0 : i32
          %dma_wait3A_881 = arith.constant 0 : i32
          %dma_wait3A_882 = tpu.memref_slice %arg19[%dma_wait3A_880, %dma_wait3A_881] : memref<10240x128xf32, #tpu.memory_space<vmem_shared>> -> memref<10240x128xf32, #tpu.memory_space<vmem_shared>>
          tpu.wait_indirect_dma semaphore(%run_scoped3A : memref<!tpu.dma_semaphore, #tpu.memory_space<semaphore_mem>>) src(%arg18 : memref<128x128xf32, #tpu.memory_space<vmem>>) dst(%dma_wait3A_882 : memref<10240x128xf32, #tpu.memory_space<vmem_shared>>)
          tpu.yield
        }) : () -> ()
        %get3A_354 = arith.constant 512 : index
        %get3A_355 = tpu.vector_load %arg11[%get3A_354] {strides = array<i32>} : memref<1664xi32, #tpu.memory_space<vmem>>, vector<16xi32>,
        %get3A_356 = vector.shape_cast %get3A_355 : vector<16xi32> to vector<16xi32>
        %swap3A_357 = arith.constant 0 : index
        %swap3A_358 = tpu.vector_load %arg12[%swap3A_357] {strides = array<i32>} : memref<128xi32, #tpu.memory_space<vmem>>, vector<16xi32>,
        %swap3A_359 = vector.shape_cast %swap3A_358 : vector<16xi32> to vector<16xi32>
        %swap3A_360 = vector.shape_cast %get3A_356 : vector<16xi32> to vector<16xi32>
        tpu.vector_store %arg12[%swap3A_357], %swap3A_360 {strides = array<i32>} : memref<128xi32, #tpu.memory_space<vmem>>, vector<16xi32>,
        %get3A_361 = arith.constant 528 : index
        %get3A_362 = tpu.vector_load %arg11[%get3A_361] {strides = array<i32>} : memref<1664xi32, #tpu.memory_space<vmem>>, vector<16xi32>,
        %get3A_363 = vector.shape_cast %get3A_362 : vector<16xi32> to vector<16xi32>
        %swap3A_364 = arith.constant 16 : index
        %swap3A_365 = tpu.vector_load %arg12[%swap3A_364] {strides = array<i32>} : memref<128xi32, #tpu.memory_space<vmem>>, vector<16xi32>,
        %swap3A_366 = vector.shape_cast %swap3A_365 : vector<16xi32> to vector<16xi32>
        %swap3A_367 = vector.shape_cast %get3A_363 : vector<16xi32> to vector<16xi32>
        tpu.vector_store %arg12[%swap3A_364], %swap3A_367 {strides = array<i32>} : memref<128xi32, #tpu.memory_space<vmem>>, vector<16xi32>,
        %get3A_368 = arith.constant 544 : index
        %get3A_369 = tpu.vector_load %arg11[%get3A_368] {strides = array<i32>} : memref<1664xi32, #tpu.memory_space<vmem>>, vector<16xi32>,
        %get3A_370 = vector.shape_cast %get3A_369 : vector<16xi32> to vector<16xi32>
        %swap3A_371 = arith.constant 32 : index
        %swap3A_372 = tpu.vector_load %arg12[%swap3A_371] {strides = array<i32>} : memref<128xi32, #tpu.memory_space<vmem>>, vector<16xi32>,
        %swap3A_373 = vector.shape_cast %swap3A_372 : vector<16xi32> to vector<16xi32>
        %swap3A_374 = vector.shape_cast %get3A_370 : vector<16xi32> to vector<16xi32>
        tpu.vector_store %arg12[%swap3A_371], %swap3A_374 {strides = array<i32>} : memref<128xi32, #tpu.memory_space<vmem>>, vector<16xi32>,
        %get3A_375 = arith.constant 560 : index
        %get3A_376 = tpu.vector_load %arg11[%get3A_375] {strides = array<i32>} : memref<1664xi32, #tpu.memory_space<vmem>>, vector<16xi32>,
        %get3A_377 = vector.shape_cast %get3A_376 : vector<16xi32> to vector<16xi32>
        %swap3A_378 = arith.constant 48 : index
        %swap3A_379 = tpu.vector_load %arg12[%swap3A_378] {strides = array<i32>} : memref<128xi32, #tpu.memory_space<vmem>>, vector<16xi32>,
        %swap3A_380 = vector.shape_cast %swap3A_379 : vector<16xi32> to vector<16xi32>
        %swap3A_381 = vector.shape_cast %get3A_377 : vector<16xi32> to vector<16xi32>
        tpu.vector_store %arg12[%swap3A_378], %swap3A_381 {strides = array<i32>} : memref<128xi32, #tpu.memory_space<vmem>>, vector<16xi32>,
        %get3A_382 = arith.constant 576 : index
        %get3A_383 = tpu.vector_load %arg11[%get3A_382] {strides = array<i32>} : memref<1664xi32, #tpu.memory_space<vmem>>, vector<16xi32>,
        %get3A_384 = vector.shape_cast %get3A_383 : vector<16xi32> to vector<16xi32>
        %swap3A_385 = arith.constant 64 : index
        %swap3A_386 = tpu.vector_load %arg12[%swap3A_385] {strides = array<i32>} : memref<128xi32, #tpu.memory_space<vmem>>, vector<16xi32>,
        %swap3A_387 = vector.shape_cast %swap3A_386 : vector<16xi32> to vector<16xi32>
        %swap3A_388 = vector.shape_cast %get3A_384 : vector<16xi32> to vector<16xi32>
        tpu.vector_store %arg12[%swap3A_385], %swap3A_388 {strides = array<i32>} : memref<128xi32, #tpu.memory_space<vmem>>, vector<16xi32>,
        %get3A_389 = arith.constant 592 : index
        %get3A_390 = tpu.vector_load %arg11[%get3A_389] {strides = array<i32>} : memref<1664xi32, #tpu.memory_space<vmem>>, vector<16xi32>,
        %get3A_391 = vector.shape_cast %get3A_390 : vector<16xi32> to vector<16xi32>
        %swap3A_392 = arith.constant 80 : index
        %swap3A_393 = tpu.vector_load %arg12[%swap3A_392] {strides = array<i32>} : memref<128xi32, #tpu.memory_space<vmem>>, vector<16xi32>,
        %swap3A_394 = vector.shape_cast %swap3A_393 : vector<16xi32> to vector<16xi32>
        %swap3A_395 = vector.shape_cast %get3A_391 : vector<16xi32> to vector<16xi32>
        tpu.vector_store %arg12[%swap3A_392], %swap3A_395 {strides = array<i32>} : memref<128xi32, #tpu.memory_space<vmem>>, vector<16xi32>,
        %get3A_396 = arith.constant 608 : index
        %get3A_397 = tpu.vector_load %arg11[%get3A_396] {strides = array<i32>} : memref<1664xi32, #tpu.memory_space<vmem>>, vector<16xi32>,
        %get3A_398 = vector.shape_cast %get3A_397 : vector<16xi32> to vector<16xi32>
        %swap3A_399 = arith.constant 96 : index
        %swap3A_400 = tpu.vector_load %arg12[%swap3A_399] {strides = array<i32>} : memref<128xi32, #tpu.memory_space<vmem>>, vector<16xi32>,
        %swap3A_401 = vector.shape_cast %swap3A_400 : vector<16xi32> to vector<16xi32>
        %swap3A_402 = vector.shape_cast %get3A_398 : vector<16xi32> to vector<16xi32>
        tpu.vector_store %arg12[%swap3A_399], %swap3A_402 {strides = array<i32>} : memref<128xi32, #tpu.memory_space<vmem>>, vector<16xi32>,
        %get3A_403 = arith.constant 624 : index
        %get3A_404 = tpu.vector_load %arg11[%get3A_403] {strides = array<i32>} : memref<1664xi32, #tpu.memory_space<vmem>>, vector<16xi32>,
        %get3A_405 = vector.shape_cast %get3A_404 : vector<16xi32> to vector<16xi32>
        %swap3A_406 = arith.constant 112 : index
        %swap3A_407 = tpu.vector_load %arg12[%swap3A_406] {strides = array<i32>} : memref<128xi32, #tpu.memory_space<vmem>>, vector<16xi32>,
        %swap3A_408 = vector.shape_cast %swap3A_407 : vector<16xi32> to vector<16xi32>
        %swap3A_409 = vector.shape_cast %get3A_405 : vector<16xi32> to vector<16xi32>
        tpu.vector_store %arg12[%swap3A_406], %swap3A_409 {strides = array<i32>} : memref<128xi32, #tpu.memory_space<vmem>>, vector<16xi32>,
        %dma_start3A_410 = arith.constant 640 : i32
        %dma_start3A_411 = tpu.memref_slice %arg10[%dma_start3A_410] : memref<1664xi32, #tpu.memory_space<vmem>> -> memref<128xi32, #tpu.memory_space<vmem>>
        %dma_start3A_412 = arith.constant 0 : i32
        %dma_start3A_413 = arith.constant 0 : i32
        %dma_start3A_414 = tpu.memref_slice %arg5[%dma_start3A_412, %dma_start3A_413] : memref<10000x128xf32, #tpu.memory_space<hbm>> -> memref<10000x128xf32, #tpu.memory_space<hbm>>
        tpu.enqueue_indirect_dma source(%dma_start3A_414 : memref<10000x128xf32, #tpu.memory_space<hbm>>) target(%arg18 : memref<128x128xf32, #tpu.memory_space<vmem>>) offsets(%dma_start3A_411 : memref<128xi32, #tpu.memory_space<vmem>>) semaphore(%arg21 : memref<!tpu.dma_semaphore, #tpu.memory_space<semaphore_mem>>)
        %dma_wait3A_415 = arith.constant 512 : i32
        %dma_wait3A_416 = tpu.memref_slice %arg10[%dma_wait3A_415] : memref<1664xi32, #tpu.memory_space<vmem>> -> memref<128xi32, #tpu.memory_space<vmem>>
        %dma_wait3A_417 = arith.constant 0 : i32
        %dma_wait3A_418 = arith.constant 0 : i32
        %dma_wait3A_419 = tpu.memref_slice %arg5[%dma_wait3A_417, %dma_wait3A_418] : memref<10000x128xf32, #tpu.memory_space<hbm>> -> memref<10000x128xf32, #tpu.memory_space<hbm>>
        tpu.wait_indirect_dma semaphore(%arg20 : memref<!tpu.dma_semaphore, #tpu.memory_space<semaphore_mem>>) src(%dma_wait3A_419 : memref<10000x128xf32, #tpu.memory_space<hbm>>) dst(%arg17 : memref<128x128xf32, #tpu.memory_space<vmem>>)
        "tpu.region"() ({
          %run_scoped3A = tpu.sem_alloc : memref<!tpu.dma_semaphore, #tpu.memory_space<semaphore_mem>>
          %dma_start3A_877 = arith.constant 0 : i32
          %dma_start3A_878 = arith.constant 0 : i32
          %dma_start3A_879 = tpu.memref_slice %arg19[%dma_start3A_877, %dma_start3A_878] : memref<10240x128xf32, #tpu.memory_space<vmem_shared>> -> memref<10240x128xf32, #tpu.memory_space<vmem_shared>>
          tpu.enqueue_indirect_dma source(%arg17 : memref<128x128xf32, #tpu.memory_space<vmem>>) target(%dma_start3A_879 : memref<10240x128xf32, #tpu.memory_space<vmem_shared>>) offsets(%arg12 : memref<128xi32, #tpu.memory_space<vmem>>) semaphore(%run_scoped3A : memref<!tpu.dma_semaphore, #tpu.memory_space<semaphore_mem>>) {add = true}
          %dma_wait3A_880 = arith.constant 0 : i32
          %dma_wait3A_881 = arith.constant 0 : i32
          %dma_wait3A_882 = tpu.memref_slice %arg19[%dma_wait3A_880, %dma_wait3A_881] : memref<10240x128xf32, #tpu.memory_space<vmem_shared>> -> memref<10240x128xf32, #tpu.memory_space<vmem_shared>>
          tpu.wait_indirect_dma semaphore(%run_scoped3A : memref<!tpu.dma_semaphore, #tpu.memory_space<semaphore_mem>>) src(%arg17 : memref<128x128xf32, #tpu.memory_space<vmem>>) dst(%dma_wait3A_882 : memref<10240x128xf32, #tpu.memory_space<vmem_shared>>)
          tpu.yield
        }) : () -> ()
        %get3A_420 = arith.constant 640 : index
        %get3A_421 = tpu.vector_load %arg11[%get3A_420] {strides = array<i32>} : memref<1664xi32, #tpu.memory_space<vmem>>, vector<16xi32>,
        %get3A_422 = vector.shape_cast %get3A_421 : vector<16xi32> to vector<16xi32>
        %swap3A_423 = arith.constant 0 : index
        %swap3A_424 = tpu.vector_load %arg12[%swap3A_423] {strides = array<i32>} : memref<128xi32, #tpu.memory_space<vmem>>, vector<16xi32>,
        %swap3A_425 = vector.shape_cast %swap3A_424 : vector<16xi32> to vector<16xi32>
        %swap3A_426 = vector.shape_cast %get3A_422 : vector<16xi32> to vector<16xi32>
        tpu.vector_store %arg12[%swap3A_423], %swap3A_426 {strides = array<i32>} : memref<128xi32, #tpu.memory_space<vmem>>, vector<16xi32>,
        %get3A_427 = arith.constant 656 : index
        %get3A_428 = tpu.vector_load %arg11[%get3A_427] {strides = array<i32>} : memref<1664xi32, #tpu.memory_space<vmem>>, vector<16xi32>,
        %get3A_429 = vector.shape_cast %get3A_428 : vector<16xi32> to vector<16xi32>
        %swap3A_430 = arith.constant 16 : index
        %swap3A_431 = tpu.vector_load %arg12[%swap3A_430] {strides = array<i32>} : memref<128xi32, #tpu.memory_space<vmem>>, vector<16xi32>,
        %swap3A_432 = vector.shape_cast %swap3A_431 : vector<16xi32> to vector<16xi32>
        %swap3A_433 = vector.shape_cast %get3A_429 : vector<16xi32> to vector<16xi32>
        tpu.vector_store %arg12[%swap3A_430], %swap3A_433 {strides = array<i32>} : memref<128xi32, #tpu.memory_space<vmem>>, vector<16xi32>,
        %get3A_434 = arith.constant 672 : index
        %get3A_435 = tpu.vector_load %arg11[%get3A_434] {strides = array<i32>} : memref<1664xi32, #tpu.memory_space<vmem>>, vector<16xi32>,
        %get3A_436 = vector.shape_cast %get3A_435 : vector<16xi32> to vector<16xi32>
        %swap3A_437 = arith.constant 32 : index
        %swap3A_438 = tpu.vector_load %arg12[%swap3A_437] {strides = array<i32>} : memref<128xi32, #tpu.memory_space<vmem>>, vector<16xi32>,
        %swap3A_439 = vector.shape_cast %swap3A_438 : vector<16xi32> to vector<16xi32>
        %swap3A_440 = vector.shape_cast %get3A_436 : vector<16xi32> to vector<16xi32>
        tpu.vector_store %arg12[%swap3A_437], %swap3A_440 {strides = array<i32>} : memref<128xi32, #tpu.memory_space<vmem>>, vector<16xi32>,
        %get3A_441 = arith.constant 688 : index
        %get3A_442 = tpu.vector_load %arg11[%get3A_441] {strides = array<i32>} : memref<1664xi32, #tpu.memory_space<vmem>>, vector<16xi32>,
        %get3A_443 = vector.shape_cast %get3A_442 : vector<16xi32> to vector<16xi32>
        %swap3A_444 = arith.constant 48 : index
        %swap3A_445 = tpu.vector_load %arg12[%swap3A_444] {strides = array<i32>} : memref<128xi32, #tpu.memory_space<vmem>>, vector<16xi32>,
        %swap3A_446 = vector.shape_cast %swap3A_445 : vector<16xi32> to vector<16xi32>
        %swap3A_447 = vector.shape_cast %get3A_443 : vector<16xi32> to vector<16xi32>
        tpu.vector_store %arg12[%swap3A_444], %swap3A_447 {strides = array<i32>} : memref<128xi32, #tpu.memory_space<vmem>>, vector<16xi32>,
        %get3A_448 = arith.constant 704 : index
        %get3A_449 = tpu.vector_load %arg11[%get3A_448] {strides = array<i32>} : memref<1664xi32, #tpu.memory_space<vmem>>, vector<16xi32>,
        %get3A_450 = vector.shape_cast %get3A_449 : vector<16xi32> to vector<16xi32>
        %swap3A_451 = arith.constant 64 : index
        %swap3A_452 = tpu.vector_load %arg12[%swap3A_451] {strides = array<i32>} : memref<128xi32, #tpu.memory_space<vmem>>, vector<16xi32>,
        %swap3A_453 = vector.shape_cast %swap3A_452 : vector<16xi32> to vector<16xi32>
        %swap3A_454 = vector.shape_cast %get3A_450 : vector<16xi32> to vector<16xi32>
        tpu.vector_store %arg12[%swap3A_451], %swap3A_454 {strides = array<i32>} : memref<128xi32, #tpu.memory_space<vmem>>, vector<16xi32>,
        %get3A_455 = arith.constant 720 : index
        %get3A_456 = tpu.vector_load %arg11[%get3A_455] {strides = array<i32>} : memref<1664xi32, #tpu.memory_space<vmem>>, vector<16xi32>,
        %get3A_457 = vector.shape_cast %get3A_456 : vector<16xi32> to vector<16xi32>
        %swap3A_458 = arith.constant 80 : index
        %swap3A_459 = tpu.vector_load %arg12[%swap3A_458] {strides = array<i32>} : memref<128xi32, #tpu.memory_space<vmem>>, vector<16xi32>,
        %swap3A_460 = vector.shape_cast %swap3A_459 : vector<16xi32> to vector<16xi32>
        %swap3A_461 = vector.shape_cast %get3A_457 : vector<16xi32> to vector<16xi32>
        tpu.vector_store %arg12[%swap3A_458], %swap3A_461 {strides = array<i32>} : memref<128xi32, #tpu.memory_space<vmem>>, vector<16xi32>,
        %get3A_462 = arith.constant 736 : index
        %get3A_463 = tpu.vector_load %arg11[%get3A_462] {strides = array<i32>} : memref<1664xi32, #tpu.memory_space<vmem>>, vector<16xi32>,
        %get3A_464 = vector.shape_cast %get3A_463 : vector<16xi32> to vector<16xi32>
        %swap3A_465 = arith.constant 96 : index
        %swap3A_466 = tpu.vector_load %arg12[%swap3A_465] {strides = array<i32>} : memref<128xi32, #tpu.memory_space<vmem>>, vector<16xi32>,
        %swap3A_467 = vector.shape_cast %swap3A_466 : vector<16xi32> to vector<16xi32>
        %swap3A_468 = vector.shape_cast %get3A_464 : vector<16xi32> to vector<16xi32>
        tpu.vector_store %arg12[%swap3A_465], %swap3A_468 {strides = array<i32>} : memref<128xi32, #tpu.memory_space<vmem>>, vector<16xi32>,
        %get3A_469 = arith.constant 752 : index
        %get3A_470 = tpu.vector_load %arg11[%get3A_469] {strides = array<i32>} : memref<1664xi32, #tpu.memory_space<vmem>>, vector<16xi32>,
        %get3A_471 = vector.shape_cast %get3A_470 : vector<16xi32> to vector<16xi32>
        %swap3A_472 = arith.constant 112 : index
        %swap3A_473 = tpu.vector_load %arg12[%swap3A_472] {strides = array<i32>} : memref<128xi32, #tpu.memory_space<vmem>>, vector<16xi32>,
        %swap3A_474 = vector.shape_cast %swap3A_473 : vector<16xi32> to vector<16xi32>
        %swap3A_475 = vector.shape_cast %get3A_471 : vector<16xi32> to vector<16xi32>
        tpu.vector_store %arg12[%swap3A_472], %swap3A_475 {strides = array<i32>} : memref<128xi32, #tpu.memory_space<vmem>>, vector<16xi32>,
        %dma_start3A_476 = arith.constant 768 : i32
        %dma_start3A_477 = tpu.memref_slice %arg10[%dma_start3A_476] : memref<1664xi32, #tpu.memory_space<vmem>> -> memref<128xi32, #tpu.memory_space<vmem>>
        %dma_start3A_478 = arith.constant 0 : i32
        %dma_start3A_479 = arith.constant 0 : i32
        %dma_start3A_480 = tpu.memref_slice %arg5[%dma_start3A_478, %dma_start3A_479] : memref<10000x128xf32, #tpu.memory_space<hbm>> -> memref<10000x128xf32, #tpu.memory_space<hbm>>
        tpu.enqueue_indirect_dma source(%dma_start3A_480 : memref<10000x128xf32, #tpu.memory_space<hbm>>) target(%arg17 : memref<128x128xf32, #tpu.memory_space<vmem>>) offsets(%dma_start3A_477 : memref<128xi32, #tpu.memory_space<vmem>>) semaphore(%arg20 : memref<!tpu.dma_semaphore, #tpu.memory_space<semaphore_mem>>)
        %dma_wait3A_481 = arith.constant 640 : i32
        %dma_wait3A_482 = tpu.memref_slice %arg10[%dma_wait3A_481] : memref<1664xi32, #tpu.memory_space<vmem>> -> memref<128xi32, #tpu.memory_space<vmem>>
        %dma_wait3A_483 = arith.constant 0 : i32
        %dma_wait3A_484 = arith.constant 0 : i32
        %dma_wait3A_485 = tpu.memref_slice %arg5[%dma_wait3A_483, %dma_wait3A_484] : memref<10000x128xf32, #tpu.memory_space<hbm>> -> memref<10000x128xf32, #tpu.memory_space<hbm>>
        tpu.wait_indirect_dma semaphore(%arg21 : memref<!tpu.dma_semaphore, #tpu.memory_space<semaphore_mem>>) src(%dma_wait3A_485 : memref<10000x128xf32, #tpu.memory_space<hbm>>) dst(%arg18 : memref<128x128xf32, #tpu.memory_space<vmem>>)
        "tpu.region"() ({
          %run_scoped3A = tpu.sem_alloc : memref<!tpu.dma_semaphore, #tpu.memory_space<semaphore_mem>>
          %dma_start3A_877 = arith.constant 0 : i32
          %dma_start3A_878 = arith.constant 0 : i32
          %dma_start3A_879 = tpu.memref_slice %arg19[%dma_start3A_877, %dma_start3A_878] : memref<10240x128xf32, #tpu.memory_space<vmem_shared>> -> memref<10240x128xf32, #tpu.memory_space<vmem_shared>>
          tpu.enqueue_indirect_dma source(%arg18 : memref<128x128xf32, #tpu.memory_space<vmem>>) target(%dma_start3A_879 : memref<10240x128xf32, #tpu.memory_space<vmem_shared>>) offsets(%arg12 : memref<128xi32, #tpu.memory_space<vmem>>) semaphore(%run_scoped3A : memref<!tpu.dma_semaphore, #tpu.memory_space<semaphore_mem>>) {add = true}
          %dma_wait3A_880 = arith.constant 0 : i32
          %dma_wait3A_881 = arith.constant 0 : i32
          %dma_wait3A_882 = tpu.memref_slice %arg19[%dma_wait3A_880, %dma_wait3A_881] : memref<10240x128xf32, #tpu.memory_space<vmem_shared>> -> memref<10240x128xf32, #tpu.memory_space<vmem_shared>>
          tpu.wait_indirect_dma semaphore(%run_scoped3A : memref<!tpu.dma_semaphore, #tpu.memory_space<semaphore_mem>>) src(%arg18 : memref<128x128xf32, #tpu.memory_space<vmem>>) dst(%dma_wait3A_882 : memref<10240x128xf32, #tpu.memory_space<vmem_shared>>)
          tpu.yield
        }) : () -> ()
        %get3A_486 = arith.constant 768 : index
        %get3A_487 = tpu.vector_load %arg11[%get3A_486] {strides = array<i32>} : memref<1664xi32, #tpu.memory_space<vmem>>, vector<16xi32>,
        %get3A_488 = vector.shape_cast %get3A_487 : vector<16xi32> to vector<16xi32>
        %swap3A_489 = arith.constant 0 : index
        %swap3A_490 = tpu.vector_load %arg12[%swap3A_489] {strides = array<i32>} : memref<128xi32, #tpu.memory_space<vmem>>, vector<16xi32>,
        %swap3A_491 = vector.shape_cast %swap3A_490 : vector<16xi32> to vector<16xi32>
        %swap3A_492 = vector.shape_cast %get3A_488 : vector<16xi32> to vector<16xi32>
        tpu.vector_store %arg12[%swap3A_489], %swap3A_492 {strides = array<i32>} : memref<128xi32, #tpu.memory_space<vmem>>, vector<16xi32>,
        %get3A_493 = arith.constant 784 : index
        %get3A_494 = tpu.vector_load %arg11[%get3A_493] {strides = array<i32>} : memref<1664xi32, #tpu.memory_space<vmem>>, vector<16xi32>,
        %get3A_495 = vector.shape_cast %get3A_494 : vector<16xi32> to vector<16xi32>
        %swap3A_496 = arith.constant 16 : index
        %swap3A_497 = tpu.vector_load %arg12[%swap3A_496] {strides = array<i32>} : memref<128xi32, #tpu.memory_space<vmem>>, vector<16xi32>,
        %swap3A_498 = vector.shape_cast %swap3A_497 : vector<16xi32> to vector<16xi32>
        %swap3A_499 = vector.shape_cast %get3A_495 : vector<16xi32> to vector<16xi32>
        tpu.vector_store %arg12[%swap3A_496], %swap3A_499 {strides = array<i32>} : memref<128xi32, #tpu.memory_space<vmem>>, vector<16xi32>,
        %get3A_500 = arith.constant 800 : index
        %get3A_501 = tpu.vector_load %arg11[%get3A_500] {strides = array<i32>} : memref<1664xi32, #tpu.memory_space<vmem>>, vector<16xi32>,
        %get3A_502 = vector.shape_cast %get3A_501 : vector<16xi32> to vector<16xi32>
        %swap3A_503 = arith.constant 32 : index
        %swap3A_504 = tpu.vector_load %arg12[%swap3A_503] {strides = array<i32>} : memref<128xi32, #tpu.memory_space<vmem>>, vector<16xi32>,
        %swap3A_505 = vector.shape_cast %swap3A_504 : vector<16xi32> to vector<16xi32>
        %swap3A_506 = vector.shape_cast %get3A_502 : vector<16xi32> to vector<16xi32>
        tpu.vector_store %arg12[%swap3A_503], %swap3A_506 {strides = array<i32>} : memref<128xi32, #tpu.memory_space<vmem>>, vector<16xi32>,
        %get3A_507 = arith.constant 816 : index
        %get3A_508 = tpu.vector_load %arg11[%get3A_507] {strides = array<i32>} : memref<1664xi32, #tpu.memory_space<vmem>>, vector<16xi32>,
        %get3A_509 = vector.shape_cast %get3A_508 : vector<16xi32> to vector<16xi32>
        %swap3A_510 = arith.constant 48 : index
        %swap3A_511 = tpu.vector_load %arg12[%swap3A_510] {strides = array<i32>} : memref<128xi32, #tpu.memory_space<vmem>>, vector<16xi32>,
        %swap3A_512 = vector.shape_cast %swap3A_511 : vector<16xi32> to vector<16xi32>
        %swap3A_513 = vector.shape_cast %get3A_509 : vector<16xi32> to vector<16xi32>
        tpu.vector_store %arg12[%swap3A_510], %swap3A_513 {strides = array<i32>} : memref<128xi32, #tpu.memory_space<vmem>>, vector<16xi32>,
        %get3A_514 = arith.constant 832 : index
        %get3A_515 = tpu.vector_load %arg11[%get3A_514] {strides = array<i32>} : memref<1664xi32, #tpu.memory_space<vmem>>, vector<16xi32>,
        %get3A_516 = vector.shape_cast %get3A_515 : vector<16xi32> to vector<16xi32>
        %swap3A_517 = arith.constant 64 : index
        %swap3A_518 = tpu.vector_load %arg12[%swap3A_517] {strides = array<i32>} : memref<128xi32, #tpu.memory_space<vmem>>, vector<16xi32>,
        %swap3A_519 = vector.shape_cast %swap3A_518 : vector<16xi32> to vector<16xi32>
        %swap3A_520 = vector.shape_cast %get3A_516 : vector<16xi32> to vector<16xi32>
        tpu.vector_store %arg12[%swap3A_517], %swap3A_520 {strides = array<i32>} : memref<128xi32, #tpu.memory_space<vmem>>, vector<16xi32>,
        %get3A_521 = arith.constant 848 : index
        %get3A_522 = tpu.vector_load %arg11[%get3A_521] {strides = array<i32>} : memref<1664xi32, #tpu.memory_space<vmem>>, vector<16xi32>,
        %get3A_523 = vector.shape_cast %get3A_522 : vector<16xi32> to vector<16xi32>
        %swap3A_524 = arith.constant 80 : index
        %swap3A_525 = tpu.vector_load %arg12[%swap3A_524] {strides = array<i32>} : memref<128xi32, #tpu.memory_space<vmem>>, vector<16xi32>,
        %swap3A_526 = vector.shape_cast %swap3A_525 : vector<16xi32> to vector<16xi32>
        %swap3A_527 = vector.shape_cast %get3A_523 : vector<16xi32> to vector<16xi32>
        tpu.vector_store %arg12[%swap3A_524], %swap3A_527 {strides = array<i32>} : memref<128xi32, #tpu.memory_space<vmem>>, vector<16xi32>,
        %get3A_528 = arith.constant 864 : index
        %get3A_529 = tpu.vector_load %arg11[%get3A_528] {strides = array<i32>} : memref<1664xi32, #tpu.memory_space<vmem>>, vector<16xi32>,
        %get3A_530 = vector.shape_cast %get3A_529 : vector<16xi32> to vector<16xi32>
        %swap3A_531 = arith.constant 96 : index
        %swap3A_532 = tpu.vector_load %arg12[%swap3A_531] {strides = array<i32>} : memref<128xi32, #tpu.memory_space<vmem>>, vector<16xi32>,
        %swap3A_533 = vector.shape_cast %swap3A_532 : vector<16xi32> to vector<16xi32>
        %swap3A_534 = vector.shape_cast %get3A_530 : vector<16xi32> to vector<16xi32>
        tpu.vector_store %arg12[%swap3A_531], %swap3A_534 {strides = array<i32>} : memref<128xi32, #tpu.memory_space<vmem>>, vector<16xi32>,
        %get3A_535 = arith.constant 880 : index
        %get3A_536 = tpu.vector_load %arg11[%get3A_535] {strides = array<i32>} : memref<1664xi32, #tpu.memory_space<vmem>>, vector<16xi32>,
        %get3A_537 = vector.shape_cast %get3A_536 : vector<16xi32> to vector<16xi32>
        %swap3A_538 = arith.constant 112 : index
        %swap3A_539 = tpu.vector_load %arg12[%swap3A_538] {strides = array<i32>} : memref<128xi32, #tpu.memory_space<vmem>>, vector<16xi32>,
        %swap3A_540 = vector.shape_cast %swap3A_539 : vector<16xi32> to vector<16xi32>
        %swap3A_541 = vector.shape_cast %get3A_537 : vector<16xi32> to vector<16xi32>
        tpu.vector_store %arg12[%swap3A_538], %swap3A_541 {strides = array<i32>} : memref<128xi32, #tpu.memory_space<vmem>>, vector<16xi32>,
        %dma_start3A_542 = arith.constant 896 : i32
        %dma_start3A_543 = tpu.memref_slice %arg10[%dma_start3A_542] : memref<1664xi32, #tpu.memory_space<vmem>> -> memref<128xi32, #tpu.memory_space<vmem>>
        %dma_start3A_544 = arith.constant 0 : i32
        %dma_start3A_545 = arith.constant 0 : i32
        %dma_start3A_546 = tpu.memref_slice %arg5[%dma_start3A_544, %dma_start3A_545] : memref<10000x128xf32, #tpu.memory_space<hbm>> -> memref<10000x128xf32, #tpu.memory_space<hbm>>
        tpu.enqueue_indirect_dma source(%dma_start3A_546 : memref<10000x128xf32, #tpu.memory_space<hbm>>) target(%arg18 : memref<128x128xf32, #tpu.memory_space<vmem>>) offsets(%dma_start3A_543 : memref<128xi32, #tpu.memory_space<vmem>>) semaphore(%arg21 : memref<!tpu.dma_semaphore, #tpu.memory_space<semaphore_mem>>)
        %dma_wait3A_547 = arith.constant 768 : i32
        %dma_wait3A_548 = tpu.memref_slice %arg10[%dma_wait3A_547] : memref<1664xi32, #tpu.memory_space<vmem>> -> memref<128xi32, #tpu.memory_space<vmem>>
        %dma_wait3A_549 = arith.constant 0 : i32
        %dma_wait3A_550 = arith.constant 0 : i32
        %dma_wait3A_551 = tpu.memref_slice %arg5[%dma_wait3A_549, %dma_wait3A_550] : memref<10000x128xf32, #tpu.memory_space<hbm>> -> memref<10000x128xf32, #tpu.memory_space<hbm>>
        tpu.wait_indirect_dma semaphore(%arg20 : memref<!tpu.dma_semaphore, #tpu.memory_space<semaphore_mem>>) src(%dma_wait3A_551 : memref<10000x128xf32, #tpu.memory_space<hbm>>) dst(%arg17 : memref<128x128xf32, #tpu.memory_space<vmem>>)
        "tpu.region"() ({
          %run_scoped3A = tpu.sem_alloc : memref<!tpu.dma_semaphore, #tpu.memory_space<semaphore_mem>>
          %dma_start3A_877 = arith.constant 0 : i32
          %dma_start3A_878 = arith.constant 0 : i32
          %dma_start3A_879 = tpu.memref_slice %arg19[%dma_start3A_877, %dma_start3A_878] : memref<10240x128xf32, #tpu.memory_space<vmem_shared>> -> memref<10240x128xf32, #tpu.memory_space<vmem_shared>>
          tpu.enqueue_indirect_dma source(%arg17 : memref<128x128xf32, #tpu.memory_space<vmem>>) target(%dma_start3A_879 : memref<10240x128xf32, #tpu.memory_space<vmem_shared>>) offsets(%arg12 : memref<128xi32, #tpu.memory_space<vmem>>) semaphore(%run_scoped3A : memref<!tpu.dma_semaphore, #tpu.memory_space<semaphore_mem>>) {add = true}
          %dma_wait3A_880 = arith.constant 0 : i32
          %dma_wait3A_881 = arith.constant 0 : i32
          %dma_wait3A_882 = tpu.memref_slice %arg19[%dma_wait3A_880, %dma_wait3A_881] : memref<10240x128xf32, #tpu.memory_space<vmem_shared>> -> memref<10240x128xf32, #tpu.memory_space<vmem_shared>>
          tpu.wait_indirect_dma semaphore(%run_scoped3A : memref<!tpu.dma_semaphore, #tpu.memory_space<semaphore_mem>>) src(%arg17 : memref<128x128xf32, #tpu.memory_space<vmem>>) dst(%dma_wait3A_882 : memref<10240x128xf32, #tpu.memory_space<vmem_shared>>)
          tpu.yield
        }) : () -> ()
        %get3A_552 = arith.constant 896 : index
        %get3A_553 = tpu.vector_load %arg11[%get3A_552] {strides = array<i32>} : memref<1664xi32, #tpu.memory_space<vmem>>, vector<16xi32>,
        %get3A_554 = vector.shape_cast %get3A_553 : vector<16xi32> to vector<16xi32>
        %swap3A_555 = arith.constant 0 : index
        %swap3A_556 = tpu.vector_load %arg12[%swap3A_555] {strides = array<i32>} : memref<128xi32, #tpu.memory_space<vmem>>, vector<16xi32>,
        %swap3A_557 = vector.shape_cast %swap3A_556 : vector<16xi32> to vector<16xi32>
        %swap3A_558 = vector.shape_cast %get3A_554 : vector<16xi32> to vector<16xi32>
        tpu.vector_store %arg12[%swap3A_555], %swap3A_558 {strides = array<i32>} : memref<128xi32, #tpu.memory_space<vmem>>, vector<16xi32>,
        %get3A_559 = arith.constant 912 : index
        %get3A_560 = tpu.vector_load %arg11[%get3A_559] {strides = array<i32>} : memref<1664xi32, #tpu.memory_space<vmem>>, vector<16xi32>,
        %get3A_561 = vector.shape_cast %get3A_560 : vector<16xi32> to vector<16xi32>
        %swap3A_562 = arith.constant 16 : index
        %swap3A_563 = tpu.vector_load %arg12[%swap3A_562] {strides = array<i32>} : memref<128xi32, #tpu.memory_space<vmem>>, vector<16xi32>,
        %swap3A_564 = vector.shape_cast %swap3A_563 : vector<16xi32> to vector<16xi32>
        %swap3A_565 = vector.shape_cast %get3A_561 : vector<16xi32> to vector<16xi32>
        tpu.vector_store %arg12[%swap3A_562], %swap3A_565 {strides = array<i32>} : memref<128xi32, #tpu.memory_space<vmem>>, vector<16xi32>,
        %get3A_566 = arith.constant 928 : index
        %get3A_567 = tpu.vector_load %arg11[%get3A_566] {strides = array<i32>} : memref<1664xi32, #tpu.memory_space<vmem>>, vector<16xi32>,
        %get3A_568 = vector.shape_cast %get3A_567 : vector<16xi32> to vector<16xi32>
        %swap3A_569 = arith.constant 32 : index
        %swap3A_570 = tpu.vector_load %arg12[%swap3A_569] {strides = array<i32>} : memref<128xi32, #tpu.memory_space<vmem>>, vector<16xi32>,
        %swap3A_571 = vector.shape_cast %swap3A_570 : vector<16xi32> to vector<16xi32>
        %swap3A_572 = vector.shape_cast %get3A_568 : vector<16xi32> to vector<16xi32>
        tpu.vector_store %arg12[%swap3A_569], %swap3A_572 {strides = array<i32>} : memref<128xi32, #tpu.memory_space<vmem>>, vector<16xi32>,
        %get3A_573 = arith.constant 944 : index
        %get3A_574 = tpu.vector_load %arg11[%get3A_573] {strides = array<i32>} : memref<1664xi32, #tpu.memory_space<vmem>>, vector<16xi32>,
        %get3A_575 = vector.shape_cast %get3A_574 : vector<16xi32> to vector<16xi32>
        %swap3A_576 = arith.constant 48 : index
        %swap3A_577 = tpu.vector_load %arg12[%swap3A_576] {strides = array<i32>} : memref<128xi32, #tpu.memory_space<vmem>>, vector<16xi32>,
        %swap3A_578 = vector.shape_cast %swap3A_577 : vector<16xi32> to vector<16xi32>
        %swap3A_579 = vector.shape_cast %get3A_575 : vector<16xi32> to vector<16xi32>
        tpu.vector_store %arg12[%swap3A_576], %swap3A_579 {strides = array<i32>} : memref<128xi32, #tpu.memory_space<vmem>>, vector<16xi32>,
        %get3A_580 = arith.constant 960 : index
        %get3A_581 = tpu.vector_load %arg11[%get3A_580] {strides = array<i32>} : memref<1664xi32, #tpu.memory_space<vmem>>, vector<16xi32>,
        %get3A_582 = vector.shape_cast %get3A_581 : vector<16xi32> to vector<16xi32>
        %swap3A_583 = arith.constant 64 : index
        %swap3A_584 = tpu.vector_load %arg12[%swap3A_583] {strides = array<i32>} : memref<128xi32, #tpu.memory_space<vmem>>, vector<16xi32>,
        %swap3A_585 = vector.shape_cast %swap3A_584 : vector<16xi32> to vector<16xi32>
        %swap3A_586 = vector.shape_cast %get3A_582 : vector<16xi32> to vector<16xi32>
        tpu.vector_store %arg12[%swap3A_583], %swap3A_586 {strides = array<i32>} : memref<128xi32, #tpu.memory_space<vmem>>, vector<16xi32>,
        %get3A_587 = arith.constant 976 : index
        %get3A_588 = tpu.vector_load %arg11[%get3A_587] {strides = array<i32>} : memref<1664xi32, #tpu.memory_space<vmem>>, vector<16xi32>,
        %get3A_589 = vector.shape_cast %get3A_588 : vector<16xi32> to vector<16xi32>
        %swap3A_590 = arith.constant 80 : index
        %swap3A_591 = tpu.vector_load %arg12[%swap3A_590] {strides = array<i32>} : memref<128xi32, #tpu.memory_space<vmem>>, vector<16xi32>,
        %swap3A_592 = vector.shape_cast %swap3A_591 : vector<16xi32> to vector<16xi32>
        %swap3A_593 = vector.shape_cast %get3A_589 : vector<16xi32> to vector<16xi32>
        tpu.vector_store %arg12[%swap3A_590], %swap3A_593 {strides = array<i32>} : memref<128xi32, #tpu.memory_space<vmem>>, vector<16xi32>,
        %get3A_594 = arith.constant 992 : index
        %get3A_595 = tpu.vector_load %arg11[%get3A_594] {strides = array<i32>} : memref<1664xi32, #tpu.memory_space<vmem>>, vector<16xi32>,
        %get3A_596 = vector.shape_cast %get3A_595 : vector<16xi32> to vector<16xi32>
        %swap3A_597 = arith.constant 96 : index
        %swap3A_598 = tpu.vector_load %arg12[%swap3A_597] {strides = array<i32>} : memref<128xi32, #tpu.memory_space<vmem>>, vector<16xi32>,
        %swap3A_599 = vector.shape_cast %swap3A_598 : vector<16xi32> to vector<16xi32>
        %swap3A_600 = vector.shape_cast %get3A_596 : vector<16xi32> to vector<16xi32>
        tpu.vector_store %arg12[%swap3A_597], %swap3A_600 {strides = array<i32>} : memref<128xi32, #tpu.memory_space<vmem>>, vector<16xi32>,
        %get3A_601 = arith.constant 1008 : index
        %get3A_602 = tpu.vector_load %arg11[%get3A_601] {strides = array<i32>} : memref<1664xi32, #tpu.memory_space<vmem>>, vector<16xi32>,
        %get3A_603 = vector.shape_cast %get3A_602 : vector<16xi32> to vector<16xi32>
        %swap3A_604 = arith.constant 112 : index
        %swap3A_605 = tpu.vector_load %arg12[%swap3A_604] {strides = array<i32>} : memref<128xi32, #tpu.memory_space<vmem>>, vector<16xi32>,
        %swap3A_606 = vector.shape_cast %swap3A_605 : vector<16xi32> to vector<16xi32>
        %swap3A_607 = vector.shape_cast %get3A_603 : vector<16xi32> to vector<16xi32>
        tpu.vector_store %arg12[%swap3A_604], %swap3A_607 {strides = array<i32>} : memref<128xi32, #tpu.memory_space<vmem>>, vector<16xi32>,
        %dma_start3A_608 = arith.constant 1024 : i32
        %dma_start3A_609 = tpu.memref_slice %arg10[%dma_start3A_608] : memref<1664xi32, #tpu.memory_space<vmem>> -> memref<128xi32, #tpu.memory_space<vmem>>
        %dma_start3A_610 = arith.constant 0 : i32
        %dma_start3A_611 = arith.constant 0 : i32
        %dma_start3A_612 = tpu.memref_slice %arg5[%dma_start3A_610, %dma_start3A_611] : memref<10000x128xf32, #tpu.memory_space<hbm>> -> memref<10000x128xf32, #tpu.memory_space<hbm>>
        tpu.enqueue_indirect_dma source(%dma_start3A_612 : memref<10000x128xf32, #tpu.memory_space<hbm>>) target(%arg17 : memref<128x128xf32, #tpu.memory_space<vmem>>) offsets(%dma_start3A_609 : memref<128xi32, #tpu.memory_space<vmem>>) semaphore(%arg20 : memref<!tpu.dma_semaphore, #tpu.memory_space<semaphore_mem>>)
        %dma_wait3A_613 = arith.constant 896 : i32
        %dma_wait3A_614 = tpu.memref_slice %arg10[%dma_wait3A_613] : memref<1664xi32, #tpu.memory_space<vmem>> -> memref<128xi32, #tpu.memory_space<vmem>>
        %dma_wait3A_615 = arith.constant 0 : i32
        %dma_wait3A_616 = arith.constant 0 : i32
        %dma_wait3A_617 = tpu.memref_slice %arg5[%dma_wait3A_615, %dma_wait3A_616] : memref<10000x128xf32, #tpu.memory_space<hbm>> -> memref<10000x128xf32, #tpu.memory_space<hbm>>
        tpu.wait_indirect_dma semaphore(%arg21 : memref<!tpu.dma_semaphore, #tpu.memory_space<semaphore_mem>>) src(%dma_wait3A_617 : memref<10000x128xf32, #tpu.memory_space<hbm>>) dst(%arg18 : memref<128x128xf32, #tpu.memory_space<vmem>>)
        "tpu.region"() ({
          %run_scoped3A = tpu.sem_alloc : memref<!tpu.dma_semaphore, #tpu.memory_space<semaphore_mem>>
          %dma_start3A_877 = arith.constant 0 : i32
          %dma_start3A_878 = arith.constant 0 : i32
          %dma_start3A_879 = tpu.memref_slice %arg19[%dma_start3A_877, %dma_start3A_878] : memref<10240x128xf32, #tpu.memory_space<vmem_shared>> -> memref<10240x128xf32, #tpu.memory_space<vmem_shared>>
          tpu.enqueue_indirect_dma source(%arg18 : memref<128x128xf32, #tpu.memory_space<vmem>>) target(%dma_start3A_879 : memref<10240x128xf32, #tpu.memory_space<vmem_shared>>) offsets(%arg12 : memref<128xi32, #tpu.memory_space<vmem>>) semaphore(%run_scoped3A : memref<!tpu.dma_semaphore, #tpu.memory_space<semaphore_mem>>) {add = true}
          %dma_wait3A_880 = arith.constant 0 : i32
          %dma_wait3A_881 = arith.constant 0 : i32
          %dma_wait3A_882 = tpu.memref_slice %arg19[%dma_wait3A_880, %dma_wait3A_881] : memref<10240x128xf32, #tpu.memory_space<vmem_shared>> -> memref<10240x128xf32, #tpu.memory_space<vmem_shared>>
          tpu.wait_indirect_dma semaphore(%run_scoped3A : memref<!tpu.dma_semaphore, #tpu.memory_space<semaphore_mem>>) src(%arg18 : memref<128x128xf32, #tpu.memory_space<vmem>>) dst(%dma_wait3A_882 : memref<10240x128xf32, #tpu.memory_space<vmem_shared>>)
          tpu.yield
        }) : () -> ()
        %get3A_618 = arith.constant 1024 : index
        %get3A_619 = tpu.vector_load %arg11[%get3A_618] {strides = array<i32>} : memref<1664xi32, #tpu.memory_space<vmem>>, vector<16xi32>,
        %get3A_620 = vector.shape_cast %get3A_619 : vector<16xi32> to vector<16xi32>
        %swap3A_621 = arith.constant 0 : index
        %swap3A_622 = tpu.vector_load %arg12[%swap3A_621] {strides = array<i32>} : memref<128xi32, #tpu.memory_space<vmem>>, vector<16xi32>,
        %swap3A_623 = vector.shape_cast %swap3A_622 : vector<16xi32> to vector<16xi32>
        %swap3A_624 = vector.shape_cast %get3A_620 : vector<16xi32> to vector<16xi32>
        tpu.vector_store %arg12[%swap3A_621], %swap3A_624 {strides = array<i32>} : memref<128xi32, #tpu.memory_space<vmem>>, vector<16xi32>,
        %get3A_625 = arith.constant 1040 : index
        %get3A_626 = tpu.vector_load %arg11[%get3A_625] {strides = array<i32>} : memref<1664xi32, #tpu.memory_space<vmem>>, vector<16xi32>,
        %get3A_627 = vector.shape_cast %get3A_626 : vector<16xi32> to vector<16xi32>
        %swap3A_628 = arith.constant 16 : index
        %swap3A_629 = tpu.vector_load %arg12[%swap3A_628] {strides = array<i32>} : memref<128xi32, #tpu.memory_space<vmem>>, vector<16xi32>,
        %swap3A_630 = vector.shape_cast %swap3A_629 : vector<16xi32> to vector<16xi32>
        %swap3A_631 = vector.shape_cast %get3A_627 : vector<16xi32> to vector<16xi32>
        tpu.vector_store %arg12[%swap3A_628], %swap3A_631 {strides = array<i32>} : memref<128xi32, #tpu.memory_space<vmem>>, vector<16xi32>,
        %get3A_632 = arith.constant 1056 : index
        %get3A_633 = tpu.vector_load %arg11[%get3A_632] {strides = array<i32>} : memref<1664xi32, #tpu.memory_space<vmem>>, vector<16xi32>,
        %get3A_634 = vector.shape_cast %get3A_633 : vector<16xi32> to vector<16xi32>
        %swap3A_635 = arith.constant 32 : index
        %swap3A_636 = tpu.vector_load %arg12[%swap3A_635] {strides = array<i32>} : memref<128xi32, #tpu.memory_space<vmem>>, vector<16xi32>,
        %swap3A_637 = vector.shape_cast %swap3A_636 : vector<16xi32> to vector<16xi32>
        %swap3A_638 = vector.shape_cast %get3A_634 : vector<16xi32> to vector<16xi32>
        tpu.vector_store %arg12[%swap3A_635], %swap3A_638 {strides = array<i32>} : memref<128xi32, #tpu.memory_space<vmem>>, vector<16xi32>,
        %get3A_639 = arith.constant 1072 : index
        %get3A_640 = tpu.vector_load %arg11[%get3A_639] {strides = array<i32>} : memref<1664xi32, #tpu.memory_space<vmem>>, vector<16xi32>,
        %get3A_641 = vector.shape_cast %get3A_640 : vector<16xi32> to vector<16xi32>
        %swap3A_642 = arith.constant 48 : index
        %swap3A_643 = tpu.vector_load %arg12[%swap3A_642] {strides = array<i32>} : memref<128xi32, #tpu.memory_space<vmem>>, vector<16xi32>,
        %swap3A_644 = vector.shape_cast %swap3A_643 : vector<16xi32> to vector<16xi32>
        %swap3A_645 = vector.shape_cast %get3A_641 : vector<16xi32> to vector<16xi32>
        tpu.vector_store %arg12[%swap3A_642], %swap3A_645 {strides = array<i32>} : memref<128xi32, #tpu.memory_space<vmem>>, vector<16xi32>,
        %get3A_646 = arith.constant 1088 : index
        %get3A_647 = tpu.vector_load %arg11[%get3A_646] {strides = array<i32>} : memref<1664xi32, #tpu.memory_space<vmem>>, vector<16xi32>,
        %get3A_648 = vector.shape_cast %get3A_647 : vector<16xi32> to vector<16xi32>
        %swap3A_649 = arith.constant 64 : index
        %swap3A_650 = tpu.vector_load %arg12[%swap3A_649] {strides = array<i32>} : memref<128xi32, #tpu.memory_space<vmem>>, vector<16xi32>,
        %swap3A_651 = vector.shape_cast %swap3A_650 : vector<16xi32> to vector<16xi32>
        %swap3A_652 = vector.shape_cast %get3A_648 : vector<16xi32> to vector<16xi32>
        tpu.vector_store %arg12[%swap3A_649], %swap3A_652 {strides = array<i32>} : memref<128xi32, #tpu.memory_space<vmem>>, vector<16xi32>,
        %get3A_653 = arith.constant 1104 : index
        %get3A_654 = tpu.vector_load %arg11[%get3A_653] {strides = array<i32>} : memref<1664xi32, #tpu.memory_space<vmem>>, vector<16xi32>,
        %get3A_655 = vector.shape_cast %get3A_654 : vector<16xi32> to vector<16xi32>
        %swap3A_656 = arith.constant 80 : index
        %swap3A_657 = tpu.vector_load %arg12[%swap3A_656] {strides = array<i32>} : memref<128xi32, #tpu.memory_space<vmem>>, vector<16xi32>,
        %swap3A_658 = vector.shape_cast %swap3A_657 : vector<16xi32> to vector<16xi32>
        %swap3A_659 = vector.shape_cast %get3A_655 : vector<16xi32> to vector<16xi32>
        tpu.vector_store %arg12[%swap3A_656], %swap3A_659 {strides = array<i32>} : memref<128xi32, #tpu.memory_space<vmem>>, vector<16xi32>,
        %get3A_660 = arith.constant 1120 : index
        %get3A_661 = tpu.vector_load %arg11[%get3A_660] {strides = array<i32>} : memref<1664xi32, #tpu.memory_space<vmem>>, vector<16xi32>,
        %get3A_662 = vector.shape_cast %get3A_661 : vector<16xi32> to vector<16xi32>
        %swap3A_663 = arith.constant 96 : index
        %swap3A_664 = tpu.vector_load %arg12[%swap3A_663] {strides = array<i32>} : memref<128xi32, #tpu.memory_space<vmem>>, vector<16xi32>,
        %swap3A_665 = vector.shape_cast %swap3A_664 : vector<16xi32> to vector<16xi32>
        %swap3A_666 = vector.shape_cast %get3A_662 : vector<16xi32> to vector<16xi32>
        tpu.vector_store %arg12[%swap3A_663], %swap3A_666 {strides = array<i32>} : memref<128xi32, #tpu.memory_space<vmem>>, vector<16xi32>,
        %get3A_667 = arith.constant 1136 : index
        %get3A_668 = tpu.vector_load %arg11[%get3A_667] {strides = array<i32>} : memref<1664xi32, #tpu.memory_space<vmem>>, vector<16xi32>,
        %get3A_669 = vector.shape_cast %get3A_668 : vector<16xi32> to vector<16xi32>
        %swap3A_670 = arith.constant 112 : index
        %swap3A_671 = tpu.vector_load %arg12[%swap3A_670] {strides = array<i32>} : memref<128xi32, #tpu.memory_space<vmem>>, vector<16xi32>,
        %swap3A_672 = vector.shape_cast %swap3A_671 : vector<16xi32> to vector<16xi32>
        %swap3A_673 = vector.shape_cast %get3A_669 : vector<16xi32> to vector<16xi32>
        tpu.vector_store %arg12[%swap3A_670], %swap3A_673 {strides = array<i32>} : memref<128xi32, #tpu.memory_space<vmem>>, vector<16xi32>,
        %dma_start3A_674 = arith.constant 1152 : i32
        %dma_start3A_675 = tpu.memref_slice %arg10[%dma_start3A_674] : memref<1664xi32, #tpu.memory_space<vmem>> -> memref<128xi32, #tpu.memory_space<vmem>>
        %dma_start3A_676 = arith.constant 0 : i32
        %dma_start3A_677 = arith.constant 0 : i32
        %dma_start3A_678 = tpu.memref_slice %arg5[%dma_start3A_676, %dma_start3A_677] : memref<10000x128xf32, #tpu.memory_space<hbm>> -> memref<10000x128xf32, #tpu.memory_space<hbm>>
        tpu.enqueue_indirect_dma source(%dma_start3A_678 : memref<10000x128xf32, #tpu.memory_space<hbm>>) target(%arg18 : memref<128x128xf32, #tpu.memory_space<vmem>>) offsets(%dma_start3A_675 : memref<128xi32, #tpu.memory_space<vmem>>) semaphore(%arg21 : memref<!tpu.dma_semaphore, #tpu.memory_space<semaphore_mem>>)
        %dma_wait3A_679 = arith.constant 1024 : i32
        %dma_wait3A_680 = tpu.memref_slice %arg10[%dma_wait3A_679] : memref<1664xi32, #tpu.memory_space<vmem>> -> memref<128xi32, #tpu.memory_space<vmem>>
        %dma_wait3A_681 = arith.constant 0 : i32
        %dma_wait3A_682 = arith.constant 0 : i32
        %dma_wait3A_683 = tpu.memref_slice %arg5[%dma_wait3A_681, %dma_wait3A_682] : memref<10000x128xf32, #tpu.memory_space<hbm>> -> memref<10000x128xf32, #tpu.memory_space<hbm>>
        tpu.wait_indirect_dma semaphore(%arg20 : memref<!tpu.dma_semaphore, #tpu.memory_space<semaphore_mem>>) src(%dma_wait3A_683 : memref<10000x128xf32, #tpu.memory_space<hbm>>) dst(%arg17 : memref<128x128xf32, #tpu.memory_space<vmem>>)
        "tpu.region"() ({
          %run_scoped3A = tpu.sem_alloc : memref<!tpu.dma_semaphore, #tpu.memory_space<semaphore_mem>>
          %dma_start3A_877 = arith.constant 0 : i32
          %dma_start3A_878 = arith.constant 0 : i32
          %dma_start3A_879 = tpu.memref_slice %arg19[%dma_start3A_877, %dma_start3A_878] : memref<10240x128xf32, #tpu.memory_space<vmem_shared>> -> memref<10240x128xf32, #tpu.memory_space<vmem_shared>>
          tpu.enqueue_indirect_dma source(%arg17 : memref<128x128xf32, #tpu.memory_space<vmem>>) target(%dma_start3A_879 : memref<10240x128xf32, #tpu.memory_space<vmem_shared>>) offsets(%arg12 : memref<128xi32, #tpu.memory_space<vmem>>) semaphore(%run_scoped3A : memref<!tpu.dma_semaphore, #tpu.memory_space<semaphore_mem>>) {add = true}
          %dma_wait3A_880 = arith.constant 0 : i32
          %dma_wait3A_881 = arith.constant 0 : i32
          %dma_wait3A_882 = tpu.memref_slice %arg19[%dma_wait3A_880, %dma_wait3A_881] : memref<10240x128xf32, #tpu.memory_space<vmem_shared>> -> memref<10240x128xf32, #tpu.memory_space<vmem_shared>>
          tpu.wait_indirect_dma semaphore(%run_scoped3A : memref<!tpu.dma_semaphore, #tpu.memory_space<semaphore_mem>>) src(%arg17 : memref<128x128xf32, #tpu.memory_space<vmem>>) dst(%dma_wait3A_882 : memref<10240x128xf32, #tpu.memory_space<vmem_shared>>)
          tpu.yield
        }) : () -> ()
        %get3A_684 = arith.constant 1152 : index
        %get3A_685 = tpu.vector_load %arg11[%get3A_684] {strides = array<i32>} : memref<1664xi32, #tpu.memory_space<vmem>>, vector<16xi32>,
        %get3A_686 = vector.shape_cast %get3A_685 : vector<16xi32> to vector<16xi32>
        %swap3A_687 = arith.constant 0 : index
        %swap3A_688 = tpu.vector_load %arg12[%swap3A_687] {strides = array<i32>} : memref<128xi32, #tpu.memory_space<vmem>>, vector<16xi32>,
        %swap3A_689 = vector.shape_cast %swap3A_688 : vector<16xi32> to vector<16xi32>
        %swap3A_690 = vector.shape_cast %get3A_686 : vector<16xi32> to vector<16xi32>
        tpu.vector_store %arg12[%swap3A_687], %swap3A_690 {strides = array<i32>} : memref<128xi32, #tpu.memory_space<vmem>>, vector<16xi32>,
        %get3A_691 = arith.constant 1168 : index
        %get3A_692 = tpu.vector_load %arg11[%get3A_691] {strides = array<i32>} : memref<1664xi32, #tpu.memory_space<vmem>>, vector<16xi32>,
        %get3A_693 = vector.shape_cast %get3A_692 : vector<16xi32> to vector<16xi32>
        %swap3A_694 = arith.constant 16 : index
        %swap3A_695 = tpu.vector_load %arg12[%swap3A_694] {strides = array<i32>} : memref<128xi32, #tpu.memory_space<vmem>>, vector<16xi32>,
        %swap3A_696 = vector.shape_cast %swap3A_695 : vector<16xi32> to vector<16xi32>
        %swap3A_697 = vector.shape_cast %get3A_693 : vector<16xi32> to vector<16xi32>
        tpu.vector_store %arg12[%swap3A_694], %swap3A_697 {strides = array<i32>} : memref<128xi32, #tpu.memory_space<vmem>>, vector<16xi32>,
        %get3A_698 = arith.constant 1184 : index
        %get3A_699 = tpu.vector_load %arg11[%get3A_698] {strides = array<i32>} : memref<1664xi32, #tpu.memory_space<vmem>>, vector<16xi32>,
        %get3A_700 = vector.shape_cast %get3A_699 : vector<16xi32> to vector<16xi32>
        %swap3A_701 = arith.constant 32 : index
        %swap3A_702 = tpu.vector_load %arg12[%swap3A_701] {strides = array<i32>} : memref<128xi32, #tpu.memory_space<vmem>>, vector<16xi32>,
        %swap3A_703 = vector.shape_cast %swap3A_702 : vector<16xi32> to vector<16xi32>
        %swap3A_704 = vector.shape_cast %get3A_700 : vector<16xi32> to vector<16xi32>
        tpu.vector_store %arg12[%swap3A_701], %swap3A_704 {strides = array<i32>} : memref<128xi32, #tpu.memory_space<vmem>>, vector<16xi32>,
        %get3A_705 = arith.constant 1200 : index
        %get3A_706 = tpu.vector_load %arg11[%get3A_705] {strides = array<i32>} : memref<1664xi32, #tpu.memory_space<vmem>>, vector<16xi32>,
        %get3A_707 = vector.shape_cast %get3A_706 : vector<16xi32> to vector<16xi32>
        %swap3A_708 = arith.constant 48 : index
        %swap3A_709 = tpu.vector_load %arg12[%swap3A_708] {strides = array<i32>} : memref<128xi32, #tpu.memory_space<vmem>>, vector<16xi32>,
        %swap3A_710 = vector.shape_cast %swap3A_709 : vector<16xi32> to vector<16xi32>
        %swap3A_711 = vector.shape_cast %get3A_707 : vector<16xi32> to vector<16xi32>
        tpu.vector_store %arg12[%swap3A_708], %swap3A_711 {strides = array<i32>} : memref<128xi32, #tpu.memory_space<vmem>>, vector<16xi32>,
        %get3A_712 = arith.constant 1216 : index
        %get3A_713 = tpu.vector_load %arg11[%get3A_712] {strides = array<i32>} : memref<1664xi32, #tpu.memory_space<vmem>>, vector<16xi32>,
        %get3A_714 = vector.shape_cast %get3A_713 : vector<16xi32> to vector<16xi32>
        %swap3A_715 = arith.constant 64 : index
        %swap3A_716 = tpu.vector_load %arg12[%swap3A_715] {strides = array<i32>} : memref<128xi32, #tpu.memory_space<vmem>>, vector<16xi32>,
        %swap3A_717 = vector.shape_cast %swap3A_716 : vector<16xi32> to vector<16xi32>
        %swap3A_718 = vector.shape_cast %get3A_714 : vector<16xi32> to vector<16xi32>
        tpu.vector_store %arg12[%swap3A_715], %swap3A_718 {strides = array<i32>} : memref<128xi32, #tpu.memory_space<vmem>>, vector<16xi32>,
        %get3A_719 = arith.constant 1232 : index
        %get3A_720 = tpu.vector_load %arg11[%get3A_719] {strides = array<i32>} : memref<1664xi32, #tpu.memory_space<vmem>>, vector<16xi32>,
        %get3A_721 = vector.shape_cast %get3A_720 : vector<16xi32> to vector<16xi32>
        %swap3A_722 = arith.constant 80 : index
        %swap3A_723 = tpu.vector_load %arg12[%swap3A_722] {strides = array<i32>} : memref<128xi32, #tpu.memory_space<vmem>>, vector<16xi32>,
        %swap3A_724 = vector.shape_cast %swap3A_723 : vector<16xi32> to vector<16xi32>
        %swap3A_725 = vector.shape_cast %get3A_721 : vector<16xi32> to vector<16xi32>
        tpu.vector_store %arg12[%swap3A_722], %swap3A_725 {strides = array<i32>} : memref<128xi32, #tpu.memory_space<vmem>>, vector<16xi32>,
        %get3A_726 = arith.constant 1248 : index
        %get3A_727 = tpu.vector_load %arg11[%get3A_726] {strides = array<i32>} : memref<1664xi32, #tpu.memory_space<vmem>>, vector<16xi32>,
        %get3A_728 = vector.shape_cast %get3A_727 : vector<16xi32> to vector<16xi32>
        %swap3A_729 = arith.constant 96 : index
        %swap3A_730 = tpu.vector_load %arg12[%swap3A_729] {strides = array<i32>} : memref<128xi32, #tpu.memory_space<vmem>>, vector<16xi32>,
        %swap3A_731 = vector.shape_cast %swap3A_730 : vector<16xi32> to vector<16xi32>
        %swap3A_732 = vector.shape_cast %get3A_728 : vector<16xi32> to vector<16xi32>
        tpu.vector_store %arg12[%swap3A_729], %swap3A_732 {strides = array<i32>} : memref<128xi32, #tpu.memory_space<vmem>>, vector<16xi32>,
        %get3A_733 = arith.constant 1264 : index
        %get3A_734 = tpu.vector_load %arg11[%get3A_733] {strides = array<i32>} : memref<1664xi32, #tpu.memory_space<vmem>>, vector<16xi32>,
        %get3A_735 = vector.shape_cast %get3A_734 : vector<16xi32> to vector<16xi32>
        %swap3A_736 = arith.constant 112 : index
        %swap3A_737 = tpu.vector_load %arg12[%swap3A_736] {strides = array<i32>} : memref<128xi32, #tpu.memory_space<vmem>>, vector<16xi32>,
        %swap3A_738 = vector.shape_cast %swap3A_737 : vector<16xi32> to vector<16xi32>
        %swap3A_739 = vector.shape_cast %get3A_735 : vector<16xi32> to vector<16xi32>
        tpu.vector_store %arg12[%swap3A_736], %swap3A_739 {strides = array<i32>} : memref<128xi32, #tpu.memory_space<vmem>>, vector<16xi32>,
        %dma_start3A_740 = arith.constant 1280 : i32
        %dma_start3A_741 = tpu.memref_slice %arg10[%dma_start3A_740] : memref<1664xi32, #tpu.memory_space<vmem>> -> memref<128xi32, #tpu.memory_space<vmem>>
        %dma_start3A_742 = arith.constant 0 : i32
        %dma_start3A_743 = arith.constant 0 : i32
        %dma_start3A_744 = tpu.memref_slice %arg5[%dma_start3A_742, %dma_start3A_743] : memref<10000x128xf32, #tpu.memory_space<hbm>> -> memref<10000x128xf32, #tpu.memory_space<hbm>>
        tpu.enqueue_indirect_dma source(%dma_start3A_744 : memref<10000x128xf32, #tpu.memory_space<hbm>>) target(%arg17 : memref<128x128xf32, #tpu.memory_space<vmem>>) offsets(%dma_start3A_741 : memref<128xi32, #tpu.memory_space<vmem>>) semaphore(%arg20 : memref<!tpu.dma_semaphore, #tpu.memory_space<semaphore_mem>>)
        %dma_wait3A_745 = arith.constant 1152 : i32
        %dma_wait3A_746 = tpu.memref_slice %arg10[%dma_wait3A_745] : memref<1664xi32, #tpu.memory_space<vmem>> -> memref<128xi32, #tpu.memory_space<vmem>>
        %dma_wait3A_747 = arith.constant 0 : i32
        %dma_wait3A_748 = arith.constant 0 : i32
        %dma_wait3A_749 = tpu.memref_slice %arg5[%dma_wait3A_747, %dma_wait3A_748] : memref<10000x128xf32, #tpu.memory_space<hbm>> -> memref<10000x128xf32, #tpu.memory_space<hbm>>
        tpu.wait_indirect_dma semaphore(%arg21 : memref<!tpu.dma_semaphore, #tpu.memory_space<semaphore_mem>>) src(%dma_wait3A_749 : memref<10000x128xf32, #tpu.memory_space<hbm>>) dst(%arg18 : memref<128x128xf32, #tpu.memory_space<vmem>>)
        "tpu.region"() ({
          %run_scoped3A = tpu.sem_alloc : memref<!tpu.dma_semaphore, #tpu.memory_space<semaphore_mem>>
          %dma_start3A_877 = arith.constant 0 : i32
          %dma_start3A_878 = arith.constant 0 : i32
          %dma_start3A_879 = tpu.memref_slice %arg19[%dma_start3A_877, %dma_start3A_878] : memref<10240x128xf32, #tpu.memory_space<vmem_shared>> -> memref<10240x128xf32, #tpu.memory_space<vmem_shared>>
          tpu.enqueue_indirect_dma source(%arg18 : memref<128x128xf32, #tpu.memory_space<vmem>>) target(%dma_start3A_879 : memref<10240x128xf32, #tpu.memory_space<vmem_shared>>) offsets(%arg12 : memref<128xi32, #tpu.memory_space<vmem>>) semaphore(%run_scoped3A : memref<!tpu.dma_semaphore, #tpu.memory_space<semaphore_mem>>) {add = true}
          %dma_wait3A_880 = arith.constant 0 : i32
          %dma_wait3A_881 = arith.constant 0 : i32
          %dma_wait3A_882 = tpu.memref_slice %arg19[%dma_wait3A_880, %dma_wait3A_881] : memref<10240x128xf32, #tpu.memory_space<vmem_shared>> -> memref<10240x128xf32, #tpu.memory_space<vmem_shared>>
          tpu.wait_indirect_dma semaphore(%run_scoped3A : memref<!tpu.dma_semaphore, #tpu.memory_space<semaphore_mem>>) src(%arg18 : memref<128x128xf32, #tpu.memory_space<vmem>>) dst(%dma_wait3A_882 : memref<10240x128xf32, #tpu.memory_space<vmem_shared>>)
          tpu.yield
        }) : () -> ()
        %get3A_750 = arith.constant 1280 : index
        %get3A_751 = tpu.vector_load %arg11[%get3A_750] {strides = array<i32>} : memref<1664xi32, #tpu.memory_space<vmem>>, vector<16xi32>,
        %get3A_752 = vector.shape_cast %get3A_751 : vector<16xi32> to vector<16xi32>
        %swap3A_753 = arith.constant 0 : index
        %swap3A_754 = tpu.vector_load %arg12[%swap3A_753] {strides = array<i32>} : memref<128xi32, #tpu.memory_space<vmem>>, vector<16xi32>,
        %swap3A_755 = vector.shape_cast %swap3A_754 : vector<16xi32> to vector<16xi32>
        %swap3A_756 = vector.shape_cast %get3A_752 : vector<16xi32> to vector<16xi32>
        tpu.vector_store %arg12[%swap3A_753], %swap3A_756 {strides = array<i32>} : memref<128xi32, #tpu.memory_space<vmem>>, vector<16xi32>,
        %get3A_757 = arith.constant 1296 : index
        %get3A_758 = tpu.vector_load %arg11[%get3A_757] {strides = array<i32>} : memref<1664xi32, #tpu.memory_space<vmem>>, vector<16xi32>,
        %get3A_759 = vector.shape_cast %get3A_758 : vector<16xi32> to vector<16xi32>
        %swap3A_760 = arith.constant 16 : index
        %swap3A_761 = tpu.vector_load %arg12[%swap3A_760] {strides = array<i32>} : memref<128xi32, #tpu.memory_space<vmem>>, vector<16xi32>,
        %swap3A_762 = vector.shape_cast %swap3A_761 : vector<16xi32> to vector<16xi32>
        %swap3A_763 = vector.shape_cast %get3A_759 : vector<16xi32> to vector<16xi32>
        tpu.vector_store %arg12[%swap3A_760], %swap3A_763 {strides = array<i32>} : memref<128xi32, #tpu.memory_space<vmem>>, vector<16xi32>,
        %get3A_764 = arith.constant 1312 : index
        %get3A_765 = tpu.vector_load %arg11[%get3A_764] {strides = array<i32>} : memref<1664xi32, #tpu.memory_space<vmem>>, vector<16xi32>,
        %get3A_766 = vector.shape_cast %get3A_765 : vector<16xi32> to vector<16xi32>
        %swap3A_767 = arith.constant 32 : index
        %swap3A_768 = tpu.vector_load %arg12[%swap3A_767] {strides = array<i32>} : memref<128xi32, #tpu.memory_space<vmem>>, vector<16xi32>,
        %swap3A_769 = vector.shape_cast %swap3A_768 : vector<16xi32> to vector<16xi32>
        %swap3A_770 = vector.shape_cast %get3A_766 : vector<16xi32> to vector<16xi32>
        tpu.vector_store %arg12[%swap3A_767], %swap3A_770 {strides = array<i32>} : memref<128xi32, #tpu.memory_space<vmem>>, vector<16xi32>,
        %get3A_771 = arith.constant 1328 : index
        %get3A_772 = tpu.vector_load %arg11[%get3A_771] {strides = array<i32>} : memref<1664xi32, #tpu.memory_space<vmem>>, vector<16xi32>,
        %get3A_773 = vector.shape_cast %get3A_772 : vector<16xi32> to vector<16xi32>
        %swap3A_774 = arith.constant 48 : index
        %swap3A_775 = tpu.vector_load %arg12[%swap3A_774] {strides = array<i32>} : memref<128xi32, #tpu.memory_space<vmem>>, vector<16xi32>,
        %swap3A_776 = vector.shape_cast %swap3A_775 : vector<16xi32> to vector<16xi32>
        %swap3A_777 = vector.shape_cast %get3A_773 : vector<16xi32> to vector<16xi32>
        tpu.vector_store %arg12[%swap3A_774], %swap3A_777 {strides = array<i32>} : memref<128xi32, #tpu.memory_space<vmem>>, vector<16xi32>,
        %get3A_778 = arith.constant 1344 : index
        %get3A_779 = tpu.vector_load %arg11[%get3A_778] {strides = array<i32>} : memref<1664xi32, #tpu.memory_space<vmem>>, vector<16xi32>,
        %get3A_780 = vector.shape_cast %get3A_779 : vector<16xi32> to vector<16xi32>
        %swap3A_781 = arith.constant 64 : index
        %swap3A_782 = tpu.vector_load %arg12[%swap3A_781] {strides = array<i32>} : memref<128xi32, #tpu.memory_space<vmem>>, vector<16xi32>,
        %swap3A_783 = vector.shape_cast %swap3A_782 : vector<16xi32> to vector<16xi32>
        %swap3A_784 = vector.shape_cast %get3A_780 : vector<16xi32> to vector<16xi32>
        tpu.vector_store %arg12[%swap3A_781], %swap3A_784 {strides = array<i32>} : memref<128xi32, #tpu.memory_space<vmem>>, vector<16xi32>,
        %get3A_785 = arith.constant 1360 : index
        %get3A_786 = tpu.vector_load %arg11[%get3A_785] {strides = array<i32>} : memref<1664xi32, #tpu.memory_space<vmem>>, vector<16xi32>,
        %get3A_787 = vector.shape_cast %get3A_786 : vector<16xi32> to vector<16xi32>
        %swap3A_788 = arith.constant 80 : index
        %swap3A_789 = tpu.vector_load %arg12[%swap3A_788] {strides = array<i32>} : memref<128xi32, #tpu.memory_space<vmem>>, vector<16xi32>,
        %swap3A_790 = vector.shape_cast %swap3A_789 : vector<16xi32> to vector<16xi32>
        %swap3A_791 = vector.shape_cast %get3A_787 : vector<16xi32> to vector<16xi32>
        tpu.vector_store %arg12[%swap3A_788], %swap3A_791 {strides = array<i32>} : memref<128xi32, #tpu.memory_space<vmem>>, vector<16xi32>,
        %get3A_792 = arith.constant 1376 : index
        %get3A_793 = tpu.vector_load %arg11[%get3A_792] {strides = array<i32>} : memref<1664xi32, #tpu.memory_space<vmem>>, vector<16xi32>,
        %get3A_794 = vector.shape_cast %get3A_793 : vector<16xi32> to vector<16xi32>
        %swap3A_795 = arith.constant 96 : index
        %swap3A_796 = tpu.vector_load %arg12[%swap3A_795] {strides = array<i32>} : memref<128xi32, #tpu.memory_space<vmem>>, vector<16xi32>,
        %swap3A_797 = vector.shape_cast %swap3A_796 : vector<16xi32> to vector<16xi32>
        %swap3A_798 = vector.shape_cast %get3A_794 : vector<16xi32> to vector<16xi32>
        tpu.vector_store %arg12[%swap3A_795], %swap3A_798 {strides = array<i32>} : memref<128xi32, #tpu.memory_space<vmem>>, vector<16xi32>,
        %get3A_799 = arith.constant 1392 : index
        %get3A_800 = tpu.vector_load %arg11[%get3A_799] {strides = array<i32>} : memref<1664xi32, #tpu.memory_space<vmem>>, vector<16xi32>,
        %get3A_801 = vector.shape_cast %get3A_800 : vector<16xi32> to vector<16xi32>
        %swap3A_802 = arith.constant 112 : index
        %swap3A_803 = tpu.vector_load %arg12[%swap3A_802] {strides = array<i32>} : memref<128xi32, #tpu.memory_space<vmem>>, vector<16xi32>,
        %swap3A_804 = vector.shape_cast %swap3A_803 : vector<16xi32> to vector<16xi32>
        %swap3A_805 = vector.shape_cast %get3A_801 : vector<16xi32> to vector<16xi32>
        tpu.vector_store %arg12[%swap3A_802], %swap3A_805 {strides = array<i32>} : memref<128xi32, #tpu.memory_space<vmem>>, vector<16xi32>,
        %dma_start3A_806 = arith.constant 1408 : i32
        %dma_start3A_807 = tpu.memref_slice %arg10[%dma_start3A_806] : memref<1664xi32, #tpu.memory_space<vmem>> -> memref<128xi32, #tpu.memory_space<vmem>>
        %dma_start3A_808 = arith.constant 0 : i32
        %dma_start3A_809 = arith.constant 0 : i32
        %dma_start3A_810 = tpu.memref_slice %arg5[%dma_start3A_808, %dma_start3A_809] : memref<10000x128xf32, #tpu.memory_space<hbm>> -> memref<10000x128xf32, #tpu.memory_space<hbm>>
        tpu.enqueue_indirect_dma source(%dma_start3A_810 : memref<10000x128xf32, #tpu.memory_space<hbm>>) target(%arg18 : memref<128x128xf32, #tpu.memory_space<vmem>>) offsets(%dma_start3A_807 : memref<128xi32, #tpu.memory_space<vmem>>) semaphore(%arg21 : memref<!tpu.dma_semaphore, #tpu.memory_space<semaphore_mem>>)
        %dma_wait3A_811 = arith.constant 1280 : i32
        %dma_wait3A_812 = tpu.memref_slice %arg10[%dma_wait3A_811] : memref<1664xi32, #tpu.memory_space<vmem>> -> memref<128xi32, #tpu.memory_space<vmem>>
        %dma_wait3A_813 = arith.constant 0 : i32
        %dma_wait3A_814 = arith.constant 0 : i32
        %dma_wait3A_815 = tpu.memref_slice %arg5[%dma_wait3A_813, %dma_wait3A_814] : memref<10000x128xf32, #tpu.memory_space<hbm>> -> memref<10000x128xf32, #tpu.memory_space<hbm>>
        tpu.wait_indirect_dma semaphore(%arg20 : memref<!tpu.dma_semaphore, #tpu.memory_space<semaphore_mem>>) src(%dma_wait3A_815 : memref<10000x128xf32, #tpu.memory_space<hbm>>) dst(%arg17 : memref<128x128xf32, #tpu.memory_space<vmem>>)
        "tpu.region"() ({
          %run_scoped3A = tpu.sem_alloc : memref<!tpu.dma_semaphore, #tpu.memory_space<semaphore_mem>>
          %dma_start3A_877 = arith.constant 0 : i32
          %dma_start3A_878 = arith.constant 0 : i32
          %dma_start3A_879 = tpu.memref_slice %arg19[%dma_start3A_877, %dma_start3A_878] : memref<10240x128xf32, #tpu.memory_space<vmem_shared>> -> memref<10240x128xf32, #tpu.memory_space<vmem_shared>>
          tpu.enqueue_indirect_dma source(%arg17 : memref<128x128xf32, #tpu.memory_space<vmem>>) target(%dma_start3A_879 : memref<10240x128xf32, #tpu.memory_space<vmem_shared>>) offsets(%arg12 : memref<128xi32, #tpu.memory_space<vmem>>) semaphore(%run_scoped3A : memref<!tpu.dma_semaphore, #tpu.memory_space<semaphore_mem>>) {add = true}
          %dma_wait3A_880 = arith.constant 0 : i32
          %dma_wait3A_881 = arith.constant 0 : i32
          %dma_wait3A_882 = tpu.memref_slice %arg19[%dma_wait3A_880, %dma_wait3A_881] : memref<10240x128xf32, #tpu.memory_space<vmem_shared>> -> memref<10240x128xf32, #tpu.memory_space<vmem_shared>>
          tpu.wait_indirect_dma semaphore(%run_scoped3A : memref<!tpu.dma_semaphore, #tpu.memory_space<semaphore_mem>>) src(%arg17 : memref<128x128xf32, #tpu.memory_space<vmem>>) dst(%dma_wait3A_882 : memref<10240x128xf32, #tpu.memory_space<vmem_shared>>)
          tpu.yield
        }) : () -> ()
        %get3A_816 = arith.constant 1408 : index
        %get3A_817 = tpu.vector_load %arg11[%get3A_816] {strides = array<i32>} : memref<1664xi32, #tpu.memory_space<vmem>>, vector<16xi32>,
        %get3A_818 = vector.shape_cast %get3A_817 : vector<16xi32> to vector<16xi32>
        %swap3A_819 = arith.constant 0 : index
        %swap3A_820 = tpu.vector_load %arg12[%swap3A_819] {strides = array<i32>} : memref<128xi32, #tpu.memory_space<vmem>>, vector<16xi32>,
        %swap3A_821 = vector.shape_cast %swap3A_820 : vector<16xi32> to vector<16xi32>
        %swap3A_822 = vector.shape_cast %get3A_818 : vector<16xi32> to vector<16xi32>
        tpu.vector_store %arg12[%swap3A_819], %swap3A_822 {strides = array<i32>} : memref<128xi32, #tpu.memory_space<vmem>>, vector<16xi32>,
        %get3A_823 = arith.constant 1424 : index
        %get3A_824 = tpu.vector_load %arg11[%get3A_823] {strides = array<i32>} : memref<1664xi32, #tpu.memory_space<vmem>>, vector<16xi32>,
        %get3A_825 = vector.shape_cast %get3A_824 : vector<16xi32> to vector<16xi32>
        %swap3A_826 = arith.constant 16 : index
        %swap3A_827 = tpu.vector_load %arg12[%swap3A_826] {strides = array<i32>} : memref<128xi32, #tpu.memory_space<vmem>>, vector<16xi32>,
        %swap3A_828 = vector.shape_cast %swap3A_827 : vector<16xi32> to vector<16xi32>
        %swap3A_829 = vector.shape_cast %get3A_825 : vector<16xi32> to vector<16xi32>
        tpu.vector_store %arg12[%swap3A_826], %swap3A_829 {strides = array<i32>} : memref<128xi32, #tpu.memory_space<vmem>>, vector<16xi32>,
        %get3A_830 = arith.constant 1440 : index
        %get3A_831 = tpu.vector_load %arg11[%get3A_830] {strides = array<i32>} : memref<1664xi32, #tpu.memory_space<vmem>>, vector<16xi32>,
        %get3A_832 = vector.shape_cast %get3A_831 : vector<16xi32> to vector<16xi32>
        %swap3A_833 = arith.constant 32 : index
        %swap3A_834 = tpu.vector_load %arg12[%swap3A_833] {strides = array<i32>} : memref<128xi32, #tpu.memory_space<vmem>>, vector<16xi32>,
        %swap3A_835 = vector.shape_cast %swap3A_834 : vector<16xi32> to vector<16xi32>
        %swap3A_836 = vector.shape_cast %get3A_832 : vector<16xi32> to vector<16xi32>
        tpu.vector_store %arg12[%swap3A_833], %swap3A_836 {strides = array<i32>} : memref<128xi32, #tpu.memory_space<vmem>>, vector<16xi32>,
        %get3A_837 = arith.constant 1456 : index
        %get3A_838 = tpu.vector_load %arg11[%get3A_837] {strides = array<i32>} : memref<1664xi32, #tpu.memory_space<vmem>>, vector<16xi32>,
        %get3A_839 = vector.shape_cast %get3A_838 : vector<16xi32> to vector<16xi32>
        %swap3A_840 = arith.constant 48 : index
        %swap3A_841 = tpu.vector_load %arg12[%swap3A_840] {strides = array<i32>} : memref<128xi32, #tpu.memory_space<vmem>>, vector<16xi32>,
        %swap3A_842 = vector.shape_cast %swap3A_841 : vector<16xi32> to vector<16xi32>
        %swap3A_843 = vector.shape_cast %get3A_839 : vector<16xi32> to vector<16xi32>
        tpu.vector_store %arg12[%swap3A_840], %swap3A_843 {strides = array<i32>} : memref<128xi32, #tpu.memory_space<vmem>>, vector<16xi32>,
        %get3A_844 = arith.constant 1472 : index
        %get3A_845 = tpu.vector_load %arg11[%get3A_844] {strides = array<i32>} : memref<1664xi32, #tpu.memory_space<vmem>>, vector<16xi32>,
        %get3A_846 = vector.shape_cast %get3A_845 : vector<16xi32> to vector<16xi32>
        %swap3A_847 = arith.constant 64 : index
        %swap3A_848 = tpu.vector_load %arg12[%swap3A_847] {strides = array<i32>} : memref<128xi32, #tpu.memory_space<vmem>>, vector<16xi32>,
        %swap3A_849 = vector.shape_cast %swap3A_848 : vector<16xi32> to vector<16xi32>
        %swap3A_850 = vector.shape_cast %get3A_846 : vector<16xi32> to vector<16xi32>
        tpu.vector_store %arg12[%swap3A_847], %swap3A_850 {strides = array<i32>} : memref<128xi32, #tpu.memory_space<vmem>>, vector<16xi32>,
        %get3A_851 = arith.constant 1488 : index
        %get3A_852 = tpu.vector_load %arg11[%get3A_851] {strides = array<i32>} : memref<1664xi32, #tpu.memory_space<vmem>>, vector<16xi32>,
        %get3A_853 = vector.shape_cast %get3A_852 : vector<16xi32> to vector<16xi32>
        %swap3A_854 = arith.constant 80 : index
        %swap3A_855 = tpu.vector_load %arg12[%swap3A_854] {strides = array<i32>} : memref<128xi32, #tpu.memory_space<vmem>>, vector<16xi32>,
        %swap3A_856 = vector.shape_cast %swap3A_855 : vector<16xi32> to vector<16xi32>
        %swap3A_857 = vector.shape_cast %get3A_853 : vector<16xi32> to vector<16xi32>
        tpu.vector_store %arg12[%swap3A_854], %swap3A_857 {strides = array<i32>} : memref<128xi32, #tpu.memory_space<vmem>>, vector<16xi32>,
        %get3A_858 = arith.constant 1504 : index
        %get3A_859 = tpu.vector_load %arg11[%get3A_858] {strides = array<i32>} : memref<1664xi32, #tpu.memory_space<vmem>>, vector<16xi32>,
        %get3A_860 = vector.shape_cast %get3A_859 : vector<16xi32> to vector<16xi32>
        %swap3A_861 = arith.constant 96 : index
        %swap3A_862 = tpu.vector_load %arg12[%swap3A_861] {strides = array<i32>} : memref<128xi32, #tpu.memory_space<vmem>>, vector<16xi32>,
        %swap3A_863 = vector.shape_cast %swap3A_862 : vector<16xi32> to vector<16xi32>
        %swap3A_864 = vector.shape_cast %get3A_860 : vector<16xi32> to vector<16xi32>
        tpu.vector_store %arg12[%swap3A_861], %swap3A_864 {strides = array<i32>} : memref<128xi32, #tpu.memory_space<vmem>>, vector<16xi32>,
        %get3A_865 = arith.constant 1520 : index
        %get3A_866 = tpu.vector_load %arg11[%get3A_865] {strides = array<i32>} : memref<1664xi32, #tpu.memory_space<vmem>>, vector<16xi32>,
        %get3A_867 = vector.shape_cast %get3A_866 : vector<16xi32> to vector<16xi32>
        %swap3A_868 = arith.constant 112 : index
        %swap3A_869 = tpu.vector_load %arg12[%swap3A_868] {strides = array<i32>} : memref<128xi32, #tpu.memory_space<vmem>>, vector<16xi32>,
        %swap3A_870 = vector.shape_cast %swap3A_869 : vector<16xi32> to vector<16xi32>
        %swap3A_871 = vector.shape_cast %get3A_867 : vector<16xi32> to vector<16xi32>
        tpu.vector_store %arg12[%swap3A_868], %swap3A_871 {strides = array<i32>} : memref<128xi32, #tpu.memory_space<vmem>>, vector<16xi32>,
        %dma_wait3A_872 = arith.constant 1408 : i32
        %dma_wait3A_873 = tpu.memref_slice %arg10[%dma_wait3A_872] : memref<1664xi32, #tpu.memory_space<vmem>> -> memref<128xi32, #tpu.memory_space<vmem>>
        %dma_wait3A_874 = arith.constant 0 : i32
        %dma_wait3A_875 = arith.constant 0 : i32
        %dma_wait3A_876 = tpu.memref_slice %arg5[%dma_wait3A_874, %dma_wait3A_875] : memref<10000x128xf32, #tpu.memory_space<hbm>> -> memref<10000x128xf32, #tpu.memory_space<hbm>>
        tpu.wait_indirect_dma semaphore(%arg21 : memref<!tpu.dma_semaphore, #tpu.memory_space<semaphore_mem>>) src(%dma_wait3A_876 : memref<10000x128xf32, #tpu.memory_space<hbm>>) dst(%arg18 : memref<128x128xf32, #tpu.memory_space<vmem>>)
        "tpu.region"() ({
          %run_scoped3A = tpu.sem_alloc : memref<!tpu.dma_semaphore, #tpu.memory_space<semaphore_mem>>
          %dma_start3A_877 = arith.constant 0 : i32
          %dma_start3A_878 = arith.constant 0 : i32
          %dma_start3A_879 = tpu.memref_slice %arg19[%dma_start3A_877, %dma_start3A_878] : memref<10240x128xf32, #tpu.memory_space<vmem_shared>> -> memref<10240x128xf32, #tpu.memory_space<vmem_shared>>
          tpu.enqueue_indirect_dma source(%arg18 : memref<128x128xf32, #tpu.memory_space<vmem>>) target(%dma_start3A_879 : memref<10240x128xf32, #tpu.memory_space<vmem_shared>>) offsets(%arg12 : memref<128xi32, #tpu.memory_space<vmem>>) semaphore(%run_scoped3A : memref<!tpu.dma_semaphore, #tpu.memory_space<semaphore_mem>>) {add = true}
          %dma_wait3A_880 = arith.constant 0 : i32
          %dma_wait3A_881 = arith.constant 0 : i32
          %dma_wait3A_882 = tpu.memref_slice %arg19[%dma_wait3A_880, %dma_wait3A_881] : memref<10240x128xf32, #tpu.memory_space<vmem_shared>> -> memref<10240x128xf32, #tpu.memory_space<vmem_shared>>
          tpu.wait_indirect_dma semaphore(%run_scoped3A : memref<!tpu.dma_semaphore, #tpu.memory_space<semaphore_mem>>) src(%arg18 : memref<128x128xf32, #tpu.memory_space<vmem>>) dst(%dma_wait3A_882 : memref<10240x128xf32, #tpu.memory_space<vmem_shared>>)
          tpu.yield
        }) : () -> ()
      }
      %scan3A_77 = arith.constant 13 : i32
      %lt3A_78 = arith.constant 4 : i32
      %lt3A_79 = arith.cmpi slt, %arg1, %lt3A_78 : i32
      %convert_element_type3A_80 = arith.extui %lt3A_79 : i1 to i32
      %cond3A_81 = arith.constant 0 : i32
      %cond3A_82 = arith.cmpi ne, %convert_element_type3A_80, %cond3A_81 : i32
      scf.if %cond3A_82 {
        %add3A_83 = arith.constant 156 : i32
        %add3A_84 = arith.addi %add3A_13, %add3A_83 : i32
        %mul3A_85 = arith.constant 128 : i32
        %mul3A_86 = arith.muli %add3A_84, %mul3A_85 : i32
        "tpu.region"() ({
          %run_scoped3A = tpu.sem_alloc : memref<!tpu.dma_semaphore, #tpu.memory_space<semaphore_mem>>
          %dma_start3A_91 = tpu.memref_slice %arg2[%mul3A_86] : memref<320000xi32, #tpu.memory_space<hbm>> -> memref<128xi32, #tpu.memory_space<hbm>>
          %dma_start3A_92 = tpu.memref_slice %arg2[%mul3A_86] : memref<320000xi32, #tpu.memory_space<hbm>> -> memref<128xi32, #tpu.memory_space<hbm>>
          tpu.enqueue_dma source(%dma_start3A_92 : memref<128xi32, #tpu.memory_space<hbm>>) target(%arg13 : memref<128xi32, #tpu.memory_space<vmem>>) target_semaphore(%run_scoped3A : memref<!tpu.dma_semaphore, #tpu.memory_space<semaphore_mem>>)
          %dma_wait3A_93 = tpu.memref_slice %arg2[%mul3A_86] : memref<320000xi32, #tpu.memory_space<hbm>> -> memref<128xi32, #tpu.memory_space<hbm>>
          %dma_wait3A_94 = tpu.memref_slice %arg2[%mul3A_86] : memref<320000xi32, #tpu.memory_space<hbm>> -> memref<128xi32, #tpu.memory_space<hbm>>
          tpu.wait_dma2 semaphore(%run_scoped3A : memref<!tpu.dma_semaphore, #tpu.memory_space<semaphore_mem>>) src(%dma_wait3A_94 : memref<128xi32, #tpu.memory_space<hbm>>) dst(%arg13 : memref<128xi32, #tpu.memory_space<vmem>>)
          tpu.yield
        }) : () -> ()
        "tpu.region"() ({
          %run_scoped3A = tpu.sem_alloc : memref<!tpu.dma_semaphore, #tpu.memory_space<semaphore_mem>>
          %dma_start3A_91 = tpu.memref_slice %arg3[%mul3A_86] : memref<320000xi32, #tpu.memory_space<hbm>> -> memref<128xi32, #tpu.memory_space<hbm>>
          %dma_start3A_92 = tpu.memref_slice %arg3[%mul3A_86] : memref<320000xi32, #tpu.memory_space<hbm>> -> memref<128xi32, #tpu.memory_space<hbm>>
          tpu.enqueue_dma source(%dma_start3A_92 : memref<128xi32, #tpu.memory_space<hbm>>) target(%arg12 : memref<128xi32, #tpu.memory_space<vmem>>) target_semaphore(%run_scoped3A : memref<!tpu.dma_semaphore, #tpu.memory_space<semaphore_mem>>)
          %dma_wait3A_93 = tpu.memref_slice %arg3[%mul3A_86] : memref<320000xi32, #tpu.memory_space<hbm>> -> memref<128xi32, #tpu.memory_space<hbm>>
          %dma_wait3A_94 = tpu.memref_slice %arg3[%mul3A_86] : memref<320000xi32, #tpu.memory_space<hbm>> -> memref<128xi32, #tpu.memory_space<hbm>>
          tpu.wait_dma2 semaphore(%run_scoped3A : memref<!tpu.dma_semaphore, #tpu.memory_space<semaphore_mem>>) src(%dma_wait3A_94 : memref<128xi32, #tpu.memory_space<hbm>>) dst(%arg12 : memref<128xi32, #tpu.memory_space<vmem>>)
          tpu.yield
        }) : () -> ()
        %dma_start3A = arith.constant 0 : i32
        %dma_start3A_87 = arith.constant 0 : i32
        %dma_start3A_88 = tpu.memref_slice %arg5[%dma_start3A, %dma_start3A_87] : memref<10000x128xf32, #tpu.memory_space<hbm>> -> memref<10000x128xf32, #tpu.memory_space<hbm>>
        tpu.enqueue_indirect_dma source(%dma_start3A_88 : memref<10000x128xf32, #tpu.memory_space<hbm>>) target(%arg17 : memref<128x128xf32, #tpu.memory_space<vmem>>) offsets(%arg13 : memref<128xi32, #tpu.memory_space<vmem>>) semaphore(%arg20 : memref<!tpu.dma_semaphore, #tpu.memory_space<semaphore_mem>>)
        %dma_wait3A = arith.constant 0 : i32
        %dma_wait3A_89 = arith.constant 0 : i32
        %dma_wait3A_90 = tpu.memref_slice %arg5[%dma_wait3A, %dma_wait3A_89] : memref<10000x128xf32, #tpu.memory_space<hbm>> -> memref<10000x128xf32, #tpu.memory_space<hbm>>
        tpu.wait_indirect_dma semaphore(%arg20 : memref<!tpu.dma_semaphore, #tpu.memory_space<semaphore_mem>>) src(%dma_wait3A_90 : memref<10000x128xf32, #tpu.memory_space<hbm>>) dst(%arg17 : memref<128x128xf32, #tpu.memory_space<vmem>>)
        "tpu.region"() ({
          %run_scoped3A = tpu.sem_alloc : memref<!tpu.dma_semaphore, #tpu.memory_space<semaphore_mem>>
          %dma_start3A_91 = arith.constant 0 : i32
          %dma_start3A_92 = arith.constant 0 : i32
          %dma_start3A_93 = tpu.memref_slice %arg19[%dma_start3A_91, %dma_start3A_92] : memref<10240x128xf32, #tpu.memory_space<vmem_shared>> -> memref<10240x128xf32, #tpu.memory_space<vmem_shared>>
          tpu.enqueue_indirect_dma source(%arg17 : memref<128x128xf32, #tpu.memory_space<vmem>>) target(%dma_start3A_93 : memref<10240x128xf32, #tpu.memory_space<vmem_shared>>) offsets(%arg12 : memref<128xi32, #tpu.memory_space<vmem>>) semaphore(%run_scoped3A : memref<!tpu.dma_semaphore, #tpu.memory_space<semaphore_mem>>) {add = true}
          %dma_wait3A_94 = arith.constant 0 : i32
          %dma_wait3A_95 = arith.constant 0 : i32
          %dma_wait3A_96 = tpu.memref_slice %arg19[%dma_wait3A_94, %dma_wait3A_95] : memref<10240x128xf32, #tpu.memory_space<vmem_shared>> -> memref<10240x128xf32, #tpu.memory_space<vmem_shared>>
          tpu.wait_indirect_dma semaphore(%run_scoped3A : memref<!tpu.dma_semaphore, #tpu.memory_space<semaphore_mem>>) src(%arg17 : memref<128x128xf32, #tpu.memory_space<vmem>>) dst(%dma_wait3A_96 : memref<10240x128xf32, #tpu.memory_space<vmem_shared>>)
          tpu.yield
        }) : () -> ()
      } else {
      }
    } else {
    }
    %barrier3A_21 = arith.constant 0 : index
    tpu.barrier barrier_id(%barrier3A_21)
    %add3A_22 = arith.constant 0 : i32
    %add3A_23 = arith.addi %mul3A_0, %add3A_22 : i32
    "tpu.region"() ({
      %run_scoped3A = tpu.sem_alloc : memref<!tpu.dma_semaphore, #tpu.memory_space<semaphore_mem>>
      %dma_start3A = arith.constant 0 : i32
      %dma_start3A_72 = tpu.memref_slice %arg19[%add3A_23, %dma_start3A] : memref<10240x128xf32, #tpu.memory_space<vmem_shared>> -> memref<128x128xf32, #tpu.memory_space<vmem_shared>>
      %dma_start3A_73 = arith.constant 0 : i32
      %dma_start3A_74 = tpu.memref_slice %arg19[%add3A_23, %dma_start3A_73] : memref<10240x128xf32, #tpu.memory_space<vmem_shared>> -> memref<128x128xf32, #tpu.memory_space<vmem_shared>>
      tpu.enqueue_dma source(%dma_start3A_74 : memref<128x128xf32, #tpu.memory_space<vmem_shared>>) target(%arg17 : memref<128x128xf32, #tpu.memory_space<vmem>>) target_semaphore(%run_scoped3A : memref<!tpu.dma_semaphore, #tpu.memory_space<semaphore_mem>>)
      %dma_wait3A = arith.constant 0 : i32
      %dma_wait3A_75 = tpu.memref_slice %arg19[%add3A_23, %dma_wait3A] : memref<10240x128xf32, #tpu.memory_space<vmem_shared>> -> memref<128x128xf32, #tpu.memory_space<vmem_shared>>
      %dma_wait3A_76 = arith.constant 0 : i32
      %dma_wait3A_77 = tpu.memref_slice %arg19[%add3A_23, %dma_wait3A_76] : memref<10240x128xf32, #tpu.memory_space<vmem_shared>> -> memref<128x128xf32, #tpu.memory_space<vmem_shared>>
      tpu.wait_dma2 semaphore(%run_scoped3A : memref<!tpu.dma_semaphore, #tpu.memory_space<semaphore_mem>>) src(%dma_wait3A_77 : memref<128x128xf32, #tpu.memory_space<vmem_shared>>) dst(%arg17 : memref<128x128xf32, #tpu.memory_space<vmem>>)
      tpu.yield
    }) : () -> ()
    "tpu.region"() ({
      %run_scoped3A = tpu.sem_alloc : memref<!tpu.dma_semaphore, #tpu.memory_space<semaphore_mem>>
      %dma_start3A = arith.constant 0 : i32
      %dma_start3A_72 = tpu.memref_slice %arg8[%arg0, %add3A_23, %dma_start3A] : memref<2x10240x128xf32, #tpu.memory_space<hbm>> -> memref<1x128x128xf32, #tpu.memory_space<hbm>>
      %dma_start3A_73 = tpu.memref_squeeze %dma_start3A_72 : memref<1x128x128xf32, #tpu.memory_space<hbm>> -> memref<128x128xf32, #tpu.memory_space<hbm>>
      %dma_start3A_74 = arith.constant 0 : i32
      %dma_start3A_75 = tpu.memref_slice %arg8[%arg0, %add3A_23, %dma_start3A_74] : memref<2x10240x128xf32, #tpu.memory_space<hbm>> -> memref<1x128x128xf32, #tpu.memory_space<hbm>>
      %dma_start3A_76 = tpu.memref_squeeze %dma_start3A_75 : memref<1x128x128xf32, #tpu.memory_space<hbm>> -> memref<128x128xf32, #tpu.memory_space<hbm>>
      tpu.enqueue_dma source(%arg17 : memref<128x128xf32, #tpu.memory_space<vmem>>) target(%dma_start3A_76 : memref<128x128xf32, #tpu.memory_space<hbm>>) target_semaphore(%run_scoped3A : memref<!tpu.dma_semaphore, #tpu.memory_space<semaphore_mem>>)
      %dma_wait3A = arith.constant 0 : i32
      %dma_wait3A_77 = tpu.memref_slice %arg8[%arg0, %add3A_23, %dma_wait3A] : memref<2x10240x128xf32, #tpu.memory_space<hbm>> -> memref<1x128x128xf32, #tpu.memory_space<hbm>>
      %dma_wait3A_78 = tpu.memref_squeeze %dma_wait3A_77 : memref<1x128x128xf32, #tpu.memory_space<hbm>> -> memref<128x128xf32, #tpu.memory_space<hbm>>
      %dma_wait3A_79 = arith.constant 0 : i32
      %dma_wait3A_80 = tpu.memref_slice %arg8[%arg0, %add3A_23, %dma_wait3A_79] : memref<2x10240x128xf32, #tpu.memory_space<hbm>> -> memref<1x128x128xf32, #tpu.memory_space<hbm>>
      %dma_wait3A_81 = tpu.memref_squeeze %dma_wait3A_80 : memref<1x128x128xf32, #tpu.memory_space<hbm>> -> memref<128x128xf32, #tpu.memory_space<hbm>>
      tpu.wait_dma2 semaphore(%run_scoped3A : memref<!tpu.dma_semaphore, #tpu.memory_space<semaphore_mem>>) src(%arg17 : memref<128x128xf32, #tpu.memory_space<vmem>>) dst(%dma_wait3A_81 : memref<128x128xf32, #tpu.memory_space<hbm>>)
      tpu.yield
    }) : () -> ()
    %add3A_24 = arith.constant 128 : i32
    %add3A_25 = arith.addi %mul3A_0, %add3A_24 : i32
    "tpu.region"() ({
      %run_scoped3A = tpu.sem_alloc : memref<!tpu.dma_semaphore, #tpu.memory_space<semaphore_mem>>
      %dma_start3A = arith.constant 0 : i32
      %dma_start3A_72 = tpu.memref_slice %arg19[%add3A_25, %dma_start3A] : memref<10240x128xf32, #tpu.memory_space<vmem_shared>> -> memref<128x128xf32, #tpu.memory_space<vmem_shared>>
      %dma_start3A_73 = arith.constant 0 : i32
      %dma_start3A_74 = tpu.memref_slice %arg19[%add3A_25, %dma_start3A_73] : memref<10240x128xf32, #tpu.memory_space<vmem_shared>> -> memref<128x128xf32, #tpu.memory_space<vmem_shared>>
      tpu.enqueue_dma source(%dma_start3A_74 : memref<128x128xf32, #tpu.memory_space<vmem_shared>>) target(%arg17 : memref<128x128xf32, #tpu.memory_space<vmem>>) target_semaphore(%run_scoped3A : memref<!tpu.dma_semaphore, #tpu.memory_space<semaphore_mem>>)
      %dma_wait3A = arith.constant 0 : i32
      %dma_wait3A_75 = tpu.memref_slice %arg19[%add3A_25, %dma_wait3A] : memref<10240x128xf32, #tpu.memory_space<vmem_shared>> -> memref<128x128xf32, #tpu.memory_space<vmem_shared>>
      %dma_wait3A_76 = arith.constant 0 : i32
      %dma_wait3A_77 = tpu.memref_slice %arg19[%add3A_25, %dma_wait3A_76] : memref<10240x128xf32, #tpu.memory_space<vmem_shared>> -> memref<128x128xf32, #tpu.memory_space<vmem_shared>>
      tpu.wait_dma2 semaphore(%run_scoped3A : memref<!tpu.dma_semaphore, #tpu.memory_space<semaphore_mem>>) src(%dma_wait3A_77 : memref<128x128xf32, #tpu.memory_space<vmem_shared>>) dst(%arg17 : memref<128x128xf32, #tpu.memory_space<vmem>>)
      tpu.yield
    }) : () -> ()
    "tpu.region"() ({
      %run_scoped3A = tpu.sem_alloc : memref<!tpu.dma_semaphore, #tpu.memory_space<semaphore_mem>>
      %dma_start3A = arith.constant 0 : i32
      %dma_start3A_72 = tpu.memref_slice %arg8[%arg0, %add3A_25, %dma_start3A] : memref<2x10240x128xf32, #tpu.memory_space<hbm>> -> memref<1x128x128xf32, #tpu.memory_space<hbm>>
      %dma_start3A_73 = tpu.memref_squeeze %dma_start3A_72 : memref<1x128x128xf32, #tpu.memory_space<hbm>> -> memref<128x128xf32, #tpu.memory_space<hbm>>
      %dma_start3A_74 = arith.constant 0 : i32
      %dma_start3A_75 = tpu.memref_slice %arg8[%arg0, %add3A_25, %dma_start3A_74] : memref<2x10240x128xf32, #tpu.memory_space<hbm>> -> memref<1x128x128xf32, #tpu.memory_space<hbm>>
      %dma_start3A_76 = tpu.memref_squeeze %dma_start3A_75 : memref<1x128x128xf32, #tpu.memory_space<hbm>> -> memref<128x128xf32, #tpu.memory_space<hbm>>
      tpu.enqueue_dma source(%arg17 : memref<128x128xf32, #tpu.memory_space<vmem>>) target(%dma_start3A_76 : memref<128x128xf32, #tpu.memory_space<hbm>>) target_semaphore(%run_scoped3A : memref<!tpu.dma_semaphore, #tpu.memory_space<semaphore_mem>>)
      %dma_wait3A = arith.constant 0 : i32
      %dma_wait3A_77 = tpu.memref_slice %arg8[%arg0, %add3A_25, %dma_wait3A] : memref<2x10240x128xf32, #tpu.memory_space<hbm>> -> memref<1x128x128xf32, #tpu.memory_space<hbm>>
      %dma_wait3A_78 = tpu.memref_squeeze %dma_wait3A_77 : memref<1x128x128xf32, #tpu.memory_space<hbm>> -> memref<128x128xf32, #tpu.memory_space<hbm>>
      %dma_wait3A_79 = arith.constant 0 : i32
      %dma_wait3A_80 = tpu.memref_slice %arg8[%arg0, %add3A_25, %dma_wait3A_79] : memref<2x10240x128xf32, #tpu.memory_space<hbm>> -> memref<1x128x128xf32, #tpu.memory_space<hbm>>
      %dma_wait3A_81 = tpu.memref_squeeze %dma_wait3A_80 : memref<1x128x128xf32, #tpu.memory_space<hbm>> -> memref<128x128xf32, #tpu.memory_space<hbm>>
      tpu.wait_dma2 semaphore(%run_scoped3A : memref<!tpu.dma_semaphore, #tpu.memory_space<semaphore_mem>>) src(%arg17 : memref<128x128xf32, #tpu.memory_space<vmem>>) dst(%dma_wait3A_81 : memref<128x128xf32, #tpu.memory_space<hbm>>)
      tpu.yield
    }) : () -> ()
    %add3A_26 = arith.constant 256 : i32
    %add3A_27 = arith.addi %mul3A_0, %add3A_26 : i32
    "tpu.region"() ({
      %run_scoped3A = tpu.sem_alloc : memref<!tpu.dma_semaphore, #tpu.memory_space<semaphore_mem>>
      %dma_start3A = arith.constant 0 : i32
      %dma_start3A_72 = tpu.memref_slice %arg19[%add3A_27, %dma_start3A] : memref<10240x128xf32, #tpu.memory_space<vmem_shared>> -> memref<128x128xf32, #tpu.memory_space<vmem_shared>>
      %dma_start3A_73 = arith.constant 0 : i32
      %dma_start3A_74 = tpu.memref_slice %arg19[%add3A_27, %dma_start3A_73] : memref<10240x128xf32, #tpu.memory_space<vmem_shared>> -> memref<128x128xf32, #tpu.memory_space<vmem_shared>>
      tpu.enqueue_dma source(%dma_start3A_74 : memref<128x128xf32, #tpu.memory_space<vmem_shared>>) target(%arg17 : memref<128x128xf32, #tpu.memory_space<vmem>>) target_semaphore(%run_scoped3A : memref<!tpu.dma_semaphore, #tpu.memory_space<semaphore_mem>>)
      %dma_wait3A = arith.constant 0 : i32
      %dma_wait3A_75 = tpu.memref_slice %arg19[%add3A_27, %dma_wait3A] : memref<10240x128xf32, #tpu.memory_space<vmem_shared>> -> memref<128x128xf32, #tpu.memory_space<vmem_shared>>
      %dma_wait3A_76 = arith.constant 0 : i32
      %dma_wait3A_77 = tpu.memref_slice %arg19[%add3A_27, %dma_wait3A_76] : memref<10240x128xf32, #tpu.memory_space<vmem_shared>> -> memref<128x128xf32, #tpu.memory_space<vmem_shared>>
      tpu.wait_dma2 semaphore(%run_scoped3A : memref<!tpu.dma_semaphore, #tpu.memory_space<semaphore_mem>>) src(%dma_wait3A_77 : memref<128x128xf32, #tpu.memory_space<vmem_shared>>) dst(%arg17 : memref<128x128xf32, #tpu.memory_space<vmem>>)
      tpu.yield
    }) : () -> ()
    "tpu.region"() ({
      %run_scoped3A = tpu.sem_alloc : memref<!tpu.dma_semaphore, #tpu.memory_space<semaphore_mem>>
      %dma_start3A = arith.constant 0 : i32
      %dma_start3A_72 = tpu.memref_slice %arg8[%arg0, %add3A_27, %dma_start3A] : memref<2x10240x128xf32, #tpu.memory_space<hbm>> -> memref<1x128x128xf32, #tpu.memory_space<hbm>>
      %dma_start3A_73 = tpu.memref_squeeze %dma_start3A_72 : memref<1x128x128xf32, #tpu.memory_space<hbm>> -> memref<128x128xf32, #tpu.memory_space<hbm>>
      %dma_start3A_74 = arith.constant 0 : i32
      %dma_start3A_75 = tpu.memref_slice %arg8[%arg0, %add3A_27, %dma_start3A_74] : memref<2x10240x128xf32, #tpu.memory_space<hbm>> -> memref<1x128x128xf32, #tpu.memory_space<hbm>>
      %dma_start3A_76 = tpu.memref_squeeze %dma_start3A_75 : memref<1x128x128xf32, #tpu.memory_space<hbm>> -> memref<128x128xf32, #tpu.memory_space<hbm>>
      tpu.enqueue_dma source(%arg17 : memref<128x128xf32, #tpu.memory_space<vmem>>) target(%dma_start3A_76 : memref<128x128xf32, #tpu.memory_space<hbm>>) target_semaphore(%run_scoped3A : memref<!tpu.dma_semaphore, #tpu.memory_space<semaphore_mem>>)
      %dma_wait3A = arith.constant 0 : i32
      %dma_wait3A_77 = tpu.memref_slice %arg8[%arg0, %add3A_27, %dma_wait3A] : memref<2x10240x128xf32, #tpu.memory_space<hbm>> -> memref<1x128x128xf32, #tpu.memory_space<hbm>>
      %dma_wait3A_78 = tpu.memref_squeeze %dma_wait3A_77 : memref<1x128x128xf32, #tpu.memory_space<hbm>> -> memref<128x128xf32, #tpu.memory_space<hbm>>
      %dma_wait3A_79 = arith.constant 0 : i32
      %dma_wait3A_80 = tpu.memref_slice %arg8[%arg0, %add3A_27, %dma_wait3A_79] : memref<2x10240x128xf32, #tpu.memory_space<hbm>> -> memref<1x128x128xf32, #tpu.memory_space<hbm>>
      %dma_wait3A_81 = tpu.memref_squeeze %dma_wait3A_80 : memref<1x128x128xf32, #tpu.memory_space<hbm>> -> memref<128x128xf32, #tpu.memory_space<hbm>>
      tpu.wait_dma2 semaphore(%run_scoped3A : memref<!tpu.dma_semaphore, #tpu.memory_space<semaphore_mem>>) src(%arg17 : memref<128x128xf32, #tpu.memory_space<vmem>>) dst(%dma_wait3A_81 : memref<128x128xf32, #tpu.memory_space<hbm>>)
      tpu.yield
    }) : () -> ()
    %add3A_28 = arith.constant 384 : i32
    %add3A_29 = arith.addi %mul3A_0, %add3A_28 : i32
    "tpu.region"() ({
      %run_scoped3A = tpu.sem_alloc : memref<!tpu.dma_semaphore, #tpu.memory_space<semaphore_mem>>
      %dma_start3A = arith.constant 0 : i32
      %dma_start3A_72 = tpu.memref_slice %arg19[%add3A_29, %dma_start3A] : memref<10240x128xf32, #tpu.memory_space<vmem_shared>> -> memref<128x128xf32, #tpu.memory_space<vmem_shared>>
      %dma_start3A_73 = arith.constant 0 : i32
      %dma_start3A_74 = tpu.memref_slice %arg19[%add3A_29, %dma_start3A_73] : memref<10240x128xf32, #tpu.memory_space<vmem_shared>> -> memref<128x128xf32, #tpu.memory_space<vmem_shared>>
      tpu.enqueue_dma source(%dma_start3A_74 : memref<128x128xf32, #tpu.memory_space<vmem_shared>>) target(%arg17 : memref<128x128xf32, #tpu.memory_space<vmem>>) target_semaphore(%run_scoped3A : memref<!tpu.dma_semaphore, #tpu.memory_space<semaphore_mem>>)
      %dma_wait3A = arith.constant 0 : i32
      %dma_wait3A_75 = tpu.memref_slice %arg19[%add3A_29, %dma_wait3A] : memref<10240x128xf32, #tpu.memory_space<vmem_shared>> -> memref<128x128xf32, #tpu.memory_space<vmem_shared>>
      %dma_wait3A_76 = arith.constant 0 : i32
      %dma_wait3A_77 = tpu.memref_slice %arg19[%add3A_29, %dma_wait3A_76] : memref<10240x128xf32, #tpu.memory_space<vmem_shared>> -> memref<128x128xf32, #tpu.memory_space<vmem_shared>>
      tpu.wait_dma2 semaphore(%run_scoped3A : memref<!tpu.dma_semaphore, #tpu.memory_space<semaphore_mem>>) src(%dma_wait3A_77 : memref<128x128xf32, #tpu.memory_space<vmem_shared>>) dst(%arg17 : memref<128x128xf32, #tpu.memory_space<vmem>>)
      tpu.yield
    }) : () -> ()
    "tpu.region"() ({
      %run_scoped3A = tpu.sem_alloc : memref<!tpu.dma_semaphore, #tpu.memory_space<semaphore_mem>>
      %dma_start3A = arith.constant 0 : i32
      %dma_start3A_72 = tpu.memref_slice %arg8[%arg0, %add3A_29, %dma_start3A] : memref<2x10240x128xf32, #tpu.memory_space<hbm>> -> memref<1x128x128xf32, #tpu.memory_space<hbm>>
      %dma_start3A_73 = tpu.memref_squeeze %dma_start3A_72 : memref<1x128x128xf32, #tpu.memory_space<hbm>> -> memref<128x128xf32, #tpu.memory_space<hbm>>
      %dma_start3A_74 = arith.constant 0 : i32
      %dma_start3A_75 = tpu.memref_slice %arg8[%arg0, %add3A_29, %dma_start3A_74] : memref<2x10240x128xf32, #tpu.memory_space<hbm>> -> memref<1x128x128xf32, #tpu.memory_space<hbm>>
      %dma_start3A_76 = tpu.memref_squeeze %dma_start3A_75 : memref<1x128x128xf32, #tpu.memory_space<hbm>> -> memref<128x128xf32, #tpu.memory_space<hbm>>
      tpu.enqueue_dma source(%arg17 : memref<128x128xf32, #tpu.memory_space<vmem>>) target(%dma_start3A_76 : memref<128x128xf32, #tpu.memory_space<hbm>>) target_semaphore(%run_scoped3A : memref<!tpu.dma_semaphore, #tpu.memory_space<semaphore_mem>>)
      %dma_wait3A = arith.constant 0 : i32
      %dma_wait3A_77 = tpu.memref_slice %arg8[%arg0, %add3A_29, %dma_wait3A] : memref<2x10240x128xf32, #tpu.memory_space<hbm>> -> memref<1x128x128xf32, #tpu.memory_space<hbm>>
      %dma_wait3A_78 = tpu.memref_squeeze %dma_wait3A_77 : memref<1x128x128xf32, #tpu.memory_space<hbm>> -> memref<128x128xf32, #tpu.memory_space<hbm>>
      %dma_wait3A_79 = arith.constant 0 : i32
      %dma_wait3A_80 = tpu.memref_slice %arg8[%arg0, %add3A_29, %dma_wait3A_79] : memref<2x10240x128xf32, #tpu.memory_space<hbm>> -> memref<1x128x128xf32, #tpu.memory_space<hbm>>
      %dma_wait3A_81 = tpu.memref_squeeze %dma_wait3A_80 : memref<1x128x128xf32, #tpu.memory_space<hbm>> -> memref<128x128xf32, #tpu.memory_space<hbm>>
      tpu.wait_dma2 semaphore(%run_scoped3A : memref<!tpu.dma_semaphore, #tpu.memory_space<semaphore_mem>>) src(%arg17 : memref<128x128xf32, #tpu.memory_space<vmem>>) dst(%dma_wait3A_81 : memref<128x128xf32, #tpu.memory_space<hbm>>)
      tpu.yield
    }) : () -> ()
    %add3A_30 = arith.constant 512 : i32
    %add3A_31 = arith.addi %mul3A_0, %add3A_30 : i32
    "tpu.region"() ({
      %run_scoped3A = tpu.sem_alloc : memref<!tpu.dma_semaphore, #tpu.memory_space<semaphore_mem>>
      %dma_start3A = arith.constant 0 : i32
      %dma_start3A_72 = tpu.memref_slice %arg19[%add3A_31, %dma_start3A] : memref<10240x128xf32, #tpu.memory_space<vmem_shared>> -> memref<128x128xf32, #tpu.memory_space<vmem_shared>>
      %dma_start3A_73 = arith.constant 0 : i32
      %dma_start3A_74 = tpu.memref_slice %arg19[%add3A_31, %dma_start3A_73] : memref<10240x128xf32, #tpu.memory_space<vmem_shared>> -> memref<128x128xf32, #tpu.memory_space<vmem_shared>>
      tpu.enqueue_dma source(%dma_start3A_74 : memref<128x128xf32, #tpu.memory_space<vmem_shared>>) target(%arg17 : memref<128x128xf32, #tpu.memory_space<vmem>>) target_semaphore(%run_scoped3A : memref<!tpu.dma_semaphore, #tpu.memory_space<semaphore_mem>>)
      %dma_wait3A = arith.constant 0 : i32
      %dma_wait3A_75 = tpu.memref_slice %arg19[%add3A_31, %dma_wait3A] : memref<10240x128xf32, #tpu.memory_space<vmem_shared>> -> memref<128x128xf32, #tpu.memory_space<vmem_shared>>
      %dma_wait3A_76 = arith.constant 0 : i32
      %dma_wait3A_77 = tpu.memref_slice %arg19[%add3A_31, %dma_wait3A_76] : memref<10240x128xf32, #tpu.memory_space<vmem_shared>> -> memref<128x128xf32, #tpu.memory_space<vmem_shared>>
      tpu.wait_dma2 semaphore(%run_scoped3A : memref<!tpu.dma_semaphore, #tpu.memory_space<semaphore_mem>>) src(%dma_wait3A_77 : memref<128x128xf32, #tpu.memory_space<vmem_shared>>) dst(%arg17 : memref<128x128xf32, #tpu.memory_space<vmem>>)
      tpu.yield
    }) : () -> ()
    "tpu.region"() ({
      %run_scoped3A = tpu.sem_alloc : memref<!tpu.dma_semaphore, #tpu.memory_space<semaphore_mem>>
      %dma_start3A = arith.constant 0 : i32
      %dma_start3A_72 = tpu.memref_slice %arg8[%arg0, %add3A_31, %dma_start3A] : memref<2x10240x128xf32, #tpu.memory_space<hbm>> -> memref<1x128x128xf32, #tpu.memory_space<hbm>>
      %dma_start3A_73 = tpu.memref_squeeze %dma_start3A_72 : memref<1x128x128xf32, #tpu.memory_space<hbm>> -> memref<128x128xf32, #tpu.memory_space<hbm>>
      %dma_start3A_74 = arith.constant 0 : i32
      %dma_start3A_75 = tpu.memref_slice %arg8[%arg0, %add3A_31, %dma_start3A_74] : memref<2x10240x128xf32, #tpu.memory_space<hbm>> -> memref<1x128x128xf32, #tpu.memory_space<hbm>>
      %dma_start3A_76 = tpu.memref_squeeze %dma_start3A_75 : memref<1x128x128xf32, #tpu.memory_space<hbm>> -> memref<128x128xf32, #tpu.memory_space<hbm>>
      tpu.enqueue_dma source(%arg17 : memref<128x128xf32, #tpu.memory_space<vmem>>) target(%dma_start3A_76 : memref<128x128xf32, #tpu.memory_space<hbm>>) target_semaphore(%run_scoped3A : memref<!tpu.dma_semaphore, #tpu.memory_space<semaphore_mem>>)
      %dma_wait3A = arith.constant 0 : i32
      %dma_wait3A_77 = tpu.memref_slice %arg8[%arg0, %add3A_31, %dma_wait3A] : memref<2x10240x128xf32, #tpu.memory_space<hbm>> -> memref<1x128x128xf32, #tpu.memory_space<hbm>>
      %dma_wait3A_78 = tpu.memref_squeeze %dma_wait3A_77 : memref<1x128x128xf32, #tpu.memory_space<hbm>> -> memref<128x128xf32, #tpu.memory_space<hbm>>
      %dma_wait3A_79 = arith.constant 0 : i32
      %dma_wait3A_80 = tpu.memref_slice %arg8[%arg0, %add3A_31, %dma_wait3A_79] : memref<2x10240x128xf32, #tpu.memory_space<hbm>> -> memref<1x128x128xf32, #tpu.memory_space<hbm>>
      %dma_wait3A_81 = tpu.memref_squeeze %dma_wait3A_80 : memref<1x128x128xf32, #tpu.memory_space<hbm>> -> memref<128x128xf32, #tpu.memory_space<hbm>>
      tpu.wait_dma2 semaphore(%run_scoped3A : memref<!tpu.dma_semaphore, #tpu.memory_space<semaphore_mem>>) src(%arg17 : memref<128x128xf32, #tpu.memory_space<vmem>>) dst(%dma_wait3A_81 : memref<128x128xf32, #tpu.memory_space<hbm>>)
      tpu.yield
    }) : () -> ()
    %barrier3A_32 = arith.constant 0 : index
    tpu.barrier barrier_id(%barrier3A_32)
    %add3A_33 = arith.constant 0 : i32
    %add3A_34 = arith.addi %mul3A_0, %add3A_33 : i32
    "tpu.region"() ({
      %run_scoped3A = tpu.sem_alloc : memref<!tpu.dma_semaphore, #tpu.memory_space<semaphore_mem>>
      %dma_start3A = arith.constant 0 : i32
      %dma_start3A_72 = tpu.memref_slice %arg6[%add3A_34, %dma_start3A] : memref<10240x128xf32, #tpu.memory_space<hbm>> -> memref<128x128xf32, #tpu.memory_space<hbm>>
      %dma_start3A_73 = arith.constant 0 : i32
      %dma_start3A_74 = tpu.memref_slice %arg6[%add3A_34, %dma_start3A_73] : memref<10240x128xf32, #tpu.memory_space<hbm>> -> memref<128x128xf32, #tpu.memory_space<hbm>>
      tpu.enqueue_dma source(%dma_start3A_74 : memref<128x128xf32, #tpu.memory_space<hbm>>) target(%arg17 : memref<128x128xf32, #tpu.memory_space<vmem>>) target_semaphore(%run_scoped3A : memref<!tpu.dma_semaphore, #tpu.memory_space<semaphore_mem>>)
      %dma_wait3A = arith.constant 0 : i32
      %dma_wait3A_75 = tpu.memref_slice %arg6[%add3A_34, %dma_wait3A] : memref<10240x128xf32, #tpu.memory_space<hbm>> -> memref<128x128xf32, #tpu.memory_space<hbm>>
      %dma_wait3A_76 = arith.constant 0 : i32
      %dma_wait3A_77 = tpu.memref_slice %arg6[%add3A_34, %dma_wait3A_76] : memref<10240x128xf32, #tpu.memory_space<hbm>> -> memref<128x128xf32, #tpu.memory_space<hbm>>
      tpu.wait_dma2 semaphore(%run_scoped3A : memref<!tpu.dma_semaphore, #tpu.memory_space<semaphore_mem>>) src(%dma_wait3A_77 : memref<128x128xf32, #tpu.memory_space<hbm>>) dst(%arg17 : memref<128x128xf32, #tpu.memory_space<vmem>>)
      tpu.yield
    }) : () -> ()
    "tpu.region"() ({
      %run_scoped3A = tpu.sem_alloc : memref<!tpu.dma_semaphore, #tpu.memory_space<semaphore_mem>>
      %dma_start3A = arith.constant 0 : i32
      %dma_start3A_72 = tpu.memref_slice %arg19[%add3A_34, %dma_start3A] : memref<10240x128xf32, #tpu.memory_space<vmem_shared>> -> memref<128x128xf32, #tpu.memory_space<vmem_shared>>
      %dma_start3A_73 = arith.constant 0 : i32
      %dma_start3A_74 = tpu.memref_slice %arg19[%add3A_34, %dma_start3A_73] : memref<10240x128xf32, #tpu.memory_space<vmem_shared>> -> memref<128x128xf32, #tpu.memory_space<vmem_shared>>
      tpu.enqueue_dma source(%arg17 : memref<128x128xf32, #tpu.memory_space<vmem>>) target(%dma_start3A_74 : memref<128x128xf32, #tpu.memory_space<vmem_shared>>) target_semaphore(%run_scoped3A : memref<!tpu.dma_semaphore, #tpu.memory_space<semaphore_mem>>)
      %dma_wait3A = arith.constant 0 : i32
      %dma_wait3A_75 = tpu.memref_slice %arg19[%add3A_34, %dma_wait3A] : memref<10240x128xf32, #tpu.memory_space<vmem_shared>> -> memref<128x128xf32, #tpu.memory_space<vmem_shared>>
      %dma_wait3A_76 = arith.constant 0 : i32
      %dma_wait3A_77 = tpu.memref_slice %arg19[%add3A_34, %dma_wait3A_76] : memref<10240x128xf32, #tpu.memory_space<vmem_shared>> -> memref<128x128xf32, #tpu.memory_space<vmem_shared>>
      tpu.wait_dma2 semaphore(%run_scoped3A : memref<!tpu.dma_semaphore, #tpu.memory_space<semaphore_mem>>) src(%arg17 : memref<128x128xf32, #tpu.memory_space<vmem>>) dst(%dma_wait3A_77 : memref<128x128xf32, #tpu.memory_space<vmem_shared>>)
      tpu.yield
    }) : () -> ()
    %add3A_35 = arith.constant 128 : i32
    %add3A_36 = arith.addi %mul3A_0, %add3A_35 : i32
    "tpu.region"() ({
      %run_scoped3A = tpu.sem_alloc : memref<!tpu.dma_semaphore, #tpu.memory_space<semaphore_mem>>
      %dma_start3A = arith.constant 0 : i32
      %dma_start3A_72 = tpu.memref_slice %arg6[%add3A_36, %dma_start3A] : memref<10240x128xf32, #tpu.memory_space<hbm>> -> memref<128x128xf32, #tpu.memory_space<hbm>>
      %dma_start3A_73 = arith.constant 0 : i32
      %dma_start3A_74 = tpu.memref_slice %arg6[%add3A_36, %dma_start3A_73] : memref<10240x128xf32, #tpu.memory_space<hbm>> -> memref<128x128xf32, #tpu.memory_space<hbm>>
      tpu.enqueue_dma source(%dma_start3A_74 : memref<128x128xf32, #tpu.memory_space<hbm>>) target(%arg17 : memref<128x128xf32, #tpu.memory_space<vmem>>) target_semaphore(%run_scoped3A : memref<!tpu.dma_semaphore, #tpu.memory_space<semaphore_mem>>)
      %dma_wait3A = arith.constant 0 : i32
      %dma_wait3A_75 = tpu.memref_slice %arg6[%add3A_36, %dma_wait3A] : memref<10240x128xf32, #tpu.memory_space<hbm>> -> memref<128x128xf32, #tpu.memory_space<hbm>>
      %dma_wait3A_76 = arith.constant 0 : i32
      %dma_wait3A_77 = tpu.memref_slice %arg6[%add3A_36, %dma_wait3A_76] : memref<10240x128xf32, #tpu.memory_space<hbm>> -> memref<128x128xf32, #tpu.memory_space<hbm>>
      tpu.wait_dma2 semaphore(%run_scoped3A : memref<!tpu.dma_semaphore, #tpu.memory_space<semaphore_mem>>) src(%dma_wait3A_77 : memref<128x128xf32, #tpu.memory_space<hbm>>) dst(%arg17 : memref<128x128xf32, #tpu.memory_space<vmem>>)
      tpu.yield
    }) : () -> ()
    "tpu.region"() ({
      %run_scoped3A = tpu.sem_alloc : memref<!tpu.dma_semaphore, #tpu.memory_space<semaphore_mem>>
      %dma_start3A = arith.constant 0 : i32
      %dma_start3A_72 = tpu.memref_slice %arg19[%add3A_36, %dma_start3A] : memref<10240x128xf32, #tpu.memory_space<vmem_shared>> -> memref<128x128xf32, #tpu.memory_space<vmem_shared>>
      %dma_start3A_73 = arith.constant 0 : i32
      %dma_start3A_74 = tpu.memref_slice %arg19[%add3A_36, %dma_start3A_73] : memref<10240x128xf32, #tpu.memory_space<vmem_shared>> -> memref<128x128xf32, #tpu.memory_space<vmem_shared>>
      tpu.enqueue_dma source(%arg17 : memref<128x128xf32, #tpu.memory_space<vmem>>) target(%dma_start3A_74 : memref<128x128xf32, #tpu.memory_space<vmem_shared>>) target_semaphore(%run_scoped3A : memref<!tpu.dma_semaphore, #tpu.memory_space<semaphore_mem>>)
      %dma_wait3A = arith.constant 0 : i32
      %dma_wait3A_75 = tpu.memref_slice %arg19[%add3A_36, %dma_wait3A] : memref<10240x128xf32, #tpu.memory_space<vmem_shared>> -> memref<128x128xf32, #tpu.memory_space<vmem_shared>>
      %dma_wait3A_76 = arith.constant 0 : i32
      %dma_wait3A_77 = tpu.memref_slice %arg19[%add3A_36, %dma_wait3A_76] : memref<10240x128xf32, #tpu.memory_space<vmem_shared>> -> memref<128x128xf32, #tpu.memory_space<vmem_shared>>
      tpu.wait_dma2 semaphore(%run_scoped3A : memref<!tpu.dma_semaphore, #tpu.memory_space<semaphore_mem>>) src(%arg17 : memref<128x128xf32, #tpu.memory_space<vmem>>) dst(%dma_wait3A_77 : memref<128x128xf32, #tpu.memory_space<vmem_shared>>)
      tpu.yield
    }) : () -> ()
    %add3A_37 = arith.constant 256 : i32
    %add3A_38 = arith.addi %mul3A_0, %add3A_37 : i32
    "tpu.region"() ({
      %run_scoped3A = tpu.sem_alloc : memref<!tpu.dma_semaphore, #tpu.memory_space<semaphore_mem>>
      %dma_start3A = arith.constant 0 : i32
      %dma_start3A_72 = tpu.memref_slice %arg6[%add3A_38, %dma_start3A] : memref<10240x128xf32, #tpu.memory_space<hbm>> -> memref<128x128xf32, #tpu.memory_space<hbm>>
      %dma_start3A_73 = arith.constant 0 : i32
      %dma_start3A_74 = tpu.memref_slice %arg6[%add3A_38, %dma_start3A_73] : memref<10240x128xf32, #tpu.memory_space<hbm>> -> memref<128x128xf32, #tpu.memory_space<hbm>>
      tpu.enqueue_dma source(%dma_start3A_74 : memref<128x128xf32, #tpu.memory_space<hbm>>) target(%arg17 : memref<128x128xf32, #tpu.memory_space<vmem>>) target_semaphore(%run_scoped3A : memref<!tpu.dma_semaphore, #tpu.memory_space<semaphore_mem>>)
      %dma_wait3A = arith.constant 0 : i32
      %dma_wait3A_75 = tpu.memref_slice %arg6[%add3A_38, %dma_wait3A] : memref<10240x128xf32, #tpu.memory_space<hbm>> -> memref<128x128xf32, #tpu.memory_space<hbm>>
      %dma_wait3A_76 = arith.constant 0 : i32
      %dma_wait3A_77 = tpu.memref_slice %arg6[%add3A_38, %dma_wait3A_76] : memref<10240x128xf32, #tpu.memory_space<hbm>> -> memref<128x128xf32, #tpu.memory_space<hbm>>
      tpu.wait_dma2 semaphore(%run_scoped3A : memref<!tpu.dma_semaphore, #tpu.memory_space<semaphore_mem>>) src(%dma_wait3A_77 : memref<128x128xf32, #tpu.memory_space<hbm>>) dst(%arg17 : memref<128x128xf32, #tpu.memory_space<vmem>>)
      tpu.yield
    }) : () -> ()
    "tpu.region"() ({
      %run_scoped3A = tpu.sem_alloc : memref<!tpu.dma_semaphore, #tpu.memory_space<semaphore_mem>>
      %dma_start3A = arith.constant 0 : i32
      %dma_start3A_72 = tpu.memref_slice %arg19[%add3A_38, %dma_start3A] : memref<10240x128xf32, #tpu.memory_space<vmem_shared>> -> memref<128x128xf32, #tpu.memory_space<vmem_shared>>
      %dma_start3A_73 = arith.constant 0 : i32
      %dma_start3A_74 = tpu.memref_slice %arg19[%add3A_38, %dma_start3A_73] : memref<10240x128xf32, #tpu.memory_space<vmem_shared>> -> memref<128x128xf32, #tpu.memory_space<vmem_shared>>
      tpu.enqueue_dma source(%arg17 : memref<128x128xf32, #tpu.memory_space<vmem>>) target(%dma_start3A_74 : memref<128x128xf32, #tpu.memory_space<vmem_shared>>) target_semaphore(%run_scoped3A : memref<!tpu.dma_semaphore, #tpu.memory_space<semaphore_mem>>)
      %dma_wait3A = arith.constant 0 : i32
      %dma_wait3A_75 = tpu.memref_slice %arg19[%add3A_38, %dma_wait3A] : memref<10240x128xf32, #tpu.memory_space<vmem_shared>> -> memref<128x128xf32, #tpu.memory_space<vmem_shared>>
      %dma_wait3A_76 = arith.constant 0 : i32
      %dma_wait3A_77 = tpu.memref_slice %arg19[%add3A_38, %dma_wait3A_76] : memref<10240x128xf32, #tpu.memory_space<vmem_shared>> -> memref<128x128xf32, #tpu.memory_space<vmem_shared>>
      tpu.wait_dma2 semaphore(%run_scoped3A : memref<!tpu.dma_semaphore, #tpu.memory_space<semaphore_mem>>) src(%arg17 : memref<128x128xf32, #tpu.memory_space<vmem>>) dst(%dma_wait3A_77 : memref<128x128xf32, #tpu.memory_space<vmem_shared>>)
      tpu.yield
    }) : () -> ()
    %add3A_39 = arith.constant 384 : i32
    %add3A_40 = arith.addi %mul3A_0, %add3A_39 : i32
    "tpu.region"() ({
      %run_scoped3A = tpu.sem_alloc : memref<!tpu.dma_semaphore, #tpu.memory_space<semaphore_mem>>
      %dma_start3A = arith.constant 0 : i32
      %dma_start3A_72 = tpu.memref_slice %arg6[%add3A_40, %dma_start3A] : memref<10240x128xf32, #tpu.memory_space<hbm>> -> memref<128x128xf32, #tpu.memory_space<hbm>>
      %dma_start3A_73 = arith.constant 0 : i32
      %dma_start3A_74 = tpu.memref_slice %arg6[%add3A_40, %dma_start3A_73] : memref<10240x128xf32, #tpu.memory_space<hbm>> -> memref<128x128xf32, #tpu.memory_space<hbm>>
      tpu.enqueue_dma source(%dma_start3A_74 : memref<128x128xf32, #tpu.memory_space<hbm>>) target(%arg17 : memref<128x128xf32, #tpu.memory_space<vmem>>) target_semaphore(%run_scoped3A : memref<!tpu.dma_semaphore, #tpu.memory_space<semaphore_mem>>)
      %dma_wait3A = arith.constant 0 : i32
      %dma_wait3A_75 = tpu.memref_slice %arg6[%add3A_40, %dma_wait3A] : memref<10240x128xf32, #tpu.memory_space<hbm>> -> memref<128x128xf32, #tpu.memory_space<hbm>>
      %dma_wait3A_76 = arith.constant 0 : i32
      %dma_wait3A_77 = tpu.memref_slice %arg6[%add3A_40, %dma_wait3A_76] : memref<10240x128xf32, #tpu.memory_space<hbm>> -> memref<128x128xf32, #tpu.memory_space<hbm>>
      tpu.wait_dma2 semaphore(%run_scoped3A : memref<!tpu.dma_semaphore, #tpu.memory_space<semaphore_mem>>) src(%dma_wait3A_77 : memref<128x128xf32, #tpu.memory_space<hbm>>) dst(%arg17 : memref<128x128xf32, #tpu.memory_space<vmem>>)
      tpu.yield
    }) : () -> ()
    "tpu.region"() ({
      %run_scoped3A = tpu.sem_alloc : memref<!tpu.dma_semaphore, #tpu.memory_space<semaphore_mem>>
      %dma_start3A = arith.constant 0 : i32
      %dma_start3A_72 = tpu.memref_slice %arg19[%add3A_40, %dma_start3A] : memref<10240x128xf32, #tpu.memory_space<vmem_shared>> -> memref<128x128xf32, #tpu.memory_space<vmem_shared>>
      %dma_start3A_73 = arith.constant 0 : i32
      %dma_start3A_74 = tpu.memref_slice %arg19[%add3A_40, %dma_start3A_73] : memref<10240x128xf32, #tpu.memory_space<vmem_shared>> -> memref<128x128xf32, #tpu.memory_space<vmem_shared>>
      tpu.enqueue_dma source(%arg17 : memref<128x128xf32, #tpu.memory_space<vmem>>) target(%dma_start3A_74 : memref<128x128xf32, #tpu.memory_space<vmem_shared>>) target_semaphore(%run_scoped3A : memref<!tpu.dma_semaphore, #tpu.memory_space<semaphore_mem>>)
      %dma_wait3A = arith.constant 0 : i32
      %dma_wait3A_75 = tpu.memref_slice %arg19[%add3A_40, %dma_wait3A] : memref<10240x128xf32, #tpu.memory_space<vmem_shared>> -> memref<128x128xf32, #tpu.memory_space<vmem_shared>>
      %dma_wait3A_76 = arith.constant 0 : i32
      %dma_wait3A_77 = tpu.memref_slice %arg19[%add3A_40, %dma_wait3A_76] : memref<10240x128xf32, #tpu.memory_space<vmem_shared>> -> memref<128x128xf32, #tpu.memory_space<vmem_shared>>
      tpu.wait_dma2 semaphore(%run_scoped3A : memref<!tpu.dma_semaphore, #tpu.memory_space<semaphore_mem>>) src(%arg17 : memref<128x128xf32, #tpu.memory_space<vmem>>) dst(%dma_wait3A_77 : memref<128x128xf32, #tpu.memory_space<vmem_shared>>)
      tpu.yield
    }) : () -> ()
    %add3A_41 = arith.constant 512 : i32
    %add3A_42 = arith.addi %mul3A_0, %add3A_41 : i32
    "tpu.region"() ({
      %run_scoped3A = tpu.sem_alloc : memref<!tpu.dma_semaphore, #tpu.memory_space<semaphore_mem>>
      %dma_start3A = arith.constant 0 : i32
      %dma_start3A_72 = tpu.memref_slice %arg6[%add3A_42, %dma_start3A] : memref<10240x128xf32, #tpu.memory_space<hbm>> -> memref<128x128xf32, #tpu.memory_space<hbm>>
      %dma_start3A_73 = arith.constant 0 : i32
      %dma_start3A_74 = tpu.memref_slice %arg6[%add3A_42, %dma_start3A_73] : memref<10240x128xf32, #tpu.memory_space<hbm>> -> memref<128x128xf32, #tpu.memory_space<hbm>>
      tpu.enqueue_dma source(%dma_start3A_74 : memref<128x128xf32, #tpu.memory_space<hbm>>) target(%arg17 : memref<128x128xf32, #tpu.memory_space<vmem>>) target_semaphore(%run_scoped3A : memref<!tpu.dma_semaphore, #tpu.memory_space<semaphore_mem>>)
      %dma_wait3A = arith.constant 0 : i32
      %dma_wait3A_75 = tpu.memref_slice %arg6[%add3A_42, %dma_wait3A] : memref<10240x128xf32, #tpu.memory_space<hbm>> -> memref<128x128xf32, #tpu.memory_space<hbm>>
      %dma_wait3A_76 = arith.constant 0 : i32
      %dma_wait3A_77 = tpu.memref_slice %arg6[%add3A_42, %dma_wait3A_76] : memref<10240x128xf32, #tpu.memory_space<hbm>> -> memref<128x128xf32, #tpu.memory_space<hbm>>
      tpu.wait_dma2 semaphore(%run_scoped3A : memref<!tpu.dma_semaphore, #tpu.memory_space<semaphore_mem>>) src(%dma_wait3A_77 : memref<128x128xf32, #tpu.memory_space<hbm>>) dst(%arg17 : memref<128x128xf32, #tpu.memory_space<vmem>>)
      tpu.yield
    }) : () -> ()
    "tpu.region"() ({
      %run_scoped3A = tpu.sem_alloc : memref<!tpu.dma_semaphore, #tpu.memory_space<semaphore_mem>>
      %dma_start3A = arith.constant 0 : i32
      %dma_start3A_72 = tpu.memref_slice %arg19[%add3A_42, %dma_start3A] : memref<10240x128xf32, #tpu.memory_space<vmem_shared>> -> memref<128x128xf32, #tpu.memory_space<vmem_shared>>
      %dma_start3A_73 = arith.constant 0 : i32
      %dma_start3A_74 = tpu.memref_slice %arg19[%add3A_42, %dma_start3A_73] : memref<10240x128xf32, #tpu.memory_space<vmem_shared>> -> memref<128x128xf32, #tpu.memory_space<vmem_shared>>
      tpu.enqueue_dma source(%arg17 : memref<128x128xf32, #tpu.memory_space<vmem>>) target(%dma_start3A_74 : memref<128x128xf32, #tpu.memory_space<vmem_shared>>) target_semaphore(%run_scoped3A : memref<!tpu.dma_semaphore, #tpu.memory_space<semaphore_mem>>)
      %dma_wait3A = arith.constant 0 : i32
      %dma_wait3A_75 = tpu.memref_slice %arg19[%add3A_42, %dma_wait3A] : memref<10240x128xf32, #tpu.memory_space<vmem_shared>> -> memref<128x128xf32, #tpu.memory_space<vmem_shared>>
      %dma_wait3A_76 = arith.constant 0 : i32
      %dma_wait3A_77 = tpu.memref_slice %arg19[%add3A_42, %dma_wait3A_76] : memref<10240x128xf32, #tpu.memory_space<vmem_shared>> -> memref<128x128xf32, #tpu.memory_space<vmem_shared>>
      tpu.wait_dma2 semaphore(%run_scoped3A : memref<!tpu.dma_semaphore, #tpu.memory_space<semaphore_mem>>) src(%arg17 : memref<128x128xf32, #tpu.memory_space<vmem>>) dst(%dma_wait3A_77 : memref<128x128xf32, #tpu.memory_space<vmem_shared>>)
      tpu.yield
    }) : () -> ()
    "tpu.region"() ({
      %run_scoped3A = tpu.sem_alloc : memref<!tpu.dma_semaphore, #tpu.memory_space<semaphore_mem>>
      tpu.enqueue_dma source(%arg7 : memref<128x128xf32, #tpu.memory_space<hbm>>) target(%arg18 : memref<128x128xf32, #tpu.memory_space<vmem>>) target_semaphore(%run_scoped3A : memref<!tpu.dma_semaphore, #tpu.memory_space<semaphore_mem>>)
      tpu.wait_dma2 semaphore(%run_scoped3A : memref<!tpu.dma_semaphore, #tpu.memory_space<semaphore_mem>>) src(%arg7 : memref<128x128xf32, #tpu.memory_space<hbm>>) dst(%arg18 : memref<128x128xf32, #tpu.memory_space<vmem>>)
      tpu.yield
    }) : () -> ()
    %barrier3A_43 = arith.constant 0 : index
    tpu.barrier barrier_id(%barrier3A_43)
    %mul3A_44 = arith.constant 1250 : i32
    %mul3A_45 = arith.muli %mul3A_44, %arg0 : i32
    %mul3A_46 = arith.constant 78 : i32
    %mul3A_47 = arith.muli %mul3A_46, %arg1 : i32
    %add3A_48 = arith.addi %mul3A_45, %mul3A_47 : i32
    %min3A_49 = arith.constant 2 : i32
    %min3A_50 = arith.minsi %arg1, %min3A_49 : i32
    %add3A_51 = arith.addi %add3A_48, %min3A_50 : i32
    %scan3A = arith.constant 0 : i32
    %scan3A_52 = arith.constant 0 : i32
    %scan3A_53 = arith.constant 6 : i32
    %scan3A_54 = arith.addi %scan3A_52, %scan3A_53 : i32
    %scan3A_55 = arith.constant 1 : i32
    scf.for %scan3A_72 = %scan3A_52 to %scan3A_54 step %scan3A_55  : i32 {
      %mul3A_73 = arith.constant 13 : i32
      %mul3A_74 = arith.muli %scan3A_72, %mul3A_73 : i32
      %add3A_75 = arith.addi %add3A_51, %mul3A_74 : i32
      %mul3A_76 = arith.constant 128 : i32
      %mul3A_77 = arith.muli %add3A_75, %mul3A_76 : i32
      "tpu.region"() ({
        %run_scoped3A = tpu.sem_alloc : memref<!tpu.dma_semaphore, #tpu.memory_space<semaphore_mem>>
        %dma_start3A_880 = tpu.memref_slice %arg3[%mul3A_77] : memref<320000xi32, #tpu.memory_space<hbm>> -> memref<1664xi32, #tpu.memory_space<hbm>>
        %dma_start3A_881 = tpu.memref_slice %arg3[%mul3A_77] : memref<320000xi32, #tpu.memory_space<hbm>> -> memref<1664xi32, #tpu.memory_space<hbm>>
        tpu.enqueue_dma source(%dma_start3A_881 : memref<1664xi32, #tpu.memory_space<hbm>>) target(%arg11 : memref<1664xi32, #tpu.memory_space<vmem>>) target_semaphore(%run_scoped3A : memref<!tpu.dma_semaphore, #tpu.memory_space<semaphore_mem>>)
        %dma_wait3A_882 = tpu.memref_slice %arg3[%mul3A_77] : memref<320000xi32, #tpu.memory_space<hbm>> -> memref<1664xi32, #tpu.memory_space<hbm>>
        %dma_wait3A_883 = tpu.memref_slice %arg3[%mul3A_77] : memref<320000xi32, #tpu.memory_space<hbm>> -> memref<1664xi32, #tpu.memory_space<hbm>>
        tpu.wait_dma2 semaphore(%run_scoped3A : memref<!tpu.dma_semaphore, #tpu.memory_space<semaphore_mem>>) src(%dma_wait3A_883 : memref<1664xi32, #tpu.memory_space<hbm>>) dst(%arg11 : memref<1664xi32, #tpu.memory_space<vmem>>)
        tpu.yield
      }) : () -> ()
      %get3A = arith.constant 0 : index
      %get3A_78 = tpu.vector_load %arg11[%get3A] {strides = array<i32>} : memref<1664xi32, #tpu.memory_space<vmem>>, vector<16xi32>,
      %get3A_79 = vector.shape_cast %get3A_78 : vector<16xi32> to vector<16xi32>
      %swap3A = arith.constant 0 : index
      %swap3A_80 = tpu.vector_load %arg12[%swap3A] {strides = array<i32>} : memref<128xi32, #tpu.memory_space<vmem>>, vector<16xi32>,
      %swap3A_81 = vector.shape_cast %swap3A_80 : vector<16xi32> to vector<16xi32>
      %swap3A_82 = vector.shape_cast %get3A_79 : vector<16xi32> to vector<16xi32>
      tpu.vector_store %arg12[%swap3A], %swap3A_82 {strides = array<i32>} : memref<128xi32, #tpu.memory_space<vmem>>, vector<16xi32>,
      %get3A_83 = arith.constant 16 : index
      %get3A_84 = tpu.vector_load %arg11[%get3A_83] {strides = array<i32>} : memref<1664xi32, #tpu.memory_space<vmem>>, vector<16xi32>,
      %get3A_85 = vector.shape_cast %get3A_84 : vector<16xi32> to vector<16xi32>
      %swap3A_86 = arith.constant 16 : index
      %swap3A_87 = tpu.vector_load %arg12[%swap3A_86] {strides = array<i32>} : memref<128xi32, #tpu.memory_space<vmem>>, vector<16xi32>,
      %swap3A_88 = vector.shape_cast %swap3A_87 : vector<16xi32> to vector<16xi32>
      %swap3A_89 = vector.shape_cast %get3A_85 : vector<16xi32> to vector<16xi32>
      tpu.vector_store %arg12[%swap3A_86], %swap3A_89 {strides = array<i32>} : memref<128xi32, #tpu.memory_space<vmem>>, vector<16xi32>,
      %get3A_90 = arith.constant 32 : index
      %get3A_91 = tpu.vector_load %arg11[%get3A_90] {strides = array<i32>} : memref<1664xi32, #tpu.memory_space<vmem>>, vector<16xi32>,
      %get3A_92 = vector.shape_cast %get3A_91 : vector<16xi32> to vector<16xi32>
      %swap3A_93 = arith.constant 32 : index
      %swap3A_94 = tpu.vector_load %arg12[%swap3A_93] {strides = array<i32>} : memref<128xi32, #tpu.memory_space<vmem>>, vector<16xi32>,
      %swap3A_95 = vector.shape_cast %swap3A_94 : vector<16xi32> to vector<16xi32>
      %swap3A_96 = vector.shape_cast %get3A_92 : vector<16xi32> to vector<16xi32>
      tpu.vector_store %arg12[%swap3A_93], %swap3A_96 {strides = array<i32>} : memref<128xi32, #tpu.memory_space<vmem>>, vector<16xi32>,
      %get3A_97 = arith.constant 48 : index
      %get3A_98 = tpu.vector_load %arg11[%get3A_97] {strides = array<i32>} : memref<1664xi32, #tpu.memory_space<vmem>>, vector<16xi32>,
      %get3A_99 = vector.shape_cast %get3A_98 : vector<16xi32> to vector<16xi32>
      %swap3A_100 = arith.constant 48 : index
      %swap3A_101 = tpu.vector_load %arg12[%swap3A_100] {strides = array<i32>} : memref<128xi32, #tpu.memory_space<vmem>>, vector<16xi32>,
      %swap3A_102 = vector.shape_cast %swap3A_101 : vector<16xi32> to vector<16xi32>
      %swap3A_103 = vector.shape_cast %get3A_99 : vector<16xi32> to vector<16xi32>
      tpu.vector_store %arg12[%swap3A_100], %swap3A_103 {strides = array<i32>} : memref<128xi32, #tpu.memory_space<vmem>>, vector<16xi32>,
      %get3A_104 = arith.constant 64 : index
      %get3A_105 = tpu.vector_load %arg11[%get3A_104] {strides = array<i32>} : memref<1664xi32, #tpu.memory_space<vmem>>, vector<16xi32>,
      %get3A_106 = vector.shape_cast %get3A_105 : vector<16xi32> to vector<16xi32>
      %swap3A_107 = arith.constant 64 : index
      %swap3A_108 = tpu.vector_load %arg12[%swap3A_107] {strides = array<i32>} : memref<128xi32, #tpu.memory_space<vmem>>, vector<16xi32>,
      %swap3A_109 = vector.shape_cast %swap3A_108 : vector<16xi32> to vector<16xi32>
      %swap3A_110 = vector.shape_cast %get3A_106 : vector<16xi32> to vector<16xi32>
      tpu.vector_store %arg12[%swap3A_107], %swap3A_110 {strides = array<i32>} : memref<128xi32, #tpu.memory_space<vmem>>, vector<16xi32>,
      %get3A_111 = arith.constant 80 : index
      %get3A_112 = tpu.vector_load %arg11[%get3A_111] {strides = array<i32>} : memref<1664xi32, #tpu.memory_space<vmem>>, vector<16xi32>,
      %get3A_113 = vector.shape_cast %get3A_112 : vector<16xi32> to vector<16xi32>
      %swap3A_114 = arith.constant 80 : index
      %swap3A_115 = tpu.vector_load %arg12[%swap3A_114] {strides = array<i32>} : memref<128xi32, #tpu.memory_space<vmem>>, vector<16xi32>,
      %swap3A_116 = vector.shape_cast %swap3A_115 : vector<16xi32> to vector<16xi32>
      %swap3A_117 = vector.shape_cast %get3A_113 : vector<16xi32> to vector<16xi32>
      tpu.vector_store %arg12[%swap3A_114], %swap3A_117 {strides = array<i32>} : memref<128xi32, #tpu.memory_space<vmem>>, vector<16xi32>,
      %get3A_118 = arith.constant 96 : index
      %get3A_119 = tpu.vector_load %arg11[%get3A_118] {strides = array<i32>} : memref<1664xi32, #tpu.memory_space<vmem>>, vector<16xi32>,
      %get3A_120 = vector.shape_cast %get3A_119 : vector<16xi32> to vector<16xi32>
      %swap3A_121 = arith.constant 96 : index
      %swap3A_122 = tpu.vector_load %arg12[%swap3A_121] {strides = array<i32>} : memref<128xi32, #tpu.memory_space<vmem>>, vector<16xi32>,
      %swap3A_123 = vector.shape_cast %swap3A_122 : vector<16xi32> to vector<16xi32>
      %swap3A_124 = vector.shape_cast %get3A_120 : vector<16xi32> to vector<16xi32>
      tpu.vector_store %arg12[%swap3A_121], %swap3A_124 {strides = array<i32>} : memref<128xi32, #tpu.memory_space<vmem>>, vector<16xi32>,
      %get3A_125 = arith.constant 112 : index
      %get3A_126 = tpu.vector_load %arg11[%get3A_125] {strides = array<i32>} : memref<1664xi32, #tpu.memory_space<vmem>>, vector<16xi32>,
      %get3A_127 = vector.shape_cast %get3A_126 : vector<16xi32> to vector<16xi32>
      %swap3A_128 = arith.constant 112 : index
      %swap3A_129 = tpu.vector_load %arg12[%swap3A_128] {strides = array<i32>} : memref<128xi32, #tpu.memory_space<vmem>>, vector<16xi32>,
      %swap3A_130 = vector.shape_cast %swap3A_129 : vector<16xi32> to vector<16xi32>
      %swap3A_131 = vector.shape_cast %get3A_127 : vector<16xi32> to vector<16xi32>
      tpu.vector_store %arg12[%swap3A_128], %swap3A_131 {strides = array<i32>} : memref<128xi32, #tpu.memory_space<vmem>>, vector<16xi32>,
      %dma_start3A = arith.constant 0 : i32
      %dma_start3A_132 = arith.constant 0 : i32
      %dma_start3A_133 = tpu.memref_slice %arg19[%dma_start3A, %dma_start3A_132] : memref<10240x128xf32, #tpu.memory_space<vmem_shared>> -> memref<10240x128xf32, #tpu.memory_space<vmem_shared>>
      tpu.enqueue_indirect_dma source(%arg18 : memref<128x128xf32, #tpu.memory_space<vmem>>) target(%dma_start3A_133 : memref<10240x128xf32, #tpu.memory_space<vmem_shared>>) offsets(%arg12 : memref<128xi32, #tpu.memory_space<vmem>>) semaphore(%arg20 : memref<!tpu.dma_semaphore, #tpu.memory_space<semaphore_mem>>) {add = true}
      %get3A_134 = arith.constant 128 : index
      %get3A_135 = tpu.vector_load %arg11[%get3A_134] {strides = array<i32>} : memref<1664xi32, #tpu.memory_space<vmem>>, vector<16xi32>,
      %get3A_136 = vector.shape_cast %get3A_135 : vector<16xi32> to vector<16xi32>
      %swap3A_137 = arith.constant 0 : index
      %swap3A_138 = tpu.vector_load %arg14[%swap3A_137] {strides = array<i32>} : memref<128xi32, #tpu.memory_space<vmem>>, vector<16xi32>,
      %swap3A_139 = vector.shape_cast %swap3A_138 : vector<16xi32> to vector<16xi32>
      %swap3A_140 = vector.shape_cast %get3A_136 : vector<16xi32> to vector<16xi32>
      tpu.vector_store %arg14[%swap3A_137], %swap3A_140 {strides = array<i32>} : memref<128xi32, #tpu.memory_space<vmem>>, vector<16xi32>,
      %get3A_141 = arith.constant 144 : index
      %get3A_142 = tpu.vector_load %arg11[%get3A_141] {strides = array<i32>} : memref<1664xi32, #tpu.memory_space<vmem>>, vector<16xi32>,
      %get3A_143 = vector.shape_cast %get3A_142 : vector<16xi32> to vector<16xi32>
      %swap3A_144 = arith.constant 16 : index
      %swap3A_145 = tpu.vector_load %arg14[%swap3A_144] {strides = array<i32>} : memref<128xi32, #tpu.memory_space<vmem>>, vector<16xi32>,
      %swap3A_146 = vector.shape_cast %swap3A_145 : vector<16xi32> to vector<16xi32>
      %swap3A_147 = vector.shape_cast %get3A_143 : vector<16xi32> to vector<16xi32>
      tpu.vector_store %arg14[%swap3A_144], %swap3A_147 {strides = array<i32>} : memref<128xi32, #tpu.memory_space<vmem>>, vector<16xi32>,
      %get3A_148 = arith.constant 160 : index
      %get3A_149 = tpu.vector_load %arg11[%get3A_148] {strides = array<i32>} : memref<1664xi32, #tpu.memory_space<vmem>>, vector<16xi32>,
      %get3A_150 = vector.shape_cast %get3A_149 : vector<16xi32> to vector<16xi32>
      %swap3A_151 = arith.constant 32 : index
      %swap3A_152 = tpu.vector_load %arg14[%swap3A_151] {strides = array<i32>} : memref<128xi32, #tpu.memory_space<vmem>>, vector<16xi32>,
      %swap3A_153 = vector.shape_cast %swap3A_152 : vector<16xi32> to vector<16xi32>
      %swap3A_154 = vector.shape_cast %get3A_150 : vector<16xi32> to vector<16xi32>
      tpu.vector_store %arg14[%swap3A_151], %swap3A_154 {strides = array<i32>} : memref<128xi32, #tpu.memory_space<vmem>>, vector<16xi32>,
      %get3A_155 = arith.constant 176 : index
      %get3A_156 = tpu.vector_load %arg11[%get3A_155] {strides = array<i32>} : memref<1664xi32, #tpu.memory_space<vmem>>, vector<16xi32>,
      %get3A_157 = vector.shape_cast %get3A_156 : vector<16xi32> to vector<16xi32>
      %swap3A_158 = arith.constant 48 : index
      %swap3A_159 = tpu.vector_load %arg14[%swap3A_158] {strides = array<i32>} : memref<128xi32, #tpu.memory_space<vmem>>, vector<16xi32>,
      %swap3A_160 = vector.shape_cast %swap3A_159 : vector<16xi32> to vector<16xi32>
      %swap3A_161 = vector.shape_cast %get3A_157 : vector<16xi32> to vector<16xi32>
      tpu.vector_store %arg14[%swap3A_158], %swap3A_161 {strides = array<i32>} : memref<128xi32, #tpu.memory_space<vmem>>, vector<16xi32>,
      %get3A_162 = arith.constant 192 : index
      %get3A_163 = tpu.vector_load %arg11[%get3A_162] {strides = array<i32>} : memref<1664xi32, #tpu.memory_space<vmem>>, vector<16xi32>,
      %get3A_164 = vector.shape_cast %get3A_163 : vector<16xi32> to vector<16xi32>
      %swap3A_165 = arith.constant 64 : index
      %swap3A_166 = tpu.vector_load %arg14[%swap3A_165] {strides = array<i32>} : memref<128xi32, #tpu.memory_space<vmem>>, vector<16xi32>,
      %swap3A_167 = vector.shape_cast %swap3A_166 : vector<16xi32> to vector<16xi32>
      %swap3A_168 = vector.shape_cast %get3A_164 : vector<16xi32> to vector<16xi32>
      tpu.vector_store %arg14[%swap3A_165], %swap3A_168 {strides = array<i32>} : memref<128xi32, #tpu.memory_space<vmem>>, vector<16xi32>,
      %get3A_169 = arith.constant 208 : index
      %get3A_170 = tpu.vector_load %arg11[%get3A_169] {strides = array<i32>} : memref<1664xi32, #tpu.memory_space<vmem>>, vector<16xi32>,
      %get3A_171 = vector.shape_cast %get3A_170 : vector<16xi32> to vector<16xi32>
      %swap3A_172 = arith.constant 80 : index
      %swap3A_173 = tpu.vector_load %arg14[%swap3A_172] {strides = array<i32>} : memref<128xi32, #tpu.memory_space<vmem>>, vector<16xi32>,
      %swap3A_174 = vector.shape_cast %swap3A_173 : vector<16xi32> to vector<16xi32>
      %swap3A_175 = vector.shape_cast %get3A_171 : vector<16xi32> to vector<16xi32>
      tpu.vector_store %arg14[%swap3A_172], %swap3A_175 {strides = array<i32>} : memref<128xi32, #tpu.memory_space<vmem>>, vector<16xi32>,
      %get3A_176 = arith.constant 224 : index
      %get3A_177 = tpu.vector_load %arg11[%get3A_176] {strides = array<i32>} : memref<1664xi32, #tpu.memory_space<vmem>>, vector<16xi32>,
      %get3A_178 = vector.shape_cast %get3A_177 : vector<16xi32> to vector<16xi32>
      %swap3A_179 = arith.constant 96 : index
      %swap3A_180 = tpu.vector_load %arg14[%swap3A_179] {strides = array<i32>} : memref<128xi32, #tpu.memory_space<vmem>>, vector<16xi32>,
      %swap3A_181 = vector.shape_cast %swap3A_180 : vector<16xi32> to vector<16xi32>
      %swap3A_182 = vector.shape_cast %get3A_178 : vector<16xi32> to vector<16xi32>
      tpu.vector_store %arg14[%swap3A_179], %swap3A_182 {strides = array<i32>} : memref<128xi32, #tpu.memory_space<vmem>>, vector<16xi32>,
      %get3A_183 = arith.constant 240 : index
      %get3A_184 = tpu.vector_load %arg11[%get3A_183] {strides = array<i32>} : memref<1664xi32, #tpu.memory_space<vmem>>, vector<16xi32>,
      %get3A_185 = vector.shape_cast %get3A_184 : vector<16xi32> to vector<16xi32>
      %swap3A_186 = arith.constant 112 : index
      %swap3A_187 = tpu.vector_load %arg14[%swap3A_186] {strides = array<i32>} : memref<128xi32, #tpu.memory_space<vmem>>, vector<16xi32>,
      %swap3A_188 = vector.shape_cast %swap3A_187 : vector<16xi32> to vector<16xi32>
      %swap3A_189 = vector.shape_cast %get3A_185 : vector<16xi32> to vector<16xi32>
      tpu.vector_store %arg14[%swap3A_186], %swap3A_189 {strides = array<i32>} : memref<128xi32, #tpu.memory_space<vmem>>, vector<16xi32>,
      %dma_start3A_190 = arith.constant 0 : i32
      %dma_start3A_191 = arith.constant 0 : i32
      %dma_start3A_192 = tpu.memref_slice %arg19[%dma_start3A_190, %dma_start3A_191] : memref<10240x128xf32, #tpu.memory_space<vmem_shared>> -> memref<10240x128xf32, #tpu.memory_space<vmem_shared>>
      tpu.enqueue_indirect_dma source(%arg18 : memref<128x128xf32, #tpu.memory_space<vmem>>) target(%dma_start3A_192 : memref<10240x128xf32, #tpu.memory_space<vmem_shared>>) offsets(%arg14 : memref<128xi32, #tpu.memory_space<vmem>>) semaphore(%arg21 : memref<!tpu.dma_semaphore, #tpu.memory_space<semaphore_mem>>) {add = true}
      %get3A_193 = arith.constant 256 : index
      %get3A_194 = tpu.vector_load %arg11[%get3A_193] {strides = array<i32>} : memref<1664xi32, #tpu.memory_space<vmem>>, vector<16xi32>,
      %get3A_195 = vector.shape_cast %get3A_194 : vector<16xi32> to vector<16xi32>
      %swap3A_196 = arith.constant 0 : index
      %swap3A_197 = tpu.vector_load %arg15[%swap3A_196] {strides = array<i32>} : memref<128xi32, #tpu.memory_space<vmem>>, vector<16xi32>,
      %swap3A_198 = vector.shape_cast %swap3A_197 : vector<16xi32> to vector<16xi32>
      %swap3A_199 = vector.shape_cast %get3A_195 : vector<16xi32> to vector<16xi32>
      tpu.vector_store %arg15[%swap3A_196], %swap3A_199 {strides = array<i32>} : memref<128xi32, #tpu.memory_space<vmem>>, vector<16xi32>,
      %get3A_200 = arith.constant 272 : index
      %get3A_201 = tpu.vector_load %arg11[%get3A_200] {strides = array<i32>} : memref<1664xi32, #tpu.memory_space<vmem>>, vector<16xi32>,
      %get3A_202 = vector.shape_cast %get3A_201 : vector<16xi32> to vector<16xi32>
      %swap3A_203 = arith.constant 16 : index
      %swap3A_204 = tpu.vector_load %arg15[%swap3A_203] {strides = array<i32>} : memref<128xi32, #tpu.memory_space<vmem>>, vector<16xi32>,
      %swap3A_205 = vector.shape_cast %swap3A_204 : vector<16xi32> to vector<16xi32>
      %swap3A_206 = vector.shape_cast %get3A_202 : vector<16xi32> to vector<16xi32>
      tpu.vector_store %arg15[%swap3A_203], %swap3A_206 {strides = array<i32>} : memref<128xi32, #tpu.memory_space<vmem>>, vector<16xi32>,
      %get3A_207 = arith.constant 288 : index
      %get3A_208 = tpu.vector_load %arg11[%get3A_207] {strides = array<i32>} : memref<1664xi32, #tpu.memory_space<vmem>>, vector<16xi32>,
      %get3A_209 = vector.shape_cast %get3A_208 : vector<16xi32> to vector<16xi32>
      %swap3A_210 = arith.constant 32 : index
      %swap3A_211 = tpu.vector_load %arg15[%swap3A_210] {strides = array<i32>} : memref<128xi32, #tpu.memory_space<vmem>>, vector<16xi32>,
      %swap3A_212 = vector.shape_cast %swap3A_211 : vector<16xi32> to vector<16xi32>
      %swap3A_213 = vector.shape_cast %get3A_209 : vector<16xi32> to vector<16xi32>
      tpu.vector_store %arg15[%swap3A_210], %swap3A_213 {strides = array<i32>} : memref<128xi32, #tpu.memory_space<vmem>>, vector<16xi32>,
      %get3A_214 = arith.constant 304 : index
      %get3A_215 = tpu.vector_load %arg11[%get3A_214] {strides = array<i32>} : memref<1664xi32, #tpu.memory_space<vmem>>, vector<16xi32>,
      %get3A_216 = vector.shape_cast %get3A_215 : vector<16xi32> to vector<16xi32>
      %swap3A_217 = arith.constant 48 : index
      %swap3A_218 = tpu.vector_load %arg15[%swap3A_217] {strides = array<i32>} : memref<128xi32, #tpu.memory_space<vmem>>, vector<16xi32>,
      %swap3A_219 = vector.shape_cast %swap3A_218 : vector<16xi32> to vector<16xi32>
      %swap3A_220 = vector.shape_cast %get3A_216 : vector<16xi32> to vector<16xi32>
      tpu.vector_store %arg15[%swap3A_217], %swap3A_220 {strides = array<i32>} : memref<128xi32, #tpu.memory_space<vmem>>, vector<16xi32>,
      %get3A_221 = arith.constant 320 : index
      %get3A_222 = tpu.vector_load %arg11[%get3A_221] {strides = array<i32>} : memref<1664xi32, #tpu.memory_space<vmem>>, vector<16xi32>,
      %get3A_223 = vector.shape_cast %get3A_222 : vector<16xi32> to vector<16xi32>
      %swap3A_224 = arith.constant 64 : index
      %swap3A_225 = tpu.vector_load %arg15[%swap3A_224] {strides = array<i32>} : memref<128xi32, #tpu.memory_space<vmem>>, vector<16xi32>,
      %swap3A_226 = vector.shape_cast %swap3A_225 : vector<16xi32> to vector<16xi32>
      %swap3A_227 = vector.shape_cast %get3A_223 : vector<16xi32> to vector<16xi32>
      tpu.vector_store %arg15[%swap3A_224], %swap3A_227 {strides = array<i32>} : memref<128xi32, #tpu.memory_space<vmem>>, vector<16xi32>,
      %get3A_228 = arith.constant 336 : index
      %get3A_229 = tpu.vector_load %arg11[%get3A_228] {strides = array<i32>} : memref<1664xi32, #tpu.memory_space<vmem>>, vector<16xi32>,
      %get3A_230 = vector.shape_cast %get3A_229 : vector<16xi32> to vector<16xi32>
      %swap3A_231 = arith.constant 80 : index
      %swap3A_232 = tpu.vector_load %arg15[%swap3A_231] {strides = array<i32>} : memref<128xi32, #tpu.memory_space<vmem>>, vector<16xi32>,
      %swap3A_233 = vector.shape_cast %swap3A_232 : vector<16xi32> to vector<16xi32>
      %swap3A_234 = vector.shape_cast %get3A_230 : vector<16xi32> to vector<16xi32>
      tpu.vector_store %arg15[%swap3A_231], %swap3A_234 {strides = array<i32>} : memref<128xi32, #tpu.memory_space<vmem>>, vector<16xi32>,
      %get3A_235 = arith.constant 352 : index
      %get3A_236 = tpu.vector_load %arg11[%get3A_235] {strides = array<i32>} : memref<1664xi32, #tpu.memory_space<vmem>>, vector<16xi32>,
      %get3A_237 = vector.shape_cast %get3A_236 : vector<16xi32> to vector<16xi32>
      %swap3A_238 = arith.constant 96 : index
      %swap3A_239 = tpu.vector_load %arg15[%swap3A_238] {strides = array<i32>} : memref<128xi32, #tpu.memory_space<vmem>>, vector<16xi32>,
      %swap3A_240 = vector.shape_cast %swap3A_239 : vector<16xi32> to vector<16xi32>
      %swap3A_241 = vector.shape_cast %get3A_237 : vector<16xi32> to vector<16xi32>
      tpu.vector_store %arg15[%swap3A_238], %swap3A_241 {strides = array<i32>} : memref<128xi32, #tpu.memory_space<vmem>>, vector<16xi32>,
      %get3A_242 = arith.constant 368 : index
      %get3A_243 = tpu.vector_load %arg11[%get3A_242] {strides = array<i32>} : memref<1664xi32, #tpu.memory_space<vmem>>, vector<16xi32>,
      %get3A_244 = vector.shape_cast %get3A_243 : vector<16xi32> to vector<16xi32>
      %swap3A_245 = arith.constant 112 : index
      %swap3A_246 = tpu.vector_load %arg15[%swap3A_245] {strides = array<i32>} : memref<128xi32, #tpu.memory_space<vmem>>, vector<16xi32>,
      %swap3A_247 = vector.shape_cast %swap3A_246 : vector<16xi32> to vector<16xi32>
      %swap3A_248 = vector.shape_cast %get3A_244 : vector<16xi32> to vector<16xi32>
      tpu.vector_store %arg15[%swap3A_245], %swap3A_248 {strides = array<i32>} : memref<128xi32, #tpu.memory_space<vmem>>, vector<16xi32>,
      %dma_start3A_249 = arith.constant 0 : i32
      %dma_start3A_250 = arith.constant 0 : i32
      %dma_start3A_251 = tpu.memref_slice %arg19[%dma_start3A_249, %dma_start3A_250] : memref<10240x128xf32, #tpu.memory_space<vmem_shared>> -> memref<10240x128xf32, #tpu.memory_space<vmem_shared>>
      tpu.enqueue_indirect_dma source(%arg18 : memref<128x128xf32, #tpu.memory_space<vmem>>) target(%dma_start3A_251 : memref<10240x128xf32, #tpu.memory_space<vmem_shared>>) offsets(%arg15 : memref<128xi32, #tpu.memory_space<vmem>>) semaphore(%arg22 : memref<!tpu.dma_semaphore, #tpu.memory_space<semaphore_mem>>) {add = true}
      %get3A_252 = arith.constant 384 : index
      %get3A_253 = tpu.vector_load %arg11[%get3A_252] {strides = array<i32>} : memref<1664xi32, #tpu.memory_space<vmem>>, vector<16xi32>,
      %get3A_254 = vector.shape_cast %get3A_253 : vector<16xi32> to vector<16xi32>
      %swap3A_255 = arith.constant 0 : index
      %swap3A_256 = tpu.vector_load %arg16[%swap3A_255] {strides = array<i32>} : memref<128xi32, #tpu.memory_space<vmem>>, vector<16xi32>,
      %swap3A_257 = vector.shape_cast %swap3A_256 : vector<16xi32> to vector<16xi32>
      %swap3A_258 = vector.shape_cast %get3A_254 : vector<16xi32> to vector<16xi32>
      tpu.vector_store %arg16[%swap3A_255], %swap3A_258 {strides = array<i32>} : memref<128xi32, #tpu.memory_space<vmem>>, vector<16xi32>,
      %get3A_259 = arith.constant 400 : index
      %get3A_260 = tpu.vector_load %arg11[%get3A_259] {strides = array<i32>} : memref<1664xi32, #tpu.memory_space<vmem>>, vector<16xi32>,
      %get3A_261 = vector.shape_cast %get3A_260 : vector<16xi32> to vector<16xi32>
      %swap3A_262 = arith.constant 16 : index
      %swap3A_263 = tpu.vector_load %arg16[%swap3A_262] {strides = array<i32>} : memref<128xi32, #tpu.memory_space<vmem>>, vector<16xi32>,
      %swap3A_264 = vector.shape_cast %swap3A_263 : vector<16xi32> to vector<16xi32>
      %swap3A_265 = vector.shape_cast %get3A_261 : vector<16xi32> to vector<16xi32>
      tpu.vector_store %arg16[%swap3A_262], %swap3A_265 {strides = array<i32>} : memref<128xi32, #tpu.memory_space<vmem>>, vector<16xi32>,
      %get3A_266 = arith.constant 416 : index
      %get3A_267 = tpu.vector_load %arg11[%get3A_266] {strides = array<i32>} : memref<1664xi32, #tpu.memory_space<vmem>>, vector<16xi32>,
      %get3A_268 = vector.shape_cast %get3A_267 : vector<16xi32> to vector<16xi32>
      %swap3A_269 = arith.constant 32 : index
      %swap3A_270 = tpu.vector_load %arg16[%swap3A_269] {strides = array<i32>} : memref<128xi32, #tpu.memory_space<vmem>>, vector<16xi32>,
      %swap3A_271 = vector.shape_cast %swap3A_270 : vector<16xi32> to vector<16xi32>
      %swap3A_272 = vector.shape_cast %get3A_268 : vector<16xi32> to vector<16xi32>
      tpu.vector_store %arg16[%swap3A_269], %swap3A_272 {strides = array<i32>} : memref<128xi32, #tpu.memory_space<vmem>>, vector<16xi32>,
      %get3A_273 = arith.constant 432 : index
      %get3A_274 = tpu.vector_load %arg11[%get3A_273] {strides = array<i32>} : memref<1664xi32, #tpu.memory_space<vmem>>, vector<16xi32>,
      %get3A_275 = vector.shape_cast %get3A_274 : vector<16xi32> to vector<16xi32>
      %swap3A_276 = arith.constant 48 : index
      %swap3A_277 = tpu.vector_load %arg16[%swap3A_276] {strides = array<i32>} : memref<128xi32, #tpu.memory_space<vmem>>, vector<16xi32>,
      %swap3A_278 = vector.shape_cast %swap3A_277 : vector<16xi32> to vector<16xi32>
      %swap3A_279 = vector.shape_cast %get3A_275 : vector<16xi32> to vector<16xi32>
      tpu.vector_store %arg16[%swap3A_276], %swap3A_279 {strides = array<i32>} : memref<128xi32, #tpu.memory_space<vmem>>, vector<16xi32>,
      %get3A_280 = arith.constant 448 : index
      %get3A_281 = tpu.vector_load %arg11[%get3A_280] {strides = array<i32>} : memref<1664xi32, #tpu.memory_space<vmem>>, vector<16xi32>,
      %get3A_282 = vector.shape_cast %get3A_281 : vector<16xi32> to vector<16xi32>
      %swap3A_283 = arith.constant 64 : index
      %swap3A_284 = tpu.vector_load %arg16[%swap3A_283] {strides = array<i32>} : memref<128xi32, #tpu.memory_space<vmem>>, vector<16xi32>,
      %swap3A_285 = vector.shape_cast %swap3A_284 : vector<16xi32> to vector<16xi32>
      %swap3A_286 = vector.shape_cast %get3A_282 : vector<16xi32> to vector<16xi32>
      tpu.vector_store %arg16[%swap3A_283], %swap3A_286 {strides = array<i32>} : memref<128xi32, #tpu.memory_space<vmem>>, vector<16xi32>,
      %get3A_287 = arith.constant 464 : index
      %get3A_288 = tpu.vector_load %arg11[%get3A_287] {strides = array<i32>} : memref<1664xi32, #tpu.memory_space<vmem>>, vector<16xi32>,
      %get3A_289 = vector.shape_cast %get3A_288 : vector<16xi32> to vector<16xi32>
      %swap3A_290 = arith.constant 80 : index
      %swap3A_291 = tpu.vector_load %arg16[%swap3A_290] {strides = array<i32>} : memref<128xi32, #tpu.memory_space<vmem>>, vector<16xi32>,
      %swap3A_292 = vector.shape_cast %swap3A_291 : vector<16xi32> to vector<16xi32>
      %swap3A_293 = vector.shape_cast %get3A_289 : vector<16xi32> to vector<16xi32>
      tpu.vector_store %arg16[%swap3A_290], %swap3A_293 {strides = array<i32>} : memref<128xi32, #tpu.memory_space<vmem>>, vector<16xi32>,
      %get3A_294 = arith.constant 480 : index
      %get3A_295 = tpu.vector_load %arg11[%get3A_294] {strides = array<i32>} : memref<1664xi32, #tpu.memory_space<vmem>>, vector<16xi32>,
      %get3A_296 = vector.shape_cast %get3A_295 : vector<16xi32> to vector<16xi32>
      %swap3A_297 = arith.constant 96 : index
      %swap3A_298 = tpu.vector_load %arg16[%swap3A_297] {strides = array<i32>} : memref<128xi32, #tpu.memory_space<vmem>>, vector<16xi32>,
      %swap3A_299 = vector.shape_cast %swap3A_298 : vector<16xi32> to vector<16xi32>
      %swap3A_300 = vector.shape_cast %get3A_296 : vector<16xi32> to vector<16xi32>
      tpu.vector_store %arg16[%swap3A_297], %swap3A_300 {strides = array<i32>} : memref<128xi32, #tpu.memory_space<vmem>>, vector<16xi32>,
      %get3A_301 = arith.constant 496 : index
      %get3A_302 = tpu.vector_load %arg11[%get3A_301] {strides = array<i32>} : memref<1664xi32, #tpu.memory_space<vmem>>, vector<16xi32>,
      %get3A_303 = vector.shape_cast %get3A_302 : vector<16xi32> to vector<16xi32>
      %swap3A_304 = arith.constant 112 : index
      %swap3A_305 = tpu.vector_load %arg16[%swap3A_304] {strides = array<i32>} : memref<128xi32, #tpu.memory_space<vmem>>, vector<16xi32>,
      %swap3A_306 = vector.shape_cast %swap3A_305 : vector<16xi32> to vector<16xi32>
      %swap3A_307 = vector.shape_cast %get3A_303 : vector<16xi32> to vector<16xi32>
      tpu.vector_store %arg16[%swap3A_304], %swap3A_307 {strides = array<i32>} : memref<128xi32, #tpu.memory_space<vmem>>, vector<16xi32>,
      %dma_start3A_308 = arith.constant 0 : i32
      %dma_start3A_309 = arith.constant 0 : i32
      %dma_start3A_310 = tpu.memref_slice %arg19[%dma_start3A_308, %dma_start3A_309] : memref<10240x128xf32, #tpu.memory_space<vmem_shared>> -> memref<10240x128xf32, #tpu.memory_space<vmem_shared>>
      tpu.enqueue_indirect_dma source(%arg18 : memref<128x128xf32, #tpu.memory_space<vmem>>) target(%dma_start3A_310 : memref<10240x128xf32, #tpu.memory_space<vmem_shared>>) offsets(%arg16 : memref<128xi32, #tpu.memory_space<vmem>>) semaphore(%arg23 : memref<!tpu.dma_semaphore, #tpu.memory_space<semaphore_mem>>) {add = true}
      %dma_wait3A = arith.constant 0 : i32
      %dma_wait3A_311 = arith.constant 0 : i32
      %dma_wait3A_312 = tpu.memref_slice %arg19[%dma_wait3A, %dma_wait3A_311] : memref<10240x128xf32, #tpu.memory_space<vmem_shared>> -> memref<10240x128xf32, #tpu.memory_space<vmem_shared>>
      tpu.wait_indirect_dma semaphore(%arg20 : memref<!tpu.dma_semaphore, #tpu.memory_space<semaphore_mem>>) src(%arg18 : memref<128x128xf32, #tpu.memory_space<vmem>>) dst(%dma_wait3A_312 : memref<10240x128xf32, #tpu.memory_space<vmem_shared>>)
      %get3A_313 = arith.constant 512 : index
      %get3A_314 = tpu.vector_load %arg11[%get3A_313] {strides = array<i32>} : memref<1664xi32, #tpu.memory_space<vmem>>, vector<16xi32>,
      %get3A_315 = vector.shape_cast %get3A_314 : vector<16xi32> to vector<16xi32>
      %swap3A_316 = arith.constant 0 : index
      %swap3A_317 = tpu.vector_load %arg12[%swap3A_316] {strides = array<i32>} : memref<128xi32, #tpu.memory_space<vmem>>, vector<16xi32>,
      %swap3A_318 = vector.shape_cast %swap3A_317 : vector<16xi32> to vector<16xi32>
      %swap3A_319 = vector.shape_cast %get3A_315 : vector<16xi32> to vector<16xi32>
      tpu.vector_store %arg12[%swap3A_316], %swap3A_319 {strides = array<i32>} : memref<128xi32, #tpu.memory_space<vmem>>, vector<16xi32>,
      %get3A_320 = arith.constant 528 : index
      %get3A_321 = tpu.vector_load %arg11[%get3A_320] {strides = array<i32>} : memref<1664xi32, #tpu.memory_space<vmem>>, vector<16xi32>,
      %get3A_322 = vector.shape_cast %get3A_321 : vector<16xi32> to vector<16xi32>
      %swap3A_323 = arith.constant 16 : index
      %swap3A_324 = tpu.vector_load %arg12[%swap3A_323] {strides = array<i32>} : memref<128xi32, #tpu.memory_space<vmem>>, vector<16xi32>,
      %swap3A_325 = vector.shape_cast %swap3A_324 : vector<16xi32> to vector<16xi32>
      %swap3A_326 = vector.shape_cast %get3A_322 : vector<16xi32> to vector<16xi32>
      tpu.vector_store %arg12[%swap3A_323], %swap3A_326 {strides = array<i32>} : memref<128xi32, #tpu.memory_space<vmem>>, vector<16xi32>,
      %get3A_327 = arith.constant 544 : index
      %get3A_328 = tpu.vector_load %arg11[%get3A_327] {strides = array<i32>} : memref<1664xi32, #tpu.memory_space<vmem>>, vector<16xi32>,
      %get3A_329 = vector.shape_cast %get3A_328 : vector<16xi32> to vector<16xi32>
      %swap3A_330 = arith.constant 32 : index
      %swap3A_331 = tpu.vector_load %arg12[%swap3A_330] {strides = array<i32>} : memref<128xi32, #tpu.memory_space<vmem>>, vector<16xi32>,
      %swap3A_332 = vector.shape_cast %swap3A_331 : vector<16xi32> to vector<16xi32>
      %swap3A_333 = vector.shape_cast %get3A_329 : vector<16xi32> to vector<16xi32>
      tpu.vector_store %arg12[%swap3A_330], %swap3A_333 {strides = array<i32>} : memref<128xi32, #tpu.memory_space<vmem>>, vector<16xi32>,
      %get3A_334 = arith.constant 560 : index
      %get3A_335 = tpu.vector_load %arg11[%get3A_334] {strides = array<i32>} : memref<1664xi32, #tpu.memory_space<vmem>>, vector<16xi32>,
      %get3A_336 = vector.shape_cast %get3A_335 : vector<16xi32> to vector<16xi32>
      %swap3A_337 = arith.constant 48 : index
      %swap3A_338 = tpu.vector_load %arg12[%swap3A_337] {strides = array<i32>} : memref<128xi32, #tpu.memory_space<vmem>>, vector<16xi32>,
      %swap3A_339 = vector.shape_cast %swap3A_338 : vector<16xi32> to vector<16xi32>
      %swap3A_340 = vector.shape_cast %get3A_336 : vector<16xi32> to vector<16xi32>
      tpu.vector_store %arg12[%swap3A_337], %swap3A_340 {strides = array<i32>} : memref<128xi32, #tpu.memory_space<vmem>>, vector<16xi32>,
      %get3A_341 = arith.constant 576 : index
      %get3A_342 = tpu.vector_load %arg11[%get3A_341] {strides = array<i32>} : memref<1664xi32, #tpu.memory_space<vmem>>, vector<16xi32>,
      %get3A_343 = vector.shape_cast %get3A_342 : vector<16xi32> to vector<16xi32>
      %swap3A_344 = arith.constant 64 : index
      %swap3A_345 = tpu.vector_load %arg12[%swap3A_344] {strides = array<i32>} : memref<128xi32, #tpu.memory_space<vmem>>, vector<16xi32>,
      %swap3A_346 = vector.shape_cast %swap3A_345 : vector<16xi32> to vector<16xi32>
      %swap3A_347 = vector.shape_cast %get3A_343 : vector<16xi32> to vector<16xi32>
      tpu.vector_store %arg12[%swap3A_344], %swap3A_347 {strides = array<i32>} : memref<128xi32, #tpu.memory_space<vmem>>, vector<16xi32>,
      %get3A_348 = arith.constant 592 : index
      %get3A_349 = tpu.vector_load %arg11[%get3A_348] {strides = array<i32>} : memref<1664xi32, #tpu.memory_space<vmem>>, vector<16xi32>,
      %get3A_350 = vector.shape_cast %get3A_349 : vector<16xi32> to vector<16xi32>
      %swap3A_351 = arith.constant 80 : index
      %swap3A_352 = tpu.vector_load %arg12[%swap3A_351] {strides = array<i32>} : memref<128xi32, #tpu.memory_space<vmem>>, vector<16xi32>,
      %swap3A_353 = vector.shape_cast %swap3A_352 : vector<16xi32> to vector<16xi32>
      %swap3A_354 = vector.shape_cast %get3A_350 : vector<16xi32> to vector<16xi32>
      tpu.vector_store %arg12[%swap3A_351], %swap3A_354 {strides = array<i32>} : memref<128xi32, #tpu.memory_space<vmem>>, vector<16xi32>,
      %get3A_355 = arith.constant 608 : index
      %get3A_356 = tpu.vector_load %arg11[%get3A_355] {strides = array<i32>} : memref<1664xi32, #tpu.memory_space<vmem>>, vector<16xi32>,
      %get3A_357 = vector.shape_cast %get3A_356 : vector<16xi32> to vector<16xi32>
      %swap3A_358 = arith.constant 96 : index
      %swap3A_359 = tpu.vector_load %arg12[%swap3A_358] {strides = array<i32>} : memref<128xi32, #tpu.memory_space<vmem>>, vector<16xi32>,
      %swap3A_360 = vector.shape_cast %swap3A_359 : vector<16xi32> to vector<16xi32>
      %swap3A_361 = vector.shape_cast %get3A_357 : vector<16xi32> to vector<16xi32>
      tpu.vector_store %arg12[%swap3A_358], %swap3A_361 {strides = array<i32>} : memref<128xi32, #tpu.memory_space<vmem>>, vector<16xi32>,
      %get3A_362 = arith.constant 624 : index
      %get3A_363 = tpu.vector_load %arg11[%get3A_362] {strides = array<i32>} : memref<1664xi32, #tpu.memory_space<vmem>>, vector<16xi32>,
      %get3A_364 = vector.shape_cast %get3A_363 : vector<16xi32> to vector<16xi32>
      %swap3A_365 = arith.constant 112 : index
      %swap3A_366 = tpu.vector_load %arg12[%swap3A_365] {strides = array<i32>} : memref<128xi32, #tpu.memory_space<vmem>>, vector<16xi32>,
      %swap3A_367 = vector.shape_cast %swap3A_366 : vector<16xi32> to vector<16xi32>
      %swap3A_368 = vector.shape_cast %get3A_364 : vector<16xi32> to vector<16xi32>
      tpu.vector_store %arg12[%swap3A_365], %swap3A_368 {strides = array<i32>} : memref<128xi32, #tpu.memory_space<vmem>>, vector<16xi32>,
      %dma_start3A_369 = arith.constant 0 : i32
      %dma_start3A_370 = arith.constant 0 : i32
      %dma_start3A_371 = tpu.memref_slice %arg19[%dma_start3A_369, %dma_start3A_370] : memref<10240x128xf32, #tpu.memory_space<vmem_shared>> -> memref<10240x128xf32, #tpu.memory_space<vmem_shared>>
      tpu.enqueue_indirect_dma source(%arg18 : memref<128x128xf32, #tpu.memory_space<vmem>>) target(%dma_start3A_371 : memref<10240x128xf32, #tpu.memory_space<vmem_shared>>) offsets(%arg12 : memref<128xi32, #tpu.memory_space<vmem>>) semaphore(%arg20 : memref<!tpu.dma_semaphore, #tpu.memory_space<semaphore_mem>>) {add = true}
      %dma_wait3A_372 = arith.constant 0 : i32
      %dma_wait3A_373 = arith.constant 0 : i32
      %dma_wait3A_374 = tpu.memref_slice %arg19[%dma_wait3A_372, %dma_wait3A_373] : memref<10240x128xf32, #tpu.memory_space<vmem_shared>> -> memref<10240x128xf32, #tpu.memory_space<vmem_shared>>
      tpu.wait_indirect_dma semaphore(%arg21 : memref<!tpu.dma_semaphore, #tpu.memory_space<semaphore_mem>>) src(%arg18 : memref<128x128xf32, #tpu.memory_space<vmem>>) dst(%dma_wait3A_374 : memref<10240x128xf32, #tpu.memory_space<vmem_shared>>)
      %get3A_375 = arith.constant 640 : index
      %get3A_376 = tpu.vector_load %arg11[%get3A_375] {strides = array<i32>} : memref<1664xi32, #tpu.memory_space<vmem>>, vector<16xi32>,
      %get3A_377 = vector.shape_cast %get3A_376 : vector<16xi32> to vector<16xi32>
      %swap3A_378 = arith.constant 0 : index
      %swap3A_379 = tpu.vector_load %arg14[%swap3A_378] {strides = array<i32>} : memref<128xi32, #tpu.memory_space<vmem>>, vector<16xi32>,
      %swap3A_380 = vector.shape_cast %swap3A_379 : vector<16xi32> to vector<16xi32>
      %swap3A_381 = vector.shape_cast %get3A_377 : vector<16xi32> to vector<16xi32>
      tpu.vector_store %arg14[%swap3A_378], %swap3A_381 {strides = array<i32>} : memref<128xi32, #tpu.memory_space<vmem>>, vector<16xi32>,
      %get3A_382 = arith.constant 656 : index
      %get3A_383 = tpu.vector_load %arg11[%get3A_382] {strides = array<i32>} : memref<1664xi32, #tpu.memory_space<vmem>>, vector<16xi32>,
      %get3A_384 = vector.shape_cast %get3A_383 : vector<16xi32> to vector<16xi32>
      %swap3A_385 = arith.constant 16 : index
      %swap3A_386 = tpu.vector_load %arg14[%swap3A_385] {strides = array<i32>} : memref<128xi32, #tpu.memory_space<vmem>>, vector<16xi32>,
      %swap3A_387 = vector.shape_cast %swap3A_386 : vector<16xi32> to vector<16xi32>
      %swap3A_388 = vector.shape_cast %get3A_384 : vector<16xi32> to vector<16xi32>
      tpu.vector_store %arg14[%swap3A_385], %swap3A_388 {strides = array<i32>} : memref<128xi32, #tpu.memory_space<vmem>>, vector<16xi32>,
      %get3A_389 = arith.constant 672 : index
      %get3A_390 = tpu.vector_load %arg11[%get3A_389] {strides = array<i32>} : memref<1664xi32, #tpu.memory_space<vmem>>, vector<16xi32>,
      %get3A_391 = vector.shape_cast %get3A_390 : vector<16xi32> to vector<16xi32>
      %swap3A_392 = arith.constant 32 : index
      %swap3A_393 = tpu.vector_load %arg14[%swap3A_392] {strides = array<i32>} : memref<128xi32, #tpu.memory_space<vmem>>, vector<16xi32>,
      %swap3A_394 = vector.shape_cast %swap3A_393 : vector<16xi32> to vector<16xi32>
      %swap3A_395 = vector.shape_cast %get3A_391 : vector<16xi32> to vector<16xi32>
      tpu.vector_store %arg14[%swap3A_392], %swap3A_395 {strides = array<i32>} : memref<128xi32, #tpu.memory_space<vmem>>, vector<16xi32>,
      %get3A_396 = arith.constant 688 : index
      %get3A_397 = tpu.vector_load %arg11[%get3A_396] {strides = array<i32>} : memref<1664xi32, #tpu.memory_space<vmem>>, vector<16xi32>,
      %get3A_398 = vector.shape_cast %get3A_397 : vector<16xi32> to vector<16xi32>
      %swap3A_399 = arith.constant 48 : index
      %swap3A_400 = tpu.vector_load %arg14[%swap3A_399] {strides = array<i32>} : memref<128xi32, #tpu.memory_space<vmem>>, vector<16xi32>,
      %swap3A_401 = vector.shape_cast %swap3A_400 : vector<16xi32> to vector<16xi32>
      %swap3A_402 = vector.shape_cast %get3A_398 : vector<16xi32> to vector<16xi32>
      tpu.vector_store %arg14[%swap3A_399], %swap3A_402 {strides = array<i32>} : memref<128xi32, #tpu.memory_space<vmem>>, vector<16xi32>,
      %get3A_403 = arith.constant 704 : index
      %get3A_404 = tpu.vector_load %arg11[%get3A_403] {strides = array<i32>} : memref<1664xi32, #tpu.memory_space<vmem>>, vector<16xi32>,
      %get3A_405 = vector.shape_cast %get3A_404 : vector<16xi32> to vector<16xi32>
      %swap3A_406 = arith.constant 64 : index
      %swap3A_407 = tpu.vector_load %arg14[%swap3A_406] {strides = array<i32>} : memref<128xi32, #tpu.memory_space<vmem>>, vector<16xi32>,
      %swap3A_408 = vector.shape_cast %swap3A_407 : vector<16xi32> to vector<16xi32>
      %swap3A_409 = vector.shape_cast %get3A_405 : vector<16xi32> to vector<16xi32>
      tpu.vector_store %arg14[%swap3A_406], %swap3A_409 {strides = array<i32>} : memref<128xi32, #tpu.memory_space<vmem>>, vector<16xi32>,
      %get3A_410 = arith.constant 720 : index
      %get3A_411 = tpu.vector_load %arg11[%get3A_410] {strides = array<i32>} : memref<1664xi32, #tpu.memory_space<vmem>>, vector<16xi32>,
      %get3A_412 = vector.shape_cast %get3A_411 : vector<16xi32> to vector<16xi32>
      %swap3A_413 = arith.constant 80 : index
      %swap3A_414 = tpu.vector_load %arg14[%swap3A_413] {strides = array<i32>} : memref<128xi32, #tpu.memory_space<vmem>>, vector<16xi32>,
      %swap3A_415 = vector.shape_cast %swap3A_414 : vector<16xi32> to vector<16xi32>
      %swap3A_416 = vector.shape_cast %get3A_412 : vector<16xi32> to vector<16xi32>
      tpu.vector_store %arg14[%swap3A_413], %swap3A_416 {strides = array<i32>} : memref<128xi32, #tpu.memory_space<vmem>>, vector<16xi32>,
      %get3A_417 = arith.constant 736 : index
      %get3A_418 = tpu.vector_load %arg11[%get3A_417] {strides = array<i32>} : memref<1664xi32, #tpu.memory_space<vmem>>, vector<16xi32>,
      %get3A_419 = vector.shape_cast %get3A_418 : vector<16xi32> to vector<16xi32>
      %swap3A_420 = arith.constant 96 : index
      %swap3A_421 = tpu.vector_load %arg14[%swap3A_420] {strides = array<i32>} : memref<128xi32, #tpu.memory_space<vmem>>, vector<16xi32>,
      %swap3A_422 = vector.shape_cast %swap3A_421 : vector<16xi32> to vector<16xi32>
      %swap3A_423 = vector.shape_cast %get3A_419 : vector<16xi32> to vector<16xi32>
      tpu.vector_store %arg14[%swap3A_420], %swap3A_423 {strides = array<i32>} : memref<128xi32, #tpu.memory_space<vmem>>, vector<16xi32>,
      %get3A_424 = arith.constant 752 : index
      %get3A_425 = tpu.vector_load %arg11[%get3A_424] {strides = array<i32>} : memref<1664xi32, #tpu.memory_space<vmem>>, vector<16xi32>,
      %get3A_426 = vector.shape_cast %get3A_425 : vector<16xi32> to vector<16xi32>
      %swap3A_427 = arith.constant 112 : index
      %swap3A_428 = tpu.vector_load %arg14[%swap3A_427] {strides = array<i32>} : memref<128xi32, #tpu.memory_space<vmem>>, vector<16xi32>,
      %swap3A_429 = vector.shape_cast %swap3A_428 : vector<16xi32> to vector<16xi32>
      %swap3A_430 = vector.shape_cast %get3A_426 : vector<16xi32> to vector<16xi32>
      tpu.vector_store %arg14[%swap3A_427], %swap3A_430 {strides = array<i32>} : memref<128xi32, #tpu.memory_space<vmem>>, vector<16xi32>,
      %dma_start3A_431 = arith.constant 0 : i32
      %dma_start3A_432 = arith.constant 0 : i32
      %dma_start3A_433 = tpu.memref_slice %arg19[%dma_start3A_431, %dma_start3A_432] : memref<10240x128xf32, #tpu.memory_space<vmem_shared>> -> memref<10240x128xf32, #tpu.memory_space<vmem_shared>>
      tpu.enqueue_indirect_dma source(%arg18 : memref<128x128xf32, #tpu.memory_space<vmem>>) target(%dma_start3A_433 : memref<10240x128xf32, #tpu.memory_space<vmem_shared>>) offsets(%arg14 : memref<128xi32, #tpu.memory_space<vmem>>) semaphore(%arg21 : memref<!tpu.dma_semaphore, #tpu.memory_space<semaphore_mem>>) {add = true}
      %dma_wait3A_434 = arith.constant 0 : i32
      %dma_wait3A_435 = arith.constant 0 : i32
      %dma_wait3A_436 = tpu.memref_slice %arg19[%dma_wait3A_434, %dma_wait3A_435] : memref<10240x128xf32, #tpu.memory_space<vmem_shared>> -> memref<10240x128xf32, #tpu.memory_space<vmem_shared>>
      tpu.wait_indirect_dma semaphore(%arg22 : memref<!tpu.dma_semaphore, #tpu.memory_space<semaphore_mem>>) src(%arg18 : memref<128x128xf32, #tpu.memory_space<vmem>>) dst(%dma_wait3A_436 : memref<10240x128xf32, #tpu.memory_space<vmem_shared>>)
      %get3A_437 = arith.constant 768 : index
      %get3A_438 = tpu.vector_load %arg11[%get3A_437] {strides = array<i32>} : memref<1664xi32, #tpu.memory_space<vmem>>, vector<16xi32>,
      %get3A_439 = vector.shape_cast %get3A_438 : vector<16xi32> to vector<16xi32>
      %swap3A_440 = arith.constant 0 : index
      %swap3A_441 = tpu.vector_load %arg15[%swap3A_440] {strides = array<i32>} : memref<128xi32, #tpu.memory_space<vmem>>, vector<16xi32>,
      %swap3A_442 = vector.shape_cast %swap3A_441 : vector<16xi32> to vector<16xi32>
      %swap3A_443 = vector.shape_cast %get3A_439 : vector<16xi32> to vector<16xi32>
      tpu.vector_store %arg15[%swap3A_440], %swap3A_443 {strides = array<i32>} : memref<128xi32, #tpu.memory_space<vmem>>, vector<16xi32>,
      %get3A_444 = arith.constant 784 : index
      %get3A_445 = tpu.vector_load %arg11[%get3A_444] {strides = array<i32>} : memref<1664xi32, #tpu.memory_space<vmem>>, vector<16xi32>,
      %get3A_446 = vector.shape_cast %get3A_445 : vector<16xi32> to vector<16xi32>
      %swap3A_447 = arith.constant 16 : index
      %swap3A_448 = tpu.vector_load %arg15[%swap3A_447] {strides = array<i32>} : memref<128xi32, #tpu.memory_space<vmem>>, vector<16xi32>,
      %swap3A_449 = vector.shape_cast %swap3A_448 : vector<16xi32> to vector<16xi32>
      %swap3A_450 = vector.shape_cast %get3A_446 : vector<16xi32> to vector<16xi32>
      tpu.vector_store %arg15[%swap3A_447], %swap3A_450 {strides = array<i32>} : memref<128xi32, #tpu.memory_space<vmem>>, vector<16xi32>,
      %get3A_451 = arith.constant 800 : index
      %get3A_452 = tpu.vector_load %arg11[%get3A_451] {strides = array<i32>} : memref<1664xi32, #tpu.memory_space<vmem>>, vector<16xi32>,
      %get3A_453 = vector.shape_cast %get3A_452 : vector<16xi32> to vector<16xi32>
      %swap3A_454 = arith.constant 32 : index
      %swap3A_455 = tpu.vector_load %arg15[%swap3A_454] {strides = array<i32>} : memref<128xi32, #tpu.memory_space<vmem>>, vector<16xi32>,
      %swap3A_456 = vector.shape_cast %swap3A_455 : vector<16xi32> to vector<16xi32>
      %swap3A_457 = vector.shape_cast %get3A_453 : vector<16xi32> to vector<16xi32>
      tpu.vector_store %arg15[%swap3A_454], %swap3A_457 {strides = array<i32>} : memref<128xi32, #tpu.memory_space<vmem>>, vector<16xi32>,
      %get3A_458 = arith.constant 816 : index
      %get3A_459 = tpu.vector_load %arg11[%get3A_458] {strides = array<i32>} : memref<1664xi32, #tpu.memory_space<vmem>>, vector<16xi32>,
      %get3A_460 = vector.shape_cast %get3A_459 : vector<16xi32> to vector<16xi32>
      %swap3A_461 = arith.constant 48 : index
      %swap3A_462 = tpu.vector_load %arg15[%swap3A_461] {strides = array<i32>} : memref<128xi32, #tpu.memory_space<vmem>>, vector<16xi32>,
      %swap3A_463 = vector.shape_cast %swap3A_462 : vector<16xi32> to vector<16xi32>
      %swap3A_464 = vector.shape_cast %get3A_460 : vector<16xi32> to vector<16xi32>
      tpu.vector_store %arg15[%swap3A_461], %swap3A_464 {strides = array<i32>} : memref<128xi32, #tpu.memory_space<vmem>>, vector<16xi32>,
      %get3A_465 = arith.constant 832 : index
      %get3A_466 = tpu.vector_load %arg11[%get3A_465] {strides = array<i32>} : memref<1664xi32, #tpu.memory_space<vmem>>, vector<16xi32>,
      %get3A_467 = vector.shape_cast %get3A_466 : vector<16xi32> to vector<16xi32>
      %swap3A_468 = arith.constant 64 : index
      %swap3A_469 = tpu.vector_load %arg15[%swap3A_468] {strides = array<i32>} : memref<128xi32, #tpu.memory_space<vmem>>, vector<16xi32>,
      %swap3A_470 = vector.shape_cast %swap3A_469 : vector<16xi32> to vector<16xi32>
      %swap3A_471 = vector.shape_cast %get3A_467 : vector<16xi32> to vector<16xi32>
      tpu.vector_store %arg15[%swap3A_468], %swap3A_471 {strides = array<i32>} : memref<128xi32, #tpu.memory_space<vmem>>, vector<16xi32>,
      %get3A_472 = arith.constant 848 : index
      %get3A_473 = tpu.vector_load %arg11[%get3A_472] {strides = array<i32>} : memref<1664xi32, #tpu.memory_space<vmem>>, vector<16xi32>,
      %get3A_474 = vector.shape_cast %get3A_473 : vector<16xi32> to vector<16xi32>
      %swap3A_475 = arith.constant 80 : index
      %swap3A_476 = tpu.vector_load %arg15[%swap3A_475] {strides = array<i32>} : memref<128xi32, #tpu.memory_space<vmem>>, vector<16xi32>,
      %swap3A_477 = vector.shape_cast %swap3A_476 : vector<16xi32> to vector<16xi32>
      %swap3A_478 = vector.shape_cast %get3A_474 : vector<16xi32> to vector<16xi32>
      tpu.vector_store %arg15[%swap3A_475], %swap3A_478 {strides = array<i32>} : memref<128xi32, #tpu.memory_space<vmem>>, vector<16xi32>,
      %get3A_479 = arith.constant 864 : index
      %get3A_480 = tpu.vector_load %arg11[%get3A_479] {strides = array<i32>} : memref<1664xi32, #tpu.memory_space<vmem>>, vector<16xi32>,
      %get3A_481 = vector.shape_cast %get3A_480 : vector<16xi32> to vector<16xi32>
      %swap3A_482 = arith.constant 96 : index
      %swap3A_483 = tpu.vector_load %arg15[%swap3A_482] {strides = array<i32>} : memref<128xi32, #tpu.memory_space<vmem>>, vector<16xi32>,
      %swap3A_484 = vector.shape_cast %swap3A_483 : vector<16xi32> to vector<16xi32>
      %swap3A_485 = vector.shape_cast %get3A_481 : vector<16xi32> to vector<16xi32>
      tpu.vector_store %arg15[%swap3A_482], %swap3A_485 {strides = array<i32>} : memref<128xi32, #tpu.memory_space<vmem>>, vector<16xi32>,
      %get3A_486 = arith.constant 880 : index
      %get3A_487 = tpu.vector_load %arg11[%get3A_486] {strides = array<i32>} : memref<1664xi32, #tpu.memory_space<vmem>>, vector<16xi32>,
      %get3A_488 = vector.shape_cast %get3A_487 : vector<16xi32> to vector<16xi32>
      %swap3A_489 = arith.constant 112 : index
      %swap3A_490 = tpu.vector_load %arg15[%swap3A_489] {strides = array<i32>} : memref<128xi32, #tpu.memory_space<vmem>>, vector<16xi32>,
      %swap3A_491 = vector.shape_cast %swap3A_490 : vector<16xi32> to vector<16xi32>
      %swap3A_492 = vector.shape_cast %get3A_488 : vector<16xi32> to vector<16xi32>
      tpu.vector_store %arg15[%swap3A_489], %swap3A_492 {strides = array<i32>} : memref<128xi32, #tpu.memory_space<vmem>>, vector<16xi32>,
      %dma_start3A_493 = arith.constant 0 : i32
      %dma_start3A_494 = arith.constant 0 : i32
      %dma_start3A_495 = tpu.memref_slice %arg19[%dma_start3A_493, %dma_start3A_494] : memref<10240x128xf32, #tpu.memory_space<vmem_shared>> -> memref<10240x128xf32, #tpu.memory_space<vmem_shared>>
      tpu.enqueue_indirect_dma source(%arg18 : memref<128x128xf32, #tpu.memory_space<vmem>>) target(%dma_start3A_495 : memref<10240x128xf32, #tpu.memory_space<vmem_shared>>) offsets(%arg15 : memref<128xi32, #tpu.memory_space<vmem>>) semaphore(%arg22 : memref<!tpu.dma_semaphore, #tpu.memory_space<semaphore_mem>>) {add = true}
      %dma_wait3A_496 = arith.constant 0 : i32
      %dma_wait3A_497 = arith.constant 0 : i32
      %dma_wait3A_498 = tpu.memref_slice %arg19[%dma_wait3A_496, %dma_wait3A_497] : memref<10240x128xf32, #tpu.memory_space<vmem_shared>> -> memref<10240x128xf32, #tpu.memory_space<vmem_shared>>
      tpu.wait_indirect_dma semaphore(%arg23 : memref<!tpu.dma_semaphore, #tpu.memory_space<semaphore_mem>>) src(%arg18 : memref<128x128xf32, #tpu.memory_space<vmem>>) dst(%dma_wait3A_498 : memref<10240x128xf32, #tpu.memory_space<vmem_shared>>)
      %get3A_499 = arith.constant 896 : index
      %get3A_500 = tpu.vector_load %arg11[%get3A_499] {strides = array<i32>} : memref<1664xi32, #tpu.memory_space<vmem>>, vector<16xi32>,
      %get3A_501 = vector.shape_cast %get3A_500 : vector<16xi32> to vector<16xi32>
      %swap3A_502 = arith.constant 0 : index
      %swap3A_503 = tpu.vector_load %arg16[%swap3A_502] {strides = array<i32>} : memref<128xi32, #tpu.memory_space<vmem>>, vector<16xi32>,
      %swap3A_504 = vector.shape_cast %swap3A_503 : vector<16xi32> to vector<16xi32>
      %swap3A_505 = vector.shape_cast %get3A_501 : vector<16xi32> to vector<16xi32>
      tpu.vector_store %arg16[%swap3A_502], %swap3A_505 {strides = array<i32>} : memref<128xi32, #tpu.memory_space<vmem>>, vector<16xi32>,
      %get3A_506 = arith.constant 912 : index
      %get3A_507 = tpu.vector_load %arg11[%get3A_506] {strides = array<i32>} : memref<1664xi32, #tpu.memory_space<vmem>>, vector<16xi32>,
      %get3A_508 = vector.shape_cast %get3A_507 : vector<16xi32> to vector<16xi32>
      %swap3A_509 = arith.constant 16 : index
      %swap3A_510 = tpu.vector_load %arg16[%swap3A_509] {strides = array<i32>} : memref<128xi32, #tpu.memory_space<vmem>>, vector<16xi32>,
      %swap3A_511 = vector.shape_cast %swap3A_510 : vector<16xi32> to vector<16xi32>
      %swap3A_512 = vector.shape_cast %get3A_508 : vector<16xi32> to vector<16xi32>
      tpu.vector_store %arg16[%swap3A_509], %swap3A_512 {strides = array<i32>} : memref<128xi32, #tpu.memory_space<vmem>>, vector<16xi32>,
      %get3A_513 = arith.constant 928 : index
      %get3A_514 = tpu.vector_load %arg11[%get3A_513] {strides = array<i32>} : memref<1664xi32, #tpu.memory_space<vmem>>, vector<16xi32>,
      %get3A_515 = vector.shape_cast %get3A_514 : vector<16xi32> to vector<16xi32>
      %swap3A_516 = arith.constant 32 : index
      %swap3A_517 = tpu.vector_load %arg16[%swap3A_516] {strides = array<i32>} : memref<128xi32, #tpu.memory_space<vmem>>, vector<16xi32>,
      %swap3A_518 = vector.shape_cast %swap3A_517 : vector<16xi32> to vector<16xi32>
      %swap3A_519 = vector.shape_cast %get3A_515 : vector<16xi32> to vector<16xi32>
      tpu.vector_store %arg16[%swap3A_516], %swap3A_519 {strides = array<i32>} : memref<128xi32, #tpu.memory_space<vmem>>, vector<16xi32>,
      %get3A_520 = arith.constant 944 : index
      %get3A_521 = tpu.vector_load %arg11[%get3A_520] {strides = array<i32>} : memref<1664xi32, #tpu.memory_space<vmem>>, vector<16xi32>,
      %get3A_522 = vector.shape_cast %get3A_521 : vector<16xi32> to vector<16xi32>
      %swap3A_523 = arith.constant 48 : index
      %swap3A_524 = tpu.vector_load %arg16[%swap3A_523] {strides = array<i32>} : memref<128xi32, #tpu.memory_space<vmem>>, vector<16xi32>,
      %swap3A_525 = vector.shape_cast %swap3A_524 : vector<16xi32> to vector<16xi32>
      %swap3A_526 = vector.shape_cast %get3A_522 : vector<16xi32> to vector<16xi32>
      tpu.vector_store %arg16[%swap3A_523], %swap3A_526 {strides = array<i32>} : memref<128xi32, #tpu.memory_space<vmem>>, vector<16xi32>,
      %get3A_527 = arith.constant 960 : index
      %get3A_528 = tpu.vector_load %arg11[%get3A_527] {strides = array<i32>} : memref<1664xi32, #tpu.memory_space<vmem>>, vector<16xi32>,
      %get3A_529 = vector.shape_cast %get3A_528 : vector<16xi32> to vector<16xi32>
      %swap3A_530 = arith.constant 64 : index
      %swap3A_531 = tpu.vector_load %arg16[%swap3A_530] {strides = array<i32>} : memref<128xi32, #tpu.memory_space<vmem>>, vector<16xi32>,
      %swap3A_532 = vector.shape_cast %swap3A_531 : vector<16xi32> to vector<16xi32>
      %swap3A_533 = vector.shape_cast %get3A_529 : vector<16xi32> to vector<16xi32>
      tpu.vector_store %arg16[%swap3A_530], %swap3A_533 {strides = array<i32>} : memref<128xi32, #tpu.memory_space<vmem>>, vector<16xi32>,
      %get3A_534 = arith.constant 976 : index
      %get3A_535 = tpu.vector_load %arg11[%get3A_534] {strides = array<i32>} : memref<1664xi32, #tpu.memory_space<vmem>>, vector<16xi32>,
      %get3A_536 = vector.shape_cast %get3A_535 : vector<16xi32> to vector<16xi32>
      %swap3A_537 = arith.constant 80 : index
      %swap3A_538 = tpu.vector_load %arg16[%swap3A_537] {strides = array<i32>} : memref<128xi32, #tpu.memory_space<vmem>>, vector<16xi32>,
      %swap3A_539 = vector.shape_cast %swap3A_538 : vector<16xi32> to vector<16xi32>
      %swap3A_540 = vector.shape_cast %get3A_536 : vector<16xi32> to vector<16xi32>
      tpu.vector_store %arg16[%swap3A_537], %swap3A_540 {strides = array<i32>} : memref<128xi32, #tpu.memory_space<vmem>>, vector<16xi32>,
      %get3A_541 = arith.constant 992 : index
      %get3A_542 = tpu.vector_load %arg11[%get3A_541] {strides = array<i32>} : memref<1664xi32, #tpu.memory_space<vmem>>, vector<16xi32>,
      %get3A_543 = vector.shape_cast %get3A_542 : vector<16xi32> to vector<16xi32>
      %swap3A_544 = arith.constant 96 : index
      %swap3A_545 = tpu.vector_load %arg16[%swap3A_544] {strides = array<i32>} : memref<128xi32, #tpu.memory_space<vmem>>, vector<16xi32>,
      %swap3A_546 = vector.shape_cast %swap3A_545 : vector<16xi32> to vector<16xi32>
      %swap3A_547 = vector.shape_cast %get3A_543 : vector<16xi32> to vector<16xi32>
      tpu.vector_store %arg16[%swap3A_544], %swap3A_547 {strides = array<i32>} : memref<128xi32, #tpu.memory_space<vmem>>, vector<16xi32>,
      %get3A_548 = arith.constant 1008 : index
      %get3A_549 = tpu.vector_load %arg11[%get3A_548] {strides = array<i32>} : memref<1664xi32, #tpu.memory_space<vmem>>, vector<16xi32>,
      %get3A_550 = vector.shape_cast %get3A_549 : vector<16xi32> to vector<16xi32>
      %swap3A_551 = arith.constant 112 : index
      %swap3A_552 = tpu.vector_load %arg16[%swap3A_551] {strides = array<i32>} : memref<128xi32, #tpu.memory_space<vmem>>, vector<16xi32>,
      %swap3A_553 = vector.shape_cast %swap3A_552 : vector<16xi32> to vector<16xi32>
      %swap3A_554 = vector.shape_cast %get3A_550 : vector<16xi32> to vector<16xi32>
      tpu.vector_store %arg16[%swap3A_551], %swap3A_554 {strides = array<i32>} : memref<128xi32, #tpu.memory_space<vmem>>, vector<16xi32>,
      %dma_start3A_555 = arith.constant 0 : i32
      %dma_start3A_556 = arith.constant 0 : i32
      %dma_start3A_557 = tpu.memref_slice %arg19[%dma_start3A_555, %dma_start3A_556] : memref<10240x128xf32, #tpu.memory_space<vmem_shared>> -> memref<10240x128xf32, #tpu.memory_space<vmem_shared>>
      tpu.enqueue_indirect_dma source(%arg18 : memref<128x128xf32, #tpu.memory_space<vmem>>) target(%dma_start3A_557 : memref<10240x128xf32, #tpu.memory_space<vmem_shared>>) offsets(%arg16 : memref<128xi32, #tpu.memory_space<vmem>>) semaphore(%arg23 : memref<!tpu.dma_semaphore, #tpu.memory_space<semaphore_mem>>) {add = true}
      %dma_wait3A_558 = arith.constant 0 : i32
      %dma_wait3A_559 = arith.constant 0 : i32
      %dma_wait3A_560 = tpu.memref_slice %arg19[%dma_wait3A_558, %dma_wait3A_559] : memref<10240x128xf32, #tpu.memory_space<vmem_shared>> -> memref<10240x128xf32, #tpu.memory_space<vmem_shared>>
      tpu.wait_indirect_dma semaphore(%arg20 : memref<!tpu.dma_semaphore, #tpu.memory_space<semaphore_mem>>) src(%arg18 : memref<128x128xf32, #tpu.memory_space<vmem>>) dst(%dma_wait3A_560 : memref<10240x128xf32, #tpu.memory_space<vmem_shared>>)
      %get3A_561 = arith.constant 1024 : index
      %get3A_562 = tpu.vector_load %arg11[%get3A_561] {strides = array<i32>} : memref<1664xi32, #tpu.memory_space<vmem>>, vector<16xi32>,
      %get3A_563 = vector.shape_cast %get3A_562 : vector<16xi32> to vector<16xi32>
      %swap3A_564 = arith.constant 0 : index
      %swap3A_565 = tpu.vector_load %arg12[%swap3A_564] {strides = array<i32>} : memref<128xi32, #tpu.memory_space<vmem>>, vector<16xi32>,
      %swap3A_566 = vector.shape_cast %swap3A_565 : vector<16xi32> to vector<16xi32>
      %swap3A_567 = vector.shape_cast %get3A_563 : vector<16xi32> to vector<16xi32>
      tpu.vector_store %arg12[%swap3A_564], %swap3A_567 {strides = array<i32>} : memref<128xi32, #tpu.memory_space<vmem>>, vector<16xi32>,
      %get3A_568 = arith.constant 1040 : index
      %get3A_569 = tpu.vector_load %arg11[%get3A_568] {strides = array<i32>} : memref<1664xi32, #tpu.memory_space<vmem>>, vector<16xi32>,
      %get3A_570 = vector.shape_cast %get3A_569 : vector<16xi32> to vector<16xi32>
      %swap3A_571 = arith.constant 16 : index
      %swap3A_572 = tpu.vector_load %arg12[%swap3A_571] {strides = array<i32>} : memref<128xi32, #tpu.memory_space<vmem>>, vector<16xi32>,
      %swap3A_573 = vector.shape_cast %swap3A_572 : vector<16xi32> to vector<16xi32>
      %swap3A_574 = vector.shape_cast %get3A_570 : vector<16xi32> to vector<16xi32>
      tpu.vector_store %arg12[%swap3A_571], %swap3A_574 {strides = array<i32>} : memref<128xi32, #tpu.memory_space<vmem>>, vector<16xi32>,
      %get3A_575 = arith.constant 1056 : index
      %get3A_576 = tpu.vector_load %arg11[%get3A_575] {strides = array<i32>} : memref<1664xi32, #tpu.memory_space<vmem>>, vector<16xi32>,
      %get3A_577 = vector.shape_cast %get3A_576 : vector<16xi32> to vector<16xi32>
      %swap3A_578 = arith.constant 32 : index
      %swap3A_579 = tpu.vector_load %arg12[%swap3A_578] {strides = array<i32>} : memref<128xi32, #tpu.memory_space<vmem>>, vector<16xi32>,
      %swap3A_580 = vector.shape_cast %swap3A_579 : vector<16xi32> to vector<16xi32>
      %swap3A_581 = vector.shape_cast %get3A_577 : vector<16xi32> to vector<16xi32>
      tpu.vector_store %arg12[%swap3A_578], %swap3A_581 {strides = array<i32>} : memref<128xi32, #tpu.memory_space<vmem>>, vector<16xi32>,
      %get3A_582 = arith.constant 1072 : index
      %get3A_583 = tpu.vector_load %arg11[%get3A_582] {strides = array<i32>} : memref<1664xi32, #tpu.memory_space<vmem>>, vector<16xi32>,
      %get3A_584 = vector.shape_cast %get3A_583 : vector<16xi32> to vector<16xi32>
      %swap3A_585 = arith.constant 48 : index
      %swap3A_586 = tpu.vector_load %arg12[%swap3A_585] {strides = array<i32>} : memref<128xi32, #tpu.memory_space<vmem>>, vector<16xi32>,
      %swap3A_587 = vector.shape_cast %swap3A_586 : vector<16xi32> to vector<16xi32>
      %swap3A_588 = vector.shape_cast %get3A_584 : vector<16xi32> to vector<16xi32>
      tpu.vector_store %arg12[%swap3A_585], %swap3A_588 {strides = array<i32>} : memref<128xi32, #tpu.memory_space<vmem>>, vector<16xi32>,
      %get3A_589 = arith.constant 1088 : index
      %get3A_590 = tpu.vector_load %arg11[%get3A_589] {strides = array<i32>} : memref<1664xi32, #tpu.memory_space<vmem>>, vector<16xi32>,
      %get3A_591 = vector.shape_cast %get3A_590 : vector<16xi32> to vector<16xi32>
      %swap3A_592 = arith.constant 64 : index
      %swap3A_593 = tpu.vector_load %arg12[%swap3A_592] {strides = array<i32>} : memref<128xi32, #tpu.memory_space<vmem>>, vector<16xi32>,
      %swap3A_594 = vector.shape_cast %swap3A_593 : vector<16xi32> to vector<16xi32>
      %swap3A_595 = vector.shape_cast %get3A_591 : vector<16xi32> to vector<16xi32>
      tpu.vector_store %arg12[%swap3A_592], %swap3A_595 {strides = array<i32>} : memref<128xi32, #tpu.memory_space<vmem>>, vector<16xi32>,
      %get3A_596 = arith.constant 1104 : index
      %get3A_597 = tpu.vector_load %arg11[%get3A_596] {strides = array<i32>} : memref<1664xi32, #tpu.memory_space<vmem>>, vector<16xi32>,
      %get3A_598 = vector.shape_cast %get3A_597 : vector<16xi32> to vector<16xi32>
      %swap3A_599 = arith.constant 80 : index
      %swap3A_600 = tpu.vector_load %arg12[%swap3A_599] {strides = array<i32>} : memref<128xi32, #tpu.memory_space<vmem>>, vector<16xi32>,
      %swap3A_601 = vector.shape_cast %swap3A_600 : vector<16xi32> to vector<16xi32>
      %swap3A_602 = vector.shape_cast %get3A_598 : vector<16xi32> to vector<16xi32>
      tpu.vector_store %arg12[%swap3A_599], %swap3A_602 {strides = array<i32>} : memref<128xi32, #tpu.memory_space<vmem>>, vector<16xi32>,
      %get3A_603 = arith.constant 1120 : index
      %get3A_604 = tpu.vector_load %arg11[%get3A_603] {strides = array<i32>} : memref<1664xi32, #tpu.memory_space<vmem>>, vector<16xi32>,
      %get3A_605 = vector.shape_cast %get3A_604 : vector<16xi32> to vector<16xi32>
      %swap3A_606 = arith.constant 96 : index
      %swap3A_607 = tpu.vector_load %arg12[%swap3A_606] {strides = array<i32>} : memref<128xi32, #tpu.memory_space<vmem>>, vector<16xi32>,
      %swap3A_608 = vector.shape_cast %swap3A_607 : vector<16xi32> to vector<16xi32>
      %swap3A_609 = vector.shape_cast %get3A_605 : vector<16xi32> to vector<16xi32>
      tpu.vector_store %arg12[%swap3A_606], %swap3A_609 {strides = array<i32>} : memref<128xi32, #tpu.memory_space<vmem>>, vector<16xi32>,
      %get3A_610 = arith.constant 1136 : index
      %get3A_611 = tpu.vector_load %arg11[%get3A_610] {strides = array<i32>} : memref<1664xi32, #tpu.memory_space<vmem>>, vector<16xi32>,
      %get3A_612 = vector.shape_cast %get3A_611 : vector<16xi32> to vector<16xi32>
      %swap3A_613 = arith.constant 112 : index
      %swap3A_614 = tpu.vector_load %arg12[%swap3A_613] {strides = array<i32>} : memref<128xi32, #tpu.memory_space<vmem>>, vector<16xi32>,
      %swap3A_615 = vector.shape_cast %swap3A_614 : vector<16xi32> to vector<16xi32>
      %swap3A_616 = vector.shape_cast %get3A_612 : vector<16xi32> to vector<16xi32>
      tpu.vector_store %arg12[%swap3A_613], %swap3A_616 {strides = array<i32>} : memref<128xi32, #tpu.memory_space<vmem>>, vector<16xi32>,
      %dma_start3A_617 = arith.constant 0 : i32
      %dma_start3A_618 = arith.constant 0 : i32
      %dma_start3A_619 = tpu.memref_slice %arg19[%dma_start3A_617, %dma_start3A_618] : memref<10240x128xf32, #tpu.memory_space<vmem_shared>> -> memref<10240x128xf32, #tpu.memory_space<vmem_shared>>
      tpu.enqueue_indirect_dma source(%arg18 : memref<128x128xf32, #tpu.memory_space<vmem>>) target(%dma_start3A_619 : memref<10240x128xf32, #tpu.memory_space<vmem_shared>>) offsets(%arg12 : memref<128xi32, #tpu.memory_space<vmem>>) semaphore(%arg20 : memref<!tpu.dma_semaphore, #tpu.memory_space<semaphore_mem>>) {add = true}
      %dma_wait3A_620 = arith.constant 0 : i32
      %dma_wait3A_621 = arith.constant 0 : i32
      %dma_wait3A_622 = tpu.memref_slice %arg19[%dma_wait3A_620, %dma_wait3A_621] : memref<10240x128xf32, #tpu.memory_space<vmem_shared>> -> memref<10240x128xf32, #tpu.memory_space<vmem_shared>>
      tpu.wait_indirect_dma semaphore(%arg21 : memref<!tpu.dma_semaphore, #tpu.memory_space<semaphore_mem>>) src(%arg18 : memref<128x128xf32, #tpu.memory_space<vmem>>) dst(%dma_wait3A_622 : memref<10240x128xf32, #tpu.memory_space<vmem_shared>>)
      %get3A_623 = arith.constant 1152 : index
      %get3A_624 = tpu.vector_load %arg11[%get3A_623] {strides = array<i32>} : memref<1664xi32, #tpu.memory_space<vmem>>, vector<16xi32>,
      %get3A_625 = vector.shape_cast %get3A_624 : vector<16xi32> to vector<16xi32>
      %swap3A_626 = arith.constant 0 : index
      %swap3A_627 = tpu.vector_load %arg14[%swap3A_626] {strides = array<i32>} : memref<128xi32, #tpu.memory_space<vmem>>, vector<16xi32>,
      %swap3A_628 = vector.shape_cast %swap3A_627 : vector<16xi32> to vector<16xi32>
      %swap3A_629 = vector.shape_cast %get3A_625 : vector<16xi32> to vector<16xi32>
      tpu.vector_store %arg14[%swap3A_626], %swap3A_629 {strides = array<i32>} : memref<128xi32, #tpu.memory_space<vmem>>, vector<16xi32>,
      %get3A_630 = arith.constant 1168 : index
      %get3A_631 = tpu.vector_load %arg11[%get3A_630] {strides = array<i32>} : memref<1664xi32, #tpu.memory_space<vmem>>, vector<16xi32>,
      %get3A_632 = vector.shape_cast %get3A_631 : vector<16xi32> to vector<16xi32>
      %swap3A_633 = arith.constant 16 : index
      %swap3A_634 = tpu.vector_load %arg14[%swap3A_633] {strides = array<i32>} : memref<128xi32, #tpu.memory_space<vmem>>, vector<16xi32>,
      %swap3A_635 = vector.shape_cast %swap3A_634 : vector<16xi32> to vector<16xi32>
      %swap3A_636 = vector.shape_cast %get3A_632 : vector<16xi32> to vector<16xi32>
      tpu.vector_store %arg14[%swap3A_633], %swap3A_636 {strides = array<i32>} : memref<128xi32, #tpu.memory_space<vmem>>, vector<16xi32>,
      %get3A_637 = arith.constant 1184 : index
      %get3A_638 = tpu.vector_load %arg11[%get3A_637] {strides = array<i32>} : memref<1664xi32, #tpu.memory_space<vmem>>, vector<16xi32>,
      %get3A_639 = vector.shape_cast %get3A_638 : vector<16xi32> to vector<16xi32>
      %swap3A_640 = arith.constant 32 : index
      %swap3A_641 = tpu.vector_load %arg14[%swap3A_640] {strides = array<i32>} : memref<128xi32, #tpu.memory_space<vmem>>, vector<16xi32>,
      %swap3A_642 = vector.shape_cast %swap3A_641 : vector<16xi32> to vector<16xi32>
      %swap3A_643 = vector.shape_cast %get3A_639 : vector<16xi32> to vector<16xi32>
      tpu.vector_store %arg14[%swap3A_640], %swap3A_643 {strides = array<i32>} : memref<128xi32, #tpu.memory_space<vmem>>, vector<16xi32>,
      %get3A_644 = arith.constant 1200 : index
      %get3A_645 = tpu.vector_load %arg11[%get3A_644] {strides = array<i32>} : memref<1664xi32, #tpu.memory_space<vmem>>, vector<16xi32>,
      %get3A_646 = vector.shape_cast %get3A_645 : vector<16xi32> to vector<16xi32>
      %swap3A_647 = arith.constant 48 : index
      %swap3A_648 = tpu.vector_load %arg14[%swap3A_647] {strides = array<i32>} : memref<128xi32, #tpu.memory_space<vmem>>, vector<16xi32>,
      %swap3A_649 = vector.shape_cast %swap3A_648 : vector<16xi32> to vector<16xi32>
      %swap3A_650 = vector.shape_cast %get3A_646 : vector<16xi32> to vector<16xi32>
      tpu.vector_store %arg14[%swap3A_647], %swap3A_650 {strides = array<i32>} : memref<128xi32, #tpu.memory_space<vmem>>, vector<16xi32>,
      %get3A_651 = arith.constant 1216 : index
      %get3A_652 = tpu.vector_load %arg11[%get3A_651] {strides = array<i32>} : memref<1664xi32, #tpu.memory_space<vmem>>, vector<16xi32>,
      %get3A_653 = vector.shape_cast %get3A_652 : vector<16xi32> to vector<16xi32>
      %swap3A_654 = arith.constant 64 : index
      %swap3A_655 = tpu.vector_load %arg14[%swap3A_654] {strides = array<i32>} : memref<128xi32, #tpu.memory_space<vmem>>, vector<16xi32>,
      %swap3A_656 = vector.shape_cast %swap3A_655 : vector<16xi32> to vector<16xi32>
      %swap3A_657 = vector.shape_cast %get3A_653 : vector<16xi32> to vector<16xi32>
      tpu.vector_store %arg14[%swap3A_654], %swap3A_657 {strides = array<i32>} : memref<128xi32, #tpu.memory_space<vmem>>, vector<16xi32>,
      %get3A_658 = arith.constant 1232 : index
      %get3A_659 = tpu.vector_load %arg11[%get3A_658] {strides = array<i32>} : memref<1664xi32, #tpu.memory_space<vmem>>, vector<16xi32>,
      %get3A_660 = vector.shape_cast %get3A_659 : vector<16xi32> to vector<16xi32>
      %swap3A_661 = arith.constant 80 : index
      %swap3A_662 = tpu.vector_load %arg14[%swap3A_661] {strides = array<i32>} : memref<128xi32, #tpu.memory_space<vmem>>, vector<16xi32>,
      %swap3A_663 = vector.shape_cast %swap3A_662 : vector<16xi32> to vector<16xi32>
      %swap3A_664 = vector.shape_cast %get3A_660 : vector<16xi32> to vector<16xi32>
      tpu.vector_store %arg14[%swap3A_661], %swap3A_664 {strides = array<i32>} : memref<128xi32, #tpu.memory_space<vmem>>, vector<16xi32>,
      %get3A_665 = arith.constant 1248 : index
      %get3A_666 = tpu.vector_load %arg11[%get3A_665] {strides = array<i32>} : memref<1664xi32, #tpu.memory_space<vmem>>, vector<16xi32>,
      %get3A_667 = vector.shape_cast %get3A_666 : vector<16xi32> to vector<16xi32>
      %swap3A_668 = arith.constant 96 : index
      %swap3A_669 = tpu.vector_load %arg14[%swap3A_668] {strides = array<i32>} : memref<128xi32, #tpu.memory_space<vmem>>, vector<16xi32>,
      %swap3A_670 = vector.shape_cast %swap3A_669 : vector<16xi32> to vector<16xi32>
      %swap3A_671 = vector.shape_cast %get3A_667 : vector<16xi32> to vector<16xi32>
      tpu.vector_store %arg14[%swap3A_668], %swap3A_671 {strides = array<i32>} : memref<128xi32, #tpu.memory_space<vmem>>, vector<16xi32>,
      %get3A_672 = arith.constant 1264 : index
      %get3A_673 = tpu.vector_load %arg11[%get3A_672] {strides = array<i32>} : memref<1664xi32, #tpu.memory_space<vmem>>, vector<16xi32>,
      %get3A_674 = vector.shape_cast %get3A_673 : vector<16xi32> to vector<16xi32>
      %swap3A_675 = arith.constant 112 : index
      %swap3A_676 = tpu.vector_load %arg14[%swap3A_675] {strides = array<i32>} : memref<128xi32, #tpu.memory_space<vmem>>, vector<16xi32>,
      %swap3A_677 = vector.shape_cast %swap3A_676 : vector<16xi32> to vector<16xi32>
      %swap3A_678 = vector.shape_cast %get3A_674 : vector<16xi32> to vector<16xi32>
      tpu.vector_store %arg14[%swap3A_675], %swap3A_678 {strides = array<i32>} : memref<128xi32, #tpu.memory_space<vmem>>, vector<16xi32>,
      %dma_start3A_679 = arith.constant 0 : i32
      %dma_start3A_680 = arith.constant 0 : i32
      %dma_start3A_681 = tpu.memref_slice %arg19[%dma_start3A_679, %dma_start3A_680] : memref<10240x128xf32, #tpu.memory_space<vmem_shared>> -> memref<10240x128xf32, #tpu.memory_space<vmem_shared>>
      tpu.enqueue_indirect_dma source(%arg18 : memref<128x128xf32, #tpu.memory_space<vmem>>) target(%dma_start3A_681 : memref<10240x128xf32, #tpu.memory_space<vmem_shared>>) offsets(%arg14 : memref<128xi32, #tpu.memory_space<vmem>>) semaphore(%arg21 : memref<!tpu.dma_semaphore, #tpu.memory_space<semaphore_mem>>) {add = true}
      %dma_wait3A_682 = arith.constant 0 : i32
      %dma_wait3A_683 = arith.constant 0 : i32
      %dma_wait3A_684 = tpu.memref_slice %arg19[%dma_wait3A_682, %dma_wait3A_683] : memref<10240x128xf32, #tpu.memory_space<vmem_shared>> -> memref<10240x128xf32, #tpu.memory_space<vmem_shared>>
      tpu.wait_indirect_dma semaphore(%arg22 : memref<!tpu.dma_semaphore, #tpu.memory_space<semaphore_mem>>) src(%arg18 : memref<128x128xf32, #tpu.memory_space<vmem>>) dst(%dma_wait3A_684 : memref<10240x128xf32, #tpu.memory_space<vmem_shared>>)
      %get3A_685 = arith.constant 1280 : index
      %get3A_686 = tpu.vector_load %arg11[%get3A_685] {strides = array<i32>} : memref<1664xi32, #tpu.memory_space<vmem>>, vector<16xi32>,
      %get3A_687 = vector.shape_cast %get3A_686 : vector<16xi32> to vector<16xi32>
      %swap3A_688 = arith.constant 0 : index
      %swap3A_689 = tpu.vector_load %arg15[%swap3A_688] {strides = array<i32>} : memref<128xi32, #tpu.memory_space<vmem>>, vector<16xi32>,
      %swap3A_690 = vector.shape_cast %swap3A_689 : vector<16xi32> to vector<16xi32>
      %swap3A_691 = vector.shape_cast %get3A_687 : vector<16xi32> to vector<16xi32>
      tpu.vector_store %arg15[%swap3A_688], %swap3A_691 {strides = array<i32>} : memref<128xi32, #tpu.memory_space<vmem>>, vector<16xi32>,
      %get3A_692 = arith.constant 1296 : index
      %get3A_693 = tpu.vector_load %arg11[%get3A_692] {strides = array<i32>} : memref<1664xi32, #tpu.memory_space<vmem>>, vector<16xi32>,
      %get3A_694 = vector.shape_cast %get3A_693 : vector<16xi32> to vector<16xi32>
      %swap3A_695 = arith.constant 16 : index
      %swap3A_696 = tpu.vector_load %arg15[%swap3A_695] {strides = array<i32>} : memref<128xi32, #tpu.memory_space<vmem>>, vector<16xi32>,
      %swap3A_697 = vector.shape_cast %swap3A_696 : vector<16xi32> to vector<16xi32>
      %swap3A_698 = vector.shape_cast %get3A_694 : vector<16xi32> to vector<16xi32>
      tpu.vector_store %arg15[%swap3A_695], %swap3A_698 {strides = array<i32>} : memref<128xi32, #tpu.memory_space<vmem>>, vector<16xi32>,
      %get3A_699 = arith.constant 1312 : index
      %get3A_700 = tpu.vector_load %arg11[%get3A_699] {strides = array<i32>} : memref<1664xi32, #tpu.memory_space<vmem>>, vector<16xi32>,
      %get3A_701 = vector.shape_cast %get3A_700 : vector<16xi32> to vector<16xi32>
      %swap3A_702 = arith.constant 32 : index
      %swap3A_703 = tpu.vector_load %arg15[%swap3A_702] {strides = array<i32>} : memref<128xi32, #tpu.memory_space<vmem>>, vector<16xi32>,
      %swap3A_704 = vector.shape_cast %swap3A_703 : vector<16xi32> to vector<16xi32>
      %swap3A_705 = vector.shape_cast %get3A_701 : vector<16xi32> to vector<16xi32>
      tpu.vector_store %arg15[%swap3A_702], %swap3A_705 {strides = array<i32>} : memref<128xi32, #tpu.memory_space<vmem>>, vector<16xi32>,
      %get3A_706 = arith.constant 1328 : index
      %get3A_707 = tpu.vector_load %arg11[%get3A_706] {strides = array<i32>} : memref<1664xi32, #tpu.memory_space<vmem>>, vector<16xi32>,
      %get3A_708 = vector.shape_cast %get3A_707 : vector<16xi32> to vector<16xi32>
      %swap3A_709 = arith.constant 48 : index
      %swap3A_710 = tpu.vector_load %arg15[%swap3A_709] {strides = array<i32>} : memref<128xi32, #tpu.memory_space<vmem>>, vector<16xi32>,
      %swap3A_711 = vector.shape_cast %swap3A_710 : vector<16xi32> to vector<16xi32>
      %swap3A_712 = vector.shape_cast %get3A_708 : vector<16xi32> to vector<16xi32>
      tpu.vector_store %arg15[%swap3A_709], %swap3A_712 {strides = array<i32>} : memref<128xi32, #tpu.memory_space<vmem>>, vector<16xi32>,
      %get3A_713 = arith.constant 1344 : index
      %get3A_714 = tpu.vector_load %arg11[%get3A_713] {strides = array<i32>} : memref<1664xi32, #tpu.memory_space<vmem>>, vector<16xi32>,
      %get3A_715 = vector.shape_cast %get3A_714 : vector<16xi32> to vector<16xi32>
      %swap3A_716 = arith.constant 64 : index
      %swap3A_717 = tpu.vector_load %arg15[%swap3A_716] {strides = array<i32>} : memref<128xi32, #tpu.memory_space<vmem>>, vector<16xi32>,
      %swap3A_718 = vector.shape_cast %swap3A_717 : vector<16xi32> to vector<16xi32>
      %swap3A_719 = vector.shape_cast %get3A_715 : vector<16xi32> to vector<16xi32>
      tpu.vector_store %arg15[%swap3A_716], %swap3A_719 {strides = array<i32>} : memref<128xi32, #tpu.memory_space<vmem>>, vector<16xi32>,
      %get3A_720 = arith.constant 1360 : index
      %get3A_721 = tpu.vector_load %arg11[%get3A_720] {strides = array<i32>} : memref<1664xi32, #tpu.memory_space<vmem>>, vector<16xi32>,
      %get3A_722 = vector.shape_cast %get3A_721 : vector<16xi32> to vector<16xi32>
      %swap3A_723 = arith.constant 80 : index
      %swap3A_724 = tpu.vector_load %arg15[%swap3A_723] {strides = array<i32>} : memref<128xi32, #tpu.memory_space<vmem>>, vector<16xi32>,
      %swap3A_725 = vector.shape_cast %swap3A_724 : vector<16xi32> to vector<16xi32>
      %swap3A_726 = vector.shape_cast %get3A_722 : vector<16xi32> to vector<16xi32>
      tpu.vector_store %arg15[%swap3A_723], %swap3A_726 {strides = array<i32>} : memref<128xi32, #tpu.memory_space<vmem>>, vector<16xi32>,
      %get3A_727 = arith.constant 1376 : index
      %get3A_728 = tpu.vector_load %arg11[%get3A_727] {strides = array<i32>} : memref<1664xi32, #tpu.memory_space<vmem>>, vector<16xi32>,
      %get3A_729 = vector.shape_cast %get3A_728 : vector<16xi32> to vector<16xi32>
      %swap3A_730 = arith.constant 96 : index
      %swap3A_731 = tpu.vector_load %arg15[%swap3A_730] {strides = array<i32>} : memref<128xi32, #tpu.memory_space<vmem>>, vector<16xi32>,
      %swap3A_732 = vector.shape_cast %swap3A_731 : vector<16xi32> to vector<16xi32>
      %swap3A_733 = vector.shape_cast %get3A_729 : vector<16xi32> to vector<16xi32>
      tpu.vector_store %arg15[%swap3A_730], %swap3A_733 {strides = array<i32>} : memref<128xi32, #tpu.memory_space<vmem>>, vector<16xi32>,
      %get3A_734 = arith.constant 1392 : index
      %get3A_735 = tpu.vector_load %arg11[%get3A_734] {strides = array<i32>} : memref<1664xi32, #tpu.memory_space<vmem>>, vector<16xi32>,
      %get3A_736 = vector.shape_cast %get3A_735 : vector<16xi32> to vector<16xi32>
      %swap3A_737 = arith.constant 112 : index
      %swap3A_738 = tpu.vector_load %arg15[%swap3A_737] {strides = array<i32>} : memref<128xi32, #tpu.memory_space<vmem>>, vector<16xi32>,
      %swap3A_739 = vector.shape_cast %swap3A_738 : vector<16xi32> to vector<16xi32>
      %swap3A_740 = vector.shape_cast %get3A_736 : vector<16xi32> to vector<16xi32>
      tpu.vector_store %arg15[%swap3A_737], %swap3A_740 {strides = array<i32>} : memref<128xi32, #tpu.memory_space<vmem>>, vector<16xi32>,
      %dma_start3A_741 = arith.constant 0 : i32
      %dma_start3A_742 = arith.constant 0 : i32
      %dma_start3A_743 = tpu.memref_slice %arg19[%dma_start3A_741, %dma_start3A_742] : memref<10240x128xf32, #tpu.memory_space<vmem_shared>> -> memref<10240x128xf32, #tpu.memory_space<vmem_shared>>
      tpu.enqueue_indirect_dma source(%arg18 : memref<128x128xf32, #tpu.memory_space<vmem>>) target(%dma_start3A_743 : memref<10240x128xf32, #tpu.memory_space<vmem_shared>>) offsets(%arg15 : memref<128xi32, #tpu.memory_space<vmem>>) semaphore(%arg22 : memref<!tpu.dma_semaphore, #tpu.memory_space<semaphore_mem>>) {add = true}
      %dma_wait3A_744 = arith.constant 0 : i32
      %dma_wait3A_745 = arith.constant 0 : i32
      %dma_wait3A_746 = tpu.memref_slice %arg19[%dma_wait3A_744, %dma_wait3A_745] : memref<10240x128xf32, #tpu.memory_space<vmem_shared>> -> memref<10240x128xf32, #tpu.memory_space<vmem_shared>>
      tpu.wait_indirect_dma semaphore(%arg23 : memref<!tpu.dma_semaphore, #tpu.memory_space<semaphore_mem>>) src(%arg18 : memref<128x128xf32, #tpu.memory_space<vmem>>) dst(%dma_wait3A_746 : memref<10240x128xf32, #tpu.memory_space<vmem_shared>>)
      %get3A_747 = arith.constant 1408 : index
      %get3A_748 = tpu.vector_load %arg11[%get3A_747] {strides = array<i32>} : memref<1664xi32, #tpu.memory_space<vmem>>, vector<16xi32>,
      %get3A_749 = vector.shape_cast %get3A_748 : vector<16xi32> to vector<16xi32>
      %swap3A_750 = arith.constant 0 : index
      %swap3A_751 = tpu.vector_load %arg16[%swap3A_750] {strides = array<i32>} : memref<128xi32, #tpu.memory_space<vmem>>, vector<16xi32>,
      %swap3A_752 = vector.shape_cast %swap3A_751 : vector<16xi32> to vector<16xi32>
      %swap3A_753 = vector.shape_cast %get3A_749 : vector<16xi32> to vector<16xi32>
      tpu.vector_store %arg16[%swap3A_750], %swap3A_753 {strides = array<i32>} : memref<128xi32, #tpu.memory_space<vmem>>, vector<16xi32>,
      %get3A_754 = arith.constant 1424 : index
      %get3A_755 = tpu.vector_load %arg11[%get3A_754] {strides = array<i32>} : memref<1664xi32, #tpu.memory_space<vmem>>, vector<16xi32>,
      %get3A_756 = vector.shape_cast %get3A_755 : vector<16xi32> to vector<16xi32>
      %swap3A_757 = arith.constant 16 : index
      %swap3A_758 = tpu.vector_load %arg16[%swap3A_757] {strides = array<i32>} : memref<128xi32, #tpu.memory_space<vmem>>, vector<16xi32>,
      %swap3A_759 = vector.shape_cast %swap3A_758 : vector<16xi32> to vector<16xi32>
      %swap3A_760 = vector.shape_cast %get3A_756 : vector<16xi32> to vector<16xi32>
      tpu.vector_store %arg16[%swap3A_757], %swap3A_760 {strides = array<i32>} : memref<128xi32, #tpu.memory_space<vmem>>, vector<16xi32>,
      %get3A_761 = arith.constant 1440 : index
      %get3A_762 = tpu.vector_load %arg11[%get3A_761] {strides = array<i32>} : memref<1664xi32, #tpu.memory_space<vmem>>, vector<16xi32>,
      %get3A_763 = vector.shape_cast %get3A_762 : vector<16xi32> to vector<16xi32>
      %swap3A_764 = arith.constant 32 : index
      %swap3A_765 = tpu.vector_load %arg16[%swap3A_764] {strides = array<i32>} : memref<128xi32, #tpu.memory_space<vmem>>, vector<16xi32>,
      %swap3A_766 = vector.shape_cast %swap3A_765 : vector<16xi32> to vector<16xi32>
      %swap3A_767 = vector.shape_cast %get3A_763 : vector<16xi32> to vector<16xi32>
      tpu.vector_store %arg16[%swap3A_764], %swap3A_767 {strides = array<i32>} : memref<128xi32, #tpu.memory_space<vmem>>, vector<16xi32>,
      %get3A_768 = arith.constant 1456 : index
      %get3A_769 = tpu.vector_load %arg11[%get3A_768] {strides = array<i32>} : memref<1664xi32, #tpu.memory_space<vmem>>, vector<16xi32>,
      %get3A_770 = vector.shape_cast %get3A_769 : vector<16xi32> to vector<16xi32>
      %swap3A_771 = arith.constant 48 : index
      %swap3A_772 = tpu.vector_load %arg16[%swap3A_771] {strides = array<i32>} : memref<128xi32, #tpu.memory_space<vmem>>, vector<16xi32>,
      %swap3A_773 = vector.shape_cast %swap3A_772 : vector<16xi32> to vector<16xi32>
      %swap3A_774 = vector.shape_cast %get3A_770 : vector<16xi32> to vector<16xi32>
      tpu.vector_store %arg16[%swap3A_771], %swap3A_774 {strides = array<i32>} : memref<128xi32, #tpu.memory_space<vmem>>, vector<16xi32>,
      %get3A_775 = arith.constant 1472 : index
      %get3A_776 = tpu.vector_load %arg11[%get3A_775] {strides = array<i32>} : memref<1664xi32, #tpu.memory_space<vmem>>, vector<16xi32>,
      %get3A_777 = vector.shape_cast %get3A_776 : vector<16xi32> to vector<16xi32>
      %swap3A_778 = arith.constant 64 : index
      %swap3A_779 = tpu.vector_load %arg16[%swap3A_778] {strides = array<i32>} : memref<128xi32, #tpu.memory_space<vmem>>, vector<16xi32>,
      %swap3A_780 = vector.shape_cast %swap3A_779 : vector<16xi32> to vector<16xi32>
      %swap3A_781 = vector.shape_cast %get3A_777 : vector<16xi32> to vector<16xi32>
      tpu.vector_store %arg16[%swap3A_778], %swap3A_781 {strides = array<i32>} : memref<128xi32, #tpu.memory_space<vmem>>, vector<16xi32>,
      %get3A_782 = arith.constant 1488 : index
      %get3A_783 = tpu.vector_load %arg11[%get3A_782] {strides = array<i32>} : memref<1664xi32, #tpu.memory_space<vmem>>, vector<16xi32>,
      %get3A_784 = vector.shape_cast %get3A_783 : vector<16xi32> to vector<16xi32>
      %swap3A_785 = arith.constant 80 : index
      %swap3A_786 = tpu.vector_load %arg16[%swap3A_785] {strides = array<i32>} : memref<128xi32, #tpu.memory_space<vmem>>, vector<16xi32>,
      %swap3A_787 = vector.shape_cast %swap3A_786 : vector<16xi32> to vector<16xi32>
      %swap3A_788 = vector.shape_cast %get3A_784 : vector<16xi32> to vector<16xi32>
      tpu.vector_store %arg16[%swap3A_785], %swap3A_788 {strides = array<i32>} : memref<128xi32, #tpu.memory_space<vmem>>, vector<16xi32>,
      %get3A_789 = arith.constant 1504 : index
      %get3A_790 = tpu.vector_load %arg11[%get3A_789] {strides = array<i32>} : memref<1664xi32, #tpu.memory_space<vmem>>, vector<16xi32>,
      %get3A_791 = vector.shape_cast %get3A_790 : vector<16xi32> to vector<16xi32>
      %swap3A_792 = arith.constant 96 : index
      %swap3A_793 = tpu.vector_load %arg16[%swap3A_792] {strides = array<i32>} : memref<128xi32, #tpu.memory_space<vmem>>, vector<16xi32>,
      %swap3A_794 = vector.shape_cast %swap3A_793 : vector<16xi32> to vector<16xi32>
      %swap3A_795 = vector.shape_cast %get3A_791 : vector<16xi32> to vector<16xi32>
      tpu.vector_store %arg16[%swap3A_792], %swap3A_795 {strides = array<i32>} : memref<128xi32, #tpu.memory_space<vmem>>, vector<16xi32>,
      %get3A_796 = arith.constant 1520 : index
      %get3A_797 = tpu.vector_load %arg11[%get3A_796] {strides = array<i32>} : memref<1664xi32, #tpu.memory_space<vmem>>, vector<16xi32>,
      %get3A_798 = vector.shape_cast %get3A_797 : vector<16xi32> to vector<16xi32>
      %swap3A_799 = arith.constant 112 : index
      %swap3A_800 = tpu.vector_load %arg16[%swap3A_799] {strides = array<i32>} : memref<128xi32, #tpu.memory_space<vmem>>, vector<16xi32>,
      %swap3A_801 = vector.shape_cast %swap3A_800 : vector<16xi32> to vector<16xi32>
      %swap3A_802 = vector.shape_cast %get3A_798 : vector<16xi32> to vector<16xi32>
      tpu.vector_store %arg16[%swap3A_799], %swap3A_802 {strides = array<i32>} : memref<128xi32, #tpu.memory_space<vmem>>, vector<16xi32>,
      %dma_start3A_803 = arith.constant 0 : i32
      %dma_start3A_804 = arith.constant 0 : i32
      %dma_start3A_805 = tpu.memref_slice %arg19[%dma_start3A_803, %dma_start3A_804] : memref<10240x128xf32, #tpu.memory_space<vmem_shared>> -> memref<10240x128xf32, #tpu.memory_space<vmem_shared>>
      tpu.enqueue_indirect_dma source(%arg18 : memref<128x128xf32, #tpu.memory_space<vmem>>) target(%dma_start3A_805 : memref<10240x128xf32, #tpu.memory_space<vmem_shared>>) offsets(%arg16 : memref<128xi32, #tpu.memory_space<vmem>>) semaphore(%arg23 : memref<!tpu.dma_semaphore, #tpu.memory_space<semaphore_mem>>) {add = true}
      %dma_wait3A_806 = arith.constant 0 : i32
      %dma_wait3A_807 = arith.constant 0 : i32
      %dma_wait3A_808 = tpu.memref_slice %arg19[%dma_wait3A_806, %dma_wait3A_807] : memref<10240x128xf32, #tpu.memory_space<vmem_shared>> -> memref<10240x128xf32, #tpu.memory_space<vmem_shared>>
      tpu.wait_indirect_dma semaphore(%arg20 : memref<!tpu.dma_semaphore, #tpu.memory_space<semaphore_mem>>) src(%arg18 : memref<128x128xf32, #tpu.memory_space<vmem>>) dst(%dma_wait3A_808 : memref<10240x128xf32, #tpu.memory_space<vmem_shared>>)
      %get3A_809 = arith.constant 1536 : index
      %get3A_810 = tpu.vector_load %arg11[%get3A_809] {strides = array<i32>} : memref<1664xi32, #tpu.memory_space<vmem>>, vector<16xi32>,
      %get3A_811 = vector.shape_cast %get3A_810 : vector<16xi32> to vector<16xi32>
      %swap3A_812 = arith.constant 0 : index
      %swap3A_813 = tpu.vector_load %arg12[%swap3A_812] {strides = array<i32>} : memref<128xi32, #tpu.memory_space<vmem>>, vector<16xi32>,
      %swap3A_814 = vector.shape_cast %swap3A_813 : vector<16xi32> to vector<16xi32>
      %swap3A_815 = vector.shape_cast %get3A_811 : vector<16xi32> to vector<16xi32>
      tpu.vector_store %arg12[%swap3A_812], %swap3A_815 {strides = array<i32>} : memref<128xi32, #tpu.memory_space<vmem>>, vector<16xi32>,
      %get3A_816 = arith.constant 1552 : index
      %get3A_817 = tpu.vector_load %arg11[%get3A_816] {strides = array<i32>} : memref<1664xi32, #tpu.memory_space<vmem>>, vector<16xi32>,
      %get3A_818 = vector.shape_cast %get3A_817 : vector<16xi32> to vector<16xi32>
      %swap3A_819 = arith.constant 16 : index
      %swap3A_820 = tpu.vector_load %arg12[%swap3A_819] {strides = array<i32>} : memref<128xi32, #tpu.memory_space<vmem>>, vector<16xi32>,
      %swap3A_821 = vector.shape_cast %swap3A_820 : vector<16xi32> to vector<16xi32>
      %swap3A_822 = vector.shape_cast %get3A_818 : vector<16xi32> to vector<16xi32>
      tpu.vector_store %arg12[%swap3A_819], %swap3A_822 {strides = array<i32>} : memref<128xi32, #tpu.memory_space<vmem>>, vector<16xi32>,
      %get3A_823 = arith.constant 1568 : index
      %get3A_824 = tpu.vector_load %arg11[%get3A_823] {strides = array<i32>} : memref<1664xi32, #tpu.memory_space<vmem>>, vector<16xi32>,
      %get3A_825 = vector.shape_cast %get3A_824 : vector<16xi32> to vector<16xi32>
      %swap3A_826 = arith.constant 32 : index
      %swap3A_827 = tpu.vector_load %arg12[%swap3A_826] {strides = array<i32>} : memref<128xi32, #tpu.memory_space<vmem>>, vector<16xi32>,
      %swap3A_828 = vector.shape_cast %swap3A_827 : vector<16xi32> to vector<16xi32>
      %swap3A_829 = vector.shape_cast %get3A_825 : vector<16xi32> to vector<16xi32>
      tpu.vector_store %arg12[%swap3A_826], %swap3A_829 {strides = array<i32>} : memref<128xi32, #tpu.memory_space<vmem>>, vector<16xi32>,
      %get3A_830 = arith.constant 1584 : index
      %get3A_831 = tpu.vector_load %arg11[%get3A_830] {strides = array<i32>} : memref<1664xi32, #tpu.memory_space<vmem>>, vector<16xi32>,
      %get3A_832 = vector.shape_cast %get3A_831 : vector<16xi32> to vector<16xi32>
      %swap3A_833 = arith.constant 48 : index
      %swap3A_834 = tpu.vector_load %arg12[%swap3A_833] {strides = array<i32>} : memref<128xi32, #tpu.memory_space<vmem>>, vector<16xi32>,
      %swap3A_835 = vector.shape_cast %swap3A_834 : vector<16xi32> to vector<16xi32>
      %swap3A_836 = vector.shape_cast %get3A_832 : vector<16xi32> to vector<16xi32>
      tpu.vector_store %arg12[%swap3A_833], %swap3A_836 {strides = array<i32>} : memref<128xi32, #tpu.memory_space<vmem>>, vector<16xi32>,
      %get3A_837 = arith.constant 1600 : index
      %get3A_838 = tpu.vector_load %arg11[%get3A_837] {strides = array<i32>} : memref<1664xi32, #tpu.memory_space<vmem>>, vector<16xi32>,
      %get3A_839 = vector.shape_cast %get3A_838 : vector<16xi32> to vector<16xi32>
      %swap3A_840 = arith.constant 64 : index
      %swap3A_841 = tpu.vector_load %arg12[%swap3A_840] {strides = array<i32>} : memref<128xi32, #tpu.memory_space<vmem>>, vector<16xi32>,
      %swap3A_842 = vector.shape_cast %swap3A_841 : vector<16xi32> to vector<16xi32>
      %swap3A_843 = vector.shape_cast %get3A_839 : vector<16xi32> to vector<16xi32>
      tpu.vector_store %arg12[%swap3A_840], %swap3A_843 {strides = array<i32>} : memref<128xi32, #tpu.memory_space<vmem>>, vector<16xi32>,
      %get3A_844 = arith.constant 1616 : index
      %get3A_845 = tpu.vector_load %arg11[%get3A_844] {strides = array<i32>} : memref<1664xi32, #tpu.memory_space<vmem>>, vector<16xi32>,
      %get3A_846 = vector.shape_cast %get3A_845 : vector<16xi32> to vector<16xi32>
      %swap3A_847 = arith.constant 80 : index
      %swap3A_848 = tpu.vector_load %arg12[%swap3A_847] {strides = array<i32>} : memref<128xi32, #tpu.memory_space<vmem>>, vector<16xi32>,
      %swap3A_849 = vector.shape_cast %swap3A_848 : vector<16xi32> to vector<16xi32>
      %swap3A_850 = vector.shape_cast %get3A_846 : vector<16xi32> to vector<16xi32>
      tpu.vector_store %arg12[%swap3A_847], %swap3A_850 {strides = array<i32>} : memref<128xi32, #tpu.memory_space<vmem>>, vector<16xi32>,
      %get3A_851 = arith.constant 1632 : index
      %get3A_852 = tpu.vector_load %arg11[%get3A_851] {strides = array<i32>} : memref<1664xi32, #tpu.memory_space<vmem>>, vector<16xi32>,
      %get3A_853 = vector.shape_cast %get3A_852 : vector<16xi32> to vector<16xi32>
      %swap3A_854 = arith.constant 96 : index
      %swap3A_855 = tpu.vector_load %arg12[%swap3A_854] {strides = array<i32>} : memref<128xi32, #tpu.memory_space<vmem>>, vector<16xi32>,
      %swap3A_856 = vector.shape_cast %swap3A_855 : vector<16xi32> to vector<16xi32>
      %swap3A_857 = vector.shape_cast %get3A_853 : vector<16xi32> to vector<16xi32>
      tpu.vector_store %arg12[%swap3A_854], %swap3A_857 {strides = array<i32>} : memref<128xi32, #tpu.memory_space<vmem>>, vector<16xi32>,
      %get3A_858 = arith.constant 1648 : index
      %get3A_859 = tpu.vector_load %arg11[%get3A_858] {strides = array<i32>} : memref<1664xi32, #tpu.memory_space<vmem>>, vector<16xi32>,
      %get3A_860 = vector.shape_cast %get3A_859 : vector<16xi32> to vector<16xi32>
      %swap3A_861 = arith.constant 112 : index
      %swap3A_862 = tpu.vector_load %arg12[%swap3A_861] {strides = array<i32>} : memref<128xi32, #tpu.memory_space<vmem>>, vector<16xi32>,
      %swap3A_863 = vector.shape_cast %swap3A_862 : vector<16xi32> to vector<16xi32>
      %swap3A_864 = vector.shape_cast %get3A_860 : vector<16xi32> to vector<16xi32>
      tpu.vector_store %arg12[%swap3A_861], %swap3A_864 {strides = array<i32>} : memref<128xi32, #tpu.memory_space<vmem>>, vector<16xi32>,
      %dma_start3A_865 = arith.constant 0 : i32
      %dma_start3A_866 = arith.constant 0 : i32
      %dma_start3A_867 = tpu.memref_slice %arg19[%dma_start3A_865, %dma_start3A_866] : memref<10240x128xf32, #tpu.memory_space<vmem_shared>> -> memref<10240x128xf32, #tpu.memory_space<vmem_shared>>
      tpu.enqueue_indirect_dma source(%arg18 : memref<128x128xf32, #tpu.memory_space<vmem>>) target(%dma_start3A_867 : memref<10240x128xf32, #tpu.memory_space<vmem_shared>>) offsets(%arg12 : memref<128xi32, #tpu.memory_space<vmem>>) semaphore(%arg20 : memref<!tpu.dma_semaphore, #tpu.memory_space<semaphore_mem>>) {add = true}
      %dma_wait3A_868 = arith.constant 0 : i32
      %dma_wait3A_869 = arith.constant 0 : i32
      %dma_wait3A_870 = tpu.memref_slice %arg19[%dma_wait3A_868, %dma_wait3A_869] : memref<10240x128xf32, #tpu.memory_space<vmem_shared>> -> memref<10240x128xf32, #tpu.memory_space<vmem_shared>>
      tpu.wait_indirect_dma semaphore(%arg20 : memref<!tpu.dma_semaphore, #tpu.memory_space<semaphore_mem>>) src(%arg18 : memref<128x128xf32, #tpu.memory_space<vmem>>) dst(%dma_wait3A_870 : memref<10240x128xf32, #tpu.memory_space<vmem_shared>>)
      %dma_wait3A_871 = arith.constant 0 : i32
      %dma_wait3A_872 = arith.constant 0 : i32
      %dma_wait3A_873 = tpu.memref_slice %arg19[%dma_wait3A_871, %dma_wait3A_872] : memref<10240x128xf32, #tpu.memory_space<vmem_shared>> -> memref<10240x128xf32, #tpu.memory_space<vmem_shared>>
      tpu.wait_indirect_dma semaphore(%arg21 : memref<!tpu.dma_semaphore, #tpu.memory_space<semaphore_mem>>) src(%arg18 : memref<128x128xf32, #tpu.memory_space<vmem>>) dst(%dma_wait3A_873 : memref<10240x128xf32, #tpu.memory_space<vmem_shared>>)
      %dma_wait3A_874 = arith.constant 0 : i32
      %dma_wait3A_875 = arith.constant 0 : i32
      %dma_wait3A_876 = tpu.memref_slice %arg19[%dma_wait3A_874, %dma_wait3A_875] : memref<10240x128xf32, #tpu.memory_space<vmem_shared>> -> memref<10240x128xf32, #tpu.memory_space<vmem_shared>>
      tpu.wait_indirect_dma semaphore(%arg22 : memref<!tpu.dma_semaphore, #tpu.memory_space<semaphore_mem>>) src(%arg18 : memref<128x128xf32, #tpu.memory_space<vmem>>) dst(%dma_wait3A_876 : memref<10240x128xf32, #tpu.memory_space<vmem_shared>>)
      %dma_wait3A_877 = arith.constant 0 : i32
      %dma_wait3A_878 = arith.constant 0 : i32
      %dma_wait3A_879 = tpu.memref_slice %arg19[%dma_wait3A_877, %dma_wait3A_878] : memref<10240x128xf32, #tpu.memory_space<vmem_shared>> -> memref<10240x128xf32, #tpu.memory_space<vmem_shared>>
      tpu.wait_indirect_dma semaphore(%arg23 : memref<!tpu.dma_semaphore, #tpu.memory_space<semaphore_mem>>) src(%arg18 : memref<128x128xf32, #tpu.memory_space<vmem>>) dst(%dma_wait3A_879 : memref<10240x128xf32, #tpu.memory_space<vmem_shared>>)
    }
    %scan3A_56 = arith.constant 6 : i32
    %lt3A = arith.constant 2 : i32
    %lt3A_57 = arith.cmpi slt, %arg1, %lt3A : i32
    %convert_element_type3A_58 = arith.extui %lt3A_57 : i1 to i32
    %cond3A_59 = arith.constant 0 : i32
    %cond3A_60 = arith.cmpi ne, %convert_element_type3A_58, %cond3A_59 : i32
    scf.if %cond3A_60 {
      %add3A_72 = arith.constant 78 : i32
      %add3A_73 = arith.addi %add3A_51, %add3A_72 : i32
      %mul3A_74 = arith.constant 128 : i32
      %mul3A_75 = arith.muli %add3A_73, %mul3A_74 : i32
      "tpu.region"() ({
        %run_scoped3A = tpu.sem_alloc : memref<!tpu.dma_semaphore, #tpu.memory_space<semaphore_mem>>
        %dma_start3A = tpu.memref_slice %arg3[%mul3A_75] : memref<320000xi32, #tpu.memory_space<hbm>> -> memref<128xi32, #tpu.memory_space<hbm>>
        %dma_start3A_76 = tpu.memref_slice %arg3[%mul3A_75] : memref<320000xi32, #tpu.memory_space<hbm>> -> memref<128xi32, #tpu.memory_space<hbm>>
        tpu.enqueue_dma source(%dma_start3A_76 : memref<128xi32, #tpu.memory_space<hbm>>) target(%arg12 : memref<128xi32, #tpu.memory_space<vmem>>) target_semaphore(%run_scoped3A : memref<!tpu.dma_semaphore, #tpu.memory_space<semaphore_mem>>)
        %dma_wait3A = tpu.memref_slice %arg3[%mul3A_75] : memref<320000xi32, #tpu.memory_space<hbm>> -> memref<128xi32, #tpu.memory_space<hbm>>
        %dma_wait3A_77 = tpu.memref_slice %arg3[%mul3A_75] : memref<320000xi32, #tpu.memory_space<hbm>> -> memref<128xi32, #tpu.memory_space<hbm>>
        tpu.wait_dma2 semaphore(%run_scoped3A : memref<!tpu.dma_semaphore, #tpu.memory_space<semaphore_mem>>) src(%dma_wait3A_77 : memref<128xi32, #tpu.memory_space<hbm>>) dst(%arg12 : memref<128xi32, #tpu.memory_space<vmem>>)
        tpu.yield
      }) : () -> ()
      "tpu.region"() ({
        %run_scoped3A = tpu.sem_alloc : memref<!tpu.dma_semaphore, #tpu.memory_space<semaphore_mem>>
        %dma_start3A = arith.constant 0 : i32
        %dma_start3A_76 = arith.constant 0 : i32
        %dma_start3A_77 = tpu.memref_slice %arg19[%dma_start3A, %dma_start3A_76] : memref<10240x128xf32, #tpu.memory_space<vmem_shared>> -> memref<10240x128xf32, #tpu.memory_space<vmem_shared>>
        tpu.enqueue_indirect_dma source(%arg18 : memref<128x128xf32, #tpu.memory_space<vmem>>) target(%dma_start3A_77 : memref<10240x128xf32, #tpu.memory_space<vmem_shared>>) offsets(%arg12 : memref<128xi32, #tpu.memory_space<vmem>>) semaphore(%run_scoped3A : memref<!tpu.dma_semaphore, #tpu.memory_space<semaphore_mem>>) {add = true}
        %dma_wait3A = arith.constant 0 : i32
        %dma_wait3A_78 = arith.constant 0 : i32
        %dma_wait3A_79 = tpu.memref_slice %arg19[%dma_wait3A, %dma_wait3A_78] : memref<10240x128xf32, #tpu.memory_space<vmem_shared>> -> memref<10240x128xf32, #tpu.memory_space<vmem_shared>>
        tpu.wait_indirect_dma semaphore(%run_scoped3A : memref<!tpu.dma_semaphore, #tpu.memory_space<semaphore_mem>>) src(%arg18 : memref<128x128xf32, #tpu.memory_space<vmem>>) dst(%dma_wait3A_79 : memref<10240x128xf32, #tpu.memory_space<vmem_shared>>)
        tpu.yield
      }) : () -> ()
    } else {
    }
    %barrier3A_61 = arith.constant 0 : index
    tpu.barrier barrier_id(%barrier3A_61)
    %add3A_62 = arith.constant 0 : i32
    %add3A_63 = arith.addi %mul3A_0, %add3A_62 : i32
    "tpu.region"() ({
      %run_scoped3A = tpu.sem_alloc : memref<!tpu.dma_semaphore, #tpu.memory_space<semaphore_mem>>
      %dma_start3A = arith.constant 0 : i32
      %dma_start3A_72 = tpu.memref_slice %arg19[%add3A_63, %dma_start3A] : memref<10240x128xf32, #tpu.memory_space<vmem_shared>> -> memref<128x128xf32, #tpu.memory_space<vmem_shared>>
      %dma_start3A_73 = arith.constant 0 : i32
      %dma_start3A_74 = tpu.memref_slice %arg19[%add3A_63, %dma_start3A_73] : memref<10240x128xf32, #tpu.memory_space<vmem_shared>> -> memref<128x128xf32, #tpu.memory_space<vmem_shared>>
      tpu.enqueue_dma source(%dma_start3A_74 : memref<128x128xf32, #tpu.memory_space<vmem_shared>>) target(%arg17 : memref<128x128xf32, #tpu.memory_space<vmem>>) target_semaphore(%run_scoped3A : memref<!tpu.dma_semaphore, #tpu.memory_space<semaphore_mem>>)
      %dma_wait3A = arith.constant 0 : i32
      %dma_wait3A_75 = tpu.memref_slice %arg19[%add3A_63, %dma_wait3A] : memref<10240x128xf32, #tpu.memory_space<vmem_shared>> -> memref<128x128xf32, #tpu.memory_space<vmem_shared>>
      %dma_wait3A_76 = arith.constant 0 : i32
      %dma_wait3A_77 = tpu.memref_slice %arg19[%add3A_63, %dma_wait3A_76] : memref<10240x128xf32, #tpu.memory_space<vmem_shared>> -> memref<128x128xf32, #tpu.memory_space<vmem_shared>>
      tpu.wait_dma2 semaphore(%run_scoped3A : memref<!tpu.dma_semaphore, #tpu.memory_space<semaphore_mem>>) src(%dma_wait3A_77 : memref<128x128xf32, #tpu.memory_space<vmem_shared>>) dst(%arg17 : memref<128x128xf32, #tpu.memory_space<vmem>>)
      tpu.yield
    }) : () -> ()
    "tpu.region"() ({
      %run_scoped3A = tpu.sem_alloc : memref<!tpu.dma_semaphore, #tpu.memory_space<semaphore_mem>>
      %dma_start3A = arith.constant 0 : i32
      %dma_start3A_72 = tpu.memref_slice %arg9[%arg0, %add3A_63, %dma_start3A] : memref<2x10240x128xf32, #tpu.memory_space<hbm>> -> memref<1x128x128xf32, #tpu.memory_space<hbm>>
      %dma_start3A_73 = tpu.memref_squeeze %dma_start3A_72 : memref<1x128x128xf32, #tpu.memory_space<hbm>> -> memref<128x128xf32, #tpu.memory_space<hbm>>
      %dma_start3A_74 = arith.constant 0 : i32
      %dma_start3A_75 = tpu.memref_slice %arg9[%arg0, %add3A_63, %dma_start3A_74] : memref<2x10240x128xf32, #tpu.memory_space<hbm>> -> memref<1x128x128xf32, #tpu.memory_space<hbm>>
      %dma_start3A_76 = tpu.memref_squeeze %dma_start3A_75 : memref<1x128x128xf32, #tpu.memory_space<hbm>> -> memref<128x128xf32, #tpu.memory_space<hbm>>
      tpu.enqueue_dma source(%arg17 : memref<128x128xf32, #tpu.memory_space<vmem>>) target(%dma_start3A_76 : memref<128x128xf32, #tpu.memory_space<hbm>>) target_semaphore(%run_scoped3A : memref<!tpu.dma_semaphore, #tpu.memory_space<semaphore_mem>>)
      %dma_wait3A = arith.constant 0 : i32
      %dma_wait3A_77 = tpu.memref_slice %arg9[%arg0, %add3A_63, %dma_wait3A] : memref<2x10240x128xf32, #tpu.memory_space<hbm>> -> memref<1x128x128xf32, #tpu.memory_space<hbm>>
      %dma_wait3A_78 = tpu.memref_squeeze %dma_wait3A_77 : memref<1x128x128xf32, #tpu.memory_space<hbm>> -> memref<128x128xf32, #tpu.memory_space<hbm>>
      %dma_wait3A_79 = arith.constant 0 : i32
      %dma_wait3A_80 = tpu.memref_slice %arg9[%arg0, %add3A_63, %dma_wait3A_79] : memref<2x10240x128xf32, #tpu.memory_space<hbm>> -> memref<1x128x128xf32, #tpu.memory_space<hbm>>
      %dma_wait3A_81 = tpu.memref_squeeze %dma_wait3A_80 : memref<1x128x128xf32, #tpu.memory_space<hbm>> -> memref<128x128xf32, #tpu.memory_space<hbm>>
      tpu.wait_dma2 semaphore(%run_scoped3A : memref<!tpu.dma_semaphore, #tpu.memory_space<semaphore_mem>>) src(%arg17 : memref<128x128xf32, #tpu.memory_space<vmem>>) dst(%dma_wait3A_81 : memref<128x128xf32, #tpu.memory_space<hbm>>)
      tpu.yield
    }) : () -> ()
    %add3A_64 = arith.constant 128 : i32
    %add3A_65 = arith.addi %mul3A_0, %add3A_64 : i32
    "tpu.region"() ({
      %run_scoped3A = tpu.sem_alloc : memref<!tpu.dma_semaphore, #tpu.memory_space<semaphore_mem>>
      %dma_start3A = arith.constant 0 : i32
      %dma_start3A_72 = tpu.memref_slice %arg19[%add3A_65, %dma_start3A] : memref<10240x128xf32, #tpu.memory_space<vmem_shared>> -> memref<128x128xf32, #tpu.memory_space<vmem_shared>>
      %dma_start3A_73 = arith.constant 0 : i32
      %dma_start3A_74 = tpu.memref_slice %arg19[%add3A_65, %dma_start3A_73] : memref<10240x128xf32, #tpu.memory_space<vmem_shared>> -> memref<128x128xf32, #tpu.memory_space<vmem_shared>>
      tpu.enqueue_dma source(%dma_start3A_74 : memref<128x128xf32, #tpu.memory_space<vmem_shared>>) target(%arg17 : memref<128x128xf32, #tpu.memory_space<vmem>>) target_semaphore(%run_scoped3A : memref<!tpu.dma_semaphore, #tpu.memory_space<semaphore_mem>>)
      %dma_wait3A = arith.constant 0 : i32
      %dma_wait3A_75 = tpu.memref_slice %arg19[%add3A_65, %dma_wait3A] : memref<10240x128xf32, #tpu.memory_space<vmem_shared>> -> memref<128x128xf32, #tpu.memory_space<vmem_shared>>
      %dma_wait3A_76 = arith.constant 0 : i32
      %dma_wait3A_77 = tpu.memref_slice %arg19[%add3A_65, %dma_wait3A_76] : memref<10240x128xf32, #tpu.memory_space<vmem_shared>> -> memref<128x128xf32, #tpu.memory_space<vmem_shared>>
      tpu.wait_dma2 semaphore(%run_scoped3A : memref<!tpu.dma_semaphore, #tpu.memory_space<semaphore_mem>>) src(%dma_wait3A_77 : memref<128x128xf32, #tpu.memory_space<vmem_shared>>) dst(%arg17 : memref<128x128xf32, #tpu.memory_space<vmem>>)
      tpu.yield
    }) : () -> ()
    "tpu.region"() ({
      %run_scoped3A = tpu.sem_alloc : memref<!tpu.dma_semaphore, #tpu.memory_space<semaphore_mem>>
      %dma_start3A = arith.constant 0 : i32
      %dma_start3A_72 = tpu.memref_slice %arg9[%arg0, %add3A_65, %dma_start3A] : memref<2x10240x128xf32, #tpu.memory_space<hbm>> -> memref<1x128x128xf32, #tpu.memory_space<hbm>>
      %dma_start3A_73 = tpu.memref_squeeze %dma_start3A_72 : memref<1x128x128xf32, #tpu.memory_space<hbm>> -> memref<128x128xf32, #tpu.memory_space<hbm>>
      %dma_start3A_74 = arith.constant 0 : i32
      %dma_start3A_75 = tpu.memref_slice %arg9[%arg0, %add3A_65, %dma_start3A_74] : memref<2x10240x128xf32, #tpu.memory_space<hbm>> -> memref<1x128x128xf32, #tpu.memory_space<hbm>>
      %dma_start3A_76 = tpu.memref_squeeze %dma_start3A_75 : memref<1x128x128xf32, #tpu.memory_space<hbm>> -> memref<128x128xf32, #tpu.memory_space<hbm>>
      tpu.enqueue_dma source(%arg17 : memref<128x128xf32, #tpu.memory_space<vmem>>) target(%dma_start3A_76 : memref<128x128xf32, #tpu.memory_space<hbm>>) target_semaphore(%run_scoped3A : memref<!tpu.dma_semaphore, #tpu.memory_space<semaphore_mem>>)
      %dma_wait3A = arith.constant 0 : i32
      %dma_wait3A_77 = tpu.memref_slice %arg9[%arg0, %add3A_65, %dma_wait3A] : memref<2x10240x128xf32, #tpu.memory_space<hbm>> -> memref<1x128x128xf32, #tpu.memory_space<hbm>>
      %dma_wait3A_78 = tpu.memref_squeeze %dma_wait3A_77 : memref<1x128x128xf32, #tpu.memory_space<hbm>> -> memref<128x128xf32, #tpu.memory_space<hbm>>
      %dma_wait3A_79 = arith.constant 0 : i32
      %dma_wait3A_80 = tpu.memref_slice %arg9[%arg0, %add3A_65, %dma_wait3A_79] : memref<2x10240x128xf32, #tpu.memory_space<hbm>> -> memref<1x128x128xf32, #tpu.memory_space<hbm>>
      %dma_wait3A_81 = tpu.memref_squeeze %dma_wait3A_80 : memref<1x128x128xf32, #tpu.memory_space<hbm>> -> memref<128x128xf32, #tpu.memory_space<hbm>>
      tpu.wait_dma2 semaphore(%run_scoped3A : memref<!tpu.dma_semaphore, #tpu.memory_space<semaphore_mem>>) src(%arg17 : memref<128x128xf32, #tpu.memory_space<vmem>>) dst(%dma_wait3A_81 : memref<128x128xf32, #tpu.memory_space<hbm>>)
      tpu.yield
    }) : () -> ()
    %add3A_66 = arith.constant 256 : i32
    %add3A_67 = arith.addi %mul3A_0, %add3A_66 : i32
    "tpu.region"() ({
      %run_scoped3A = tpu.sem_alloc : memref<!tpu.dma_semaphore, #tpu.memory_space<semaphore_mem>>
      %dma_start3A = arith.constant 0 : i32
      %dma_start3A_72 = tpu.memref_slice %arg19[%add3A_67, %dma_start3A] : memref<10240x128xf32, #tpu.memory_space<vmem_shared>> -> memref<128x128xf32, #tpu.memory_space<vmem_shared>>
      %dma_start3A_73 = arith.constant 0 : i32
      %dma_start3A_74 = tpu.memref_slice %arg19[%add3A_67, %dma_start3A_73] : memref<10240x128xf32, #tpu.memory_space<vmem_shared>> -> memref<128x128xf32, #tpu.memory_space<vmem_shared>>
      tpu.enqueue_dma source(%dma_start3A_74 : memref<128x128xf32, #tpu.memory_space<vmem_shared>>) target(%arg17 : memref<128x128xf32, #tpu.memory_space<vmem>>) target_semaphore(%run_scoped3A : memref<!tpu.dma_semaphore, #tpu.memory_space<semaphore_mem>>)
      %dma_wait3A = arith.constant 0 : i32
      %dma_wait3A_75 = tpu.memref_slice %arg19[%add3A_67, %dma_wait3A] : memref<10240x128xf32, #tpu.memory_space<vmem_shared>> -> memref<128x128xf32, #tpu.memory_space<vmem_shared>>
      %dma_wait3A_76 = arith.constant 0 : i32
      %dma_wait3A_77 = tpu.memref_slice %arg19[%add3A_67, %dma_wait3A_76] : memref<10240x128xf32, #tpu.memory_space<vmem_shared>> -> memref<128x128xf32, #tpu.memory_space<vmem_shared>>
      tpu.wait_dma2 semaphore(%run_scoped3A : memref<!tpu.dma_semaphore, #tpu.memory_space<semaphore_mem>>) src(%dma_wait3A_77 : memref<128x128xf32, #tpu.memory_space<vmem_shared>>) dst(%arg17 : memref<128x128xf32, #tpu.memory_space<vmem>>)
      tpu.yield
    }) : () -> ()
    "tpu.region"() ({
      %run_scoped3A = tpu.sem_alloc : memref<!tpu.dma_semaphore, #tpu.memory_space<semaphore_mem>>
      %dma_start3A = arith.constant 0 : i32
      %dma_start3A_72 = tpu.memref_slice %arg9[%arg0, %add3A_67, %dma_start3A] : memref<2x10240x128xf32, #tpu.memory_space<hbm>> -> memref<1x128x128xf32, #tpu.memory_space<hbm>>
      %dma_start3A_73 = tpu.memref_squeeze %dma_start3A_72 : memref<1x128x128xf32, #tpu.memory_space<hbm>> -> memref<128x128xf32, #tpu.memory_space<hbm>>
      %dma_start3A_74 = arith.constant 0 : i32
      %dma_start3A_75 = tpu.memref_slice %arg9[%arg0, %add3A_67, %dma_start3A_74] : memref<2x10240x128xf32, #tpu.memory_space<hbm>> -> memref<1x128x128xf32, #tpu.memory_space<hbm>>
      %dma_start3A_76 = tpu.memref_squeeze %dma_start3A_75 : memref<1x128x128xf32, #tpu.memory_space<hbm>> -> memref<128x128xf32, #tpu.memory_space<hbm>>
      tpu.enqueue_dma source(%arg17 : memref<128x128xf32, #tpu.memory_space<vmem>>) target(%dma_start3A_76 : memref<128x128xf32, #tpu.memory_space<hbm>>) target_semaphore(%run_scoped3A : memref<!tpu.dma_semaphore, #tpu.memory_space<semaphore_mem>>)
      %dma_wait3A = arith.constant 0 : i32
      %dma_wait3A_77 = tpu.memref_slice %arg9[%arg0, %add3A_67, %dma_wait3A] : memref<2x10240x128xf32, #tpu.memory_space<hbm>> -> memref<1x128x128xf32, #tpu.memory_space<hbm>>
      %dma_wait3A_78 = tpu.memref_squeeze %dma_wait3A_77 : memref<1x128x128xf32, #tpu.memory_space<hbm>> -> memref<128x128xf32, #tpu.memory_space<hbm>>
      %dma_wait3A_79 = arith.constant 0 : i32
      %dma_wait3A_80 = tpu.memref_slice %arg9[%arg0, %add3A_67, %dma_wait3A_79] : memref<2x10240x128xf32, #tpu.memory_space<hbm>> -> memref<1x128x128xf32, #tpu.memory_space<hbm>>
      %dma_wait3A_81 = tpu.memref_squeeze %dma_wait3A_80 : memref<1x128x128xf32, #tpu.memory_space<hbm>> -> memref<128x128xf32, #tpu.memory_space<hbm>>
      tpu.wait_dma2 semaphore(%run_scoped3A : memref<!tpu.dma_semaphore, #tpu.memory_space<semaphore_mem>>) src(%arg17 : memref<128x128xf32, #tpu.memory_space<vmem>>) dst(%dma_wait3A_81 : memref<128x128xf32, #tpu.memory_space<hbm>>)
      tpu.yield
    }) : () -> ()
    %add3A_68 = arith.constant 384 : i32
    %add3A_69 = arith.addi %mul3A_0, %add3A_68 : i32
    "tpu.region"() ({
      %run_scoped3A = tpu.sem_alloc : memref<!tpu.dma_semaphore, #tpu.memory_space<semaphore_mem>>
      %dma_start3A = arith.constant 0 : i32
      %dma_start3A_72 = tpu.memref_slice %arg19[%add3A_69, %dma_start3A] : memref<10240x128xf32, #tpu.memory_space<vmem_shared>> -> memref<128x128xf32, #tpu.memory_space<vmem_shared>>
      %dma_start3A_73 = arith.constant 0 : i32
      %dma_start3A_74 = tpu.memref_slice %arg19[%add3A_69, %dma_start3A_73] : memref<10240x128xf32, #tpu.memory_space<vmem_shared>> -> memref<128x128xf32, #tpu.memory_space<vmem_shared>>
      tpu.enqueue_dma source(%dma_start3A_74 : memref<128x128xf32, #tpu.memory_space<vmem_shared>>) target(%arg17 : memref<128x128xf32, #tpu.memory_space<vmem>>) target_semaphore(%run_scoped3A : memref<!tpu.dma_semaphore, #tpu.memory_space<semaphore_mem>>)
      %dma_wait3A = arith.constant 0 : i32
      %dma_wait3A_75 = tpu.memref_slice %arg19[%add3A_69, %dma_wait3A] : memref<10240x128xf32, #tpu.memory_space<vmem_shared>> -> memref<128x128xf32, #tpu.memory_space<vmem_shared>>
      %dma_wait3A_76 = arith.constant 0 : i32
      %dma_wait3A_77 = tpu.memref_slice %arg19[%add3A_69, %dma_wait3A_76] : memref<10240x128xf32, #tpu.memory_space<vmem_shared>> -> memref<128x128xf32, #tpu.memory_space<vmem_shared>>
      tpu.wait_dma2 semaphore(%run_scoped3A : memref<!tpu.dma_semaphore, #tpu.memory_space<semaphore_mem>>) src(%dma_wait3A_77 : memref<128x128xf32, #tpu.memory_space<vmem_shared>>) dst(%arg17 : memref<128x128xf32, #tpu.memory_space<vmem>>)
      tpu.yield
    }) : () -> ()
    "tpu.region"() ({
      %run_scoped3A = tpu.sem_alloc : memref<!tpu.dma_semaphore, #tpu.memory_space<semaphore_mem>>
      %dma_start3A = arith.constant 0 : i32
      %dma_start3A_72 = tpu.memref_slice %arg9[%arg0, %add3A_69, %dma_start3A] : memref<2x10240x128xf32, #tpu.memory_space<hbm>> -> memref<1x128x128xf32, #tpu.memory_space<hbm>>
      %dma_start3A_73 = tpu.memref_squeeze %dma_start3A_72 : memref<1x128x128xf32, #tpu.memory_space<hbm>> -> memref<128x128xf32, #tpu.memory_space<hbm>>
      %dma_start3A_74 = arith.constant 0 : i32
      %dma_start3A_75 = tpu.memref_slice %arg9[%arg0, %add3A_69, %dma_start3A_74] : memref<2x10240x128xf32, #tpu.memory_space<hbm>> -> memref<1x128x128xf32, #tpu.memory_space<hbm>>
      %dma_start3A_76 = tpu.memref_squeeze %dma_start3A_75 : memref<1x128x128xf32, #tpu.memory_space<hbm>> -> memref<128x128xf32, #tpu.memory_space<hbm>>
      tpu.enqueue_dma source(%arg17 : memref<128x128xf32, #tpu.memory_space<vmem>>) target(%dma_start3A_76 : memref<128x128xf32, #tpu.memory_space<hbm>>) target_semaphore(%run_scoped3A : memref<!tpu.dma_semaphore, #tpu.memory_space<semaphore_mem>>)
      %dma_wait3A = arith.constant 0 : i32
      %dma_wait3A_77 = tpu.memref_slice %arg9[%arg0, %add3A_69, %dma_wait3A] : memref<2x10240x128xf32, #tpu.memory_space<hbm>> -> memref<1x128x128xf32, #tpu.memory_space<hbm>>
      %dma_wait3A_78 = tpu.memref_squeeze %dma_wait3A_77 : memref<1x128x128xf32, #tpu.memory_space<hbm>> -> memref<128x128xf32, #tpu.memory_space<hbm>>
      %dma_wait3A_79 = arith.constant 0 : i32
      %dma_wait3A_80 = tpu.memref_slice %arg9[%arg0, %add3A_69, %dma_wait3A_79] : memref<2x10240x128xf32, #tpu.memory_space<hbm>> -> memref<1x128x128xf32, #tpu.memory_space<hbm>>
      %dma_wait3A_81 = tpu.memref_squeeze %dma_wait3A_80 : memref<1x128x128xf32, #tpu.memory_space<hbm>> -> memref<128x128xf32, #tpu.memory_space<hbm>>
      tpu.wait_dma2 semaphore(%run_scoped3A : memref<!tpu.dma_semaphore, #tpu.memory_space<semaphore_mem>>) src(%arg17 : memref<128x128xf32, #tpu.memory_space<vmem>>) dst(%dma_wait3A_81 : memref<128x128xf32, #tpu.memory_space<hbm>>)
      tpu.yield
    }) : () -> ()
    %add3A_70 = arith.constant 512 : i32
    %add3A_71 = arith.addi %mul3A_0, %add3A_70 : i32
    "tpu.region"() ({
      %run_scoped3A = tpu.sem_alloc : memref<!tpu.dma_semaphore, #tpu.memory_space<semaphore_mem>>
      %dma_start3A = arith.constant 0 : i32
      %dma_start3A_72 = tpu.memref_slice %arg19[%add3A_71, %dma_start3A] : memref<10240x128xf32, #tpu.memory_space<vmem_shared>> -> memref<128x128xf32, #tpu.memory_space<vmem_shared>>
      %dma_start3A_73 = arith.constant 0 : i32
      %dma_start3A_74 = tpu.memref_slice %arg19[%add3A_71, %dma_start3A_73] : memref<10240x128xf32, #tpu.memory_space<vmem_shared>> -> memref<128x128xf32, #tpu.memory_space<vmem_shared>>
      tpu.enqueue_dma source(%dma_start3A_74 : memref<128x128xf32, #tpu.memory_space<vmem_shared>>) target(%arg17 : memref<128x128xf32, #tpu.memory_space<vmem>>) target_semaphore(%run_scoped3A : memref<!tpu.dma_semaphore, #tpu.memory_space<semaphore_mem>>)
      %dma_wait3A = arith.constant 0 : i32
      %dma_wait3A_75 = tpu.memref_slice %arg19[%add3A_71, %dma_wait3A] : memref<10240x128xf32, #tpu.memory_space<vmem_shared>> -> memref<128x128xf32, #tpu.memory_space<vmem_shared>>
      %dma_wait3A_76 = arith.constant 0 : i32
      %dma_wait3A_77 = tpu.memref_slice %arg19[%add3A_71, %dma_wait3A_76] : memref<10240x128xf32, #tpu.memory_space<vmem_shared>> -> memref<128x128xf32, #tpu.memory_space<vmem_shared>>
      tpu.wait_dma2 semaphore(%run_scoped3A : memref<!tpu.dma_semaphore, #tpu.memory_space<semaphore_mem>>) src(%dma_wait3A_77 : memref<128x128xf32, #tpu.memory_space<vmem_shared>>) dst(%arg17 : memref<128x128xf32, #tpu.memory_space<vmem>>)
      tpu.yield
    }) : () -> ()
    "tpu.region"() ({
      %run_scoped3A = tpu.sem_alloc : memref<!tpu.dma_semaphore, #tpu.memory_space<semaphore_mem>>
      %dma_start3A = arith.constant 0 : i32
      %dma_start3A_72 = tpu.memref_slice %arg9[%arg0, %add3A_71, %dma_start3A] : memref<2x10240x128xf32, #tpu.memory_space<hbm>> -> memref<1x128x128xf32, #tpu.memory_space<hbm>>
      %dma_start3A_73 = tpu.memref_squeeze %dma_start3A_72 : memref<1x128x128xf32, #tpu.memory_space<hbm>> -> memref<128x128xf32, #tpu.memory_space<hbm>>
      %dma_start3A_74 = arith.constant 0 : i32
      %dma_start3A_75 = tpu.memref_slice %arg9[%arg0, %add3A_71, %dma_start3A_74] : memref<2x10240x128xf32, #tpu.memory_space<hbm>> -> memref<1x128x128xf32, #tpu.memory_space<hbm>>
      %dma_start3A_76 = tpu.memref_squeeze %dma_start3A_75 : memref<1x128x128xf32, #tpu.memory_space<hbm>> -> memref<128x128xf32, #tpu.memory_space<hbm>>
      tpu.enqueue_dma source(%arg17 : memref<128x128xf32, #tpu.memory_space<vmem>>) target(%dma_start3A_76 : memref<128x128xf32, #tpu.memory_space<hbm>>) target_semaphore(%run_scoped3A : memref<!tpu.dma_semaphore, #tpu.memory_space<semaphore_mem>>)
      %dma_wait3A = arith.constant 0 : i32
      %dma_wait3A_77 = tpu.memref_slice %arg9[%arg0, %add3A_71, %dma_wait3A] : memref<2x10240x128xf32, #tpu.memory_space<hbm>> -> memref<1x128x128xf32, #tpu.memory_space<hbm>>
      %dma_wait3A_78 = tpu.memref_squeeze %dma_wait3A_77 : memref<1x128x128xf32, #tpu.memory_space<hbm>> -> memref<128x128xf32, #tpu.memory_space<hbm>>
      %dma_wait3A_79 = arith.constant 0 : i32
      %dma_wait3A_80 = tpu.memref_slice %arg9[%arg0, %add3A_71, %dma_wait3A_79] : memref<2x10240x128xf32, #tpu.memory_space<hbm>> -> memref<1x128x128xf32, #tpu.memory_space<hbm>>
      %dma_wait3A_81 = tpu.memref_squeeze %dma_wait3A_80 : memref<1x128x128xf32, #tpu.memory_space<hbm>> -> memref<128x128xf32, #tpu.memory_space<hbm>>
      tpu.wait_dma2 semaphore(%run_scoped3A : memref<!tpu.dma_semaphore, #tpu.memory_space<semaphore_mem>>) src(%arg17 : memref<128x128xf32, #tpu.memory_space<vmem>>) dst(%dma_wait3A_81 : memref<128x128xf32, #tpu.memory_space<hbm>>)
      tpu.yield
    }) : () -> ()
    return
  }
}

module attributes {stable_mosaic.version = 14 : i64} {
  func.func @_prep_body(%arg0: i32, %arg1: memref<1000x128xf32, #tpu.memory_space<vmem>>, %arg2: memref<1000x1xf32, #tpu.memory_space<vmem>>, %arg3: memref<128x128xf32, #tpu.memory_space<vmem>>, %arg4: memref<1x128xf32, #tpu.memory_space<vmem>>, %arg5: memref<128x128xf32, #tpu.memory_space<vmem>>, %arg6: memref<1x128xf32, #tpu.memory_space<vmem>>, %arg7: memref<1x128xf32, #tpu.memory_space<vmem>>, %arg8: memref<4x128x128xf32, #tpu.memory_space<vmem>>, %arg9: memref<128x128xf32, #tpu.memory_space<vmem>>, %arg10: memref<1x128xf32, #tpu.memory_space<vmem>>, %arg11: memref<2x128x128xf32, #tpu.memory_space<vmem>>, %arg12: memref<1000x128xf32, #tpu.memory_space<vmem>>, %arg13: memref<1000x128xf32, #tpu.memory_space<vmem>>, %arg14: memref<1000x128xf32, #tpu.memory_space<vmem>>) attributes {dimension_semantics = [#tpu.dimension_semantics<arbitrary>], iteration_bounds = array<i64: 10>, scalar_prefetch = 0 : i64, scratch_operands = 0 : i64, tpu.core_type = #tpu.core_type<tc>, window_params = [{transform_indices = @transform_0, window_bounds = array<i64: 1000, 128>}, {transform_indices = @transform_1, window_bounds = array<i64: 1000, 1>}, {pipeline_mode = #tpu.pipeline_mode<synchronous>, transform_indices = @transform_2, window_bounds = array<i64: 128, 128>}, {pipeline_mode = #tpu.pipeline_mode<synchronous>, transform_indices = @transform_3, window_bounds = array<i64: 1, 128>}, {pipeline_mode = #tpu.pipeline_mode<synchronous>, transform_indices = @transform_4, window_bounds = array<i64: 128, 128>}, {pipeline_mode = #tpu.pipeline_mode<synchronous>, transform_indices = @transform_5, window_bounds = array<i64: 1, 128>}, {pipeline_mode = #tpu.pipeline_mode<synchronous>, transform_indices = @transform_6, window_bounds = array<i64: 1, 128>}, {pipeline_mode = #tpu.pipeline_mode<synchronous>, transform_indices = @transform_7, window_bounds = array<i64: 4, 128, 128>}, {pipeline_mode = #tpu.pipeline_mode<synchronous>, transform_indices = @transform_8, window_bounds = array<i64: 128, 128>}, {pipeline_mode = #tpu.pipeline_mode<synchronous>, transform_indices = @transform_9, window_bounds = array<i64: 1, 128>}, {pipeline_mode = #tpu.pipeline_mode<synchronous>, transform_indices = @transform_10, window_bounds = array<i64: 2, 128, 128>}, {transform_indices = @transform_11, window_bounds = array<i64: 1000, 128>}, {transform_indices = @transform_12, window_bounds = array<i64: 1000, 128>}, {transform_indices = @transform_13, window_bounds = array<i64: 1000, 128>}]} {
    %get3A = arith.constant 0 : index
    %get3A_0 = arith.constant 0 : index
    %get3A_1 = vector.load %arg1[%get3A, %get3A_0] : memref<1000x128xf32, #tpu.memory_space<vmem>>, vector<1000x128xf32>
    %get3A_2 = arith.constant 0 : index
    %get3A_3 = arith.constant 0 : index
    %get3A_4 = vector.load %arg3[%get3A_2, %get3A_3] : memref<128x128xf32, #tpu.memory_space<vmem>>, vector<128x128xf32>
    %dot_general3A = arith.constant dense<0.000000e+00> : vector<1000x128xf32>
    %dot_general3A_5 = tpu.matmul %get3A_1, %get3A_4, %dot_general3A {dimension_numbers = #tpu.dot_dimension_numbers<[1], [0], [0], [1], [0, 0, 1, 1], [], []>, transpose_lhs_hint = false} : vector<1000x128xf32>, vector<128x128xf32>, vector<1000x128xf32> -> vector<1000x128xf32>
    %get3A_6 = arith.constant 0 : index
    %get3A_7 = arith.constant 0 : index
    %get3A_8 = vector.load %arg4[%get3A_6, %get3A_7] : memref<1x128xf32, #tpu.memory_space<vmem>>, vector<1x128xf32>
    %add3A = vector.broadcast %get3A_8 : vector<1x128xf32> to vector<1000x128xf32>
    %add3A_9 = arith.addf %dot_general3A_5, %add3A : vector<1000x128xf32>
    %get3A_10 = arith.constant 0 : index
    %get3A_11 = arith.constant 0 : index
    %get3A_12 = vector.load %arg5[%get3A_10, %get3A_11] : memref<128x128xf32, #tpu.memory_space<vmem>>, vector<128x128xf32>
    %dot_general3A_13 = arith.constant dense<0.000000e+00> : vector<1000x128xf32>
    %dot_general3A_14 = tpu.matmul %add3A_9, %get3A_12, %dot_general3A_13 {dimension_numbers = #tpu.dot_dimension_numbers<[1], [0], [0], [1], [0, 0, 1, 1], [], []>, transpose_lhs_hint = false} : vector<1000x128xf32>, vector<128x128xf32>, vector<1000x128xf32> -> vector<1000x128xf32>
    %get3A_15 = arith.constant 0 : index
    %get3A_16 = arith.constant 0 : index
    %get3A_17 = vector.load %arg6[%get3A_15, %get3A_16] : memref<1x128xf32, #tpu.memory_space<vmem>>, vector<1x128xf32>
    %mul3A = vector.broadcast %get3A_17 : vector<1x128xf32> to vector<1000x128xf32>
    %mul3A_18 = arith.mulf %dot_general3A_14, %mul3A : vector<1000x128xf32>
    %get3A_19 = arith.constant 0 : index
    %get3A_20 = arith.constant 0 : index
    %get3A_21 = vector.load %arg7[%get3A_19, %get3A_20] : memref<1x128xf32, #tpu.memory_space<vmem>>, vector<1x128xf32>
    %add3A_22 = vector.broadcast %get3A_21 : vector<1x128xf32> to vector<1000x128xf32>
    %add3A_23 = arith.addf %mul3A_18, %add3A_22 : vector<1000x128xf32>
    %max3A = arith.constant 0.000000e+00 : f32
    %max3A_24 = vector.broadcast %max3A : f32 to vector<1000x128xf32>
    %max3A_25 = arith.maximumf %add3A_23, %max3A_24 : vector<1000x128xf32>
    %get3A_26 = arith.constant 0 : index
    %get3A_27 = arith.constant 0 : index
    %get3A_28 = vector.load %arg2[%get3A_26, %get3A_27] : memref<1000x1xf32, #tpu.memory_space<vmem>>, vector<1000x1xf32>
    %eq3A = arith.constant 0.000000e+00 : f32
    %eq3A_29 = vector.broadcast %eq3A : f32 to vector<1000x1xf32>
    %eq3A_30 = arith.cmpf oeq, %get3A_28, %eq3A_29 : vector<1000x1xf32>
    %get3A_31 = arith.constant 0 : index
    %get3A_32 = arith.constant 0 : index
    %get3A_33 = arith.constant 0 : index
    %get3A_34 = vector.load %arg8[%get3A_31, %get3A_32, %get3A_33] : memref<4x128x128xf32, #tpu.memory_space<vmem>>, vector<1x128x128xf32>
    %get3A_35 = vector.shape_cast %get3A_34 : vector<1x128x128xf32> to vector<128x128xf32>
    %dot_general3A_36 = arith.constant dense<0.000000e+00> : vector<1000x128xf32>
    %dot_general3A_37 = tpu.matmul %max3A_25, %get3A_35, %dot_general3A_36 {dimension_numbers = #tpu.dot_dimension_numbers<[1], [0], [0], [1], [0, 0, 1, 1], [], []>, transpose_lhs_hint = false} : vector<1000x128xf32>, vector<128x128xf32>, vector<1000x128xf32> -> vector<1000x128xf32>
    %get3A_38 = arith.constant 1 : index
    %get3A_39 = arith.constant 0 : index
    %get3A_40 = arith.constant 0 : index
    %get3A_41 = vector.load %arg8[%get3A_38, %get3A_39, %get3A_40] : memref<4x128x128xf32, #tpu.memory_space<vmem>>, vector<1x128x128xf32>
    %get3A_42 = vector.shape_cast %get3A_41 : vector<1x128x128xf32> to vector<128x128xf32>
    %dot_general3A_43 = arith.constant dense<0.000000e+00> : vector<1000x128xf32>
    %dot_general3A_44 = tpu.matmul %max3A_25, %get3A_42, %dot_general3A_43 {dimension_numbers = #tpu.dot_dimension_numbers<[1], [0], [0], [1], [0, 0, 1, 1], [], []>, transpose_lhs_hint = false} : vector<1000x128xf32>, vector<128x128xf32>, vector<1000x128xf32> -> vector<1000x128xf32>
    %get3A_45 = arith.constant 2 : index
    %get3A_46 = arith.constant 0 : index
    %get3A_47 = arith.constant 0 : index
    %get3A_48 = vector.load %arg8[%get3A_45, %get3A_46, %get3A_47] : memref<4x128x128xf32, #tpu.memory_space<vmem>>, vector<1x128x128xf32>
    %get3A_49 = vector.shape_cast %get3A_48 : vector<1x128x128xf32> to vector<128x128xf32>
    %dot_general3A_50 = arith.constant dense<0.000000e+00> : vector<1000x128xf32>
    %dot_general3A_51 = tpu.matmul %max3A_25, %get3A_49, %dot_general3A_50 {dimension_numbers = #tpu.dot_dimension_numbers<[1], [0], [0], [1], [0, 0, 1, 1], [], []>, transpose_lhs_hint = false} : vector<1000x128xf32>, vector<128x128xf32>, vector<1000x128xf32> -> vector<1000x128xf32>
    %get3A_52 = arith.constant 3 : index
    %get3A_53 = arith.constant 0 : index
    %get3A_54 = arith.constant 0 : index
    %get3A_55 = vector.load %arg8[%get3A_52, %get3A_53, %get3A_54] : memref<4x128x128xf32, #tpu.memory_space<vmem>>, vector<1x128x128xf32>
    %get3A_56 = vector.shape_cast %get3A_55 : vector<1x128x128xf32> to vector<128x128xf32>
    %dot_general3A_57 = arith.constant dense<0.000000e+00> : vector<1000x128xf32>
    %dot_general3A_58 = tpu.matmul %max3A_25, %get3A_56, %dot_general3A_57 {dimension_numbers = #tpu.dot_dimension_numbers<[1], [0], [0], [1], [0, 0, 1, 1], [], []>, transpose_lhs_hint = false} : vector<1000x128xf32>, vector<128x128xf32>, vector<1000x128xf32> -> vector<1000x128xf32>
    %broadcast_in_dim3A = vector.shape_cast %eq3A_30 : vector<1000x1xi1> to vector<1000x1xi1>
    %broadcast_in_dim3A_59 = vector.broadcast %broadcast_in_dim3A : vector<1000x1xi1> to vector<1000x128xi1>
    %select_n3A = arith.select %broadcast_in_dim3A_59, %dot_general3A_37, %dot_general3A_51 : vector<1000x128xi1>, vector<1000x128xf32>
    %swap3A = arith.constant 0 : index
    %swap3A_60 = arith.constant 0 : index
    %swap3A_61 = vector.load %arg12[%swap3A, %swap3A_60] : memref<1000x128xf32, #tpu.memory_space<vmem>>, vector<1000x128xf32>
    tpu.vector_store %arg12[%swap3A, %swap3A_60], %select_n3A {strides = array<i32>} : memref<1000x128xf32, #tpu.memory_space<vmem>>, vector<1000x128xf32>,
    %broadcast_in_dim3A_62 = vector.shape_cast %eq3A_30 : vector<1000x1xi1> to vector<1000x1xi1>
    %broadcast_in_dim3A_63 = vector.broadcast %broadcast_in_dim3A_62 : vector<1000x1xi1> to vector<1000x128xi1>
    %select_n3A_64 = arith.select %broadcast_in_dim3A_63, %dot_general3A_44, %dot_general3A_58 : vector<1000x128xi1>, vector<1000x128xf32>
    %swap3A_65 = arith.constant 0 : index
    %swap3A_66 = arith.constant 0 : index
    %swap3A_67 = vector.load %arg13[%swap3A_65, %swap3A_66] : memref<1000x128xf32, #tpu.memory_space<vmem>>, vector<1000x128xf32>
    tpu.vector_store %arg13[%swap3A_65, %swap3A_66], %select_n3A_64 {strides = array<i32>} : memref<1000x128xf32, #tpu.memory_space<vmem>>, vector<1000x128xf32>,
    %get3A_68 = arith.constant 0 : index
    %get3A_69 = arith.constant 0 : index
    %get3A_70 = vector.load %arg9[%get3A_68, %get3A_69] : memref<128x128xf32, #tpu.memory_space<vmem>>, vector<128x128xf32>
    %dot_general3A_71 = arith.constant dense<0.000000e+00> : vector<1000x128xf32>
    %dot_general3A_72 = tpu.matmul %get3A_1, %get3A_70, %dot_general3A_71 {dimension_numbers = #tpu.dot_dimension_numbers<[1], [0], [0], [1], [0, 0, 1, 1], [], []>, transpose_lhs_hint = false} : vector<1000x128xf32>, vector<128x128xf32>, vector<1000x128xf32> -> vector<1000x128xf32>
    %get3A_73 = arith.constant 0 : index
    %get3A_74 = arith.constant 0 : index
    %get3A_75 = vector.load %arg10[%get3A_73, %get3A_74] : memref<1x128xf32, #tpu.memory_space<vmem>>, vector<1x128xf32>
    %add3A_76 = vector.broadcast %get3A_75 : vector<1x128xf32> to vector<1000x128xf32>
    %add3A_77 = arith.addf %dot_general3A_72, %add3A_76 : vector<1000x128xf32>
    %get3A_78 = arith.constant 0 : index
    %get3A_79 = arith.constant 0 : index
    %get3A_80 = arith.constant 0 : index
    %get3A_81 = vector.load %arg11[%get3A_78, %get3A_79, %get3A_80] : memref<2x128x128xf32, #tpu.memory_space<vmem>>, vector<1x128x128xf32>
    %get3A_82 = vector.shape_cast %get3A_81 : vector<1x128x128xf32> to vector<128x128xf32>
    %dot_general3A_83 = arith.constant dense<0.000000e+00> : vector<1000x128xf32>
    %dot_general3A_84 = tpu.matmul %add3A_77, %get3A_82, %dot_general3A_83 {dimension_numbers = #tpu.dot_dimension_numbers<[1], [0], [0], [1], [0, 0, 1, 1], [], []>, transpose_lhs_hint = false} : vector<1000x128xf32>, vector<128x128xf32>, vector<1000x128xf32> -> vector<1000x128xf32>
    %get3A_85 = arith.constant 1 : index
    %get3A_86 = arith.constant 0 : index
    %get3A_87 = arith.constant 0 : index
    %get3A_88 = vector.load %arg11[%get3A_85, %get3A_86, %get3A_87] : memref<2x128x128xf32, #tpu.memory_space<vmem>>, vector<1x128x128xf32>
    %get3A_89 = vector.shape_cast %get3A_88 : vector<1x128x128xf32> to vector<128x128xf32>
    %dot_general3A_90 = arith.constant dense<0.000000e+00> : vector<1000x128xf32>
    %dot_general3A_91 = tpu.matmul %add3A_77, %get3A_89, %dot_general3A_90 {dimension_numbers = #tpu.dot_dimension_numbers<[1], [0], [0], [1], [0, 0, 1, 1], [], []>, transpose_lhs_hint = false} : vector<1000x128xf32>, vector<128x128xf32>, vector<1000x128xf32> -> vector<1000x128xf32>
    %broadcast_in_dim3A_92 = vector.shape_cast %eq3A_30 : vector<1000x1xi1> to vector<1000x1xi1>
    %broadcast_in_dim3A_93 = vector.broadcast %broadcast_in_dim3A_92 : vector<1000x1xi1> to vector<1000x128xi1>
    %select_n3A_94 = arith.select %broadcast_in_dim3A_93, %dot_general3A_84, %dot_general3A_91 : vector<1000x128xi1>, vector<1000x128xf32>
    %swap3A_95 = arith.constant 0 : index
    %swap3A_96 = arith.constant 0 : index
    %swap3A_97 = vector.load %arg14[%swap3A_95, %swap3A_96] : memref<1000x128xf32, #tpu.memory_space<vmem>>, vector<1000x128xf32>
    tpu.vector_store %arg14[%swap3A_95, %swap3A_96], %select_n3A_94 {strides = array<i32>} : memref<1000x128xf32, #tpu.memory_space<vmem>>, vector<1000x128xf32>,
    return
  }
  func.func @transform_0(%arg0: i32) -> (i32, i32) {
    %c0_i32 = arith.constant 0 : i32
    %c0_i32_0 = arith.constant 0 : i32
    return %arg0, %c0_i32 : i32, i32
  }
  func.func @transform_1(%arg0: i32) -> (i32, i32) {
    %c0_i32 = arith.constant 0 : i32
    %c0_i32_0 = arith.constant 0 : i32
    return %arg0, %c0_i32 : i32, i32
  }
  func.func @transform_2(%arg0: i32) -> (i32, i32) {
    %c0_i32 = arith.constant 0 : i32
    %c0_i32_0 = arith.constant 0 : i32
    %c0_i32_1 = arith.constant 0 : i32
    return %c0_i32, %c0_i32_0 : i32, i32
  }
  func.func @transform_3(%arg0: i32) -> (i32, i32) {
    %c0_i32 = arith.constant 0 : i32
    %c0_i32_0 = arith.constant 0 : i32
    %c0_i32_1 = arith.constant 0 : i32
    return %c0_i32, %c0_i32_0 : i32, i32
  }
  func.func @transform_4(%arg0: i32) -> (i32, i32) {
    %c0_i32 = arith.constant 0 : i32
    %c0_i32_0 = arith.constant 0 : i32
    %c0_i32_1 = arith.constant 0 : i32
    return %c0_i32, %c0_i32_0 : i32, i32
  }
  func.func @transform_5(%arg0: i32) -> (i32, i32) {
    %c0_i32 = arith.constant 0 : i32
    %c0_i32_0 = arith.constant 0 : i32
    %c0_i32_1 = arith.constant 0 : i32
    return %c0_i32, %c0_i32_0 : i32, i32
  }
  func.func @transform_6(%arg0: i32) -> (i32, i32) {
    %c0_i32 = arith.constant 0 : i32
    %c0_i32_0 = arith.constant 0 : i32
    %c0_i32_1 = arith.constant 0 : i32
    return %c0_i32, %c0_i32_0 : i32, i32
  }
  func.func @transform_7(%arg0: i32) -> (i32, i32, i32) {
    %c0_i32 = arith.constant 0 : i32
    %c0_i32_0 = arith.constant 0 : i32
    %c0_i32_1 = arith.constant 0 : i32
    %c0_i32_2 = arith.constant 0 : i32
    return %c0_i32, %c0_i32_0, %c0_i32_1 : i32, i32, i32
  }
  func.func @transform_8(%arg0: i32) -> (i32, i32) {
    %c0_i32 = arith.constant 0 : i32
    %c0_i32_0 = arith.constant 0 : i32
    %c0_i32_1 = arith.constant 0 : i32
    return %c0_i32, %c0_i32_0 : i32, i32
  }
  func.func @transform_9(%arg0: i32) -> (i32, i32) {
    %c0_i32 = arith.constant 0 : i32
    %c0_i32_0 = arith.constant 0 : i32
    %c0_i32_1 = arith.constant 0 : i32
    return %c0_i32, %c0_i32_0 : i32, i32
  }
  func.func @transform_10(%arg0: i32) -> (i32, i32, i32) {
    %c0_i32 = arith.constant 0 : i32
    %c0_i32_0 = arith.constant 0 : i32
    %c0_i32_1 = arith.constant 0 : i32
    %c0_i32_2 = arith.constant 0 : i32
    return %c0_i32, %c0_i32_0, %c0_i32_1 : i32, i32, i32
  }
  func.func @transform_11(%arg0: i32) -> (i32, i32) {
    %c0_i32 = arith.constant 0 : i32
    %c0_i32_0 = arith.constant 0 : i32
    return %arg0, %c0_i32 : i32, i32
  }
  func.func @transform_12(%arg0: i32) -> (i32, i32) {
    %c0_i32 = arith.constant 0 : i32
    %c0_i32_0 = arith.constant 0 : i32
    return %arg0, %c0_i32 : i32, i32
  }
  func.func @transform_13(%arg0: i32) -> (i32, i32) {
    %c0_i32 = arith.constant 0 : i32
    %c0_i32_0 = arith.constant 0 : i32
    return %arg0, %c0_i32 : i32, i32
  }
}

module attributes {stable_mosaic.version = 14 : i64} {
  func.func @_combine_body(%arg0: i32, %arg1: memref<2x1000x128xf32, #tpu.memory_space<vmem>>, %arg2: memref<2x1000x128xf32, #tpu.memory_space<vmem>>, %arg3: memref<1000x128xf32, #tpu.memory_space<vmem>>, %arg4: memref<1000x1xf32, #tpu.memory_space<vmem>>, %arg5: memref<1x128xf32, #tpu.memory_space<vmem>>, %arg6: memref<1000x128xf32, #tpu.memory_space<vmem>>) attributes {dimension_semantics = [#tpu.dimension_semantics<arbitrary>], iteration_bounds = array<i64: 10>, scalar_prefetch = 0 : i64, scratch_operands = 0 : i64, tpu.core_type = #tpu.core_type<tc>, window_params = [{transform_indices = @transform_0, window_bounds = array<i64: 2, 1000, 128>}, {transform_indices = @transform_1, window_bounds = array<i64: 2, 1000, 128>}, {transform_indices = @transform_2, window_bounds = array<i64: 1000, 128>}, {transform_indices = @transform_3, window_bounds = array<i64: 1000, 1>}, {pipeline_mode = #tpu.pipeline_mode<synchronous>, transform_indices = @transform_4, window_bounds = array<i64: 1, 128>}, {transform_indices = @transform_5, window_bounds = array<i64: 1000, 128>}]} {
    %get3A = arith.constant 0 : index
    %get3A_0 = arith.constant 0 : index
    %get3A_1 = vector.load %arg4[%get3A, %get3A_0] : memref<1000x1xf32, #tpu.memory_space<vmem>>, vector<1000x1xf32>
    %eq3A = arith.constant 0.000000e+00 : f32
    %eq3A_2 = vector.broadcast %eq3A : f32 to vector<1000x1xf32>
    %eq3A_3 = arith.cmpf oeq, %get3A_1, %eq3A_2 : vector<1000x1xf32>
    %get3A_4 = arith.constant 0 : index
    %get3A_5 = arith.constant 0 : index
    %get3A_6 = arith.constant 0 : index
    %get3A_7 = vector.load %arg1[%get3A_4, %get3A_5, %get3A_6] : memref<2x1000x128xf32, #tpu.memory_space<vmem>>, vector<1x1000x128xf32>
    %get3A_8 = vector.shape_cast %get3A_7 : vector<1x1000x128xf32> to vector<1000x128xf32>
    %get3A_9 = arith.constant 1 : index
    %get3A_10 = arith.constant 0 : index
    %get3A_11 = arith.constant 0 : index
    %get3A_12 = vector.load %arg1[%get3A_9, %get3A_10, %get3A_11] : memref<2x1000x128xf32, #tpu.memory_space<vmem>>, vector<1x1000x128xf32>
    %get3A_13 = vector.shape_cast %get3A_12 : vector<1x1000x128xf32> to vector<1000x128xf32>
    %broadcast_in_dim3A = vector.shape_cast %eq3A_3 : vector<1000x1xi1> to vector<1000x1xi1>
    %broadcast_in_dim3A_14 = vector.broadcast %broadcast_in_dim3A : vector<1000x1xi1> to vector<1000x128xi1>
    %select_n3A = arith.select %broadcast_in_dim3A_14, %get3A_8, %get3A_13 : vector<1000x128xi1>, vector<1000x128xf32>
    %get3A_15 = arith.constant 0 : index
    %get3A_16 = arith.constant 0 : index
    %get3A_17 = arith.constant 0 : index
    %get3A_18 = vector.load %arg2[%get3A_15, %get3A_16, %get3A_17] : memref<2x1000x128xf32, #tpu.memory_space<vmem>>, vector<1x1000x1xf32>
    %get3A_19 = vector.shape_cast %get3A_18 : vector<1x1000x1xf32> to vector<1000x1xf32>
    %get3A_20 = arith.constant 1 : index
    %get3A_21 = arith.constant 0 : index
    %get3A_22 = arith.constant 0 : index
    %get3A_23 = vector.load %arg2[%get3A_20, %get3A_21, %get3A_22] : memref<2x1000x128xf32, #tpu.memory_space<vmem>>, vector<1x1000x1xf32>
    %get3A_24 = vector.shape_cast %get3A_23 : vector<1x1000x1xf32> to vector<1000x1xf32>
    %add3A = arith.addf %get3A_19, %get3A_24 : vector<1000x1xf32>
    %get3A_25 = arith.constant 0 : index
    %get3A_26 = arith.constant 0 : index
    %get3A_27 = vector.load %arg3[%get3A_25, %get3A_26] : memref<1000x128xf32, #tpu.memory_space<vmem>>, vector<1000x128xf32>
    %max3A = arith.constant 1.000000e+00 : f32
    %max3A_28 = vector.broadcast %max3A : f32 to vector<1000x1xf32>
    %max3A_29 = arith.maximumf %add3A, %max3A_28 : vector<1000x1xf32>
    %div3A = vector.broadcast %max3A_29 : vector<1000x1xf32> to vector<1000x128xf32>
    %div3A_30 = arith.divf %select_n3A, %div3A : vector<1000x128xf32>
    %add3A_31 = arith.addf %get3A_27, %div3A_30 : vector<1000x128xf32>
    %get3A_32 = arith.constant 0 : index
    %get3A_33 = arith.constant 0 : index
    %get3A_34 = vector.load %arg5[%get3A_32, %get3A_33] : memref<1x128xf32, #tpu.memory_space<vmem>>, vector<1x128xf32>
    %add3A_35 = vector.broadcast %get3A_34 : vector<1x128xf32> to vector<1000x128xf32>
    %add3A_36 = arith.addf %add3A_31, %add3A_35 : vector<1000x128xf32>
    %swap3A = arith.constant 0 : index
    %swap3A_37 = arith.constant 0 : index
    %swap3A_38 = vector.load %arg6[%swap3A, %swap3A_37] : memref<1000x128xf32, #tpu.memory_space<vmem>>, vector<1000x128xf32>
    tpu.vector_store %arg6[%swap3A, %swap3A_37], %add3A_36 {strides = array<i32>} : memref<1000x128xf32, #tpu.memory_space<vmem>>, vector<1000x128xf32>,
    return
  }
  func.func @transform_0(%arg0: i32) -> (i32, i32, i32) {
    %c0_i32 = arith.constant 0 : i32
    %c0_i32_0 = arith.constant 0 : i32
    %c0_i32_1 = arith.constant 0 : i32
    return %c0_i32, %arg0, %c0_i32_0 : i32, i32, i32
  }
  func.func @transform_1(%arg0: i32) -> (i32, i32, i32) {
    %c0_i32 = arith.constant 0 : i32
    %c0_i32_0 = arith.constant 0 : i32
    %c0_i32_1 = arith.constant 0 : i32
    return %c0_i32, %arg0, %c0_i32_0 : i32, i32, i32
  }
  func.func @transform_2(%arg0: i32) -> (i32, i32) {
    %c0_i32 = arith.constant 0 : i32
    %c0_i32_0 = arith.constant 0 : i32
    return %arg0, %c0_i32 : i32, i32
  }
  func.func @transform_3(%arg0: i32) -> (i32, i32) {
    %c0_i32 = arith.constant 0 : i32
    %c0_i32_0 = arith.constant 0 : i32
    return %arg0, %c0_i32 : i32, i32
  }
  func.func @transform_4(%arg0: i32) -> (i32, i32) {
    %c0_i32 = arith.constant 0 : i32
    %c0_i32_0 = arith.constant 0 : i32
    %c0_i32_1 = arith.constant 0 : i32
    return %c0_i32, %c0_i32_0 : i32, i32
  }
  func.func @transform_5(%arg0: i32) -> (i32, i32) {
    %c0_i32 = arith.constant 0 : i32
    %c0_i32_0 = arith.constant 0 : i32
    return %arg0, %c0_i32 : i32, i32
  }
}

</mosaic_0001>

<sc_bundles>
// kernel: kernel.5.cloned.1.call-start
scs
__scs_entry_jumppad:
0x0: {  	(pc) =	sbr.rel $0x88, $3  }
0x1: {  	(tag) =	ssettag $0x0;
	lr =	simm.s32 $0x1  }
0x2: {  	[smem:$0x3F92] =	sst lr;
	_ =	strace $0xD0000000  }
0x3: {  	_ = 	snop  }
0x4: {  	_ = 	snop  }
0x5: {  	_ = 	snop  }
0x6: {  	_ = 	snop  }
0x7: {  	_ = 	snop  }
__scs_overlays_trampoline_lowered:
0x8: {  	[smem:$0x3FA1] =	sst s0  }
0x9: {  	[smem:$0x3FA2] =	sst s1  }
0xa: {  	[smem:$0x3FA3] =	sst s2  }
0xb: {  	[smem:$0x3FA4] =	sst s3  }
0xc: {  	[smem:$0x3FA5] =	sst s4  }
0xd: {  	[smem:$0x3FA6] =	sst s5  }
0xe: {  	[smem:$0x3FA7] =	sst s6  }
0xf: {  	[smem:$0x3FA8] =	sst s7  }
0x10: {  	[smem:$0x3FA9] =	sst s8  }
0x11: {  	[smem:$0x3FAA] =	sst s9;
	s0 =	simm.s32 @!p0 $0x0  }
0x12: {  	s1 =	sld [smem:$0x3F90];
	s0 =	simm.s32 @p0 $0x1  }
0x13: {  	[smem:$0x3FAB] =	sst s0;
	s0 =	simm.s32 @!p1 $0x0  }
0x14: {  	s2 =	sld [smem:$0x3F8F];
	s0 =	simm.s32 @p1 $0x1  }
0x15: {  	[smem:$0x3FAC] =	sst s0;
	s0 =	simm.s32 @!p2 $0x0  }
0x16: {  	s3 =	sld [smem:$0x3FDB];
	s0 =	simm.s32 @p2 $0x1  }
0x17: {  	s4 =	simm.s32 $0x1BF5;
	[smem:$0x3FAE] =	sst s0  }
0x18: {  	s0 =	sld [smem:$0x3F91];
	_ =	swait.ge [sflag:s4], $0x0  }
0x19: {  	s7 =	sld [smem:$0x3F92]  }
0x1a: {  	s8 =	sadd.s32 $0xFFFFE003, lr  }
0x1b: {  	s9 =	sadd.s32 $0xFFFFFEF7, lr;
	s5 =	simm.s32 $0xFFFFFFFF;
	p2 =	slt.u32 s8, $0xFFFFF086  }
0x1c: {  	p1 =	slt.u32 s9, $0xF7A;
	s5 =	simm.s32 @!p2 $0x0  }
0x1d: {  	s5 =	simm.s32 @p1 $0x1;
	p0 =	seq.s32 s7, s2  }
0x1e: {  	s7 =	smul.u32 @!p0 $0xF7A, s2;
	p2 =	seq.s32 @!p0 s5, $0x0  }
0x1f: {  	s9 =	smul.u32 $0xF7A, s1;
	s8 =	simm.s32 @!p0 $0x1BF5;
	p2 =	por !p2, p0  }
0x20: {  	[sflag:s8] =	ssyncset.s32 @!p0 $0xFFFFF086;
	s6 =	sadd.s32 @!p0 s3, s7;
	s7 =	simm.s32 @!p0 $0x108  }
0x21: {  	s3 =	sadd.s32 s3, s9;
	s6 =	sadd.s32 @!p0 $0x88, s6;
	s7 =	simm.s32 @p2 $0x1082  }
0x22: {  	[simem:s7], [sflag:s8] =	dma.local @!p0 [hbm:s6], $0xF7A  }
0x23: {  	s9 =	sor.u32 $0xD0000000, s2;
	s6 =	simm.s32 $0x108;
	_ =	swait.ge @!p0 [sflag:s8], $0x0  }
0x24: {  	s3 =	sadd.s32 $0x88, s3;
	s6 =	simm.s32 @!p1 $0x1082;
	[sflag:s4] =	ssyncset.s32 $0xFFFFF086  }
0x25: {  	[simem:s6], [sflag:s4] =	dma.local [hbm:s3], $0xF7A  }
0x26: {  	[smem:$0x3F92] =	sst s1;
	(tag) =	ssettag s2;
	_ =	strace s9  }
0x27: {  	s1 =	sld [smem:$0x3FA2]  }
0x28: {  	s2 =	sld [smem:$0x3FA3]  }
0x29: {  	s4 =	sld [smem:$0x3FA5]  }
0x2a: {  	p0 =	seq.s32 s5, $0x0;
	s5 =	sld [smem:$0x3FA6]  }
0x2b: {  	s6 =	sld [smem:$0x3FA7]  }
0x2c: {  	s7 =	sld [smem:$0x3FA8]  }
0x2d: {  	s3 =	simm.s32 $0x108;
	s8 =	sld [smem:$0x3FA9]  }
0x2e: {  	s3 =	simm.s32 @!p0 $0x1082;
	s9 =	sld [smem:$0x3FAA]  }
0x2f: {  	lr =	sadd.s32 s0, s3;
	s0 =	sld [smem:$0x3FA1]  }
0x30: {  	s3 =	sld [smem:$0x3FA4]  }
0x31: {  	[smem:$0x3FAD] =	sst s10  }
0x32: {  	s10 =	sld [smem:$0x3FAB];
	_ =	sdelay $0x3  }
0x33: {  	p0 =	seq.s32 s10, $0x1;
	s10 =	sld [smem:$0x3FAD];
	_ =	sdelay $0x3  }
0x34: {  	[smem:$0x3FAD] =	sst s10  }
0x35: {  	s10 =	sld [smem:$0x3FAC];
	_ =	sdelay $0x3  }
0x36: {  	p1 =	seq.s32 s10, $0x1;
	s10 =	sld [smem:$0x3FAD];
	_ =	sdelay $0x3  }
0x37: {  	[smem:$0x3FAD] =	sst s10  }
0x38: {  	s10 =	sld [smem:$0x3FAE]  }
0x39: {  	_ = 	snop;
	(pc) =	sbr.ind lr, $3  }
0x3a: {  	_ = 	snop  }
0x3b: {  	_ = 	snop  }
0x3c: {  	p2 =	seq.s32 s10, $0x1;
	s10 =	sld [smem:$0x3FAD]  }
0x3d: {  	_ =	shalt  }
0x3e: {  	_ =	shalt  }
0x3f: {  	_ =	shalt  }
0x40: {  	_ =	shalt  }
0x41: {  	_ =	shalt  }
0x42: {  	_ =	shalt  }
0x43: {  	_ =	shalt  }
0x44: {  	_ =	shalt  }
0x45: {  	_ =	shalt  }
0x46: {  	_ =	shalt  }
0x47: {  	_ =	shalt  }
0x48: {  	_ =	shalt  }
0x49: {  	_ =	shalt  }
0x4a: {  	_ =	shalt  }
0x4b: {  	_ =	shalt  }
0x4c: {  	_ =	shalt  }
0x4d: {  	_ =	shalt  }
0x4e: {  	_ =	shalt  }
0x4f: {  	_ =	shalt  }
0x50: {  	_ =	shalt  }
0x51: {  	_ =	shalt  }
0x52: {  	_ =	shalt  }
0x53: {  	_ =	shalt  }
0x54: {  	_ =	shalt  }
0x55: {  	_ =	shalt  }
0x56: {  	_ =	shalt  }
0x57: {  	_ =	shalt  }
0x58: {  	_ =	shalt  }
0x59: {  	_ =	shalt  }
0x5a: {  	_ =	shalt  }
0x5b: {  	_ =	shalt  }
0x5c: {  	_ =	shalt  }
0x5d: {  	_ =	shalt  }
0x5e: {  	_ =	shalt  }
0x5f: {  	_ =	shalt  }
0x60: {  	_ =	shalt  }
0x61: {  	_ =	shalt  }
0x62: {  	_ =	shalt  }
0x63: {  	_ =	shalt  }
0x64: {  	_ =	shalt  }
0x65: {  	_ =	shalt  }
0x66: {  	_ =	shalt  }
0x67: {  	_ =	shalt  }
0x68: {  	_ =	shalt  }
0x69: {  	_ =	shalt  }
0x6a: {  	_ =	shalt  }
0x6b: {  	_ =	shalt  }
0x6c: {  	_ =	shalt  }
0x6d: {  	_ =	shalt  }
0x6e: {  	_ =	shalt  }
0x6f: {  	_ =	shalt  }
0x70: {  	_ =	shalt  }
0x71: {  	_ =	shalt  }
0x72: {  	_ =	shalt  }
0x73: {  	_ =	shalt  }
0x74: {  	_ =	shalt  }
0x75: {  	_ =	shalt  }
0x76: {  	_ =	shalt  }
0x77: {  	_ =	shalt  }
0x78: {  	_ =	shalt  }
0x79: {  	_ =	shalt  }
0x7a: {  	_ =	shalt  }
0x7b: {  	_ =	shalt  }
0x7c: {  	_ =	shalt  }
0x7d: {  	_ =	shalt  }
0x7e: {  	_ =	shalt  }
0x7f: {  	_ =	shalt  }
0x80: {  	_ =	shalt  }
0x81: {  	_ =	shalt  }
0x82: {  	_ =	shalt  }
0x83: {  	_ =	shalt  }
0x84: {  	_ =	shalt  }
0x85: {  	_ =	shalt  }
0x86: {  	_ =	shalt  }
0x87: {  	_ =	shalt  }
.Lfunc_end0:
.L_simem_size_0:
called_computation_lowered:
.L_overlay_start_0:
0x88: {  	s2 =	sld [smem:$0x3FD9]  }
0x89: {  	s3 =	sld [smem:$0x3FFE];
	_ =	sdelay $0x1  }
0x8a: {  	s1 =	srdreg.scid  }
0x8b: {  	s0 =	sand.u32 $0x1, s1  }
0x8c: {  	s16 =	sshll.u32 s0, $0xA;
	s2 =	sadd.s32 s3, s2  }
0x8d: {  	s2 =	sadd.s32 s2, s16  }
0x8e: {  	[smem:$0x3FB9] =	sst s2  }
0x8f: {  	_ = 	snop  }
0x90: {  	(tm) =	ssettm $0x1  }
0x91: {  	s17 =	sld [smem:$0x3FFB];
	_ =	sdelay $0x3  }
0x92: {  	_ =	strace s17  }
0x93: {  	s2 =	sld [smem:$0x3FFC];
	_ =	sdelay $0x3  }
0x94: {  	_ =	strace s2  }
0x95: {  	s2 =	sld [smem:$0x3FFD];
	_ =	sdelay $0x3  }
0x96: {  	_ =	strace s2  }
0x97: {  	_ =	strace $0x8FFFFFFF  }
0x98: {  	s18 =	sld [smem:$0x3FDB];
	_ =	sdelay $0x1  }
0x99: {  	s19 =	simm.s32 $_scs_section_size  }
0x9a: {  	s4 =	simm.s32 $_size__tile_overlayer_lowered;
	s5 =	simm.s32 $_tile_overlayer_lowered  }
0x9b: {  	s22 =	simm.s32 $0x1BFF;
	s21 =	sshll.u32 s5, $0x1;
	s2 =	sadd.s32 s19, s18  }
0x9c: {  	s6 =	simm.s32 $0x0;
	s20 =	sshll.u32 s4, $0x1;
	s4 =	sadd.s32 s21, s2  }
0x9d: {  	[timem:s6], [sflag:s22] =	dma.local [hbm:s4], s20  }
0x9e: {  	_ =	swait.ge [sflag:s22], s20  }
0x9f: {  	s3 =	ssub.s32 $0x0, s20;
	[sflag:s22] =	ssyncset.done $0x0  }
0xa0: {  	[sflag:s22] =	ssyncadd.s32 s3;
	_ =	sdelay $0x1  }
0xa1: {  	s23 =	simm.s32 $0x1B8B  }
0xa2: {  	_ =	swait.ge [sflag:s23], $0x1  }
0xa3: {  	[sflag:s23] =	ssyncset.done $0x0  }
0xa4: {  	s25 =	simm.s32 $0x1B8E;
	s24 =	sld [smem:$0x3FFE];
	[sflag:s23] =	ssyncadd.s32 $0xFFFFFFFF  }
0xa5: {  	s26 =	simm.s32 $execute0_lowered;
	[smem:$0x3FD2] =	sst s25  }
0xa6: {  	s4 =	sshll.u32 s26, $0x1;
	_ =	strace $0x80000046;
	[dreg:$0x1] =	wrdreg $0xFFFFFFFF  }
0xa7: {  	s28 =	simm.s32 $_size_execute0_lowered;
	s2 =	sadd.s32 s2, s4;
	[dreg:$0x0] =	wrdreg $0x0  }
0xa8: {  	s4 =	sshll.u32 s28, $0x1;
	[dreg:$0x2] =	wrdreg s2  }
0xa9: {  	[dreg:$0x3] =	wrdreg s4  }
0xaa: {  	[dreg:$0x4] =	wrdreg $0xC0  }
0xab: {  	_ =	task [dreg:s6], $0x5FFFF  }
0xac: {  	[dreg:$0x1] =	wrdreg $0xFFFFFFFF  }
0xad: {  	[dreg:$0x0] =	wrdreg $0x60  }
0xae: {  	[dreg:$0x2] =	wrdreg s24  }
0xaf: {  	[dreg:$0x3] =	wrdreg $0x8F800  }
0xb0: {  	[dreg:$0x4] =	wrdreg $0x9  }
0xb1: {  	_ =	task.clear_ibuf [dreg:s6], $0x5FFFF;
	_ =	strace $0x90000046  }
0xb2: {  	s29 =	simm.s32 $0x9;
	_ =	strace $0x80000048  }
0xb3: {  	_ =	swait.ge [sflag:s29], $0x1  }
0xb4: {  	[sflag:s29] =	ssyncadd.s32 $0xFFFFFFFF  }
0xb5: {  	_ =	strace $0x90000048  }
0xb6: {  	_ =	sfence  }
0xb7: {  	s30 =	sld [smem:$0x0];
	_ =	sdelay $0x2  }
0xb8: {  	s31 =	sshll.u32 s1, $0xD;
	s1 =	sshrl.u32 s1, $0x2  }
0xb9: {  	s3 =	sand.u32 $0x4000, s31;
	s1 =	sadd.s32 s1, s30  }
0xba: {  	s0 =	sor.u32 s3, s0;
	s1 =	sshll.u32 s1, $0x11  }
0xbb: {  	s0 =	sor.u32 s1, s0  }
0xbc: {  	s0 =	sadd.s32 $0x8F2B, s0  }
0xbd: {  	[sflag:s0] =	ssyncadd.remote.s32 $0x1  }
0xbe: {  	_ =	sfence.sel $0xFFFF  }
0xbf: {  	[dreg:$0x0] =	wrdreg $0xFFFFFFFF;
	(pc) =	sbr.abs _section_cstart, $3  }
0xc0: {  	[dreg:$0x1] =	wrdreg $0xFFFFFFFF  }
0xc1: {  	_ =	task.clear_ibuf [dreg:s6], $0x2FFFF;
	_ =	strace $0x9FFFFFFF  }
0xc2: {  	(tm) =	ssettm $0x7FFFFFFF  }
0xc3: {  	_ =	shalt  }
tec
execute0_lowered:
.L_overlay_start_1:
0x0: {  	(tag) =	ssettag $0x1  }
0x1: {  	s1 =	srdreg.scid  }
0x2: {  	s17 =	stileid.u32;
	s0 =	rddreg [dreg:$0x0]  }
0x3: {  	s28 =	simm.s32 $0xE80;
	s29 =	simm.s32 $0xF00;
	s30 =	simm.s32 $0x3  }
0x4: {  	s31 =	simm.s32 $0x4;
	s4 =	sand.u32 $0x1, s1;
	s5 =	smul.u32 $0x280, s17  }
0x5: {  	s6 =	sadd.s32 $0x65A00, s0;
	s7 =	smul.u32 $0x14000, s17;
	s8 =	sadd.s32 $0x8DA00, s0  }
0x6: {  	s9 =	sadd.s32 $0xDDA00, s0;
	s13 =	smul.u32 $0x9C, s17;
	s25 =	smin.u32 s17, $0x2  }
0x7: {  	p1 =	sgt.u32 s17, $0x3;
	p2 =	sgt.u32 s17, $0x1;
	p3 =	slt.u32 s17, $0x4  }
0x8: {  	s1 =	ssub.s32 $0x2, s4;
	s12 =	smul.u32 $0x140000, s4;
	p0 =	seq.s32 s4, $0x1  }
0x9: {  	s4 =	smul.u32 $0x4E2, s4;
	s2 =	sshrl.u32 s1, $0x1;
	s14 =	sshrl.u32 s7, $0x3  }
0xa: {  	s3 =	sadd.s32 $0x80, s5;
	s11 =	sadd.s32 $0x100, s5;
	s18 =	sadd.s32 $0x180, s5  }
0xb: {  	s5 =	sadd.s32 $0x200, s5;
	s1 =	ssub.s32 s1, s2;
	s2 =	sadd.s32 s6, s14  }
0xc: {  	s10 =	sshll.u32 s3, $0x4;
	s16 =	sshll.u32 s11, $0x4;
	s19 =	sshll.u32 s18, $0x4  }
0xd: {  	s7 =	sadd.s32 s7, s12;
	[dreg:$0x3] =	wrdreg s2;
	s15 =	sadd.s32 s6, s10  }
0xe: {  	s2 =	sshll.u32 s3, $0x7;
	s10 =	sadd.s32 s6, s16;
	[dreg:$0x4] =	wrdreg s15  }
0xf: {  	s3 =	sshll.u32 s11, $0x7;
	s11 =	sadd.s32 s6, s19;
	[dreg:$0x5] =	wrdreg s10  }
0x10: {  	s20 =	sshrl.u32 s7, $0x3;
	s10 =	sshll.u32 s18, $0x7;
	[dreg:$0x6] =	wrdreg s11  }
0x11: {  	s11 =	sshll.u32 s5, $0x7;
	s5 =	sshll.u32 s5, $0x4;
	s21 =	sadd.s32 s8, s20  }
0x12: {  	s22 =	sadd.s32 s12, s2;
	s14 =	sadd.s32 s12, s3;
	s15 =	smul.u32 $0x4E, s17  }
0x13: {  	s5 =	sadd.s32 s6, s5;
	[dreg:$0x8] =	wrdreg s21;
	s14 =	sshrl.u32 s14, $0x3  }
0x14: {  	s24 =	sadd.s32 s12, s10;
	s12 =	sadd.s32 s12, s11;
	s6 =	sadd.s32 s9, s20  }
0x15: {  	[dreg:$0x7] =	wrdreg s5;
	s5 =	smin.u32 s17, $0x4;
	s23 =	sadd.s32 s8, s14  }
0x16: {  	s4 =	sadd.s32 s15, s4;
	s12 =	sshrl.u32 s12, $0x3;
	[dreg:$0xd] =	wrdreg s6  }
0x17: {  	s19 =	sadd.s32 s9, s14;
	s15 =	smul.u32 $0x50000, s17;
	s7 =	sadd.s32 s5, s13  }
0x18: {  	s13 =	sshrl.u32 s22, $0x3;
	[dreg:$0xa] =	wrdreg s23;
	s4 =	sadd.s32 s25, s4  }
0x19: {  	[dreg:$0xf] =	wrdreg s19;
	s21 =	sadd.s32 s9, s12;
	s23 =	sadd.s32 $0xD000, s0  }
0x1a: {  	s25 =	smul.u32 $0x9C0, s17;
	s5 =	sshll.u32 s5, $0x4;
	s19 =	smax.u32 s1, $0x1  }
0x1b: {  	s17 =	simm.s32 $0x300;
	s16 =	sadd.s32 s8, s13;
	[dreg:$0x11] =	wrdreg s21  }
0x1c: {  	s18 =	sadd.s32 s9, s13;
	s22 =	sshll.u32 s7, $0x4;
	s21 =	rddreg [dreg:$0x1]  }
0x1d: {  	s4 =	sshll.u32 s4, $0x4;
	s7 =	simm.s32 $0x680;
	[dreg:$0x9] =	wrdreg s16  }
0x1e: {  	s16 =	sshrl.u32 s24, $0x3;
	[dreg:$0xe] =	wrdreg s18;
	s6 =	sadd.s32 $0x9C0, s22  }
0x1f: {  	s24 =	sadd.s32 $0x3200, s0;
	s14 =	sadd.s32 s25, s23;
	s18 =	sshrl.u32 s15, $0x2  }
0x20: {  	s2 =	sadd.s32 s2, s21;
	s15 =	sadd.s32 s11, s21;
	s26 =	sadd.s32 s8, s16  }
0x21: {  	s11 =	simm.s32 $0xD00;
	s8 =	sadd.s32 s8, s12;
	[dreg:$0xb] =	wrdreg s26  }
0x22: {  	s20 =	sadd.s32 s9, s16;
	s16 =	simm.s32 $0x0;
	[dreg:$0xc] =	wrdreg s8  }
0x23: {  	s13 =	sadd.s32 s25, s24;
	s25 =	sadd.s32 $0x16E00, s0;
	[dreg:$0x10] =	wrdreg s20  }
0x24: {  	s9 =	simm.s32 $0x4F80;
	[smem:$0x7FF] =	sst s16;
	s26 =	sadd.s32 s23, s6  }
0x25: {  	s6 =	sadd.s32 s24, s6;
	s20 =	sadd.s32 s4, s24;
	[dreg:$0x12] =	wrdreg s26  }
0x26: {  	s24 =	sadd.s32 $0x3E000, s0;
	s0 =	sadd.s32 $0x65200, s0;
	[dreg:$0x13] =	wrdreg s6  }
0x27: {  	s22 =	sadd.s32 s5, s13;
	_ =	strace $0x80000047;
	[dreg:$0x14] =	wrdreg s0  }
0x28: {  	s23 =	sadd.s32 s5, s14;
	s26 =	sadd.s32 $0x4E0, s20;
	[dreg:$0x1a] =	wrdreg s19  }
0x29: {  	s4 =	sadd.s32 s18, s21;
	s18 =	sadd.s32 s3, s21;
	[dreg:$0x1b] =	wrdreg s26  }
0x2a: {  	s14 =	sadd.s32 s10, s21;
	s8 =	simm.s32 $0x80;
	[dreg:$0x16] =	wrdreg s2  }
0x2b: {  	s10 =	simm.s32 $0x1;
	s13 =	simm.s32 $0x2;
	[dreg:$0x18] =	wrdreg s14  }
0x2c: {  	s5 =	simm.s32 $0xE00;
	s3 =	simm.s32 $0x480;
	[dreg:$0x19] =	wrdreg s15  }
0x2d: {  	s6 =	simm.s32 $0x5;
	s19 =	simm.s32 $0xF80;
	[dreg:$0x15] =	wrdreg s4  }
0x2e: {  	s26 =	simm.s32 $0x100;
	s0 =	simm.s32 $0x0;
	[dreg:$0x17] =	wrdreg s18  }
.LBB2_1:
0x2f: {  	[dreg:$0x1c] =	wrdreg s0  }
0x30: {  	s12 =	rddreg [dreg:$0x3]  }
0x31: {  	[tilespmem:s19], [sflag:$0x5] =	stream.linear.gather [hbm4b:s12+s16], $0x4000, $0x38;
	[tilespmem:$0x1CF80] =	vst v63  }
0x32: {  	_ =	swait.ge [sflag:s6], $0x4000  }
0x33: {  	[sflag:s6] =	ssyncset.done $0x0  }
0x34: {  	[sflag:s6] =	ssyncadd.s32 $0xFFFFC000  }
0x35: {  	[spmem:s4] =	stream.linear.scatter [tilespmem:s19], [sflag:$0x5], $0x4000, $0x38;
	[tilespmem:$0x1CF80] =	vst v63  }
0x36: {  	_ =	swait.ge [sflag:s6], $0x4000  }
0x37: {  	[sflag:s6] =	ssyncset.done $0x0  }
0x38: {  	s1 =	rddreg [dreg:$0x4];
	[sflag:s6] =	ssyncadd.s32 $0xFFFFC000  }
0x39: {  	[tilespmem:s19], [sflag:$0x5] =	stream.linear.gather [hbm4b:s1+s16], $0x4000, $0x38;
	[tilespmem:$0x1CF80] =	vst v63  }
0x3a: {  	_ =	swait.ge [sflag:s6], $0x4000  }
0x3b: {  	[sflag:s6] =	ssyncset.done $0x0  }
0x3c: {  	[sflag:s6] =	ssyncadd.s32 $0xFFFFC000  }
0x3d: {  	[spmem:s2] =	stream.linear.scatter [tilespmem:s19], [sflag:$0x5], $0x4000, $0x38;
	[tilespmem:$0x1CF80] =	vst v63  }
0x3e: {  	_ =	swait.ge [sflag:s6], $0x4000  }
0x3f: {  	[sflag:s6] =	ssyncset.done $0x0  }
0x40: {  	s2 =	rddreg [dreg:$0x5];
	[sflag:s6] =	ssyncadd.s32 $0xFFFFC000  }
0x41: {  	[tilespmem:s19], [sflag:$0x5] =	stream.linear.gather [hbm4b:s2+s16], $0x4000, $0x38;
	[tilespmem:$0x1CF80] =	vst v63  }
0x42: {  	_ =	swait.ge [sflag:s6], $0x4000  }
0x43: {  	[sflag:s6] =	ssyncset.done $0x0  }
0x44: {  	[sflag:s6] =	ssyncadd.s32 $0xFFFFC000  }
0x45: {  	[spmem:s18] =	stream.linear.scatter [tilespmem:s19], [sflag:$0x5], $0x4000, $0x38;
	[tilespmem:$0x1CF80] =	vst v63  }
0x46: {  	_ =	swait.ge [sflag:s6], $0x4000  }
0x47: {  	[sflag:s6] =	ssyncset.done $0x0  }
0x48: {  	s4 =	rddreg [dreg:$0x6];
	[sflag:s6] =	ssyncadd.s32 $0xFFFFC000  }
0x49: {  	[tilespmem:s19], [sflag:$0x5] =	stream.linear.gather [hbm4b:s4+s16], $0x4000, $0x38;
	[tilespmem:$0x1CF80] =	vst v63  }
0x4a: {  	_ =	swait.ge [sflag:s6], $0x4000  }
0x4b: {  	[sflag:s6] =	ssyncset.done $0x0  }
0x4c: {  	[sflag:s6] =	ssyncadd.s32 $0xFFFFC000  }
0x4d: {  	[spmem:s14] =	stream.linear.scatter [tilespmem:s19], [sflag:$0x5], $0x4000, $0x38;
	[tilespmem:$0x1CF80] =	vst v63  }
0x4e: {  	_ =	swait.ge [sflag:s6], $0x4000  }
0x4f: {  	[sflag:s6] =	ssyncset.done $0x0  }
0x50: {  	s18 =	rddreg [dreg:$0x7];
	[sflag:s6] =	ssyncadd.s32 $0xFFFFC000  }
0x51: {  	[tilespmem:s19], [sflag:$0x5] =	stream.linear.gather [hbm4b:s18+s16], $0x4000, $0x38;
	[tilespmem:$0x1CF80] =	vst v63  }
0x52: {  	_ =	swait.ge [sflag:s6], $0x4000  }
0x53: {  	[sflag:s6] =	ssyncset.done $0x0  }
0x54: {  	[sflag:s6] =	ssyncadd.s32 $0xFFFFC000  }
0x55: {  	[spmem:s15] =	stream.linear.scatter [tilespmem:s19], [sflag:$0x5], $0x4000, $0x38;
	[tilespmem:$0x1CF80] =	vst v63  }
.Ltmp0:
0x56: {  	_ =	swait.ge [sflag:s6], $0x4000;
	(pc) =	sbr.rel @!p0 .LBB2_2-.Ltmp0, $4  }
0x57: {  	s0 =	simm.s32 $0x280;
	[sflag:s6] =	ssyncset.done $0x0  }
0x58: {  	s12 =	simm.s32 $0x0;
	s1 =	simm.s32 $0x380;
	[sflag:s6] =	ssyncadd.s32 $0xFFFFC000  }
0x59: {  	s2 =	simm.s32 $0x400;
	s4 =	simm.s32 $0x500;
	[bflag:$0x0] =	sbarrier.arrive $0xFFFF  }
0x5a: {  	s14 =	simm.s32 $0x580;
	s18 =	simm.s32 $0x0;
	s15 =	simm.s32 $0x200  }
.LBB2_4:
0x5b: {  	s18 =	sadd.s32 s12, s23  }
0x5c: {  	[tilespmem:s16], [sflag:$0x5] =	stream.linear.gather [hbm4b:s18+s16], $0x600, $0x38;
	[tilespmem:$0x1CF80] =	vst v63  }
0x5d: {  	_ =	swait.ge [sflag:s6], $0x600  }
0x5e: {  	[sflag:s6] =	ssyncset.done $0x0  }
0x5f: {  	s18 =	sadd.s32 s12, s22;
	[sflag:s6] =	ssyncadd.s32 $0xFFFFFA00  }
0x60: {  	[tilespmem:s7], [sflag:$0x5] =	stream.linear.gather [hbm4b:s18+s16], $0x600, $0x38;
	[tilespmem:$0x1CF80] =	vst v63  }
0x61: {  	_ =	swait.ge [sflag:s6], $0x600  }
0x62: {  	[sflag:s6] =	ssyncset.done $0x0  }
0x63: {  	[sflag:s6] =	ssyncadd.s32 $0xFFFFFA00  }
0x64: {  	[tilespmem:s19], [sflag:$0x1] =	stream.indirect.gather [hbm4b:s25+s8], $0x80, s16, s8, $0xb8;
	[tilespmem:$0x1CF80] =	vst v63  }
0x65: {  	v0 =	vld [tilespmem:$0x680]  }
0x66: {  	v1 =	vld [tilespmem:$0x690]  }
0x67: {  	v2 =	vld [tilespmem:$0x6A0]  }
0x68: {  	v3 =	vld [tilespmem:$0x6B0]  }
0x69: {  	v4 =	vld [tilespmem:$0x6C0]  }
0x6a: {  	v32 =	vld [tilespmem:$0x6D0];
	[tilespmem:$0xD00] =	vst v0  }
0x6b: {  	v33 =	vld [tilespmem:$0x6E0];
	[tilespmem:$0xD10] =	vst v1  }
0x6c: {  	v34 =	vld [tilespmem:$0x6F0];
	[tilespmem:$0xD20] =	vst v2  }
0x6d: {  	[tilespmem:$0xD30] =	vst v3  }
0x6e: {  	[tilespmem:$0xD40] =	vst v4  }
0x6f: {  	[tilespmem:$0xD50] =	vst v32  }
0x70: {  	[tilespmem:$0xD60] =	vst v33  }
0x71: {  	[tilespmem:$0xD70] =	vst v34  }
0x72: {  	[tilespmem:s9], [sflag:$0x2] =	stream.indirect.gather [hbm4b:s25+s8], $0x80, s8, s8, $0xb8;
	[tilespmem:$0x1CF80] =	vst v63  }
0x73: {  	_ =	swait.ge [sflag:s10], $0x4000  }
0x74: {  	[sflag:s10] =	ssyncset.done $0x0  }
0x75: {  	[sflag:s10] =	ssyncadd.s32 $0xFFFFC000  }
0x76: {  	[spmem:s21] =	stream.indirect.scatter.add.f32 [tilespmem:s19], [sflag:$0x5], $0x80, s11, s8, $0xb8;
	[tilespmem:$0x1CF80] =	vst v63  }
0x77: {  	_ =	swait.ge [sflag:s6], $0x4000  }
0x78: {  	[sflag:s6] =	ssyncset.done $0x0  }
0x79: {  	[sflag:s6] =	ssyncadd.s32 $0xFFFFC000  }
0x7a: {  	v35 =	vld [tilespmem:$0x700]  }
0x7b: {  	v36 =	vld [tilespmem:$0x710]  }
0x7c: {  	v37 =	vld [tilespmem:$0x720]  }
0x7d: {  	v38 =	vld [tilespmem:$0x730]  }
0x7e: {  	v39 =	vld [tilespmem:$0x740]  }
0x7f: {  	v40 =	vld [tilespmem:$0x750];
	[tilespmem:$0xD00] =	vst v35  }
0x80: {  	v41 =	vld [tilespmem:$0x760];
	[tilespmem:$0xD10] =	vst v36  }
0x81: {  	v42 =	vld [tilespmem:$0x770];
	[tilespmem:$0xD20] =	vst v37  }
0x82: {  	[tilespmem:$0xD30] =	vst v38  }
0x83: {  	[tilespmem:$0xD40] =	vst v39  }
0x84: {  	[tilespmem:$0xD50] =	vst v40  }
0x85: {  	[tilespmem:$0xD60] =	vst v41  }
0x86: {  	[tilespmem:$0xD70] =	vst v42  }
0x87: {  	[tilespmem:s19], [sflag:$0x1] =	stream.indirect.gather [hbm4b:s25+s8], $0x80, s26, s8, $0xb8;
	[tilespmem:$0x1CF80] =	vst v63  }
0x88: {  	_ =	swait.ge [sflag:s13], $0x4000  }
0x89: {  	[sflag:s13] =	ssyncset.done $0x0  }
0x8a: {  	[sflag:s13] =	ssyncadd.s32 $0xFFFFC000  }
0x8b: {  	[spmem:s21] =	stream.indirect.scatter.add.f32 [tilespmem:s9], [sflag:$0x5], $0x80, s11, s8, $0xb8;
	[tilespmem:$0x1CF80] =	vst v63  }
0x8c: {  	_ =	swait.ge [sflag:s6], $0x4000  }
0x8d: {  	[sflag:s6] =	ssyncset.done $0x0  }
0x8e: {  	[sflag:s6] =	ssyncadd.s32 $0xFFFFC000  }
0x8f: {  	v43 =	vld [tilespmem:$0x780]  }
0x90: {  	v44 =	vld [tilespmem:$0x790]  }
0x91: {  	v45 =	vld [tilespmem:$0x7A0]  }
0x92: {  	v46 =	vld [tilespmem:$0x7B0]  }
0x93: {  	v47 =	vld [tilespmem:$0x7C0]  }
0x94: {  	v48 =	vld [tilespmem:$0x7D0];
	[tilespmem:$0xD00] =	vst v43  }
0x95: {  	v49 =	vld [tilespmem:$0x7E0];
	[tilespmem:$0xD10] =	vst v44  }
0x96: {  	v50 =	vld [tilespmem:$0x7F0];
	[tilespmem:$0xD20] =	vst v45  }
0x97: {  	[tilespmem:$0xD30] =	vst v46  }
0x98: {  	[tilespmem:$0xD40] =	vst v47  }
0x99: {  	[tilespmem:$0xD50] =	vst v48  }
0x9a: {  	[tilespmem:$0xD60] =	vst v49  }
0x9b: {  	s18 =	simm.s32 $0x180;
	[tilespmem:$0xD70] =	vst v50  }
0x9c: {  	[tilespmem:s9], [sflag:$0x2] =	stream.indirect.gather [hbm4b:s25+s8], $0x80, s18, s8, $0xb8;
	[tilespmem:$0x1CF80] =	vst v63  }
0x9d: {  	_ =	swait.ge [sflag:s10], $0x4000  }
0x9e: {  	[sflag:s10] =	ssyncset.done $0x0  }
0x9f: {  	[sflag:s10] =	ssyncadd.s32 $0xFFFFC000  }
0xa0: {  	[spmem:s21] =	stream.indirect.scatter.add.f32 [tilespmem:s19], [sflag:$0x5], $0x80, s11, s8, $0xb8;
	[tilespmem:$0x1CF80] =	vst v63  }
0xa1: {  	_ =	swait.ge [sflag:s6], $0x4000  }
0xa2: {  	[sflag:s6] =	ssyncset.done $0x0  }
0xa3: {  	[sflag:s6] =	ssyncadd.s32 $0xFFFFC000  }
0xa4: {  	v51 =	vld [tilespmem:$0x800]  }
0xa5: {  	v52 =	vld [tilespmem:$0x810]  }
0xa6: {  	v53 =	vld [tilespmem:$0x820]  }
0xa7: {  	v54 =	vld [tilespmem:$0x830]  }
0xa8: {  	v55 =	vld [tilespmem:$0x840]  }
0xa9: {  	v56 =	vld [tilespmem:$0x850];
	[tilespmem:$0xD00] =	vst v51  }
0xaa: {  	v57 =	vld [tilespmem:$0x860];
	[tilespmem:$0xD10] =	vst v52  }
0xab: {  	v58 =	vld [tilespmem:$0x870];
	[tilespmem:$0xD20] =	vst v53  }
0xac: {  	[tilespmem:$0xD30] =	vst v54  }
0xad: {  	[tilespmem:$0xD40] =	vst v55  }
0xae: {  	[tilespmem:$0xD50] =	vst v56  }
0xaf: {  	[tilespmem:$0xD60] =	vst v57  }
0xb0: {  	[tilespmem:$0xD70] =	vst v58  }
0xb1: {  	[tilespmem:s19], [sflag:$0x1] =	stream.indirect.gather [hbm4b:s25+s8], $0x80, s15, s8, $0xb8;
	[tilespmem:$0x1CF80] =	vst v63  }
0xb2: {  	_ =	swait.ge [sflag:s13], $0x4000  }
0xb3: {  	[sflag:s13] =	ssyncset.done $0x0  }
0xb4: {  	[sflag:s13] =	ssyncadd.s32 $0xFFFFC000  }
0xb5: {  	[spmem:s21] =	stream.indirect.scatter.add.f32 [tilespmem:s9], [sflag:$0x5], $0x80, s11, s8, $0xb8;
	[tilespmem:$0x1CF80] =	vst v63  }
0xb6: {  	_ =	swait.ge [sflag:s6], $0x4000  }
0xb7: {  	[sflag:s6] =	ssyncset.done $0x0  }
0xb8: {  	[sflag:s6] =	ssyncadd.s32 $0xFFFFC000  }
0xb9: {  	v59 =	vld [tilespmem:$0x880]  }
0xba: {  	v60 =	vld [tilespmem:$0x890]  }
0xbb: {  	v61 =	vld [tilespmem:$0x8A0]  }
0xbc: {  	v62 =	vld [tilespmem:$0x8B0]  }
0xbd: {  	v63 =	vld [tilespmem:$0x8C0]  }
0xbe: {  	v5 =	vld [tilespmem:$0x8D0];
	[tilespmem:$0xD00] =	vst v59  }
0xbf: {  	v6 =	vld [tilespmem:$0x8E0];
	[tilespmem:$0xD10] =	vst v60  }
0xc0: {  	v7 =	vld [tilespmem:$0x8F0];
	[tilespmem:$0xD20] =	vst v61  }
0xc1: {  	[tilespmem:$0xD30] =	vst v62  }
0xc2: {  	[tilespmem:$0xD40] =	vst v63  }
0xc3: {  	[tilespmem:$0xD50] =	vst v5  }
0xc4: {  	[tilespmem:$0xD60] =	vst v6  }
0xc5: {  	[tilespmem:$0xD70] =	vst v7  }
0xc6: {  	[tilespmem:s9], [sflag:$0x2] =	stream.indirect.gather [hbm4b:s25+s8], $0x80, s0, s8, $0xb8;
	[tilespmem:$0x1CF80] =	vst v63  }
0xc7: {  	_ =	swait.ge [sflag:s10], $0x4000  }
0xc8: {  	[sflag:s10] =	ssyncset.done $0x0  }
0xc9: {  	[sflag:s10] =	ssyncadd.s32 $0xFFFFC000  }
0xca: {  	[spmem:s21] =	stream.indirect.scatter.add.f32 [tilespmem:s19], [sflag:$0x5], $0x80, s11, s8, $0xb8;
	[tilespmem:$0x1CF80] =	vst v63  }
0xcb: {  	_ =	swait.ge [sflag:s6], $0x4000  }
0xcc: {  	[sflag:s6] =	ssyncset.done $0x0  }
0xcd: {  	[sflag:s6] =	ssyncadd.s32 $0xFFFFC000  }
0xce: {  	v8 =	vld [tilespmem:$0x900]  }
0xcf: {  	v9 =	vld [tilespmem:$0x910]  }
0xd0: {  	v10 =	vld [tilespmem:$0x920]  }
0xd1: {  	v11 =	vld [tilespmem:$0x930]  }
0xd2: {  	v12 =	vld [tilespmem:$0x940]  }
0xd3: {  	v13 =	vld [tilespmem:$0x950];
	[tilespmem:$0xD00] =	vst v8  }
0xd4: {  	v14 =	vld [tilespmem:$0x960];
	[tilespmem:$0xD10] =	vst v9  }
0xd5: {  	v15 =	vld [tilespmem:$0x970];
	[tilespmem:$0xD20] =	vst v10  }
0xd6: {  	[tilespmem:$0xD30] =	vst v11  }
0xd7: {  	[tilespmem:$0xD40] =	vst v12  }
0xd8: {  	[tilespmem:$0xD50] =	vst v13  }
0xd9: {  	[tilespmem:$0xD60] =	vst v14  }
0xda: {  	[tilespmem:$0xD70] =	vst v15  }
0xdb: {  	[tilespmem:s19], [sflag:$0x1] =	stream.indirect.gather [hbm4b:s25+s8], $0x80, s17, s8, $0xb8;
	[tilespmem:$0x1CF80] =	vst v63  }
0xdc: {  	_ =	swait.ge [sflag:s13], $0x4000  }
0xdd: {  	[sflag:s13] =	ssyncset.done $0x0  }
0xde: {  	[sflag:s13] =	ssyncadd.s32 $0xFFFFC000  }
0xdf: {  	[spmem:s21] =	stream.indirect.scatter.add.f32 [tilespmem:s9], [sflag:$0x5], $0x80, s11, s8, $0xb8;
	[tilespmem:$0x1CF80] =	vst v63  }
0xe0: {  	_ =	swait.ge [sflag:s6], $0x4000  }
0xe1: {  	[sflag:s6] =	ssyncset.done $0x0  }
0xe2: {  	[sflag:s6] =	ssyncadd.s32 $0xFFFFC000  }
0xe3: {  	v16 =	vld [tilespmem:$0x980]  }
0xe4: {  	v17 =	vld [tilespmem:$0x990]  }
0xe5: {  	v18 =	vld [tilespmem:$0x9A0]  }
0xe6: {  	v19 =	vld [tilespmem:$0x9B0]  }
0xe7: {  	v20 =	vld [tilespmem:$0x9C0]  }
0xe8: {  	v21 =	vld [tilespmem:$0x9D0];
	[tilespmem:$0xD00] =	vst v16  }
0xe9: {  	v22 =	vld [tilespmem:$0x9E0];
	[tilespmem:$0xD10] =	vst v17  }
0xea: {  	v23 =	vld [tilespmem:$0x9F0];
	[tilespmem:$0xD20] =	vst v18  }
0xeb: {  	[tilespmem:$0xD30] =	vst v19  }
0xec: {  	[tilespmem:$0xD40] =	vst v20  }
0xed: {  	[tilespmem:$0xD50] =	vst v21  }
0xee: {  	[tilespmem:$0xD60] =	vst v22  }
0xef: {  	[tilespmem:$0xD70] =	vst v23  }
0xf0: {  	[tilespmem:s9], [sflag:$0x2] =	stream.indirect.gather [hbm4b:s25+s8], $0x80, s1, s8, $0xb8;
	[tilespmem:$0x1CF80] =	vst v63  }
0xf1: {  	_ =	swait.ge [sflag:s10], $0x4000  }
0xf2: {  	[sflag:s10] =	ssyncset.done $0x0  }
0xf3: {  	[sflag:s10] =	ssyncadd.s32 $0xFFFFC000  }
0xf4: {  	[spmem:s21] =	stream.indirect.scatter.add.f32 [tilespmem:s19], [sflag:$0x5], $0x80, s11, s8, $0xb8;
	[tilespmem:$0x1CF80] =	vst v63  }
0xf5: {  	_ =	swait.ge [sflag:s6], $0x4000  }
0xf6: {  	[sflag:s6] =	ssyncset.done $0x0  }
0xf7: {  	[sflag:s6] =	ssyncadd.s32 $0xFFFFC000  }
0xf8: {  	v24 =	vld [tilespmem:$0xA00]  }
0xf9: {  	v25 =	vld [tilespmem:$0xA10]  }
0xfa: {  	v26 =	vld [tilespmem:$0xA20]  }
0xfb: {  	v27 =	vld [tilespmem:$0xA30]  }
0xfc: {  	v28 =	vld [tilespmem:$0xA40]  }
0xfd: {  	v29 =	vld [tilespmem:$0xA50];
	[tilespmem:$0xD00] =	vst v24  }
0xfe: {  	v30 =	vld [tilespmem:$0xA60];
	[tilespmem:$0xD10] =	vst v25  }
0xff: {  	v31 =	vld [tilespmem:$0xA70];
	[tilespmem:$0xD20] =	vst v26  }
0x100: {  	[tilespmem:$0xD30] =	vst v27  }
0x101: {  	[tilespmem:$0xD40] =	vst v28  }
0x102: {  	[tilespmem:$0xD50] =	vst v29  }
0x103: {  	[tilespmem:$0xD60] =	vst v30  }
0x104: {  	[tilespmem:$0xD70] =	vst v31  }
0x105: {  	[tilespmem:s19], [sflag:$0x1] =	stream.indirect.gather [hbm4b:s25+s8], $0x80, s2, s8, $0xb8;
	[tilespmem:$0x1CF80] =	vst v63  }
0x106: {  	_ =	swait.ge [sflag:s13], $0x4000  }
0x107: {  	[sflag:s13] =	ssyncset.done $0x0  }
0x108: {  	[sflag:s13] =	ssyncadd.s32 $0xFFFFC000  }
0x109: {  	[spmem:s21] =	stream.indirect.scatter.add.f32 [tilespmem:s9], [sflag:$0x5], $0x80, s11, s8, $0xb8;
	[tilespmem:$0x1CF80] =	vst v63  }
0x10a: {  	_ =	swait.ge [sflag:s6], $0x4000  }
0x10b: {  	[sflag:s6] =	ssyncset.done $0x0  }
0x10c: {  	[sflag:s6] =	ssyncadd.s32 $0xFFFFC000  }
0x10d: {  	v32 =	vld [tilespmem:$0xA80]  }
0x10e: {  	v33 =	vld [tilespmem:$0xA90]  }
0x10f: {  	v34 =	vld [tilespmem:$0xAA0]  }
0x110: {  	v35 =	vld [tilespmem:$0xAB0]  }
0x111: {  	v36 =	vld [tilespmem:$0xAC0]  }
0x112: {  	v37 =	vld [tilespmem:$0xAD0];
	[tilespmem:$0xD00] =	vst v32  }
0x113: {  	v38 =	vld [tilespmem:$0xAE0];
	[tilespmem:$0xD10] =	vst v33  }
0x114: {  	v39 =	vld [tilespmem:$0xAF0];
	[tilespmem:$0xD20] =	vst v34  }
0x115: {  	[tilespmem:$0xD30] =	vst v35  }
0x116: {  	[tilespmem:$0xD40] =	vst v36  }
0x117: {  	[tilespmem:$0xD50] =	vst v37  }
0x118: {  	[tilespmem:$0xD60] =	vst v38  }
0x119: {  	[tilespmem:$0xD70] =	vst v39  }
0x11a: {  	[tilespmem:s9], [sflag:$0x2] =	stream.indirect.gather [hbm4b:s25+s8], $0x80, s3, s8, $0xb8;
	[tilespmem:$0x1CF80] =	vst v63  }
0x11b: {  	_ =	swait.ge [sflag:s10], $0x4000  }
0x11c: {  	[sflag:s10] =	ssyncset.done $0x0  }
0x11d: {  	[sflag:s10] =	ssyncadd.s32 $0xFFFFC000  }
0x11e: {  	[spmem:s21] =	stream.indirect.scatter.add.f32 [tilespmem:s19], [sflag:$0x5], $0x80, s11, s8, $0xb8;
	[tilespmem:$0x1CF80] =	vst v63  }
0x11f: {  	_ =	swait.ge [sflag:s6], $0x4000  }
0x120: {  	[sflag:s6] =	ssyncset.done $0x0  }
0x121: {  	[sflag:s6] =	ssyncadd.s32 $0xFFFFC000  }
0x122: {  	v40 =	vld [tilespmem:$0xB00]  }
0x123: {  	v41 =	vld [tilespmem:$0xB10]  }
0x124: {  	v42 =	vld [tilespmem:$0xB20]  }
0x125: {  	v43 =	vld [tilespmem:$0xB30]  }
0x126: {  	v44 =	vld [tilespmem:$0xB40]  }
0x127: {  	v45 =	vld [tilespmem:$0xB50];
	[tilespmem:$0xD00] =	vst v40  }
0x128: {  	v46 =	vld [tilespmem:$0xB60];
	[tilespmem:$0xD10] =	vst v41  }
0x129: {  	v47 =	vld [tilespmem:$0xB70];
	[tilespmem:$0xD20] =	vst v42  }
0x12a: {  	[tilespmem:$0xD30] =	vst v43  }
0x12b: {  	[tilespmem:$0xD40] =	vst v44  }
0x12c: {  	[tilespmem:$0xD50] =	vst v45  }
0x12d: {  	[tilespmem:$0xD60] =	vst v46  }
0x12e: {  	[tilespmem:$0xD70] =	vst v47  }
0x12f: {  	[tilespmem:s19], [sflag:$0x1] =	stream.indirect.gather [hbm4b:s25+s8], $0x80, s4, s8, $0xb8;
	[tilespmem:$0x1CF80] =	vst v63  }
0x130: {  	_ =	swait.ge [sflag:s13], $0x4000  }
0x131: {  	[sflag:s13] =	ssyncset.done $0x0  }
0x132: {  	[sflag:s13] =	ssyncadd.s32 $0xFFFFC000  }
0x133: {  	[spmem:s21] =	stream.indirect.scatter.add.f32 [tilespmem:s9], [sflag:$0x5], $0x80, s11, s8, $0xb8;
	[tilespmem:$0x1CF80] =	vst v63  }
0x134: {  	_ =	swait.ge [sflag:s6], $0x4000  }
0x135: {  	[sflag:s6] =	ssyncset.done $0x0  }
0x136: {  	[sflag:s6] =	ssyncadd.s32 $0xFFFFC000  }
0x137: {  	v48 =	vld [tilespmem:$0xB80]  }
0x138: {  	v49 =	vld [tilespmem:$0xB90]  }
0x139: {  	v50 =	vld [tilespmem:$0xBA0]  }
0x13a: {  	v51 =	vld [tilespmem:$0xBB0]  }
0x13b: {  	v52 =	vld [tilespmem:$0xBC0]  }
0x13c: {  	v53 =	vld [tilespmem:$0xBD0];
	[tilespmem:$0xD00] =	vst v48  }
0x13d: {  	v54 =	vld [tilespmem:$0xBE0];
	[tilespmem:$0xD10] =	vst v49  }
0x13e: {  	v55 =	vld [tilespmem:$0xBF0];
	[tilespmem:$0xD20] =	vst v50  }
0x13f: {  	[tilespmem:$0xD30] =	vst v51  }
0x140: {  	[tilespmem:$0xD40] =	vst v52  }
0x141: {  	[tilespmem:$0xD50] =	vst v53  }
0x142: {  	[tilespmem:$0xD60] =	vst v54  }
0x143: {  	[tilespmem:$0xD70] =	vst v55  }
0x144: {  	[tilespmem:s9], [sflag:$0x2] =	stream.indirect.gather [hbm4b:s25+s8], $0x80, s14, s8, $0xb8;
	[tilespmem:$0x1CF80] =	vst v63  }
0x145: {  	_ =	swait.ge [sflag:s10], $0x4000  }
0x146: {  	[sflag:s10] =	ssyncset.done $0x0  }
0x147: {  	[sflag:s10] =	ssyncadd.s32 $0xFFFFC000  }
0x148: {  	[spmem:s21] =	stream.indirect.scatter.add.f32 [tilespmem:s19], [sflag:$0x5], $0x80, s11, s8, $0xb8;
	[tilespmem:$0x1CF80] =	vst v63  }
0x149: {  	_ =	swait.ge [sflag:s6], $0x4000  }
0x14a: {  	[sflag:s6] =	ssyncset.done $0x0  }
0x14b: {  	[sflag:s6] =	ssyncadd.s32 $0xFFFFC000  }
0x14c: {  	v56 =	vld [tilespmem:$0xC00]  }
0x14d: {  	v57 =	vld [tilespmem:$0xC10]  }
0x14e: {  	v58 =	vld [tilespmem:$0xC20]  }
0x14f: {  	v59 =	vld [tilespmem:$0xC30]  }
0x150: {  	v60 =	vld [tilespmem:$0xC40]  }
0x151: {  	v61 =	vld [tilespmem:$0xC50];
	[tilespmem:$0xD00] =	vst v56  }
0x152: {  	v62 =	vld [tilespmem:$0xC60];
	[tilespmem:$0xD10] =	vst v57  }
0x153: {  	v63 =	vld [tilespmem:$0xC70];
	[tilespmem:$0xD20] =	vst v58  }
0x154: {  	[tilespmem:$0xD30] =	vst v59  }
0x155: {  	[tilespmem:$0xD40] =	vst v60  }
0x156: {  	[tilespmem:$0xD50] =	vst v61  }
0x157: {  	[tilespmem:$0xD60] =	vst v62  }
0x158: {  	[tilespmem:$0xD70] =	vst v63  }
0x159: {  	_ =	swait.ge [sflag:s13], $0x4000  }
0x15a: {  	p4 =	sne.s32 s12, $0x900;
	[sflag:s13] =	ssyncset.done $0x0  }
.Ltmp1:
0x15b: {  	[sflag:s13] =	ssyncadd.s32 $0xFFFFC000;
	(pc) =	sbr.rel @p4 .LBB2_4-.Ltmp1, $4  }
0x15c: {  	[spmem:s21] =	stream.indirect.scatter.add.f32 [tilespmem:s9], [sflag:$0x5], $0x80, s11, s8, $0xb8;
	[tilespmem:$0x1CF80] =	vst v63  }
0x15d: {  	_ =	swait.ge [sflag:s6], $0x4000  }
0x15e: {  	[sflag:s6] =	ssyncset.done $0x0  }
0x15f: {  	s12 =	sadd.s32 $0xC0, s12;
	[sflag:s6] =	ssyncadd.s32 $0xFFFFC000  }
.Ltmp2:
0x160: {  	(pc) =	sbr.rel @p1 .LBB2_7-.Ltmp2, $4  }
.Ltmp3:
0x161: {  	(pc) =	sbr.rel @!p1 .LBB2_6-.Ltmp3, $4  }
0x162: {  	_ = 	snop  }
0x163: {  	_ = 	snop  }
0x164: {  	s12 =	smov.u32 s25;
	s1 =	rddreg [dreg:$0x16]  }
0x165: {  	_ = 	snop  }
.LBB2_2:
0x166: {  	s12 =	sadd.s32 s18, s23  }
0x167: {  	[tilespmem:s16], [sflag:$0x5] =	stream.linear.gather [hbm4b:s12+s16], $0x600, $0x38;
	[tilespmem:$0x1CF80] =	vst v63  }
0x168: {  	_ =	swait.ge [sflag:s6], $0x600  }
0x169: {  	[sflag:s6] =	ssyncset.done $0x0  }
0x16a: {  	s12 =	sadd.s32 s18, s22;
	[sflag:s6] =	ssyncadd.s32 $0xFFFFFA00  }
0x16b: {  	[tilespmem:s7], [sflag:$0x5] =	stream.linear.gather [hbm4b:s12+s16], $0x600, $0x38;
	[tilespmem:$0x1CF80] =	vst v63  }
0x16c: {  	_ =	swait.ge [sflag:s6], $0x600  }
0x16d: {  	[sflag:s6] =	ssyncset.done $0x0  }
0x16e: {  	[sflag:s6] =	ssyncadd.s32 $0xFFFFFA00  }
0x16f: {  	[tilespmem:s19], [sflag:$0x1] =	stream.indirect.gather [hbm4b:s24+s8], $0x80, s16, s8, $0xb8;
	[tilespmem:$0x1CF80] =	vst v63  }
0x170: {  	v0 =	vld [tilespmem:$0x680]  }
0x171: {  	v1 =	vld [tilespmem:$0x690]  }
0x172: {  	v2 =	vld [tilespmem:$0x6A0]  }
0x173: {  	v3 =	vld [tilespmem:$0x6B0]  }
0x174: {  	v4 =	vld [tilespmem:$0x6C0]  }
0x175: {  	v32 =	vld [tilespmem:$0x6D0];
	[tilespmem:$0xD00] =	vst v0  }
0x176: {  	v33 =	vld [tilespmem:$0x6E0];
	[tilespmem:$0xD10] =	vst v1  }
0x177: {  	v34 =	vld [tilespmem:$0x6F0];
	[tilespmem:$0xD20] =	vst v2  }
0x178: {  	[tilespmem:$0xD30] =	vst v3  }
0x179: {  	[tilespmem:$0xD40] =	vst v4  }
0x17a: {  	[tilespmem:$0xD50] =	vst v32  }
0x17b: {  	[tilespmem:$0xD60] =	vst v33  }
0x17c: {  	[tilespmem:$0xD70] =	vst v34  }
0x17d: {  	[tilespmem:s9], [sflag:$0x2] =	stream.indirect.gather [hbm4b:s24+s8], $0x80, s8, s8, $0xb8;
	[tilespmem:$0x1CF80] =	vst v63  }
0x17e: {  	_ =	swait.ge [sflag:s10], $0x4000  }
0x17f: {  	[sflag:s10] =	ssyncset.done $0x0  }
0x180: {  	[sflag:s10] =	ssyncadd.s32 $0xFFFFC000  }
0x181: {  	[spmem:s21] =	stream.indirect.scatter.add.f32 [tilespmem:s19], [sflag:$0x5], $0x80, s11, s8, $0xb8;
	[tilespmem:$0x1CF80] =	vst v63  }
0x182: {  	_ =	swait.ge [sflag:s6], $0x4000  }
0x183: {  	[sflag:s6] =	ssyncset.done $0x0  }
0x184: {  	[sflag:s6] =	ssyncadd.s32 $0xFFFFC000  }
0x185: {  	v35 =	vld [tilespmem:$0x700]  }
0x186: {  	v36 =	vld [tilespmem:$0x710]  }
0x187: {  	v37 =	vld [tilespmem:$0x720]  }
0x188: {  	v38 =	vld [tilespmem:$0x730]  }
0x189: {  	v39 =	vld [tilespmem:$0x740]  }
0x18a: {  	v40 =	vld [tilespmem:$0x750];
	[tilespmem:$0xD00] =	vst v35  }
0x18b: {  	v41 =	vld [tilespmem:$0x760];
	[tilespmem:$0xD10] =	vst v36  }
0x18c: {  	v42 =	vld [tilespmem:$0x770];
	[tilespmem:$0xD20] =	vst v37  }
0x18d: {  	[tilespmem:$0xD30] =	vst v38  }
0x18e: {  	[tilespmem:$0xD40] =	vst v39  }
0x18f: {  	[tilespmem:$0xD50] =	vst v40  }
0x190: {  	[tilespmem:$0xD60] =	vst v41  }
0x191: {  	[tilespmem:$0xD70] =	vst v42  }
0x192: {  	[tilespmem:s19], [sflag:$0x1] =	stream.indirect.gather [hbm4b:s24+s8], $0x80, s26, s8, $0xb8;
	[tilespmem:$0x1CF80] =	vst v63  }
0x193: {  	_ =	swait.ge [sflag:s13], $0x4000  }
0x194: {  	[sflag:s13] =	ssyncset.done $0x0  }
0x195: {  	[sflag:s13] =	ssyncadd.s32 $0xFFFFC000  }
0x196: {  	[spmem:s21] =	stream.indirect.scatter.add.f32 [tilespmem:s9], [sflag:$0x5], $0x80, s11, s8, $0xb8;
	[tilespmem:$0x1CF80] =	vst v63  }
0x197: {  	_ =	swait.ge [sflag:s6], $0x4000  }
0x198: {  	[sflag:s6] =	ssyncset.done $0x0  }
0x199: {  	[sflag:s6] =	ssyncadd.s32 $0xFFFFC000  }
0x19a: {  	v43 =	vld [tilespmem:$0x780]  }
0x19b: {  	v44 =	vld [tilespmem:$0x790]  }
0x19c: {  	v45 =	vld [tilespmem:$0x7A0]  }
0x19d: {  	v46 =	vld [tilespmem:$0x7B0]  }
0x19e: {  	v47 =	vld [tilespmem:$0x7C0]  }
0x19f: {  	v48 =	vld [tilespmem:$0x7D0];
	[tilespmem:$0xD00] =	vst v43  }
0x1a0: {  	v49 =	vld [tilespmem:$0x7E0];
	[tilespmem:$0xD10] =	vst v44  }
0x1a1: {  	v50 =	vld [tilespmem:$0x7F0];
	[tilespmem:$0xD20] =	vst v45  }
0x1a2: {  	[tilespmem:$0xD30] =	vst v46  }
0x1a3: {  	[tilespmem:$0xD40] =	vst v47  }
0x1a4: {  	[tilespmem:$0xD50] =	vst v48  }
0x1a5: {  	[tilespmem:$0xD60] =	vst v49  }
0x1a6: {  	s12 =	simm.s32 $0x180;
	[tilespmem:$0xD70] =	vst v50  }
0x1a7: {  	[tilespmem:s9], [sflag:$0x2] =	stream.indirect.gather [hbm4b:s24+s8], $0x80, s12, s8, $0xb8;
	[tilespmem:$0x1CF80] =	vst v63  }
0x1a8: {  	_ =	swait.ge [sflag:s10], $0x4000  }
0x1a9: {  	[sflag:s10] =	ssyncset.done $0x0  }
0x1aa: {  	[sflag:s10] =	ssyncadd.s32 $0xFFFFC000  }
0x1ab: {  	[spmem:s21] =	stream.indirect.scatter.add.f32 [tilespmem:s19], [sflag:$0x5], $0x80, s11, s8, $0xb8;
	[tilespmem:$0x1CF80] =	vst v63  }
0x1ac: {  	_ =	swait.ge [sflag:s6], $0x4000  }
0x1ad: {  	[sflag:s6] =	ssyncset.done $0x0  }
0x1ae: {  	[sflag:s6] =	ssyncadd.s32 $0xFFFFC000  }
0x1af: {  	v51 =	vld [tilespmem:$0x800]  }
0x1b0: {  	v52 =	vld [tilespmem:$0x810]  }
0x1b1: {  	v53 =	vld [tilespmem:$0x820]  }
0x1b2: {  	v54 =	vld [tilespmem:$0x830]  }
0x1b3: {  	v55 =	vld [tilespmem:$0x840]  }
0x1b4: {  	v56 =	vld [tilespmem:$0x850];
	[tilespmem:$0xD00] =	vst v51  }
0x1b5: {  	v57 =	vld [tilespmem:$0x860];
	[tilespmem:$0xD10] =	vst v52  }
0x1b6: {  	v58 =	vld [tilespmem:$0x870];
	[tilespmem:$0xD20] =	vst v53  }
0x1b7: {  	[tilespmem:$0xD30] =	vst v54  }
0x1b8: {  	[tilespmem:$0xD40] =	vst v55  }
0x1b9: {  	[tilespmem:$0xD50] =	vst v56  }
0x1ba: {  	[tilespmem:$0xD60] =	vst v57  }
0x1bb: {  	[tilespmem:$0xD70] =	vst v58  }
0x1bc: {  	[tilespmem:s19], [sflag:$0x1] =	stream.indirect.gather [hbm4b:s24+s8], $0x80, s15, s8, $0xb8;
	[tilespmem:$0x1CF80] =	vst v63  }
0x1bd: {  	_ =	swait.ge [sflag:s13], $0x4000  }
0x1be: {  	[sflag:s13] =	ssyncset.done $0x0  }
0x1bf: {  	[sflag:s13] =	ssyncadd.s32 $0xFFFFC000  }
0x1c0: {  	[spmem:s21] =	stream.indirect.scatter.add.f32 [tilespmem:s9], [sflag:$0x5], $0x80, s11, s8, $0xb8;
	[tilespmem:$0x1CF80] =	vst v63  }
0x1c1: {  	_ =	swait.ge [sflag:s6], $0x4000  }
0x1c2: {  	[sflag:s6] =	ssyncset.done $0x0  }
0x1c3: {  	[sflag:s6] =	ssyncadd.s32 $0xFFFFC000  }
0x1c4: {  	v59 =	vld [tilespmem:$0x880]  }
0x1c5: {  	v60 =	vld [tilespmem:$0x890]  }
0x1c6: {  	v61 =	vld [tilespmem:$0x8A0]  }
0x1c7: {  	v62 =	vld [tilespmem:$0x8B0]  }
0x1c8: {  	v63 =	vld [tilespmem:$0x8C0]  }
0x1c9: {  	v5 =	vld [tilespmem:$0x8D0];
	[tilespmem:$0xD00] =	vst v59  }
0x1ca: {  	v6 =	vld [tilespmem:$0x8E0];
	[tilespmem:$0xD10] =	vst v60  }
0x1cb: {  	v7 =	vld [tilespmem:$0x8F0];
	[tilespmem:$0xD20] =	vst v61  }
0x1cc: {  	[tilespmem:$0xD30] =	vst v62  }
0x1cd: {  	[tilespmem:$0xD40] =	vst v63  }
0x1ce: {  	[tilespmem:$0xD50] =	vst v5  }
0x1cf: {  	[tilespmem:$0xD60] =	vst v6  }
0x1d0: {  	[tilespmem:$0xD70] =	vst v7  }
0x1d1: {  	[tilespmem:s9], [sflag:$0x2] =	stream.indirect.gather [hbm4b:s24+s8], $0x80, s0, s8, $0xb8;
	[tilespmem:$0x1CF80] =	vst v63  }
0x1d2: {  	_ =	swait.ge [sflag:s10], $0x4000  }
0x1d3: {  	[sflag:s10] =	ssyncset.done $0x0  }
0x1d4: {  	[sflag:s10] =	ssyncadd.s32 $0xFFFFC000  }
0x1d5: {  	[spmem:s21] =	stream.indirect.scatter.add.f32 [tilespmem:s19], [sflag:$0x5], $0x80, s11, s8, $0xb8;
	[tilespmem:$0x1CF80] =	vst v63  }
0x1d6: {  	_ =	swait.ge [sflag:s6], $0x4000  }
0x1d7: {  	[sflag:s6] =	ssyncset.done $0x0  }
0x1d8: {  	[sflag:s6] =	ssyncadd.s32 $0xFFFFC000  }
0x1d9: {  	v8 =	vld [tilespmem:$0x900]  }
0x1da: {  	v9 =	vld [tilespmem:$0x910]  }
0x1db: {  	v10 =	vld [tilespmem:$0x920]  }
0x1dc: {  	v11 =	vld [tilespmem:$0x930]  }
0x1dd: {  	v12 =	vld [tilespmem:$0x940]  }
0x1de: {  	v13 =	vld [tilespmem:$0x950];
	[tilespmem:$0xD00] =	vst v8  }
0x1df: {  	v14 =	vld [tilespmem:$0x960];
	[tilespmem:$0xD10] =	vst v9  }
0x1e0: {  	v15 =	vld [tilespmem:$0x970];
	[tilespmem:$0xD20] =	vst v10  }
0x1e1: {  	[tilespmem:$0xD30] =	vst v11  }
0x1e2: {  	[tilespmem:$0xD40] =	vst v12  }
0x1e3: {  	[tilespmem:$0xD50] =	vst v13  }
0x1e4: {  	[tilespmem:$0xD60] =	vst v14  }
0x1e5: {  	[tilespmem:$0xD70] =	vst v15  }
0x1e6: {  	[tilespmem:s19], [sflag:$0x1] =	stream.indirect.gather [hbm4b:s24+s8], $0x80, s17, s8, $0xb8;
	[tilespmem:$0x1CF80] =	vst v63  }
0x1e7: {  	_ =	swait.ge [sflag:s13], $0x4000  }
0x1e8: {  	[sflag:s13] =	ssyncset.done $0x0  }
0x1e9: {  	[sflag:s13] =	ssyncadd.s32 $0xFFFFC000  }
0x1ea: {  	[spmem:s21] =	stream.indirect.scatter.add.f32 [tilespmem:s9], [sflag:$0x5], $0x80, s11, s8, $0xb8;
	[tilespmem:$0x1CF80] =	vst v63  }
0x1eb: {  	_ =	swait.ge [sflag:s6], $0x4000  }
0x1ec: {  	[sflag:s6] =	ssyncset.done $0x0  }
0x1ed: {  	[sflag:s6] =	ssyncadd.s32 $0xFFFFC000  }
0x1ee: {  	v16 =	vld [tilespmem:$0x980]  }
0x1ef: {  	v17 =	vld [tilespmem:$0x990]  }
0x1f0: {  	v18 =	vld [tilespmem:$0x9A0]  }
0x1f1: {  	v19 =	vld [tilespmem:$0x9B0]  }
0x1f2: {  	v20 =	vld [tilespmem:$0x9C0]  }
0x1f3: {  	v21 =	vld [tilespmem:$0x9D0];
	[tilespmem:$0xD00] =	vst v16  }
0x1f4: {  	v22 =	vld [tilespmem:$0x9E0];
	[tilespmem:$0xD10] =	vst v17  }
0x1f5: {  	v23 =	vld [tilespmem:$0x9F0];
	[tilespmem:$0xD20] =	vst v18  }
0x1f6: {  	[tilespmem:$0xD30] =	vst v19  }
0x1f7: {  	[tilespmem:$0xD40] =	vst v20  }
0x1f8: {  	[tilespmem:$0xD50] =	vst v21  }
0x1f9: {  	[tilespmem:$0xD60] =	vst v22  }
0x1fa: {  	[tilespmem:$0xD70] =	vst v23  }
0x1fb: {  	[tilespmem:s9], [sflag:$0x2] =	stream.indirect.gather [hbm4b:s24+s8], $0x80, s1, s8, $0xb8;
	[tilespmem:$0x1CF80] =	vst v63  }
0x1fc: {  	_ =	swait.ge [sflag:s10], $0x4000  }
0x1fd: {  	[sflag:s10] =	ssyncset.done $0x0  }
0x1fe: {  	[sflag:s10] =	ssyncadd.s32 $0xFFFFC000  }
0x1ff: {  	[spmem:s21] =	stream.indirect.scatter.add.f32 [tilespmem:s19], [sflag:$0x5], $0x80, s11, s8, $0xb8;
	[tilespmem:$0x1CF80] =	vst v63  }
0x200: {  	_ =	swait.ge [sflag:s6], $0x4000  }
0x201: {  	[sflag:s6] =	ssyncset.done $0x0  }
0x202: {  	[sflag:s6] =	ssyncadd.s32 $0xFFFFC000  }
0x203: {  	v24 =	vld [tilespmem:$0xA00]  }
0x204: {  	v25 =	vld [tilespmem:$0xA10]  }
0x205: {  	v26 =	vld [tilespmem:$0xA20]  }
0x206: {  	v27 =	vld [tilespmem:$0xA30]  }
0x207: {  	v28 =	vld [tilespmem:$0xA40]  }
0x208: {  	v29 =	vld [tilespmem:$0xA50];
	[tilespmem:$0xD00] =	vst v24  }
0x209: {  	v30 =	vld [tilespmem:$0xA60];
	[tilespmem:$0xD10] =	vst v25  }
0x20a: {  	v31 =	vld [tilespmem:$0xA70];
	[tilespmem:$0xD20] =	vst v26  }
0x20b: {  	[tilespmem:$0xD30] =	vst v27  }
0x20c: {  	[tilespmem:$0xD40] =	vst v28  }
0x20d: {  	[tilespmem:$0xD50] =	vst v29  }
0x20e: {  	[tilespmem:$0xD60] =	vst v30  }
0x20f: {  	[tilespmem:$0xD70] =	vst v31  }
0x210: {  	[tilespmem:s19], [sflag:$0x1] =	stream.indirect.gather [hbm4b:s24+s8], $0x80, s2, s8, $0xb8;
	[tilespmem:$0x1CF80] =	vst v63  }
0x211: {  	_ =	swait.ge [sflag:s13], $0x4000  }
0x212: {  	[sflag:s13] =	ssyncset.done $0x0  }
0x213: {  	[sflag:s13] =	ssyncadd.s32 $0xFFFFC000  }
0x214: {  	[spmem:s21] =	stream.indirect.scatter.add.f32 [tilespmem:s9], [sflag:$0x5], $0x80, s11, s8, $0xb8;
	[tilespmem:$0x1CF80] =	vst v63  }
0x215: {  	_ =	swait.ge [sflag:s6], $0x4000  }
0x216: {  	[sflag:s6] =	ssyncset.done $0x0  }
0x217: {  	[sflag:s6] =	ssyncadd.s32 $0xFFFFC000  }
0x218: {  	v32 =	vld [tilespmem:$0xA80]  }
0x219: {  	v33 =	vld [tilespmem:$0xA90]  }
0x21a: {  	v34 =	vld [tilespmem:$0xAA0]  }
0x21b: {  	v35 =	vld [tilespmem:$0xAB0]  }
0x21c: {  	v36 =	vld [tilespmem:$0xAC0]  }
0x21d: {  	v37 =	vld [tilespmem:$0xAD0];
	[tilespmem:$0xD00] =	vst v32  }
0x21e: {  	v38 =	vld [tilespmem:$0xAE0];
	[tilespmem:$0xD10] =	vst v33  }
0x21f: {  	v39 =	vld [tilespmem:$0xAF0];
	[tilespmem:$0xD20] =	vst v34  }
0x220: {  	[tilespmem:$0xD30] =	vst v35  }
0x221: {  	[tilespmem:$0xD40] =	vst v36  }
0x222: {  	[tilespmem:$0xD50] =	vst v37  }
0x223: {  	[tilespmem:$0xD60] =	vst v38  }
0x224: {  	[tilespmem:$0xD70] =	vst v39  }
0x225: {  	[tilespmem:s9], [sflag:$0x2] =	stream.indirect.gather [hbm4b:s24+s8], $0x80, s3, s8, $0xb8;
	[tilespmem:$0x1CF80] =	vst v63  }
0x226: {  	_ =	swait.ge [sflag:s10], $0x4000  }
0x227: {  	[sflag:s10] =	ssyncset.done $0x0  }
0x228: {  	[sflag:s10] =	ssyncadd.s32 $0xFFFFC000  }
0x229: {  	[spmem:s21] =	stream.indirect.scatter.add.f32 [tilespmem:s19], [sflag:$0x5], $0x80, s11, s8, $0xb8;
	[tilespmem:$0x1CF80] =	vst v63  }
0x22a: {  	_ =	swait.ge [sflag:s6], $0x4000  }
0x22b: {  	[sflag:s6] =	ssyncset.done $0x0  }
0x22c: {  	[sflag:s6] =	ssyncadd.s32 $0xFFFFC000  }
0x22d: {  	v40 =	vld [tilespmem:$0xB00]  }
0x22e: {  	v41 =	vld [tilespmem:$0xB10]  }
0x22f: {  	v42 =	vld [tilespmem:$0xB20]  }
0x230: {  	v43 =	vld [tilespmem:$0xB30]  }
0x231: {  	v44 =	vld [tilespmem:$0xB40]  }
0x232: {  	v45 =	vld [tilespmem:$0xB50];
	[tilespmem:$0xD00] =	vst v40  }
0x233: {  	v46 =	vld [tilespmem:$0xB60];
	[tilespmem:$0xD10] =	vst v41  }
0x234: {  	v47 =	vld [tilespmem:$0xB70];
	[tilespmem:$0xD20] =	vst v42  }
0x235: {  	[tilespmem:$0xD30] =	vst v43  }
0x236: {  	[tilespmem:$0xD40] =	vst v44  }
0x237: {  	[tilespmem:$0xD50] =	vst v45  }
0x238: {  	[tilespmem:$0xD60] =	vst v46  }
0x239: {  	[tilespmem:$0xD70] =	vst v47  }
0x23a: {  	[tilespmem:s19], [sflag:$0x1] =	stream.indirect.gather [hbm4b:s24+s8], $0x80, s4, s8, $0xb8;
	[tilespmem:$0x1CF80] =	vst v63  }
0x23b: {  	_ =	swait.ge [sflag:s13], $0x4000  }
0x23c: {  	[sflag:s13] =	ssyncset.done $0x0  }
0x23d: {  	[sflag:s13] =	ssyncadd.s32 $0xFFFFC000  }
0x23e: {  	[spmem:s21] =	stream.indirect.scatter.add.f32 [tilespmem:s9], [sflag:$0x5], $0x80, s11, s8, $0xb8;
	[tilespmem:$0x1CF80] =	vst v63  }
0x23f: {  	_ =	swait.ge [sflag:s6], $0x4000  }
0x240: {  	[sflag:s6] =	ssyncset.done $0x0  }
0x241: {  	[sflag:s6] =	ssyncadd.s32 $0xFFFFC000  }
0x242: {  	v48 =	vld [tilespmem:$0xB80]  }
0x243: {  	v49 =	vld [tilespmem:$0xB90]  }
0x244: {  	v50 =	vld [tilespmem:$0xBA0]  }
0x245: {  	v51 =	vld [tilespmem:$0xBB0]  }
0x246: {  	v52 =	vld [tilespmem:$0xBC0]  }
0x247: {  	v53 =	vld [tilespmem:$0xBD0];
	[tilespmem:$0xD00] =	vst v48  }
0x248: {  	v54 =	vld [tilespmem:$0xBE0];
	[tilespmem:$0xD10] =	vst v49  }
0x249: {  	v55 =	vld [tilespmem:$0xBF0];
	[tilespmem:$0xD20] =	vst v50  }
0x24a: {  	[tilespmem:$0xD30] =	vst v51  }
0x24b: {  	[tilespmem:$0xD40] =	vst v52  }
0x24c: {  	[tilespmem:$0xD50] =	vst v53  }
0x24d: {  	[tilespmem:$0xD60] =	vst v54  }
0x24e: {  	[tilespmem:$0xD70] =	vst v55  }
0x24f: {  	[tilespmem:s9], [sflag:$0x2] =	stream.indirect.gather [hbm4b:s24+s8], $0x80, s14, s8, $0xb8;
	[tilespmem:$0x1CF80] =	vst v63  }
0x250: {  	_ =	swait.ge [sflag:s10], $0x4000  }
0x251: {  	[sflag:s10] =	ssyncset.done $0x0  }
0x252: {  	[sflag:s10] =	ssyncadd.s32 $0xFFFFC000  }
0x253: {  	[spmem:s21] =	stream.indirect.scatter.add.f32 [tilespmem:s19], [sflag:$0x5], $0x80, s11, s8, $0xb8;
	[tilespmem:$0x1CF80] =	vst v63  }
0x254: {  	_ =	swait.ge [sflag:s6], $0x4000  }
0x255: {  	[sflag:s6] =	ssyncset.done $0x0  }
0x256: {  	[sflag:s6] =	ssyncadd.s32 $0xFFFFC000  }
0x257: {  	v56 =	vld [tilespmem:$0xC00]  }
0x258: {  	v57 =	vld [tilespmem:$0xC10]  }
0x259: {  	v58 =	vld [tilespmem:$0xC20]  }
0x25a: {  	v59 =	vld [tilespmem:$0xC30]  }
0x25b: {  	v60 =	vld [tilespmem:$0xC40]  }
0x25c: {  	v61 =	vld [tilespmem:$0xC50];
	[tilespmem:$0xD00] =	vst v56  }
0x25d: {  	v62 =	vld [tilespmem:$0xC60];
	[tilespmem:$0xD10] =	vst v57  }
0x25e: {  	v63 =	vld [tilespmem:$0xC70];
	[tilespmem:$0xD20] =	vst v58  }
0x25f: {  	[tilespmem:$0xD30] =	vst v59  }
0x260: {  	[tilespmem:$0xD40] =	vst v60  }
0x261: {  	[tilespmem:$0xD50] =	vst v61  }
0x262: {  	[tilespmem:$0xD60] =	vst v62  }
0x263: {  	[tilespmem:$0xD70] =	vst v63  }
0x264: {  	_ =	swait.ge [sflag:s13], $0x4000  }
0x265: {  	p4 =	sne.s32 s18, $0x900;
	[sflag:s13] =	ssyncset.done $0x0  }
.Ltmp4:
0x266: {  	[sflag:s13] =	ssyncadd.s32 $0xFFFFC000;
	(pc) =	sbr.rel @p4 .LBB2_2-.Ltmp4, $4  }
0x267: {  	[spmem:s21] =	stream.indirect.scatter.add.f32 [tilespmem:s9], [sflag:$0x5], $0x80, s11, s8, $0xb8;
	[tilespmem:$0x1CF80] =	vst v63  }
0x268: {  	_ =	swait.ge [sflag:s6], $0x4000  }
0x269: {  	[sflag:s6] =	ssyncset.done $0x0  }
0x26a: {  	s18 =	sadd.s32 $0xC0, s18;
	[sflag:s6] =	ssyncadd.s32 $0xFFFFC000  }
.Ltmp5:
0x26b: {  	(pc) =	sbr.rel @!p3 .LBB2_7-.Ltmp5, $2  }
0x26c: {  	_ =	sdelay $0x2  }
0x26d: {  	s12 =	smov.u32 s24;
	s1 =	rddreg [dreg:$0x16]  }
.LBB2_6:
0x26e: {  	s14 =	rddreg [dreg:$0x12];
	s0 =	simm.s32 $0xD80  }
0x26f: {  	[tilespmem:s0], [sflag:$0x5] =	stream.linear.gather [hbm4b:s14+s16], $0x80, $0x38;
	[tilespmem:$0x1CF80] =	vst v63  }
0x270: {  	_ =	swait.ge [sflag:s6], $0x80  }
0x271: {  	[sflag:s6] =	ssyncset.done $0x0  }
0x272: {  	s26 =	rddreg [dreg:$0x13];
	[sflag:s6] =	ssyncadd.s32 $0xFFFFFF80  }
0x273: {  	[tilespmem:s11], [sflag:$0x5] =	stream.linear.gather [hbm4b:s26+s16], $0x80, $0x38;
	[tilespmem:$0x1CF80] =	vst v63  }
0x274: {  	s1 =	rddreg [dreg:$0x16];
	_ =	swait.ge [sflag:s6], $0x80  }
0x275: {  	[sflag:s6] =	ssyncset.done $0x0  }
0x276: {  	[sflag:s6] =	ssyncadd.s32 $0xFFFFFF80  }
0x277: {  	[tilespmem:s19], [sflag:$0x1] =	stream.indirect.gather [hbm4b:s12+s8], $0x80, s0, s8, $0xb8;
	[tilespmem:$0x1CF80] =	vst v63  }
0x278: {  	_ =	swait.ge [sflag:s10], $0x4000  }
0x279: {  	[sflag:s10] =	ssyncset.done $0x0  }
0x27a: {  	[sflag:s10] =	ssyncadd.s32 $0xFFFFC000  }
0x27b: {  	[spmem:s21] =	stream.indirect.scatter.add.f32 [tilespmem:s19], [sflag:$0x5], $0x80, s11, s8, $0xb8;
	[tilespmem:$0x1CF80] =	vst v63  }
0x27c: {  	_ =	swait.ge [sflag:s6], $0x4000  }
0x27d: {  	[sflag:s6] =	ssyncset.done $0x0  }
0x27e: {  	[sflag:s6] =	ssyncadd.s32 $0xFFFFC000  }
.LBB2_7:
0x27f: {  	[bflag:$0x0] =	sbarrier.arrive $0xFFFF  }
0x280: {  	s0 =	rddreg [dreg:$0x15]  }
0x281: {  	[tilespmem:s19], [sflag:$0x5] =	stream.linear.gather [spmem:s0], $0x4000, $0x38;
	[tilespmem:$0x1CF80] =	vst v63  }
0x282: {  	_ =	swait.ge [sflag:s6], $0x4000  }
0x283: {  	[sflag:s6] =	ssyncset.done $0x0  }
0x284: {  	s18 =	simm.s32 $0x0;
	s12 =	rddreg [dreg:$0x8];
	[sflag:s6] =	ssyncadd.s32 $0xFFFFC000  }
0x285: {  	[hbm4b:s12+s18] =	stream.linear.scatter [tilespmem:s19], [sflag:$0x5], $0x4000, $0x38;
	[tilespmem:$0x1CF80] =	vst v63  }
0x286: {  	_ =	swait.ge [sflag:s6], $0x4000  }
0x287: {  	[sflag:s6] =	ssyncset.done $0x0  }
0x288: {  	[sflag:s6] =	ssyncadd.s32 $0xFFFFC000  }
0x289: {  	[tilespmem:s19], [sflag:$0x5] =	stream.linear.gather [spmem:s1], $0x4000, $0x38;
	[tilespmem:$0x1CF80] =	vst v63  }
0x28a: {  	_ =	swait.ge [sflag:s6], $0x4000  }
0x28b: {  	[sflag:s6] =	ssyncset.done $0x0  }
0x28c: {  	s14 =	rddreg [dreg:$0x9];
	[sflag:s6] =	ssyncadd.s32 $0xFFFFC000  }
0x28d: {  	[hbm4b:s14+s18] =	stream.linear.scatter [tilespmem:s19], [sflag:$0x5], $0x4000, $0x38;
	[tilespmem:$0x1CF80] =	vst v63  }
0x28e: {  	_ =	swait.ge [sflag:s6], $0x4000  }
0x28f: {  	[sflag:s6] =	ssyncset.done $0x0  }
0x290: {  	s14 =	rddreg [dreg:$0x17];
	[sflag:s6] =	ssyncadd.s32 $0xFFFFC000  }
0x291: {  	[tilespmem:s19], [sflag:$0x5] =	stream.linear.gather [spmem:s14], $0x4000, $0x38;
	[tilespmem:$0x1CF80] =	vst v63  }
0x292: {  	_ =	swait.ge [sflag:s6], $0x4000  }
0x293: {  	[sflag:s6] =	ssyncset.done $0x0  }
0x294: {  	s15 =	rddreg [dreg:$0xa];
	[sflag:s6] =	ssyncadd.s32 $0xFFFFC000  }
0x295: {  	[hbm4b:s15+s18] =	stream.linear.scatter [tilespmem:s19], [sflag:$0x5], $0x4000, $0x38;
	[tilespmem:$0x1CF80] =	vst v63  }
0x296: {  	_ =	swait.ge [sflag:s6], $0x4000  }
0x297: {  	[sflag:s6] =	ssyncset.done $0x0  }
0x298: {  	s15 =	rddreg [dreg:$0x18];
	[sflag:s6] =	ssyncadd.s32 $0xFFFFC000  }
0x299: {  	[tilespmem:s19], [sflag:$0x5] =	stream.linear.gather [spmem:s15], $0x4000, $0x38;
	[tilespmem:$0x1CF80] =	vst v63  }
0x29a: {  	_ =	swait.ge [sflag:s6], $0x4000  }
0x29b: {  	[sflag:s6] =	ssyncset.done $0x0  }
0x29c: {  	s26 =	rddreg [dreg:$0xb];
	[sflag:s6] =	ssyncadd.s32 $0xFFFFC000  }
0x29d: {  	[hbm4b:s26+s18] =	stream.linear.scatter [tilespmem:s19], [sflag:$0x5], $0x4000, $0x38;
	[tilespmem:$0x1CF80] =	vst v63  }
0x29e: {  	_ =	swait.ge [sflag:s6], $0x4000  }
0x29f: {  	[sflag:s6] =	ssyncset.done $0x0  }
0x2a0: {  	s26 =	rddreg [dreg:$0x19];
	[sflag:s6] =	ssyncadd.s32 $0xFFFFC000  }
0x2a1: {  	[tilespmem:s19], [sflag:$0x5] =	stream.linear.gather [spmem:s26], $0x4000, $0x38;
	[tilespmem:$0x1CF80] =	vst v63  }
0x2a2: {  	_ =	swait.ge [sflag:s6], $0x4000  }
0x2a3: {  	[sflag:s6] =	ssyncset.done $0x0  }
0x2a4: {  	s2 =	rddreg [dreg:$0xc];
	[sflag:s6] =	ssyncadd.s32 $0xFFFFC000  }
0x2a5: {  	[hbm4b:s2+s18] =	stream.linear.scatter [tilespmem:s19], [sflag:$0x5], $0x4000, $0x38;
	[tilespmem:$0x1CF80] =	vst v63  }
0x2a6: {  	_ =	swait.ge [sflag:s6], $0x4000  }
0x2a7: {  	[sflag:s6] =	ssyncset.done $0x0  }
0x2a8: {  	[sflag:s6] =	ssyncadd.s32 $0xFFFFC000  }
0x2a9: {  	[bflag:$0x0] =	sbarrier.arrive $0xFFFF  }
0x2aa: {  	s4 =	rddreg [dreg:$0x3]  }
0x2ab: {  	[tilespmem:s19], [sflag:$0x5] =	stream.linear.gather [hbm4b:s4+s18], $0x4000, $0x38;
	[tilespmem:$0x1CF80] =	vst v63  }
0x2ac: {  	_ =	swait.ge [sflag:s6], $0x4000  }
0x2ad: {  	[sflag:s6] =	ssyncset.done $0x0  }
0x2ae: {  	[sflag:s6] =	ssyncadd.s32 $0xFFFFC000  }
0x2af: {  	[spmem:s0] =	stream.linear.scatter [tilespmem:s19], [sflag:$0x5], $0x4000, $0x38;
	[tilespmem:$0x1CF80] =	vst v63  }
0x2b0: {  	_ =	swait.ge [sflag:s6], $0x4000  }
0x2b1: {  	[sflag:s6] =	ssyncset.done $0x0  }
0x2b2: {  	s2 =	rddreg [dreg:$0x4];
	[sflag:s6] =	ssyncadd.s32 $0xFFFFC000  }
0x2b3: {  	[tilespmem:s19], [sflag:$0x5] =	stream.linear.gather [hbm4b:s2+s18], $0x4000, $0x38;
	[tilespmem:$0x1CF80] =	vst v63  }
0x2b4: {  	_ =	swait.ge [sflag:s6], $0x4000  }
0x2b5: {  	[sflag:s6] =	ssyncset.done $0x0  }
0x2b6: {  	[sflag:s6] =	ssyncadd.s32 $0xFFFFC000  }
0x2b7: {  	[spmem:s1] =	stream.linear.scatter [tilespmem:s19], [sflag:$0x5], $0x4000, $0x38;
	[tilespmem:$0x1CF80] =	vst v63  }
0x2b8: {  	_ =	swait.ge [sflag:s6], $0x4000  }
0x2b9: {  	[sflag:s6] =	ssyncset.done $0x0  }
0x2ba: {  	s4 =	rddreg [dreg:$0x5];
	[sflag:s6] =	ssyncadd.s32 $0xFFFFC000  }
0x2bb: {  	[tilespmem:s19], [sflag:$0x5] =	stream.linear.gather [hbm4b:s4+s18], $0x4000, $0x38;
	[tilespmem:$0x1CF80] =	vst v63  }
0x2bc: {  	_ =	swait.ge [sflag:s6], $0x4000  }
0x2bd: {  	[sflag:s6] =	ssyncset.done $0x0  }
0x2be: {  	[sflag:s6] =	ssyncadd.s32 $0xFFFFC000  }
0x2bf: {  	[spmem:s14] =	stream.linear.scatter [tilespmem:s19], [sflag:$0x5], $0x4000, $0x38;
	[tilespmem:$0x1CF80] =	vst v63  }
0x2c0: {  	_ =	swait.ge [sflag:s6], $0x4000  }
0x2c1: {  	[sflag:s6] =	ssyncset.done $0x0  }
0x2c2: {  	s14 =	rddreg [dreg:$0x6];
	[sflag:s6] =	ssyncadd.s32 $0xFFFFC000  }
0x2c3: {  	[tilespmem:s19], [sflag:$0x5] =	stream.linear.gather [hbm4b:s14+s18], $0x4000, $0x38;
	[tilespmem:$0x1CF80] =	vst v63  }
0x2c4: {  	_ =	swait.ge [sflag:s6], $0x4000  }
0x2c5: {  	[sflag:s6] =	ssyncset.done $0x0  }
0x2c6: {  	[sflag:s6] =	ssyncadd.s32 $0xFFFFC000  }
0x2c7: {  	[spmem:s15] =	stream.linear.scatter [tilespmem:s19], [sflag:$0x5], $0x4000, $0x38;
	[tilespmem:$0x1CF80] =	vst v63  }
0x2c8: {  	_ =	swait.ge [sflag:s6], $0x4000  }
0x2c9: {  	[sflag:s6] =	ssyncset.done $0x0  }
0x2ca: {  	s15 =	rddreg [dreg:$0x7];
	[sflag:s6] =	ssyncadd.s32 $0xFFFFC000  }
0x2cb: {  	[tilespmem:s19], [sflag:$0x5] =	stream.linear.gather [hbm4b:s15+s18], $0x4000, $0x38;
	[tilespmem:$0x1CF80] =	vst v63  }
0x2cc: {  	_ =	swait.ge [sflag:s6], $0x4000  }
0x2cd: {  	[sflag:s6] =	ssyncset.done $0x0  }
0x2ce: {  	[sflag:s6] =	ssyncadd.s32 $0xFFFFC000  }
0x2cf: {  	[spmem:s26] =	stream.linear.scatter [tilespmem:s19], [sflag:$0x5], $0x4000, $0x38;
	[tilespmem:$0x1CF80] =	vst v63  }
0x2d0: {  	_ =	swait.ge [sflag:s6], $0x4000  }
0x2d1: {  	[sflag:s6] =	ssyncset.done $0x0  }
0x2d2: {  	s26 =	rddreg [dreg:$0x14];
	[sflag:s6] =	ssyncadd.s32 $0xFFFFC000  }
0x2d3: {  	[tilespmem:s9], [sflag:$0x5] =	stream.linear.gather [hbm4b:s26+s18], $0x4000, $0x38;
	[tilespmem:$0x1CF80] =	vst v63  }
0x2d4: {  	_ =	swait.ge [sflag:s6], $0x4000  }
0x2d5: {  	[sflag:s6] =	ssyncset.done $0x0  }
0x2d6: {  	[sflag:s6] =	ssyncadd.s32 $0xFFFFC000  }
0x2d7: {  	[bflag:$0x0] =	sbarrier.arrive $0xFFFF  }
.LBB2_8:
0x2d8: {  	s12 =	sadd.s32 s18, s20  }
0x2d9: {  	[tilespmem:s7], [sflag:$0x5] =	stream.linear.gather [hbm4b:s12+s16], $0x680, $0x38;
	[tilespmem:$0x1CF80] =	vst v63  }
0x2da: {  	_ =	swait.ge [sflag:s6], $0x680  }
0x2db: {  	[sflag:s6] =	ssyncset.done $0x0  }
0x2dc: {  	[sflag:s6] =	ssyncadd.s32 $0xFFFFF980  }
0x2dd: {  	v0 =	vld [tilespmem:$0x680]  }
0x2de: {  	v1 =	vld [tilespmem:$0x690]  }
0x2df: {  	v2 =	vld [tilespmem:$0x6A0]  }
0x2e0: {  	v3 =	vld [tilespmem:$0x6B0]  }
0x2e1: {  	v4 =	vld [tilespmem:$0x6C0]  }
0x2e2: {  	v24 =	vld [tilespmem:$0x6D0];
	[tilespmem:$0xD00] =	vst v0  }
0x2e3: {  	v25 =	vld [tilespmem:$0x6E0];
	[tilespmem:$0xD10] =	vst v1  }
0x2e4: {  	v26 =	vld [tilespmem:$0x6F0];
	[tilespmem:$0xD20] =	vst v2  }
0x2e5: {  	[tilespmem:$0xD30] =	vst v3  }
0x2e6: {  	[tilespmem:$0xD40] =	vst v4  }
0x2e7: {  	[tilespmem:$0xD50] =	vst v24  }
0x2e8: {  	[tilespmem:$0xD60] =	vst v25  }
0x2e9: {  	[tilespmem:$0xD70] =	vst v26  }
0x2ea: {  	[spmem:s21] =	stream.indirect.scatter.add.f32 [tilespmem:s9], [sflag:$0x1], $0x80, s11, s8, $0xb8;
	[tilespmem:$0x1CF80] =	vst v63  }
0x2eb: {  	v27 =	vld [tilespmem:$0x700]  }
0x2ec: {  	v28 =	vld [tilespmem:$0x710]  }
0x2ed: {  	v29 =	vld [tilespmem:$0x720]  }
0x2ee: {  	v30 =	vld [tilespmem:$0x730]  }
0x2ef: {  	v31 =	vld [tilespmem:$0x740]  }
0x2f0: {  	v32 =	vld [tilespmem:$0x750];
	[tilespmem:$0xE00] =	vst v27  }
0x2f1: {  	v33 =	vld [tilespmem:$0x760];
	[tilespmem:$0xE10] =	vst v28  }
0x2f2: {  	v34 =	vld [tilespmem:$0x770];
	[tilespmem:$0xE20] =	vst v29  }
0x2f3: {  	[tilespmem:$0xE30] =	vst v30  }
0x2f4: {  	[tilespmem:$0xE40] =	vst v31  }
0x2f5: {  	[tilespmem:$0xE50] =	vst v32  }
0x2f6: {  	[tilespmem:$0xE60] =	vst v33  }
0x2f7: {  	[tilespmem:$0xE70] =	vst v34  }
0x2f8: {  	[spmem:s21] =	stream.indirect.scatter.add.f32 [tilespmem:s9], [sflag:$0x2], $0x80, s5, s8, $0xb8;
	[tilespmem:$0x1CF80] =	vst v63  }
0x2f9: {  	v35 =	vld [tilespmem:$0x780]  }
0x2fa: {  	v36 =	vld [tilespmem:$0x790]  }
0x2fb: {  	v37 =	vld [tilespmem:$0x7A0]  }
0x2fc: {  	v38 =	vld [tilespmem:$0x7B0]  }
0x2fd: {  	v39 =	vld [tilespmem:$0x7C0]  }
0x2fe: {  	v40 =	vld [tilespmem:$0x7D0];
	[tilespmem:$0xE80] =	vst v35  }
0x2ff: {  	v41 =	vld [tilespmem:$0x7E0];
	[tilespmem:$0xE90] =	vst v36  }
0x300: {  	v42 =	vld [tilespmem:$0x7F0];
	[tilespmem:$0xEA0] =	vst v37  }
0x301: {  	[tilespmem:$0xEB0] =	vst v38  }
0x302: {  	[tilespmem:$0xEC0] =	vst v39  }
0x303: {  	[tilespmem:$0xED0] =	vst v40  }
0x304: {  	[tilespmem:$0xEE0] =	vst v41  }
0x305: {  	[tilespmem:$0xEF0] =	vst v42  }
0x306: {  	[spmem:s21] =	stream.indirect.scatter.add.f32 [tilespmem:s9], [sflag:$0x3], $0x80, s28, s8, $0xb8;
	[tilespmem:$0x1CF80] =	vst v63  }
0x307: {  	v43 =	vld [tilespmem:$0x800]  }
0x308: {  	v44 =	vld [tilespmem:$0x810]  }
0x309: {  	v45 =	vld [tilespmem:$0x820]  }
0x30a: {  	v46 =	vld [tilespmem:$0x830]  }
0x30b: {  	v47 =	vld [tilespmem:$0x840]  }
0x30c: {  	v48 =	vld [tilespmem:$0x850];
	[tilespmem:$0xF00] =	vst v43  }
0x30d: {  	v49 =	vld [tilespmem:$0x860];
	[tilespmem:$0xF10] =	vst v44  }
0x30e: {  	v50 =	vld [tilespmem:$0x870];
	[tilespmem:$0xF20] =	vst v45  }
0x30f: {  	[tilespmem:$0xF30] =	vst v46  }
0x310: {  	[tilespmem:$0xF40] =	vst v47  }
0x311: {  	[tilespmem:$0xF50] =	vst v48  }
0x312: {  	[tilespmem:$0xF60] =	vst v49  }
0x313: {  	[tilespmem:$0xF70] =	vst v50  }
0x314: {  	[spmem:s21] =	stream.indirect.scatter.add.f32 [tilespmem:s9], [sflag:$0x4], $0x80, s29, s8, $0xb8;
	[tilespmem:$0x1CF80] =	vst v63  }
0x315: {  	_ =	swait.ge [sflag:s10], $0x4000  }
0x316: {  	[sflag:s10] =	ssyncset.done $0x0  }
0x317: {  	[sflag:s10] =	ssyncadd.s32 $0xFFFFC000  }
0x318: {  	v51 =	vld [tilespmem:$0x880]  }
0x319: {  	v52 =	vld [tilespmem:$0x890]  }
0x31a: {  	v53 =	vld [tilespmem:$0x8A0]  }
0x31b: {  	v54 =	vld [tilespmem:$0x8B0]  }
0x31c: {  	v55 =	vld [tilespmem:$0x8C0]  }
0x31d: {  	v56 =	vld [tilespmem:$0x8D0];
	[tilespmem:$0xD00] =	vst v51  }
0x31e: {  	v57 =	vld [tilespmem:$0x8E0];
	[tilespmem:$0xD10] =	vst v52  }
0x31f: {  	v58 =	vld [tilespmem:$0x8F0];
	[tilespmem:$0xD20] =	vst v53  }
0x320: {  	[tilespmem:$0xD30] =	vst v54  }
0x321: {  	[tilespmem:$0xD40] =	vst v55  }
0x322: {  	[tilespmem:$0xD50] =	vst v56  }
0x323: {  	[tilespmem:$0xD60] =	vst v57  }
0x324: {  	[tilespmem:$0xD70] =	vst v58  }
0x325: {  	[spmem:s21] =	stream.indirect.scatter.add.f32 [tilespmem:s9], [sflag:$0x1], $0x80, s11, s8, $0xb8;
	[tilespmem:$0x1CF80] =	vst v63  }
0x326: {  	_ =	swait.ge [sflag:s13], $0x4000  }
0x327: {  	[sflag:s13] =	ssyncset.done $0x0  }
0x328: {  	[sflag:s13] =	ssyncadd.s32 $0xFFFFC000  }
0x329: {  	v59 =	vld [tilespmem:$0x900]  }
0x32a: {  	v60 =	vld [tilespmem:$0x910]  }
0x32b: {  	v61 =	vld [tilespmem:$0x920]  }
0x32c: {  	v62 =	vld [tilespmem:$0x930]  }
0x32d: {  	v63 =	vld [tilespmem:$0x940]  }
0x32e: {  	v5 =	vld [tilespmem:$0x950];
	[tilespmem:$0xE00] =	vst v59  }
0x32f: {  	v6 =	vld [tilespmem:$0x960];
	[tilespmem:$0xE10] =	vst v60  }
0x330: {  	v7 =	vld [tilespmem:$0x970];
	[tilespmem:$0xE20] =	vst v61  }
0x331: {  	[tilespmem:$0xE30] =	vst v62  }
0x332: {  	[tilespmem:$0xE40] =	vst v63  }
0x333: {  	[tilespmem:$0xE50] =	vst v5  }
0x334: {  	[tilespmem:$0xE60] =	vst v6  }
0x335: {  	[tilespmem:$0xE70] =	vst v7  }
0x336: {  	[spmem:s21] =	stream.indirect.scatter.add.f32 [tilespmem:s9], [sflag:$0x2], $0x80, s5, s8, $0xb8;
	[tilespmem:$0x1CF80] =	vst v63  }
0x337: {  	_ =	swait.ge [sflag:s30], $0x4000  }
0x338: {  	[sflag:s30] =	ssyncset.done $0x0  }
0x339: {  	[sflag:s30] =	ssyncadd.s32 $0xFFFFC000  }
0x33a: {  	v8 =	vld [tilespmem:$0x980]  }
0x33b: {  	v9 =	vld [tilespmem:$0x990]  }
0x33c: {  	v10 =	vld [tilespmem:$0x9A0]  }
0x33d: {  	v11 =	vld [tilespmem:$0x9B0]  }
0x33e: {  	v12 =	vld [tilespmem:$0x9C0]  }
0x33f: {  	v13 =	vld [tilespmem:$0x9D0];
	[tilespmem:$0xE80] =	vst v8  }
0x340: {  	v14 =	vld [tilespmem:$0x9E0];
	[tilespmem:$0xE90] =	vst v9  }
0x341: {  	v15 =	vld [tilespmem:$0x9F0];
	[tilespmem:$0xEA0] =	vst v10  }
0x342: {  	[tilespmem:$0xEB0] =	vst v11  }
0x343: {  	[tilespmem:$0xEC0] =	vst v12  }
0x344: {  	[tilespmem:$0xED0] =	vst v13  }
0x345: {  	[tilespmem:$0xEE0] =	vst v14  }
0x346: {  	[tilespmem:$0xEF0] =	vst v15  }
0x347: {  	[spmem:s21] =	stream.indirect.scatter.add.f32 [tilespmem:s9], [sflag:$0x3], $0x80, s28, s8, $0xb8;
	[tilespmem:$0x1CF80] =	vst v63  }
0x348: {  	_ =	swait.ge [sflag:s31], $0x4000  }
0x349: {  	[sflag:s31] =	ssyncset.done $0x0  }
0x34a: {  	[sflag:s31] =	ssyncadd.s32 $0xFFFFC000  }
0x34b: {  	v16 =	vld [tilespmem:$0xA00]  }
0x34c: {  	v17 =	vld [tilespmem:$0xA10]  }
0x34d: {  	v18 =	vld [tilespmem:$0xA20]  }
0x34e: {  	v19 =	vld [tilespmem:$0xA30]  }
0x34f: {  	v20 =	vld [tilespmem:$0xA40]  }
0x350: {  	v21 =	vld [tilespmem:$0xA50];
	[tilespmem:$0xF00] =	vst v16  }
0x351: {  	v22 =	vld [tilespmem:$0xA60];
	[tilespmem:$0xF10] =	vst v17  }
0x352: {  	v23 =	vld [tilespmem:$0xA70];
	[tilespmem:$0xF20] =	vst v18  }
0x353: {  	[tilespmem:$0xF30] =	vst v19  }
0x354: {  	[tilespmem:$0xF40] =	vst v20  }
0x355: {  	[tilespmem:$0xF50] =	vst v21  }
0x356: {  	[tilespmem:$0xF60] =	vst v22  }
0x357: {  	[tilespmem:$0xF70] =	vst v23  }
0x358: {  	[spmem:s21] =	stream.indirect.scatter.add.f32 [tilespmem:s9], [sflag:$0x4], $0x80, s29, s8, $0xb8;
	[tilespmem:$0x1CF80] =	vst v63  }
0x359: {  	_ =	swait.ge [sflag:s10], $0x4000  }
0x35a: {  	[sflag:s10] =	ssyncset.done $0x0  }
0x35b: {  	[sflag:s10] =	ssyncadd.s32 $0xFFFFC000  }
0x35c: {  	v24 =	vld [tilespmem:$0xA80]  }
0x35d: {  	v25 =	vld [tilespmem:$0xA90]  }
0x35e: {  	v26 =	vld [tilespmem:$0xAA0]  }
0x35f: {  	v27 =	vld [tilespmem:$0xAB0]  }
0x360: {  	v28 =	vld [tilespmem:$0xAC0]  }
0x361: {  	v29 =	vld [tilespmem:$0xAD0];
	[tilespmem:$0xD00] =	vst v24  }
0x362: {  	v30 =	vld [tilespmem:$0xAE0];
	[tilespmem:$0xD10] =	vst v25  }
0x363: {  	v31 =	vld [tilespmem:$0xAF0];
	[tilespmem:$0xD20] =	vst v26  }
0x364: {  	[tilespmem:$0xD30] =	vst v27  }
0x365: {  	[tilespmem:$0xD40] =	vst v28  }
0x366: {  	[tilespmem:$0xD50] =	vst v29  }
0x367: {  	[tilespmem:$0xD60] =	vst v30  }
0x368: {  	[tilespmem:$0xD70] =	vst v31  }
0x369: {  	[spmem:s21] =	stream.indirect.scatter.add.f32 [tilespmem:s9], [sflag:$0x1], $0x80, s11, s8, $0xb8;
	[tilespmem:$0x1CF80] =	vst v63  }
0x36a: {  	_ =	swait.ge [sflag:s13], $0x4000  }
0x36b: {  	[sflag:s13] =	ssyncset.done $0x0  }
0x36c: {  	[sflag:s13] =	ssyncadd.s32 $0xFFFFC000  }
0x36d: {  	v32 =	vld [tilespmem:$0xB00]  }
0x36e: {  	v33 =	vld [tilespmem:$0xB10]  }
0x36f: {  	v34 =	vld [tilespmem:$0xB20]  }
0x370: {  	v35 =	vld [tilespmem:$0xB30]  }
0x371: {  	v36 =	vld [tilespmem:$0xB40]  }
0x372: {  	v37 =	vld [tilespmem:$0xB50];
	[tilespmem:$0xE00] =	vst v32  }
0x373: {  	v38 =	vld [tilespmem:$0xB60];
	[tilespmem:$0xE10] =	vst v33  }
0x374: {  	v39 =	vld [tilespmem:$0xB70];
	[tilespmem:$0xE20] =	vst v34  }
0x375: {  	[tilespmem:$0xE30] =	vst v35  }
0x376: {  	[tilespmem:$0xE40] =	vst v36  }
0x377: {  	[tilespmem:$0xE50] =	vst v37  }
0x378: {  	[tilespmem:$0xE60] =	vst v38  }
0x379: {  	[tilespmem:$0xE70] =	vst v39  }
0x37a: {  	[spmem:s21] =	stream.indirect.scatter.add.f32 [tilespmem:s9], [sflag:$0x2], $0x80, s5, s8, $0xb8;
	[tilespmem:$0x1CF80] =	vst v63  }
0x37b: {  	_ =	swait.ge [sflag:s30], $0x4000  }
0x37c: {  	[sflag:s30] =	ssyncset.done $0x0  }
0x37d: {  	[sflag:s30] =	ssyncadd.s32 $0xFFFFC000  }
0x37e: {  	v40 =	vld [tilespmem:$0xB80]  }
0x37f: {  	v41 =	vld [tilespmem:$0xB90]  }
0x380: {  	v42 =	vld [tilespmem:$0xBA0]  }
0x381: {  	v43 =	vld [tilespmem:$0xBB0]  }
0x382: {  	v44 =	vld [tilespmem:$0xBC0]  }
0x383: {  	v45 =	vld [tilespmem:$0xBD0];
	[tilespmem:$0xE80] =	vst v40  }
0x384: {  	v46 =	vld [tilespmem:$0xBE0];
	[tilespmem:$0xE90] =	vst v41  }
0x385: {  	v47 =	vld [tilespmem:$0xBF0];
	[tilespmem:$0xEA0] =	vst v42  }
0x386: {  	[tilespmem:$0xEB0] =	vst v43  }
0x387: {  	[tilespmem:$0xEC0] =	vst v44  }
0x388: {  	[tilespmem:$0xED0] =	vst v45  }
0x389: {  	[tilespmem:$0xEE0] =	vst v46  }
0x38a: {  	[tilespmem:$0xEF0] =	vst v47  }
0x38b: {  	[spmem:s21] =	stream.indirect.scatter.add.f32 [tilespmem:s9], [sflag:$0x3], $0x80, s28, s8, $0xb8;
	[tilespmem:$0x1CF80] =	vst v63  }
0x38c: {  	_ =	swait.ge [sflag:s31], $0x4000  }
0x38d: {  	[sflag:s31] =	ssyncset.done $0x0  }
0x38e: {  	[sflag:s31] =	ssyncadd.s32 $0xFFFFC000  }
0x38f: {  	v48 =	vld [tilespmem:$0xC00]  }
0x390: {  	v49 =	vld [tilespmem:$0xC10]  }
0x391: {  	v50 =	vld [tilespmem:$0xC20]  }
0x392: {  	v51 =	vld [tilespmem:$0xC30]  }
0x393: {  	v52 =	vld [tilespmem:$0xC40]  }
0x394: {  	v53 =	vld [tilespmem:$0xC50];
	[tilespmem:$0xF00] =	vst v48  }
0x395: {  	v54 =	vld [tilespmem:$0xC60];
	[tilespmem:$0xF10] =	vst v49  }
0x396: {  	v55 =	vld [tilespmem:$0xC70];
	[tilespmem:$0xF20] =	vst v50  }
0x397: {  	[tilespmem:$0xF30] =	vst v51  }
0x398: {  	[tilespmem:$0xF40] =	vst v52  }
0x399: {  	[tilespmem:$0xF50] =	vst v53  }
0x39a: {  	[tilespmem:$0xF60] =	vst v54  }
0x39b: {  	[tilespmem:$0xF70] =	vst v55  }
0x39c: {  	[spmem:s21] =	stream.indirect.scatter.add.f32 [tilespmem:s9], [sflag:$0x4], $0x80, s29, s8, $0xb8;
	[tilespmem:$0x1CF80] =	vst v63  }
0x39d: {  	_ =	swait.ge [sflag:s10], $0x4000  }
0x39e: {  	[sflag:s10] =	ssyncset.done $0x0  }
0x39f: {  	[sflag:s10] =	ssyncadd.s32 $0xFFFFC000  }
0x3a0: {  	v56 =	vld [tilespmem:$0xC80]  }
0x3a1: {  	v57 =	vld [tilespmem:$0xC90]  }
0x3a2: {  	v58 =	vld [tilespmem:$0xCA0]  }
0x3a3: {  	v59 =	vld [tilespmem:$0xCB0]  }
0x3a4: {  	v60 =	vld [tilespmem:$0xCC0]  }
0x3a5: {  	v61 =	vld [tilespmem:$0xCD0];
	[tilespmem:$0xD00] =	vst v56  }
0x3a6: {  	v62 =	vld [tilespmem:$0xCE0];
	[tilespmem:$0xD10] =	vst v57  }
0x3a7: {  	v63 =	vld [tilespmem:$0xCF0];
	[tilespmem:$0xD20] =	vst v58  }
0x3a8: {  	[tilespmem:$0xD30] =	vst v59  }
0x3a9: {  	[tilespmem:$0xD40] =	vst v60  }
0x3aa: {  	[tilespmem:$0xD50] =	vst v61  }
0x3ab: {  	[tilespmem:$0xD60] =	vst v62  }
0x3ac: {  	[tilespmem:$0xD70] =	vst v63  }
0x3ad: {  	[spmem:s21] =	stream.indirect.scatter.add.f32 [tilespmem:s9], [sflag:$0x1], $0x80, s11, s8, $0xb8;
	[tilespmem:$0x1CF80] =	vst v63  }
0x3ae: {  	_ =	swait.ge [sflag:s10], $0x4000  }
0x3af: {  	[sflag:s10] =	ssyncset.done $0x0  }
0x3b0: {  	[sflag:s10] =	ssyncadd.s32 $0xFFFFC000  }
0x3b1: {  	_ =	swait.ge [sflag:s13], $0x4000  }
0x3b2: {  	[sflag:s13] =	ssyncset.done $0x0  }
0x3b3: {  	[sflag:s13] =	ssyncadd.s32 $0xFFFFC000  }
0x3b4: {  	p4 =	sne.s32 s18, $0x410;
	_ =	swait.ge [sflag:s30], $0x4000  }
.Ltmp6:
0x3b5: {  	[sflag:s30] =	ssyncset.done $0x0;
	(pc) =	sbr.rel @p4 .LBB2_8-.Ltmp6, $4  }
0x3b6: {  	[sflag:s30] =	ssyncadd.s32 $0xFFFFC000  }
0x3b7: {  	_ =	swait.ge [sflag:s31], $0x4000  }
0x3b8: {  	[sflag:s31] =	ssyncset.done $0x0  }
0x3b9: {  	s18 =	sadd.s32 $0xD0, s18;
	[sflag:s31] =	ssyncadd.s32 $0xFFFFC000  }
0x3ba: {  	s12 =	simm.s32 @!p2 $0x0;
	s18 =	simm.s32 @!p2 $0xD00;
	s14 =	rddreg [dreg:$0x1b]  }
0x3bb: {  	[tilespmem:s18], [sflag:$0x5] =	stream.linear.gather @!p2 [hbm4b:s14+s12], $0x80, $0x38;
	[tilespmem:$0x1CF80] =	vst v63  }
0x3bc: {  	s12 =	simm.s32 @!p2 $0x5  }
0x3bd: {  	_ =	swait.ge @!p2 [sflag:s12], $0x80  }
0x3be: {  	[sflag:s12] =	ssyncset.done @!p2 $0x0  }
0x3bf: {  	s15 =	simm.s32 @!p2 $0x4F80;
	s14 =	simm.s32 @!p2 $0x80;
	[sflag:s12] =	ssyncadd.s32 @!p2 $0xFFFFFF80  }
0x3c0: {  	[spmem:s21] =	stream.indirect.scatter.add.f32 @!p2 [tilespmem:s15], [sflag:$0x5], $0x80, s18, s14, $0xb8;
	[tilespmem:$0x1CF80] =	vst v63  }
0x3c1: {  	_ =	swait.ge @!p2 [sflag:s12], $0x4000  }
0x3c2: {  	[sflag:s12] =	ssyncset.done @!p2 $0x0  }
0x3c3: {  	[sflag:s12] =	ssyncadd.s32 @!p2 $0xFFFFC000  }
0x3c4: {  	[bflag:$0x0] =	sbarrier.arrive $0xFFFF  }
0x3c5: {  	s4 =	rddreg [dreg:$0x15]  }
0x3c6: {  	[tilespmem:s19], [sflag:$0x5] =	stream.linear.gather [spmem:s4], $0x4000, $0x38;
	[tilespmem:$0x1CF80] =	vst v63  }
0x3c7: {  	_ =	swait.ge [sflag:s6], $0x4000  }
0x3c8: {  	[sflag:s6] =	ssyncset.done $0x0  }
0x3c9: {  	s15 =	rddreg [dreg:$0xd];
	[sflag:s6] =	ssyncadd.s32 $0xFFFFC000  }
0x3ca: {  	[hbm4b:s15+s16] =	stream.linear.scatter [tilespmem:s19], [sflag:$0x5], $0x4000, $0x38;
	[tilespmem:$0x1CF80] =	vst v63  }
0x3cb: {  	_ =	swait.ge [sflag:s6], $0x4000  }
0x3cc: {  	[sflag:s6] =	ssyncset.done $0x0  }
0x3cd: {  	s2 =	rddreg [dreg:$0x16];
	[sflag:s6] =	ssyncadd.s32 $0xFFFFC000  }
0x3ce: {  	[tilespmem:s19], [sflag:$0x5] =	stream.linear.gather [spmem:s2], $0x4000, $0x38;
	[tilespmem:$0x1CF80] =	vst v63  }
0x3cf: {  	_ =	swait.ge [sflag:s6], $0x4000  }
0x3d0: {  	[sflag:s6] =	ssyncset.done $0x0  }
0x3d1: {  	s18 =	rddreg [dreg:$0xe];
	[sflag:s6] =	ssyncadd.s32 $0xFFFFC000  }
0x3d2: {  	[hbm4b:s18+s16] =	stream.linear.scatter [tilespmem:s19], [sflag:$0x5], $0x4000, $0x38;
	[tilespmem:$0x1CF80] =	vst v63  }
0x3d3: {  	_ =	swait.ge [sflag:s6], $0x4000  }
0x3d4: {  	[sflag:s6] =	ssyncset.done $0x0  }
0x3d5: {  	s18 =	rddreg [dreg:$0x17];
	[sflag:s6] =	ssyncadd.s32 $0xFFFFC000  }
0x3d6: {  	[tilespmem:s19], [sflag:$0x5] =	stream.linear.gather [spmem:s18], $0x4000, $0x38;
	[tilespmem:$0x1CF80] =	vst v63  }
0x3d7: {  	_ =	swait.ge [sflag:s6], $0x4000  }
0x3d8: {  	[sflag:s6] =	ssyncset.done $0x0  }
0x3d9: {  	s26 =	rddreg [dreg:$0xf];
	[sflag:s6] =	ssyncadd.s32 $0xFFFFC000  }
0x3da: {  	[hbm4b:s26+s16] =	stream.linear.scatter [tilespmem:s19], [sflag:$0x5], $0x4000, $0x38;
	[tilespmem:$0x1CF80] =	vst v63  }
0x3db: {  	_ =	swait.ge [sflag:s6], $0x4000  }
0x3dc: {  	[sflag:s6] =	ssyncset.done $0x0  }
0x3dd: {  	s14 =	rddreg [dreg:$0x18];
	[sflag:s6] =	ssyncadd.s32 $0xFFFFC000  }
0x3de: {  	[tilespmem:s19], [sflag:$0x5] =	stream.linear.gather [spmem:s14], $0x4000, $0x38;
	[tilespmem:$0x1CF80] =	vst v63  }
0x3df: {  	_ =	swait.ge [sflag:s6], $0x4000  }
0x3e0: {  	[sflag:s6] =	ssyncset.done $0x0  }
0x3e1: {  	s0 =	rddreg [dreg:$0x10];
	[sflag:s6] =	ssyncadd.s32 $0xFFFFC000  }
0x3e2: {  	[hbm4b:s0+s16] =	stream.linear.scatter [tilespmem:s19], [sflag:$0x5], $0x4000, $0x38;
	[tilespmem:$0x1CF80] =	vst v63  }
0x3e3: {  	_ =	swait.ge [sflag:s6], $0x4000  }
0x3e4: {  	[sflag:s6] =	ssyncset.done $0x0  }
0x3e5: {  	s15 =	rddreg [dreg:$0x19];
	[sflag:s6] =	ssyncadd.s32 $0xFFFFC000  }
0x3e6: {  	[tilespmem:s19], [sflag:$0x5] =	stream.linear.gather [spmem:s15], $0x4000, $0x38;
	[tilespmem:$0x1CF80] =	vst v63  }
0x3e7: {  	_ =	swait.ge [sflag:s6], $0x4000  }
0x3e8: {  	[sflag:s6] =	ssyncset.done $0x0  }
0x3e9: {  	s1 =	rddreg [dreg:$0x11];
	[sflag:s6] =	ssyncadd.s32 $0xFFFFC000  }
0x3ea: {  	[hbm4b:s1+s16] =	stream.linear.scatter [tilespmem:s19], [sflag:$0x5], $0x4000, $0x38;
	[tilespmem:$0x1CF80] =	vst v63  }
0x3eb: {  	_ =	swait.ge [sflag:s6], $0x4000  }
0x3ec: {  	s0 =	rddreg [dreg:$0x1c]  }
0x3ed: {  	s26 =	rddreg [dreg:$0x1a];
	s0 =	sadd.s32 $0x1, s0  }
0x3ee: {  	p4 =	sne.s32 s0, s26  }
.Ltmp7:
0x3ef: {  	_ = 	snop;
	(pc) =	sbr.rel @p4 .LBB2_1-.Ltmp7, $3  }
0x3f0: {  	_ =	sdelay $0x1  }
0x3f1: {  	[sflag:s6] =	ssyncset.done $0x0  }
0x3f2: {  	[sflag:s6] =	ssyncadd.s32 $0xFFFFC000;
	s26 =	simm.s32 $0x100  }
0x3f3: {  	_ =	sfence.sel $0x180000  }
0x3f4: {  	[bflag:$0x0] =	sbarrier.arrive $0xFFFF  }
0x3f5: {  	_ =	strace $0x90000047  }
0x3f6: {  	s0 =	stileid.u32;
	[bflag:$0x2] =	sbarrier.arrive $0xFFFF  }
0x3f7: {  	p0 =	sne.s32 s0, $0x0;
	s0 =	rddreg [dreg:$0x2]  }
0x3f8: {  	s0 =	sadd.s32 @!p0 $0x100000, s0  }
0x3f9: {  	[sflag:s0] =	ssyncadd.tile.s32 @!p0 $0x1;
	_ =	shalt  }
.Lfunc_end2:
_tile_overlayer_lowered:
.L_overlay_start_2:
0x3fa: {  	(tag) =	ssettag $0x2  }
0x3fb: {  	s0 =	rddreg [dreg:$0x0];
	s2 =	stileid.u32  }
0x3fc: {  	s1 =	rddreg [dreg:$0x1];
	p0 =	sne.s32 s2, $0x0  }
0x3fd: {  	s3 =	rddreg [dreg:$0x2];
	[bflag:$0x3] =	sbarrier.arrive $0xFFFF;
	s2 =	simm.s32 @!p0 $0x1C05  }
0x3fe: {  	[timem:s3], [sflag:s2] =	dma.local @!p0 [hbm:s0], s1  }
0x3ff: {  	s0 =	simm.s32 @!p0 $0x5  }
0x400: {  	_ =	swait.ge @!p0 [sflag:s0], s1  }
0x401: {  	s1 =	ssub.s32 @!p0 $0x0, s1;
	[sflag:s0] =	ssyncset.done @!p0 $0x0  }
0x402: {  	[sflag:s0] =	ssyncadd.s32 @!p0 s1  }
0x403: {  	[bflag:$0x3] =	sbarrier.arrive $0xFFFF  }
0x404: {  	_ =	shalt  }

</sc_bundles>
